<compile_context>
chip_gen: v7x
topology: tpu7x:2x2x1
jax: 0.10.2.dev20260603
libtpu: 0.0.44.dev20260713+nightly
codegen_flags: <defaults>
</compile_context>

<pallas_src>
import jax
import jax.numpy as jnp
from jax import lax
from jax.experimental import pallas as pl
from jax.experimental.pallas import tpu as pltpu
from jax.experimental.pallas import tpu_sc as plsc

N = 100000
HD = 32
TD = 64
B = 4
GAMMA = 12.0
PI = 3.141592653589793
EMB_RANGE = (GAMMA + 2.0) / HD
PHASE_SCALE = PI / EMB_RANGE

NW = 32
CHUNK = 640
NCHUNK = 5
PER_W = CHUNK * NCHUNK
NPAD = NW * PER_W
GROUPS = CHUNK // 16
CROWS = CHUNK // 2
ESTRIDE = 65
RPAD = 512

NEG_MAGIC = (0x5F3759DF | 0x80000000) - (1 << 32)


def _sincos16(ph):
    t = ph * jnp.float32(1.0 / PI)
    half = jnp.where(t >= 0, jnp.float32(0.5), jnp.float32(-0.5))
    n = (t + half).astype(jnp.int32)
    y = ph - n.astype(jnp.float32) * jnp.float32(PI)
    y2 = y * y
    cy = jnp.float32(-1.0 / 3628800)
    for c in (1.0 / 40320, -1.0 / 720, 1.0 / 24, -0.5):
        cy = cy * y2 + jnp.float32(c)
    cy = cy * y2 + jnp.float32(1.0)
    sy = jnp.float32(1.0 / 362880)
    for c in (-1.0 / 5040, 1.0 / 120, -1.0 / 6):
        sy = sy * y2 + jnp.float32(c)
    sy = (sy * y2 + jnp.float32(1.0)) * y
    sgn = jnp.where((n & 1) == 0, jnp.float32(1.0), jnp.float32(-1.0))
    return sgn * sy, sgn * cy


def _body(meta_hbm, eemb_hbm, remb_hbm, out_hbm,
          metav, hwin, rwin, qrot, qsplat, ridx, scores, stage, pbuf, sem0):
    wid = lax.axis_index("s") * 2 + lax.axis_index("c")
    wbase = wid * PER_W
    it16 = lax.iota(jnp.int32, 16)
    gamma16 = jnp.full((16,), jnp.float32(GAMMA))

    def start_half(c, half):
        rbase = wbase + c * CHUNK
        src = pl.multiple_of(
            jnp.minimum(rbase, jnp.int32(N - CHUNK)) + half * CROWS, 8)
        pltpu.make_async_copy(eemb_hbm.at[pl.ds(src, CROWS)], stage, sem0).start()

    def wait_half():
        pltpu.make_async_copy(eemb_hbm.at[pl.ds(0, CROWS)], stage, sem0).wait()

    start_half(0, 0)

    pltpu.sync_copy(meta_hbm, metav)
    for b in range(B):
        bsp = jnp.full((16,), b, jnp.int32)
        hv = plsc.load_gather(metav, [bsp + 4])
        rv = plsc.load_gather(metav, [bsp + 8])
        hs = jnp.max(hv)
        rs = jnp.max(rv)
        hstart = pl.multiple_of((hs // 8) * 8, 8)
        rstart = pl.multiple_of((rs // 8) * 8, 8)
        pltpu.sync_copy(eemb_hbm.at[pl.ds(hstart, 8)], hwin)
        pltpu.sync_copy(remb_hbm.at[pl.ds(rstart, 8)], rwin)
        hsel = hv & 7
        rsel = rv & 7
        for j in range(2):
            lane = it16 + j * 16
            ph = plsc.load_gather(rwin, [rsel, lane])
            ph = ph * jnp.float32(PHASE_SCALE)
            sy, cy = _sincos16(ph)
            reh = plsc.load_gather(hwin, [hsel, lane])
            imh = plsc.load_gather(hwin, [hsel, lane + HD])
            sl = pl.ds(j * 16, 16)
            sli = pl.ds(HD + j * 16, 16)
            qrot[b + 1, sl] = reh * cy - imh * sy
            qrot[b + 1, sli] = reh * sy + imh * cy

    def splat_k(k, _):
        ksp2 = jnp.broadcast_to(k, (16,))
        for b in range(B):
            bsp = jnp.full((16,), b + 1, jnp.int32)
            qsplat[2 * b, k, :] = plsc.load_gather(qrot, [bsp, ksp2])
            qsplat[2 * b + 1, k, :] = plsc.load_gather(qrot, [bsp, ksp2 + HD])
        return 0

    lax.fori_loop(0, HD, splat_k, 0)

    def relayout(half):
        @plsc.parallel_loop(0, CROWS, unroll=2)
        def _(r):
            base = (r + half * CROWS) * ESTRIDE
            for cb in range(4):
                pbuf[pl.ds(base + cb * 16, 16)] = stage[r, pl.ds(cb * 16, 16)]

    def compute_chunk(c):
        rbase = wbase + c * CHUNK
        delta = rbase - jnp.minimum(rbase, jnp.int32(N - CHUNK))

        def init_g(g, _):
            ent = delta + g * 16 + it16
            ridx[g, :] = jnp.minimum(ent, jnp.int32(CHUNK - 1)) * ESTRIDE
            gs = g * 16
            for b in range(B):
                scores[b, pl.ds(gs, 16)] = gamma16
            return 0

        lax.fori_loop(0, GROUPS, init_g, 0)

        def k_body(k, _):
            ksp = jnp.broadcast_to(k, (16,))
            qv = [(qsplat[2 * b, k, :], qsplat[2 * b + 1, k, :])
                  for b in range(B)]

            @plsc.parallel_loop(0, GROUPS, unroll=2)
            def g_body(g):
                idx_re = ridx[g, :] + ksp
                idx_im = idx_re + HD
                e_re = plsc.load_gather(pbuf, [idx_re])
                e_im = plsc.load_gather(pbuf, [idx_im])
                gs = g * 16
                for b in range(B):
                    qre, qim = qv[b]
                    dre = qre - e_re
                    dim = qim - e_im
                    dsq = dre * dre + dim * dim
                    i = NEG_MAGIC - (plsc.bitcast(dsq, jnp.int32) >> 1)
                    y = plsc.bitcast(i, jnp.float32)
                    y = y * (jnp.float32(1.5)
                             - (jnp.float32(0.5) * dsq) * (y * y))
                    plsc.addupdate(scores.at[b, pl.ds(gs, 16)], dsq * y)

            return 0

        lax.fori_loop(0, HD, k_body, 0)
        col = pl.multiple_of(rbase, 128)
        pltpu.sync_copy(scores, out_hbm.at[:, pl.ds(col, CHUNK)])

    for c in range(NCHUNK):
        wait_half()
        relayout(0)
        start_half(c, 1)
        wait_half()
        relayout(1)
        if c + 1 < NCHUNK:
            start_half(c + 1, 0)
        compute_chunk(c)


def kernel(all_h, all_r, eemb, remb):
    mesh = plsc.VectorSubcoreMesh(core_axis_name="c", subcore_axis_name="s")
    run = pl.kernel(
        _body,
        out_type=jax.ShapeDtypeStruct((B, NPAD), jnp.float32),
        scratch_types=[
            pltpu.VMEM((16,), jnp.int32),
            pltpu.VMEM((8, TD), jnp.float32),
            pltpu.VMEM((8, HD), jnp.float32),
            pltpu.VMEM((B + 1, TD), jnp.float32),
            pltpu.VMEM((2 * B, HD, 16), jnp.float32),
            pltpu.VMEM((GROUPS, 16), jnp.int32),
            pltpu.VMEM((B, CHUNK), jnp.float32),
            pltpu.VMEM((CROWS, TD), jnp.float32),
            pltpu.VMEM((CHUNK * ESTRIDE,), jnp.float32),
            pltpu.SemaphoreType.DMA,
        ],
        mesh=mesh,
        compiler_params=pltpu.CompilerParams(needs_layout_passes=False),
    )
    all_h = all_h.astype(jnp.int32)
    all_r = all_r.astype(jnp.int32)
    zero4 = jnp.zeros((4,), jnp.int32)
    meta = jnp.concatenate([zero4, all_h, all_r, zero4])
    remb_p = jnp.pad(remb, ((0, RPAD - remb.shape[0]), (0, 0)))
    out = run(meta, eemb, remb_p)
    return out[:, :N]

# --- scband reference (transcript-rebuilt; emitter-appended) ---
"""Pipeline reference for scband-rotat-e-72576357368235 (READ-ONLY COPY).

The authoritative reference and input builder live on the scoring server;
editing this copy changes nothing except your own understanding.
"""

import jax, jax.numpy as jnp
import numpy as np

NUM_ENTITIES = 100000
NUM_RELATIONS = 500
HIDDEN_DIM = 32
GAMMA = 12.0
B = 4


def setup_inputs(seed: int = 0) -> dict:
    key = jax.random.key(seed)
    k1, k2, k3, k4 = jax.random.split(key, 4)
    all_h = jax.random.randint(k1, (B,), 0, NUM_ENTITIES)
    all_r = jax.random.randint(k2, (B,), 0, NUM_RELATIONS)
    # learned parameters: entity table holds (re, im) concatenated -> 2*HIDDEN_DIM
    eemb = jax.random.normal(k3, (NUM_ENTITIES, 2 * HIDDEN_DIM), dtype=jnp.float32)
    remb = jax.random.normal(k4, (NUM_RELATIONS, HIDDEN_DIM), dtype=jnp.float32)
    return {"all_h": all_h, "all_r": all_r, "eemb": eemb, "remb": remb}


def reference(all_h, all_r, eemb, remb):
    pi = 3.141592653589793
    emb_range = (GAMMA + 2.0) / HIDDEN_DIM
    n = NUM_ENTITIES
    b = all_h.shape[0]
    # expand each query against every candidate tail entity (faithful to torch expand/reshape)
    all_h_ = jnp.repeat(all_h, n)
    all_r_ = jnp.repeat(all_r, n)
    all_e_ = jnp.tile(jnp.arange(n, dtype=all_h.dtype), b)
    h_emb = jnp.take(eemb, all_h_, axis=0)   # [b*n, 2d]
    r_emb = jnp.take(remb, all_r_, axis=0)   # [b*n, d]
    t_emb = jnp.take(eemb, all_e_, axis=0)   # [b*n, 2d]
    # project: phase -> unit complex
    phase = r_emb / (emb_range / pi)
    r_full = jnp.concatenate([jnp.cos(phase), jnp.sin(phase)], axis=-1)
    # product: complex rotation h * r
    re_h, im_h = jnp.split(h_emb, 2, axis=-1)
    re_r, im_r = jnp.split(r_full, 2, axis=-1)
    re_e = re_h * re_r - im_h * im_r
    im_e = re_h * im_r + im_h * re_r
    e_emb = jnp.concatenate([re_e, im_e], axis=-1)
    # diff: complex modulus of (h*r - t)
    d = e_emb - t_emb
    re_d, im_d = jnp.split(d, 2, axis=-1)
    dist = jnp.sqrt(re_d ** 2 + im_d ** 2).sum(axis=-1)
    kge_score = (GAMMA - dist).reshape(b, n)
    return kge_score

if __name__ == "__main__":
    import jax
    _d = setup_inputs()
    print(jax.jit(kernel)(*tuple(_d.values())))

</pallas_src>

<mosaic_0001>
#map = affine_map<(d0, d1) -> (0)>
#map1 = affine_map<(d0, d1) -> (0, 0)>
module attributes {stable_mosaic.version = 14 : i64} {
  func.func @_body(%arg0: i32, %arg1: i32, %arg2: memref<16xi32, #tpu.memory_space<hbm>>, %arg3: memref<100000x64xf32, #tpu.memory_space<hbm>>, %arg4: memref<512x32xf32, #tpu.memory_space<hbm>>, %arg5: memref<4x102400xf32, #tpu.memory_space<hbm>>, %arg6: memref<16xi32, #tpu.memory_space<vmem>>, %arg7: memref<8x64xf32, #tpu.memory_space<vmem>>, %arg8: memref<8x32xf32, #tpu.memory_space<vmem>>, %arg9: memref<5x64xf32, #tpu.memory_space<vmem>>, %arg10: memref<8x32x16xf32, #tpu.memory_space<vmem>>, %arg11: memref<40x16xi32, #tpu.memory_space<vmem>>, %arg12: memref<4x640xf32, #tpu.memory_space<vmem>>, %arg13: memref<320x64xf32, #tpu.memory_space<vmem>>, %arg14: memref<41600xf32, #tpu.memory_space<vmem>>, %arg15: memref<!tpu.dma_semaphore, #tpu.memory_space<semaphore_mem>>) attributes {dimension_semantics = [#tpu.dimension_semantics<core_parallel>, #tpu.dimension_semantics<subcore_parallel>], iteration_bounds = array<i64: 2, 16>, scalar_prefetch = 0 : i64, scratch_operands = 10 : i64, tpu.core_type = #tpu.core_type<sc_vector_subcore>, window_params = [{transform_indices = #map}, {transform_indices = #map1}, {transform_indices = #map1}, {transform_indices = #map1}]} {
    %mul3A = arith.constant 2 : i32
    %mul3A_0 = arith.muli %arg1, %mul3A : i32
    %add3A = arith.addi %mul3A_0, %arg0 : i32
    %mul3A_1 = arith.constant 3200 : i32
    %mul3A_2 = arith.muli %add3A, %mul3A_1 : i32
    %iota3A = tpu.iota {dimensions = array<i32: 0>} : vector<16xi32>
    %broadcast_in_dim3A = arith.constant 1.200000e+01 : f32
    %broadcast_in_dim3A_3 = vector.broadcast %broadcast_in_dim3A : f32 to vector<16xf32>
    %add3A_4 = arith.constant 0 : i32
    %add3A_5 = arith.addi %mul3A_2, %add3A_4 : i32
    %min3A = arith.constant 99360 : i32
    %min3A_6 = arith.minsi %add3A_5, %min3A : i32
    %add3A_7 = arith.constant 0 : i32
    %add3A_8 = arith.addi %min3A_6, %add3A_7 : i32
    %multiple_of3A = tpu.assume_multiple %add3A_8, 8 : i32
    %dma_start3A = arith.constant 0 : i32
    %dma_start3A_9 = tpu.memref_slice %arg3[%multiple_of3A, %dma_start3A] : memref<100000x64xf32, #tpu.memory_space<hbm>> -> memref<320x64xf32, #tpu.memory_space<hbm>>
    %dma_start3A_10 = arith.constant 0 : i32
    %dma_start3A_11 = tpu.memref_slice %arg3[%multiple_of3A, %dma_start3A_10] : memref<100000x64xf32, #tpu.memory_space<hbm>> -> memref<320x64xf32, #tpu.memory_space<hbm>>
    tpu.enqueue_dma source(%dma_start3A_11 : memref<320x64xf32, #tpu.memory_space<hbm>>) target(%arg13 : memref<320x64xf32, #tpu.memory_space<vmem>>) target_semaphore(%arg15 : memref<!tpu.dma_semaphore, #tpu.memory_space<semaphore_mem>>)
    "tpu.region"() ({
      %run_scoped3A = tpu.sem_alloc : memref<!tpu.dma_semaphore, #tpu.memory_space<semaphore_mem>>
      tpu.enqueue_dma source(%arg2 : memref<16xi32, #tpu.memory_space<hbm>>) target(%arg6 : memref<16xi32, #tpu.memory_space<vmem>>) target_semaphore(%run_scoped3A : memref<!tpu.dma_semaphore, #tpu.memory_space<semaphore_mem>>)
      tpu.wait_dma2 semaphore(%run_scoped3A : memref<!tpu.dma_semaphore, #tpu.memory_space<semaphore_mem>>) src(%arg2 : memref<16xi32, #tpu.memory_space<hbm>>) dst(%arg6 : memref<16xi32, #tpu.memory_space<vmem>>)
      tpu.yield
    }) : () -> ()
    %broadcast_in_dim3A_12 = arith.constant 0 : i32
    %broadcast_in_dim3A_13 = vector.broadcast %broadcast_in_dim3A_12 : i32 to vector<16xi32>
    %add3A_14 = arith.constant 4 : i32
    %add3A_15 = vector.broadcast %add3A_14 : i32 to vector<16xi32>
    %add3A_16 = arith.addi %broadcast_in_dim3A_13, %add3A_15 : vector<16xi32>
    %gather3A = tpu.vector_load_idx %arg6[%add3A_16] : memref<16xi32, #tpu.memory_space<vmem>>[vector<16xi32>], vector<16xi32>,
    %add3A_17 = arith.constant 8 : i32
    %add3A_18 = vector.broadcast %add3A_17 : i32 to vector<16xi32>
    %add3A_19 = arith.addi %broadcast_in_dim3A_13, %add3A_18 : vector<16xi32>
    %gather3A_20 = tpu.vector_load_idx %arg6[%add3A_19] : memref<16xi32, #tpu.memory_space<vmem>>[vector<16xi32>], vector<16xi32>,
    %reduce_max3A = arith.constant true
    %reduce_max3A_21 = vector.broadcast %reduce_max3A : i1 to vector<16xi1>
    %reduce_max3A_22 = arith.constant -2147483648 : i32
    %reduce_max3A_23 = vector.broadcast %reduce_max3A_22 : i32 to vector<16xi32>
    %reduce_max3A_24 = arith.xori %gather3A, %reduce_max3A_23 : vector<16xi32>
    %reduce_max3A_25 = tpu.scan <max>, %reduce_max3A_24 masked %reduce_max3A_21 : vector<16xi32>, vector<16xi1> -> vector<16xi32>
    %reduce_max3A_26 = arith.xori %reduce_max3A_25, %reduce_max3A_23 : vector<16xi32>
    %reduce_max3A_27 = vector.extract %reduce_max3A_26[15] : i32 from vector<16xi32>
    %reduce_max3A_28 = arith.constant true
    %reduce_max3A_29 = vector.broadcast %reduce_max3A_28 : i1 to vector<16xi1>
    %reduce_max3A_30 = arith.constant -2147483648 : i32
    %reduce_max3A_31 = vector.broadcast %reduce_max3A_30 : i32 to vector<16xi32>
    %reduce_max3A_32 = arith.xori %gather3A_20, %reduce_max3A_31 : vector<16xi32>
    %reduce_max3A_33 = tpu.scan <max>, %reduce_max3A_32 masked %reduce_max3A_29 : vector<16xi32>, vector<16xi1> -> vector<16xi32>
    %reduce_max3A_34 = arith.xori %reduce_max3A_33, %reduce_max3A_31 : vector<16xi32>
    %reduce_max3A_35 = vector.extract %reduce_max3A_34[15] : i32 from vector<16xi32>
    %jit3A = arith.constant 8 : i32
    %div3A = arith.divsi %reduce_max3A_27, %jit3A : i32
    %sign3A = arith.constant 0 : i32
    %sign3A_36 = arith.cmpi sgt, %reduce_max3A_27, %sign3A : i32
    %sign3A_37 = arith.extui %sign3A_36 : i1 to i32
    %sign3A_38 = arith.constant 0 : i32
    %sign3A_39 = arith.cmpi slt, %reduce_max3A_27, %sign3A_38 : i32
    %sign3A_40 = arith.extui %sign3A_39 : i1 to i32
    %sign3A_41 = arith.subi %sign3A_37, %sign3A_40 : i32
    %sign3A_42 = arith.constant 0 : i32
    %sign3A_43 = arith.cmpi sgt, %jit3A, %sign3A_42 : i32
    %sign3A_44 = arith.extui %sign3A_43 : i1 to i32
    %sign3A_45 = arith.constant 0 : i32
    %sign3A_46 = arith.cmpi slt, %jit3A, %sign3A_45 : i32
    %sign3A_47 = arith.extui %sign3A_46 : i1 to i32
    %sign3A_48 = arith.subi %sign3A_44, %sign3A_47 : i32
    %ne3A = arith.cmpi ne, %sign3A_41, %sign3A_48 : i32
    %rem3A = arith.remsi %reduce_max3A_27, %jit3A : i32
    %ne3A_49 = arith.constant 0 : i32
    %ne3A_50 = arith.cmpi ne, %rem3A, %ne3A_49 : i32
    %and3A = arith.andi %ne3A, %ne3A_50 : i1
    %sub3A = arith.constant 1 : i32
    %sub3A_51 = arith.subi %div3A, %sub3A : i32
    %select_n3A = arith.select %and3A, %sub3A_51, %div3A : i32
    %mul3A_52 = arith.constant 8 : i32
    %mul3A_53 = arith.muli %select_n3A, %mul3A_52 : i32
    %multiple_of3A_54 = tpu.assume_multiple %mul3A_53, 8 : i32
    %jit3A_55 = arith.constant 8 : i32
    %div3A_56 = arith.divsi %reduce_max3A_35, %jit3A_55 : i32
    %sign3A_57 = arith.constant 0 : i32
    %sign3A_58 = arith.cmpi sgt, %reduce_max3A_35, %sign3A_57 : i32
    %sign3A_59 = arith.extui %sign3A_58 : i1 to i32
    %sign3A_60 = arith.constant 0 : i32
    %sign3A_61 = arith.cmpi slt, %reduce_max3A_35, %sign3A_60 : i32
    %sign3A_62 = arith.extui %sign3A_61 : i1 to i32
    %sign3A_63 = arith.subi %sign3A_59, %sign3A_62 : i32
    %sign3A_64 = arith.constant 0 : i32
    %sign3A_65 = arith.cmpi sgt, %jit3A_55, %sign3A_64 : i32
    %sign3A_66 = arith.extui %sign3A_65 : i1 to i32
    %sign3A_67 = arith.constant 0 : i32
    %sign3A_68 = arith.cmpi slt, %jit3A_55, %sign3A_67 : i32
    %sign3A_69 = arith.extui %sign3A_68 : i1 to i32
    %sign3A_70 = arith.subi %sign3A_66, %sign3A_69 : i32
    %ne3A_71 = arith.cmpi ne, %sign3A_63, %sign3A_70 : i32
    %rem3A_72 = arith.remsi %reduce_max3A_35, %jit3A_55 : i32
    %ne3A_73 = arith.constant 0 : i32
    %ne3A_74 = arith.cmpi ne, %rem3A_72, %ne3A_73 : i32
    %and3A_75 = arith.andi %ne3A_71, %ne3A_74 : i1
    %sub3A_76 = arith.constant 1 : i32
    %sub3A_77 = arith.subi %div3A_56, %sub3A_76 : i32
    %select_n3A_78 = arith.select %and3A_75, %sub3A_77, %div3A_56 : i32
    %mul3A_79 = arith.constant 8 : i32
    %mul3A_80 = arith.muli %select_n3A_78, %mul3A_79 : i32
    %multiple_of3A_81 = tpu.assume_multiple %mul3A_80, 8 : i32
    "tpu.region"() ({
      %run_scoped3A = tpu.sem_alloc : memref<!tpu.dma_semaphore, #tpu.memory_space<semaphore_mem>>
      %dma_start3A_1427 = arith.constant 0 : i32
      %dma_start3A_1428 = tpu.memref_slice %arg3[%multiple_of3A_54, %dma_start3A_1427] : memref<100000x64xf32, #tpu.memory_space<hbm>> -> memref<8x64xf32, #tpu.memory_space<hbm>>
      %dma_start3A_1429 = arith.constant 0 : i32
      %dma_start3A_1430 = tpu.memref_slice %arg3[%multiple_of3A_54, %dma_start3A_1429] : memref<100000x64xf32, #tpu.memory_space<hbm>> -> memref<8x64xf32, #tpu.memory_space<hbm>>
      tpu.enqueue_dma source(%dma_start3A_1430 : memref<8x64xf32, #tpu.memory_space<hbm>>) target(%arg7 : memref<8x64xf32, #tpu.memory_space<vmem>>) target_semaphore(%run_scoped3A : memref<!tpu.dma_semaphore, #tpu.memory_space<semaphore_mem>>)
      %dma_wait3A_1431 = arith.constant 0 : i32
      %dma_wait3A_1432 = tpu.memref_slice %arg3[%multiple_of3A_54, %dma_wait3A_1431] : memref<100000x64xf32, #tpu.memory_space<hbm>> -> memref<8x64xf32, #tpu.memory_space<hbm>>
      %dma_wait3A_1433 = arith.constant 0 : i32
      %dma_wait3A_1434 = tpu.memref_slice %arg3[%multiple_of3A_54, %dma_wait3A_1433] : memref<100000x64xf32, #tpu.memory_space<hbm>> -> memref<8x64xf32, #tpu.memory_space<hbm>>
      tpu.wait_dma2 semaphore(%run_scoped3A : memref<!tpu.dma_semaphore, #tpu.memory_space<semaphore_mem>>) src(%dma_wait3A_1434 : memref<8x64xf32, #tpu.memory_space<hbm>>) dst(%arg7 : memref<8x64xf32, #tpu.memory_space<vmem>>)
      tpu.yield
    }) : () -> ()
    "tpu.region"() ({
      %run_scoped3A = tpu.sem_alloc : memref<!tpu.dma_semaphore, #tpu.memory_space<semaphore_mem>>
      %dma_start3A_1427 = arith.constant 0 : i32
      %dma_start3A_1428 = tpu.memref_slice %arg4[%multiple_of3A_81, %dma_start3A_1427] : memref<512x32xf32, #tpu.memory_space<hbm>> -> memref<8x32xf32, #tpu.memory_space<hbm>>
      %dma_start3A_1429 = arith.constant 0 : i32
      %dma_start3A_1430 = tpu.memref_slice %arg4[%multiple_of3A_81, %dma_start3A_1429] : memref<512x32xf32, #tpu.memory_space<hbm>> -> memref<8x32xf32, #tpu.memory_space<hbm>>
      tpu.enqueue_dma source(%dma_start3A_1430 : memref<8x32xf32, #tpu.memory_space<hbm>>) target(%arg8 : memref<8x32xf32, #tpu.memory_space<vmem>>) target_semaphore(%run_scoped3A : memref<!tpu.dma_semaphore, #tpu.memory_space<semaphore_mem>>)
      %dma_wait3A_1431 = arith.constant 0 : i32
      %dma_wait3A_1432 = tpu.memref_slice %arg4[%multiple_of3A_81, %dma_wait3A_1431] : memref<512x32xf32, #tpu.memory_space<hbm>> -> memref<8x32xf32, #tpu.memory_space<hbm>>
      %dma_wait3A_1433 = arith.constant 0 : i32
      %dma_wait3A_1434 = tpu.memref_slice %arg4[%multiple_of3A_81, %dma_wait3A_1433] : memref<512x32xf32, #tpu.memory_space<hbm>> -> memref<8x32xf32, #tpu.memory_space<hbm>>
      tpu.wait_dma2 semaphore(%run_scoped3A : memref<!tpu.dma_semaphore, #tpu.memory_space<semaphore_mem>>) src(%dma_wait3A_1434 : memref<8x32xf32, #tpu.memory_space<hbm>>) dst(%arg8 : memref<8x32xf32, #tpu.memory_space<vmem>>)
      tpu.yield
    }) : () -> ()
    %and3A_82 = arith.constant 7 : i32
    %and3A_83 = vector.broadcast %and3A_82 : i32 to vector<16xi32>
    %and3A_84 = arith.andi %gather3A, %and3A_83 : vector<16xi32>
    %and3A_85 = arith.constant 7 : i32
    %and3A_86 = vector.broadcast %and3A_85 : i32 to vector<16xi32>
    %and3A_87 = arith.andi %gather3A_20, %and3A_86 : vector<16xi32>
    %add3A_88 = arith.constant 0 : i32
    %add3A_89 = vector.broadcast %add3A_88 : i32 to vector<16xi32>
    %add3A_90 = arith.addi %iota3A, %add3A_89 : vector<16xi32>
    %gather3A_91 = tpu.vector_load_idx %arg8[%and3A_87, %add3A_90] : memref<8x32xf32, #tpu.memory_space<vmem>>[vector<16xi32>, vector<16xi32>], vector<16xf32>,
    %mul3A_92 = arith.constant 7.18078327 : f32
    %mul3A_93 = vector.broadcast %mul3A_92 : f32 to vector<16xf32>
    %mul3A_94 = arith.mulf %gather3A_91, %mul3A_93 : vector<16xf32>
    %mul3A_95 = arith.constant 0.318309873 : f32
    %mul3A_96 = vector.broadcast %mul3A_95 : f32 to vector<16xf32>
    %mul3A_97 = arith.mulf %mul3A_94, %mul3A_96 : vector<16xf32>
    %ge3A = arith.constant 0.000000e+00 : f32
    %ge3A_98 = vector.broadcast %ge3A : f32 to vector<16xf32>
    %ge3A_99 = arith.cmpf oge, %mul3A_97, %ge3A_98 : vector<16xf32>
    %jit3A_100 = arith.constant 5.000000e-01 : f32
    %jit3A_101 = arith.constant -5.000000e-01 : f32
    %broadcast_in_dim3A_102 = vector.broadcast %jit3A_100 : f32 to vector<16xf32>
    %broadcast_in_dim3A_103 = vector.broadcast %jit3A_101 : f32 to vector<16xf32>
    %select_n3A_104 = arith.select %ge3A_99, %broadcast_in_dim3A_102, %broadcast_in_dim3A_103 : vector<16xi1>, vector<16xf32>
    %add3A_105 = arith.addf %mul3A_97, %select_n3A_104 : vector<16xf32>
    %convert_element_type3A = arith.fptosi %add3A_105 : vector<16xf32> to vector<16xi32>
    %convert_element_type3A_106 = arith.sitofp %convert_element_type3A : vector<16xi32> to vector<16xf32>
    %mul3A_107 = arith.constant 3.14159274 : f32
    %mul3A_108 = vector.broadcast %mul3A_107 : f32 to vector<16xf32>
    %mul3A_109 = arith.mulf %convert_element_type3A_106, %mul3A_108 : vector<16xf32>
    %sub3A_110 = arith.subf %mul3A_94, %mul3A_109 : vector<16xf32>
    %mul3A_111 = arith.mulf %sub3A_110, %sub3A_110 : vector<16xf32>
    %mul3A_112 = arith.constant -2.755732E-7 : f32
    %mul3A_113 = vector.broadcast %mul3A_112 : f32 to vector<16xf32>
    %mul3A_114 = arith.mulf %mul3A_113, %mul3A_111 : vector<16xf32>
    %add3A_115 = arith.constant 2.48015876E-5 : f32
    %add3A_116 = vector.broadcast %add3A_115 : f32 to vector<16xf32>
    %add3A_117 = arith.addf %mul3A_114, %add3A_116 : vector<16xf32>
    %mul3A_118 = arith.mulf %add3A_117, %mul3A_111 : vector<16xf32>
    %add3A_119 = arith.constant -0.00138888892 : f32
    %add3A_120 = vector.broadcast %add3A_119 : f32 to vector<16xf32>
    %add3A_121 = arith.addf %mul3A_118, %add3A_120 : vector<16xf32>
    %mul3A_122 = arith.mulf %add3A_121, %mul3A_111 : vector<16xf32>
    %add3A_123 = arith.constant 0.0416666679 : f32
    %add3A_124 = vector.broadcast %add3A_123 : f32 to vector<16xf32>
    %add3A_125 = arith.addf %mul3A_122, %add3A_124 : vector<16xf32>
    %mul3A_126 = arith.mulf %add3A_125, %mul3A_111 : vector<16xf32>
    %add3A_127 = arith.constant -5.000000e-01 : f32
    %add3A_128 = vector.broadcast %add3A_127 : f32 to vector<16xf32>
    %add3A_129 = arith.addf %mul3A_126, %add3A_128 : vector<16xf32>
    %mul3A_130 = arith.mulf %add3A_129, %mul3A_111 : vector<16xf32>
    %add3A_131 = arith.constant 1.000000e+00 : f32
    %add3A_132 = vector.broadcast %add3A_131 : f32 to vector<16xf32>
    %add3A_133 = arith.addf %mul3A_130, %add3A_132 : vector<16xf32>
    %mul3A_134 = arith.constant 2.75573188E-6 : f32
    %mul3A_135 = vector.broadcast %mul3A_134 : f32 to vector<16xf32>
    %mul3A_136 = arith.mulf %mul3A_135, %mul3A_111 : vector<16xf32>
    %add3A_137 = arith.constant -1.98412701E-4 : f32
    %add3A_138 = vector.broadcast %add3A_137 : f32 to vector<16xf32>
    %add3A_139 = arith.addf %mul3A_136, %add3A_138 : vector<16xf32>
    %mul3A_140 = arith.mulf %add3A_139, %mul3A_111 : vector<16xf32>
    %add3A_141 = arith.constant 0.00833333377 : f32
    %add3A_142 = vector.broadcast %add3A_141 : f32 to vector<16xf32>
    %add3A_143 = arith.addf %mul3A_140, %add3A_142 : vector<16xf32>
    %mul3A_144 = arith.mulf %add3A_143, %mul3A_111 : vector<16xf32>
    %add3A_145 = arith.constant -0.166666672 : f32
    %add3A_146 = vector.broadcast %add3A_145 : f32 to vector<16xf32>
    %add3A_147 = arith.addf %mul3A_144, %add3A_146 : vector<16xf32>
    %mul3A_148 = arith.mulf %add3A_147, %mul3A_111 : vector<16xf32>
    %add3A_149 = arith.constant 1.000000e+00 : f32
    %add3A_150 = vector.broadcast %add3A_149 : f32 to vector<16xf32>
    %add3A_151 = arith.addf %mul3A_148, %add3A_150 : vector<16xf32>
    %mul3A_152 = arith.mulf %add3A_151, %sub3A_110 : vector<16xf32>
    %and3A_153 = arith.constant 1 : i32
    %and3A_154 = vector.broadcast %and3A_153 : i32 to vector<16xi32>
    %and3A_155 = arith.andi %convert_element_type3A, %and3A_154 : vector<16xi32>
    %eq3A = arith.constant 0 : i32
    %eq3A_156 = vector.broadcast %eq3A : i32 to vector<16xi32>
    %eq3A_157 = arith.cmpi eq, %and3A_155, %eq3A_156 : vector<16xi32>
    %jit3A_158 = arith.constant 1.000000e+00 : f32
    %jit3A_159 = arith.constant -1.000000e+00 : f32
    %broadcast_in_dim3A_160 = vector.broadcast %jit3A_158 : f32 to vector<16xf32>
    %broadcast_in_dim3A_161 = vector.broadcast %jit3A_159 : f32 to vector<16xf32>
    %select_n3A_162 = arith.select %eq3A_157, %broadcast_in_dim3A_160, %broadcast_in_dim3A_161 : vector<16xi1>, vector<16xf32>
    %mul3A_163 = arith.mulf %select_n3A_162, %mul3A_152 : vector<16xf32>
    %mul3A_164 = arith.mulf %select_n3A_162, %add3A_133 : vector<16xf32>
    %gather3A_165 = tpu.vector_load_idx %arg7[%and3A_84, %add3A_90] : memref<8x64xf32, #tpu.memory_space<vmem>>[vector<16xi32>, vector<16xi32>], vector<16xf32>,
    %add3A_166 = arith.constant 32 : i32
    %add3A_167 = vector.broadcast %add3A_166 : i32 to vector<16xi32>
    %add3A_168 = arith.addi %add3A_90, %add3A_167 : vector<16xi32>
    %gather3A_169 = tpu.vector_load_idx %arg7[%and3A_84, %add3A_168] : memref<8x64xf32, #tpu.memory_space<vmem>>[vector<16xi32>, vector<16xi32>], vector<16xf32>,
    %mul3A_170 = arith.mulf %gather3A_165, %mul3A_164 : vector<16xf32>
    %mul3A_171 = arith.mulf %gather3A_169, %mul3A_163 : vector<16xf32>
    %sub3A_172 = arith.subf %mul3A_170, %mul3A_171 : vector<16xf32>
    %swap3A = arith.constant 1 : i32
    %swap3A_173 = arith.index_cast %swap3A : i32 to index
    %swap3A_174 = arith.constant 0 : index
    %swap3A_175 = tpu.vector_load %arg9[%swap3A_173, %swap3A_174] {strides = array<i32>} : memref<5x64xf32, #tpu.memory_space<vmem>>, vector<16xf32>,
    tpu.vector_store %arg9[%swap3A_173, %swap3A_174], %sub3A_172 {strides = array<i32>} : memref<5x64xf32, #tpu.memory_space<vmem>>, vector<16xf32>,
    %mul3A_176 = arith.mulf %gather3A_165, %mul3A_163 : vector<16xf32>
    %mul3A_177 = arith.mulf %gather3A_169, %mul3A_164 : vector<16xf32>
    %add3A_178 = arith.addf %mul3A_176, %mul3A_177 : vector<16xf32>
    %swap3A_179 = arith.constant 1 : i32
    %swap3A_180 = arith.index_cast %swap3A_179 : i32 to index
    %swap3A_181 = arith.constant 32 : index
    %swap3A_182 = tpu.vector_load %arg9[%swap3A_180, %swap3A_181] {strides = array<i32>} : memref<5x64xf32, #tpu.memory_space<vmem>>, vector<16xf32>,
    tpu.vector_store %arg9[%swap3A_180, %swap3A_181], %add3A_178 {strides = array<i32>} : memref<5x64xf32, #tpu.memory_space<vmem>>, vector<16xf32>,
    %add3A_183 = arith.constant 16 : i32
    %add3A_184 = vector.broadcast %add3A_183 : i32 to vector<16xi32>
    %add3A_185 = arith.addi %iota3A, %add3A_184 : vector<16xi32>
    %gather3A_186 = tpu.vector_load_idx %arg8[%and3A_87, %add3A_185] : memref<8x32xf32, #tpu.memory_space<vmem>>[vector<16xi32>, vector<16xi32>], vector<16xf32>,
    %mul3A_187 = arith.constant 7.18078327 : f32
    %mul3A_188 = vector.broadcast %mul3A_187 : f32 to vector<16xf32>
    %mul3A_189 = arith.mulf %gather3A_186, %mul3A_188 : vector<16xf32>
    %mul3A_190 = arith.constant 0.318309873 : f32
    %mul3A_191 = vector.broadcast %mul3A_190 : f32 to vector<16xf32>
    %mul3A_192 = arith.mulf %mul3A_189, %mul3A_191 : vector<16xf32>
    %ge3A_193 = arith.constant 0.000000e+00 : f32
    %ge3A_194 = vector.broadcast %ge3A_193 : f32 to vector<16xf32>
    %ge3A_195 = arith.cmpf oge, %mul3A_192, %ge3A_194 : vector<16xf32>
    %jit3A_196 = arith.constant 5.000000e-01 : f32
    %jit3A_197 = arith.constant -5.000000e-01 : f32
    %broadcast_in_dim3A_198 = vector.broadcast %jit3A_196 : f32 to vector<16xf32>
    %broadcast_in_dim3A_199 = vector.broadcast %jit3A_197 : f32 to vector<16xf32>
    %select_n3A_200 = arith.select %ge3A_195, %broadcast_in_dim3A_198, %broadcast_in_dim3A_199 : vector<16xi1>, vector<16xf32>
    %add3A_201 = arith.addf %mul3A_192, %select_n3A_200 : vector<16xf32>
    %convert_element_type3A_202 = arith.fptosi %add3A_201 : vector<16xf32> to vector<16xi32>
    %convert_element_type3A_203 = arith.sitofp %convert_element_type3A_202 : vector<16xi32> to vector<16xf32>
    %mul3A_204 = arith.constant 3.14159274 : f32
    %mul3A_205 = vector.broadcast %mul3A_204 : f32 to vector<16xf32>
    %mul3A_206 = arith.mulf %convert_element_type3A_203, %mul3A_205 : vector<16xf32>
    %sub3A_207 = arith.subf %mul3A_189, %mul3A_206 : vector<16xf32>
    %mul3A_208 = arith.mulf %sub3A_207, %sub3A_207 : vector<16xf32>
    %mul3A_209 = arith.constant -2.755732E-7 : f32
    %mul3A_210 = vector.broadcast %mul3A_209 : f32 to vector<16xf32>
    %mul3A_211 = arith.mulf %mul3A_210, %mul3A_208 : vector<16xf32>
    %add3A_212 = arith.constant 2.48015876E-5 : f32
    %add3A_213 = vector.broadcast %add3A_212 : f32 to vector<16xf32>
    %add3A_214 = arith.addf %mul3A_211, %add3A_213 : vector<16xf32>
    %mul3A_215 = arith.mulf %add3A_214, %mul3A_208 : vector<16xf32>
    %add3A_216 = arith.constant -0.00138888892 : f32
    %add3A_217 = vector.broadcast %add3A_216 : f32 to vector<16xf32>
    %add3A_218 = arith.addf %mul3A_215, %add3A_217 : vector<16xf32>
    %mul3A_219 = arith.mulf %add3A_218, %mul3A_208 : vector<16xf32>
    %add3A_220 = arith.constant 0.0416666679 : f32
    %add3A_221 = vector.broadcast %add3A_220 : f32 to vector<16xf32>
    %add3A_222 = arith.addf %mul3A_219, %add3A_221 : vector<16xf32>
    %mul3A_223 = arith.mulf %add3A_222, %mul3A_208 : vector<16xf32>
    %add3A_224 = arith.constant -5.000000e-01 : f32
    %add3A_225 = vector.broadcast %add3A_224 : f32 to vector<16xf32>
    %add3A_226 = arith.addf %mul3A_223, %add3A_225 : vector<16xf32>
    %mul3A_227 = arith.mulf %add3A_226, %mul3A_208 : vector<16xf32>
    %add3A_228 = arith.constant 1.000000e+00 : f32
    %add3A_229 = vector.broadcast %add3A_228 : f32 to vector<16xf32>
    %add3A_230 = arith.addf %mul3A_227, %add3A_229 : vector<16xf32>
    %mul3A_231 = arith.constant 2.75573188E-6 : f32
    %mul3A_232 = vector.broadcast %mul3A_231 : f32 to vector<16xf32>
    %mul3A_233 = arith.mulf %mul3A_232, %mul3A_208 : vector<16xf32>
    %add3A_234 = arith.constant -1.98412701E-4 : f32
    %add3A_235 = vector.broadcast %add3A_234 : f32 to vector<16xf32>
    %add3A_236 = arith.addf %mul3A_233, %add3A_235 : vector<16xf32>
    %mul3A_237 = arith.mulf %add3A_236, %mul3A_208 : vector<16xf32>
    %add3A_238 = arith.constant 0.00833333377 : f32
    %add3A_239 = vector.broadcast %add3A_238 : f32 to vector<16xf32>
    %add3A_240 = arith.addf %mul3A_237, %add3A_239 : vector<16xf32>
    %mul3A_241 = arith.mulf %add3A_240, %mul3A_208 : vector<16xf32>
    %add3A_242 = arith.constant -0.166666672 : f32
    %add3A_243 = vector.broadcast %add3A_242 : f32 to vector<16xf32>
    %add3A_244 = arith.addf %mul3A_241, %add3A_243 : vector<16xf32>
    %mul3A_245 = arith.mulf %add3A_244, %mul3A_208 : vector<16xf32>
    %add3A_246 = arith.constant 1.000000e+00 : f32
    %add3A_247 = vector.broadcast %add3A_246 : f32 to vector<16xf32>
    %add3A_248 = arith.addf %mul3A_245, %add3A_247 : vector<16xf32>
    %mul3A_249 = arith.mulf %add3A_248, %sub3A_207 : vector<16xf32>
    %and3A_250 = arith.constant 1 : i32
    %and3A_251 = vector.broadcast %and3A_250 : i32 to vector<16xi32>
    %and3A_252 = arith.andi %convert_element_type3A_202, %and3A_251 : vector<16xi32>
    %eq3A_253 = arith.constant 0 : i32
    %eq3A_254 = vector.broadcast %eq3A_253 : i32 to vector<16xi32>
    %eq3A_255 = arith.cmpi eq, %and3A_252, %eq3A_254 : vector<16xi32>
    %jit3A_256 = arith.constant 1.000000e+00 : f32
    %jit3A_257 = arith.constant -1.000000e+00 : f32
    %broadcast_in_dim3A_258 = vector.broadcast %jit3A_256 : f32 to vector<16xf32>
    %broadcast_in_dim3A_259 = vector.broadcast %jit3A_257 : f32 to vector<16xf32>
    %select_n3A_260 = arith.select %eq3A_255, %broadcast_in_dim3A_258, %broadcast_in_dim3A_259 : vector<16xi1>, vector<16xf32>
    %mul3A_261 = arith.mulf %select_n3A_260, %mul3A_249 : vector<16xf32>
    %mul3A_262 = arith.mulf %select_n3A_260, %add3A_230 : vector<16xf32>
    %gather3A_263 = tpu.vector_load_idx %arg7[%and3A_84, %add3A_185] : memref<8x64xf32, #tpu.memory_space<vmem>>[vector<16xi32>, vector<16xi32>], vector<16xf32>,
    %add3A_264 = arith.constant 32 : i32
    %add3A_265 = vector.broadcast %add3A_264 : i32 to vector<16xi32>
    %add3A_266 = arith.addi %add3A_185, %add3A_265 : vector<16xi32>
    %gather3A_267 = tpu.vector_load_idx %arg7[%and3A_84, %add3A_266] : memref<8x64xf32, #tpu.memory_space<vmem>>[vector<16xi32>, vector<16xi32>], vector<16xf32>,
    %mul3A_268 = arith.mulf %gather3A_263, %mul3A_262 : vector<16xf32>
    %mul3A_269 = arith.mulf %gather3A_267, %mul3A_261 : vector<16xf32>
    %sub3A_270 = arith.subf %mul3A_268, %mul3A_269 : vector<16xf32>
    %swap3A_271 = arith.constant 1 : i32
    %swap3A_272 = arith.index_cast %swap3A_271 : i32 to index
    %swap3A_273 = arith.constant 16 : index
    %swap3A_274 = tpu.vector_load %arg9[%swap3A_272, %swap3A_273] {strides = array<i32>} : memref<5x64xf32, #tpu.memory_space<vmem>>, vector<16xf32>,
    tpu.vector_store %arg9[%swap3A_272, %swap3A_273], %sub3A_270 {strides = array<i32>} : memref<5x64xf32, #tpu.memory_space<vmem>>, vector<16xf32>,
    %mul3A_275 = arith.mulf %gather3A_263, %mul3A_261 : vector<16xf32>
    %mul3A_276 = arith.mulf %gather3A_267, %mul3A_262 : vector<16xf32>
    %add3A_277 = arith.addf %mul3A_275, %mul3A_276 : vector<16xf32>
    %swap3A_278 = arith.constant 1 : i32
    %swap3A_279 = arith.index_cast %swap3A_278 : i32 to index
    %swap3A_280 = arith.constant 48 : index
    %swap3A_281 = tpu.vector_load %arg9[%swap3A_279, %swap3A_280] {strides = array<i32>} : memref<5x64xf32, #tpu.memory_space<vmem>>, vector<16xf32>,
    tpu.vector_store %arg9[%swap3A_279, %swap3A_280], %add3A_277 {strides = array<i32>} : memref<5x64xf32, #tpu.memory_space<vmem>>, vector<16xf32>,
    %broadcast_in_dim3A_282 = arith.constant 1 : i32
    %broadcast_in_dim3A_283 = vector.broadcast %broadcast_in_dim3A_282 : i32 to vector<16xi32>
    %add3A_284 = arith.constant 4 : i32
    %add3A_285 = vector.broadcast %add3A_284 : i32 to vector<16xi32>
    %add3A_286 = arith.addi %broadcast_in_dim3A_283, %add3A_285 : vector<16xi32>
    %gather3A_287 = tpu.vector_load_idx %arg6[%add3A_286] : memref<16xi32, #tpu.memory_space<vmem>>[vector<16xi32>], vector<16xi32>,
    %add3A_288 = arith.constant 8 : i32
    %add3A_289 = vector.broadcast %add3A_288 : i32 to vector<16xi32>
    %add3A_290 = arith.addi %broadcast_in_dim3A_283, %add3A_289 : vector<16xi32>
    %gather3A_291 = tpu.vector_load_idx %arg6[%add3A_290] : memref<16xi32, #tpu.memory_space<vmem>>[vector<16xi32>], vector<16xi32>,
    %reduce_max3A_292 = arith.constant true
    %reduce_max3A_293 = vector.broadcast %reduce_max3A_292 : i1 to vector<16xi1>
    %reduce_max3A_294 = arith.constant -2147483648 : i32
    %reduce_max3A_295 = vector.broadcast %reduce_max3A_294 : i32 to vector<16xi32>
    %reduce_max3A_296 = arith.xori %gather3A_287, %reduce_max3A_295 : vector<16xi32>
    %reduce_max3A_297 = tpu.scan <max>, %reduce_max3A_296 masked %reduce_max3A_293 : vector<16xi32>, vector<16xi1> -> vector<16xi32>
    %reduce_max3A_298 = arith.xori %reduce_max3A_297, %reduce_max3A_295 : vector<16xi32>
    %reduce_max3A_299 = vector.extract %reduce_max3A_298[15] : i32 from vector<16xi32>
    %reduce_max3A_300 = arith.constant true
    %reduce_max3A_301 = vector.broadcast %reduce_max3A_300 : i1 to vector<16xi1>
    %reduce_max3A_302 = arith.constant -2147483648 : i32
    %reduce_max3A_303 = vector.broadcast %reduce_max3A_302 : i32 to vector<16xi32>
    %reduce_max3A_304 = arith.xori %gather3A_291, %reduce_max3A_303 : vector<16xi32>
    %reduce_max3A_305 = tpu.scan <max>, %reduce_max3A_304 masked %reduce_max3A_301 : vector<16xi32>, vector<16xi1> -> vector<16xi32>
    %reduce_max3A_306 = arith.xori %reduce_max3A_305, %reduce_max3A_303 : vector<16xi32>
    %reduce_max3A_307 = vector.extract %reduce_max3A_306[15] : i32 from vector<16xi32>
    %jit3A_308 = arith.constant 8 : i32
    %div3A_309 = arith.divsi %reduce_max3A_299, %jit3A_308 : i32
    %sign3A_310 = arith.constant 0 : i32
    %sign3A_311 = arith.cmpi sgt, %reduce_max3A_299, %sign3A_310 : i32
    %sign3A_312 = arith.extui %sign3A_311 : i1 to i32
    %sign3A_313 = arith.constant 0 : i32
    %sign3A_314 = arith.cmpi slt, %reduce_max3A_299, %sign3A_313 : i32
    %sign3A_315 = arith.extui %sign3A_314 : i1 to i32
    %sign3A_316 = arith.subi %sign3A_312, %sign3A_315 : i32
    %sign3A_317 = arith.constant 0 : i32
    %sign3A_318 = arith.cmpi sgt, %jit3A_308, %sign3A_317 : i32
    %sign3A_319 = arith.extui %sign3A_318 : i1 to i32
    %sign3A_320 = arith.constant 0 : i32
    %sign3A_321 = arith.cmpi slt, %jit3A_308, %sign3A_320 : i32
    %sign3A_322 = arith.extui %sign3A_321 : i1 to i32
    %sign3A_323 = arith.subi %sign3A_319, %sign3A_322 : i32
    %ne3A_324 = arith.cmpi ne, %sign3A_316, %sign3A_323 : i32
    %rem3A_325 = arith.remsi %reduce_max3A_299, %jit3A_308 : i32
    %ne3A_326 = arith.constant 0 : i32
    %ne3A_327 = arith.cmpi ne, %rem3A_325, %ne3A_326 : i32
    %and3A_328 = arith.andi %ne3A_324, %ne3A_327 : i1
    %sub3A_329 = arith.constant 1 : i32
    %sub3A_330 = arith.subi %div3A_309, %sub3A_329 : i32
    %select_n3A_331 = arith.select %and3A_328, %sub3A_330, %div3A_309 : i32
    %mul3A_332 = arith.constant 8 : i32
    %mul3A_333 = arith.muli %select_n3A_331, %mul3A_332 : i32
    %multiple_of3A_334 = tpu.assume_multiple %mul3A_333, 8 : i32
    %jit3A_335 = arith.constant 8 : i32
    %div3A_336 = arith.divsi %reduce_max3A_307, %jit3A_335 : i32
    %sign3A_337 = arith.constant 0 : i32
    %sign3A_338 = arith.cmpi sgt, %reduce_max3A_307, %sign3A_337 : i32
    %sign3A_339 = arith.extui %sign3A_338 : i1 to i32
    %sign3A_340 = arith.constant 0 : i32
    %sign3A_341 = arith.cmpi slt, %reduce_max3A_307, %sign3A_340 : i32
    %sign3A_342 = arith.extui %sign3A_341 : i1 to i32
    %sign3A_343 = arith.subi %sign3A_339, %sign3A_342 : i32
    %sign3A_344 = arith.constant 0 : i32
    %sign3A_345 = arith.cmpi sgt, %jit3A_335, %sign3A_344 : i32
    %sign3A_346 = arith.extui %sign3A_345 : i1 to i32
    %sign3A_347 = arith.constant 0 : i32
    %sign3A_348 = arith.cmpi slt, %jit3A_335, %sign3A_347 : i32
    %sign3A_349 = arith.extui %sign3A_348 : i1 to i32
    %sign3A_350 = arith.subi %sign3A_346, %sign3A_349 : i32
    %ne3A_351 = arith.cmpi ne, %sign3A_343, %sign3A_350 : i32
    %rem3A_352 = arith.remsi %reduce_max3A_307, %jit3A_335 : i32
    %ne3A_353 = arith.constant 0 : i32
    %ne3A_354 = arith.cmpi ne, %rem3A_352, %ne3A_353 : i32
    %and3A_355 = arith.andi %ne3A_351, %ne3A_354 : i1
    %sub3A_356 = arith.constant 1 : i32
    %sub3A_357 = arith.subi %div3A_336, %sub3A_356 : i32
    %select_n3A_358 = arith.select %and3A_355, %sub3A_357, %div3A_336 : i32
    %mul3A_359 = arith.constant 8 : i32
    %mul3A_360 = arith.muli %select_n3A_358, %mul3A_359 : i32
    %multiple_of3A_361 = tpu.assume_multiple %mul3A_360, 8 : i32
    "tpu.region"() ({
      %run_scoped3A = tpu.sem_alloc : memref<!tpu.dma_semaphore, #tpu.memory_space<semaphore_mem>>
      %dma_start3A_1427 = arith.constant 0 : i32
      %dma_start3A_1428 = tpu.memref_slice %arg3[%multiple_of3A_334, %dma_start3A_1427] : memref<100000x64xf32, #tpu.memory_space<hbm>> -> memref<8x64xf32, #tpu.memory_space<hbm>>
      %dma_start3A_1429 = arith.constant 0 : i32
      %dma_start3A_1430 = tpu.memref_slice %arg3[%multiple_of3A_334, %dma_start3A_1429] : memref<100000x64xf32, #tpu.memory_space<hbm>> -> memref<8x64xf32, #tpu.memory_space<hbm>>
      tpu.enqueue_dma source(%dma_start3A_1430 : memref<8x64xf32, #tpu.memory_space<hbm>>) target(%arg7 : memref<8x64xf32, #tpu.memory_space<vmem>>) target_semaphore(%run_scoped3A : memref<!tpu.dma_semaphore, #tpu.memory_space<semaphore_mem>>)
      %dma_wait3A_1431 = arith.constant 0 : i32
      %dma_wait3A_1432 = tpu.memref_slice %arg3[%multiple_of3A_334, %dma_wait3A_1431] : memref<100000x64xf32, #tpu.memory_space<hbm>> -> memref<8x64xf32, #tpu.memory_space<hbm>>
      %dma_wait3A_1433 = arith.constant 0 : i32
      %dma_wait3A_1434 = tpu.memref_slice %arg3[%multiple_of3A_334, %dma_wait3A_1433] : memref<100000x64xf32, #tpu.memory_space<hbm>> -> memref<8x64xf32, #tpu.memory_space<hbm>>
      tpu.wait_dma2 semaphore(%run_scoped3A : memref<!tpu.dma_semaphore, #tpu.memory_space<semaphore_mem>>) src(%dma_wait3A_1434 : memref<8x64xf32, #tpu.memory_space<hbm>>) dst(%arg7 : memref<8x64xf32, #tpu.memory_space<vmem>>)
      tpu.yield
    }) : () -> ()
    "tpu.region"() ({
      %run_scoped3A = tpu.sem_alloc : memref<!tpu.dma_semaphore, #tpu.memory_space<semaphore_mem>>
      %dma_start3A_1427 = arith.constant 0 : i32
      %dma_start3A_1428 = tpu.memref_slice %arg4[%multiple_of3A_361, %dma_start3A_1427] : memref<512x32xf32, #tpu.memory_space<hbm>> -> memref<8x32xf32, #tpu.memory_space<hbm>>
      %dma_start3A_1429 = arith.constant 0 : i32
      %dma_start3A_1430 = tpu.memref_slice %arg4[%multiple_of3A_361, %dma_start3A_1429] : memref<512x32xf32, #tpu.memory_space<hbm>> -> memref<8x32xf32, #tpu.memory_space<hbm>>
      tpu.enqueue_dma source(%dma_start3A_1430 : memref<8x32xf32, #tpu.memory_space<hbm>>) target(%arg8 : memref<8x32xf32, #tpu.memory_space<vmem>>) target_semaphore(%run_scoped3A : memref<!tpu.dma_semaphore, #tpu.memory_space<semaphore_mem>>)
      %dma_wait3A_1431 = arith.constant 0 : i32
      %dma_wait3A_1432 = tpu.memref_slice %arg4[%multiple_of3A_361, %dma_wait3A_1431] : memref<512x32xf32, #tpu.memory_space<hbm>> -> memref<8x32xf32, #tpu.memory_space<hbm>>
      %dma_wait3A_1433 = arith.constant 0 : i32
      %dma_wait3A_1434 = tpu.memref_slice %arg4[%multiple_of3A_361, %dma_wait3A_1433] : memref<512x32xf32, #tpu.memory_space<hbm>> -> memref<8x32xf32, #tpu.memory_space<hbm>>
      tpu.wait_dma2 semaphore(%run_scoped3A : memref<!tpu.dma_semaphore, #tpu.memory_space<semaphore_mem>>) src(%dma_wait3A_1434 : memref<8x32xf32, #tpu.memory_space<hbm>>) dst(%arg8 : memref<8x32xf32, #tpu.memory_space<vmem>>)
      tpu.yield
    }) : () -> ()
    %and3A_362 = arith.constant 7 : i32
    %and3A_363 = vector.broadcast %and3A_362 : i32 to vector<16xi32>
    %and3A_364 = arith.andi %gather3A_287, %and3A_363 : vector<16xi32>
    %and3A_365 = arith.constant 7 : i32
    %and3A_366 = vector.broadcast %and3A_365 : i32 to vector<16xi32>
    %and3A_367 = arith.andi %gather3A_291, %and3A_366 : vector<16xi32>
    %add3A_368 = arith.constant 0 : i32
    %add3A_369 = vector.broadcast %add3A_368 : i32 to vector<16xi32>
    %add3A_370 = arith.addi %iota3A, %add3A_369 : vector<16xi32>
    %gather3A_371 = tpu.vector_load_idx %arg8[%and3A_367, %add3A_370] : memref<8x32xf32, #tpu.memory_space<vmem>>[vector<16xi32>, vector<16xi32>], vector<16xf32>,
    %mul3A_372 = arith.constant 7.18078327 : f32
    %mul3A_373 = vector.broadcast %mul3A_372 : f32 to vector<16xf32>
    %mul3A_374 = arith.mulf %gather3A_371, %mul3A_373 : vector<16xf32>
    %mul3A_375 = arith.constant 0.318309873 : f32
    %mul3A_376 = vector.broadcast %mul3A_375 : f32 to vector<16xf32>
    %mul3A_377 = arith.mulf %mul3A_374, %mul3A_376 : vector<16xf32>
    %ge3A_378 = arith.constant 0.000000e+00 : f32
    %ge3A_379 = vector.broadcast %ge3A_378 : f32 to vector<16xf32>
    %ge3A_380 = arith.cmpf oge, %mul3A_377, %ge3A_379 : vector<16xf32>
    %jit3A_381 = arith.constant 5.000000e-01 : f32
    %jit3A_382 = arith.constant -5.000000e-01 : f32
    %broadcast_in_dim3A_383 = vector.broadcast %jit3A_381 : f32 to vector<16xf32>
    %broadcast_in_dim3A_384 = vector.broadcast %jit3A_382 : f32 to vector<16xf32>
    %select_n3A_385 = arith.select %ge3A_380, %broadcast_in_dim3A_383, %broadcast_in_dim3A_384 : vector<16xi1>, vector<16xf32>
    %add3A_386 = arith.addf %mul3A_377, %select_n3A_385 : vector<16xf32>
    %convert_element_type3A_387 = arith.fptosi %add3A_386 : vector<16xf32> to vector<16xi32>
    %convert_element_type3A_388 = arith.sitofp %convert_element_type3A_387 : vector<16xi32> to vector<16xf32>
    %mul3A_389 = arith.constant 3.14159274 : f32
    %mul3A_390 = vector.broadcast %mul3A_389 : f32 to vector<16xf32>
    %mul3A_391 = arith.mulf %convert_element_type3A_388, %mul3A_390 : vector<16xf32>
    %sub3A_392 = arith.subf %mul3A_374, %mul3A_391 : vector<16xf32>
    %mul3A_393 = arith.mulf %sub3A_392, %sub3A_392 : vector<16xf32>
    %mul3A_394 = arith.constant -2.755732E-7 : f32
    %mul3A_395 = vector.broadcast %mul3A_394 : f32 to vector<16xf32>
    %mul3A_396 = arith.mulf %mul3A_395, %mul3A_393 : vector<16xf32>
    %add3A_397 = arith.constant 2.48015876E-5 : f32
    %add3A_398 = vector.broadcast %add3A_397 : f32 to vector<16xf32>
    %add3A_399 = arith.addf %mul3A_396, %add3A_398 : vector<16xf32>
    %mul3A_400 = arith.mulf %add3A_399, %mul3A_393 : vector<16xf32>
    %add3A_401 = arith.constant -0.00138888892 : f32
    %add3A_402 = vector.broadcast %add3A_401 : f32 to vector<16xf32>
    %add3A_403 = arith.addf %mul3A_400, %add3A_402 : vector<16xf32>
    %mul3A_404 = arith.mulf %add3A_403, %mul3A_393 : vector<16xf32>
    %add3A_405 = arith.constant 0.0416666679 : f32
    %add3A_406 = vector.broadcast %add3A_405 : f32 to vector<16xf32>
    %add3A_407 = arith.addf %mul3A_404, %add3A_406 : vector<16xf32>
    %mul3A_408 = arith.mulf %add3A_407, %mul3A_393 : vector<16xf32>
    %add3A_409 = arith.constant -5.000000e-01 : f32
    %add3A_410 = vector.broadcast %add3A_409 : f32 to vector<16xf32>
    %add3A_411 = arith.addf %mul3A_408, %add3A_410 : vector<16xf32>
    %mul3A_412 = arith.mulf %add3A_411, %mul3A_393 : vector<16xf32>
    %add3A_413 = arith.constant 1.000000e+00 : f32
    %add3A_414 = vector.broadcast %add3A_413 : f32 to vector<16xf32>
    %add3A_415 = arith.addf %mul3A_412, %add3A_414 : vector<16xf32>
    %mul3A_416 = arith.constant 2.75573188E-6 : f32
    %mul3A_417 = vector.broadcast %mul3A_416 : f32 to vector<16xf32>
    %mul3A_418 = arith.mulf %mul3A_417, %mul3A_393 : vector<16xf32>
    %add3A_419 = arith.constant -1.98412701E-4 : f32
    %add3A_420 = vector.broadcast %add3A_419 : f32 to vector<16xf32>
    %add3A_421 = arith.addf %mul3A_418, %add3A_420 : vector<16xf32>
    %mul3A_422 = arith.mulf %add3A_421, %mul3A_393 : vector<16xf32>
    %add3A_423 = arith.constant 0.00833333377 : f32
    %add3A_424 = vector.broadcast %add3A_423 : f32 to vector<16xf32>
    %add3A_425 = arith.addf %mul3A_422, %add3A_424 : vector<16xf32>
    %mul3A_426 = arith.mulf %add3A_425, %mul3A_393 : vector<16xf32>
    %add3A_427 = arith.constant -0.166666672 : f32
    %add3A_428 = vector.broadcast %add3A_427 : f32 to vector<16xf32>
    %add3A_429 = arith.addf %mul3A_426, %add3A_428 : vector<16xf32>
    %mul3A_430 = arith.mulf %add3A_429, %mul3A_393 : vector<16xf32>
    %add3A_431 = arith.constant 1.000000e+00 : f32
    %add3A_432 = vector.broadcast %add3A_431 : f32 to vector<16xf32>
    %add3A_433 = arith.addf %mul3A_430, %add3A_432 : vector<16xf32>
    %mul3A_434 = arith.mulf %add3A_433, %sub3A_392 : vector<16xf32>
    %and3A_435 = arith.constant 1 : i32
    %and3A_436 = vector.broadcast %and3A_435 : i32 to vector<16xi32>
    %and3A_437 = arith.andi %convert_element_type3A_387, %and3A_436 : vector<16xi32>
    %eq3A_438 = arith.constant 0 : i32
    %eq3A_439 = vector.broadcast %eq3A_438 : i32 to vector<16xi32>
    %eq3A_440 = arith.cmpi eq, %and3A_437, %eq3A_439 : vector<16xi32>
    %jit3A_441 = arith.constant 1.000000e+00 : f32
    %jit3A_442 = arith.constant -1.000000e+00 : f32
    %broadcast_in_dim3A_443 = vector.broadcast %jit3A_441 : f32 to vector<16xf32>
    %broadcast_in_dim3A_444 = vector.broadcast %jit3A_442 : f32 to vector<16xf32>
    %select_n3A_445 = arith.select %eq3A_440, %broadcast_in_dim3A_443, %broadcast_in_dim3A_444 : vector<16xi1>, vector<16xf32>
    %mul3A_446 = arith.mulf %select_n3A_445, %mul3A_434 : vector<16xf32>
    %mul3A_447 = arith.mulf %select_n3A_445, %add3A_415 : vector<16xf32>
    %gather3A_448 = tpu.vector_load_idx %arg7[%and3A_364, %add3A_370] : memref<8x64xf32, #tpu.memory_space<vmem>>[vector<16xi32>, vector<16xi32>], vector<16xf32>,
    %add3A_449 = arith.constant 32 : i32
    %add3A_450 = vector.broadcast %add3A_449 : i32 to vector<16xi32>
    %add3A_451 = arith.addi %add3A_370, %add3A_450 : vector<16xi32>
    %gather3A_452 = tpu.vector_load_idx %arg7[%and3A_364, %add3A_451] : memref<8x64xf32, #tpu.memory_space<vmem>>[vector<16xi32>, vector<16xi32>], vector<16xf32>,
    %mul3A_453 = arith.mulf %gather3A_448, %mul3A_447 : vector<16xf32>
    %mul3A_454 = arith.mulf %gather3A_452, %mul3A_446 : vector<16xf32>
    %sub3A_455 = arith.subf %mul3A_453, %mul3A_454 : vector<16xf32>
    %swap3A_456 = arith.constant 2 : i32
    %swap3A_457 = arith.index_cast %swap3A_456 : i32 to index
    %swap3A_458 = arith.constant 0 : index
    %swap3A_459 = tpu.vector_load %arg9[%swap3A_457, %swap3A_458] {strides = array<i32>} : memref<5x64xf32, #tpu.memory_space<vmem>>, vector<16xf32>,
    tpu.vector_store %arg9[%swap3A_457, %swap3A_458], %sub3A_455 {strides = array<i32>} : memref<5x64xf32, #tpu.memory_space<vmem>>, vector<16xf32>,
    %mul3A_460 = arith.mulf %gather3A_448, %mul3A_446 : vector<16xf32>
    %mul3A_461 = arith.mulf %gather3A_452, %mul3A_447 : vector<16xf32>
    %add3A_462 = arith.addf %mul3A_460, %mul3A_461 : vector<16xf32>
    %swap3A_463 = arith.constant 2 : i32
    %swap3A_464 = arith.index_cast %swap3A_463 : i32 to index
    %swap3A_465 = arith.constant 32 : index
    %swap3A_466 = tpu.vector_load %arg9[%swap3A_464, %swap3A_465] {strides = array<i32>} : memref<5x64xf32, #tpu.memory_space<vmem>>, vector<16xf32>,
    tpu.vector_store %arg9[%swap3A_464, %swap3A_465], %add3A_462 {strides = array<i32>} : memref<5x64xf32, #tpu.memory_space<vmem>>, vector<16xf32>,
    %add3A_467 = arith.constant 16 : i32
    %add3A_468 = vector.broadcast %add3A_467 : i32 to vector<16xi32>
    %add3A_469 = arith.addi %iota3A, %add3A_468 : vector<16xi32>
    %gather3A_470 = tpu.vector_load_idx %arg8[%and3A_367, %add3A_469] : memref<8x32xf32, #tpu.memory_space<vmem>>[vector<16xi32>, vector<16xi32>], vector<16xf32>,
    %mul3A_471 = arith.constant 7.18078327 : f32
    %mul3A_472 = vector.broadcast %mul3A_471 : f32 to vector<16xf32>
    %mul3A_473 = arith.mulf %gather3A_470, %mul3A_472 : vector<16xf32>
    %mul3A_474 = arith.constant 0.318309873 : f32
    %mul3A_475 = vector.broadcast %mul3A_474 : f32 to vector<16xf32>
    %mul3A_476 = arith.mulf %mul3A_473, %mul3A_475 : vector<16xf32>
    %ge3A_477 = arith.constant 0.000000e+00 : f32
    %ge3A_478 = vector.broadcast %ge3A_477 : f32 to vector<16xf32>
    %ge3A_479 = arith.cmpf oge, %mul3A_476, %ge3A_478 : vector<16xf32>
    %jit3A_480 = arith.constant 5.000000e-01 : f32
    %jit3A_481 = arith.constant -5.000000e-01 : f32
    %broadcast_in_dim3A_482 = vector.broadcast %jit3A_480 : f32 to vector<16xf32>
    %broadcast_in_dim3A_483 = vector.broadcast %jit3A_481 : f32 to vector<16xf32>
    %select_n3A_484 = arith.select %ge3A_479, %broadcast_in_dim3A_482, %broadcast_in_dim3A_483 : vector<16xi1>, vector<16xf32>
    %add3A_485 = arith.addf %mul3A_476, %select_n3A_484 : vector<16xf32>
    %convert_element_type3A_486 = arith.fptosi %add3A_485 : vector<16xf32> to vector<16xi32>
    %convert_element_type3A_487 = arith.sitofp %convert_element_type3A_486 : vector<16xi32> to vector<16xf32>
    %mul3A_488 = arith.constant 3.14159274 : f32
    %mul3A_489 = vector.broadcast %mul3A_488 : f32 to vector<16xf32>
    %mul3A_490 = arith.mulf %convert_element_type3A_487, %mul3A_489 : vector<16xf32>
    %sub3A_491 = arith.subf %mul3A_473, %mul3A_490 : vector<16xf32>
    %mul3A_492 = arith.mulf %sub3A_491, %sub3A_491 : vector<16xf32>
    %mul3A_493 = arith.constant -2.755732E-7 : f32
    %mul3A_494 = vector.broadcast %mul3A_493 : f32 to vector<16xf32>
    %mul3A_495 = arith.mulf %mul3A_494, %mul3A_492 : vector<16xf32>
    %add3A_496 = arith.constant 2.48015876E-5 : f32
    %add3A_497 = vector.broadcast %add3A_496 : f32 to vector<16xf32>
    %add3A_498 = arith.addf %mul3A_495, %add3A_497 : vector<16xf32>
    %mul3A_499 = arith.mulf %add3A_498, %mul3A_492 : vector<16xf32>
    %add3A_500 = arith.constant -0.00138888892 : f32
    %add3A_501 = vector.broadcast %add3A_500 : f32 to vector<16xf32>
    %add3A_502 = arith.addf %mul3A_499, %add3A_501 : vector<16xf32>
    %mul3A_503 = arith.mulf %add3A_502, %mul3A_492 : vector<16xf32>
    %add3A_504 = arith.constant 0.0416666679 : f32
    %add3A_505 = vector.broadcast %add3A_504 : f32 to vector<16xf32>
    %add3A_506 = arith.addf %mul3A_503, %add3A_505 : vector<16xf32>
    %mul3A_507 = arith.mulf %add3A_506, %mul3A_492 : vector<16xf32>
    %add3A_508 = arith.constant -5.000000e-01 : f32
    %add3A_509 = vector.broadcast %add3A_508 : f32 to vector<16xf32>
    %add3A_510 = arith.addf %mul3A_507, %add3A_509 : vector<16xf32>
    %mul3A_511 = arith.mulf %add3A_510, %mul3A_492 : vector<16xf32>
    %add3A_512 = arith.constant 1.000000e+00 : f32
    %add3A_513 = vector.broadcast %add3A_512 : f32 to vector<16xf32>
    %add3A_514 = arith.addf %mul3A_511, %add3A_513 : vector<16xf32>
    %mul3A_515 = arith.constant 2.75573188E-6 : f32
    %mul3A_516 = vector.broadcast %mul3A_515 : f32 to vector<16xf32>
    %mul3A_517 = arith.mulf %mul3A_516, %mul3A_492 : vector<16xf32>
    %add3A_518 = arith.constant -1.98412701E-4 : f32
    %add3A_519 = vector.broadcast %add3A_518 : f32 to vector<16xf32>
    %add3A_520 = arith.addf %mul3A_517, %add3A_519 : vector<16xf32>
    %mul3A_521 = arith.mulf %add3A_520, %mul3A_492 : vector<16xf32>
    %add3A_522 = arith.constant 0.00833333377 : f32
    %add3A_523 = vector.broadcast %add3A_522 : f32 to vector<16xf32>
    %add3A_524 = arith.addf %mul3A_521, %add3A_523 : vector<16xf32>
    %mul3A_525 = arith.mulf %add3A_524, %mul3A_492 : vector<16xf32>
    %add3A_526 = arith.constant -0.166666672 : f32
    %add3A_527 = vector.broadcast %add3A_526 : f32 to vector<16xf32>
    %add3A_528 = arith.addf %mul3A_525, %add3A_527 : vector<16xf32>
    %mul3A_529 = arith.mulf %add3A_528, %mul3A_492 : vector<16xf32>
    %add3A_530 = arith.constant 1.000000e+00 : f32
    %add3A_531 = vector.broadcast %add3A_530 : f32 to vector<16xf32>
    %add3A_532 = arith.addf %mul3A_529, %add3A_531 : vector<16xf32>
    %mul3A_533 = arith.mulf %add3A_532, %sub3A_491 : vector<16xf32>
    %and3A_534 = arith.constant 1 : i32
    %and3A_535 = vector.broadcast %and3A_534 : i32 to vector<16xi32>
    %and3A_536 = arith.andi %convert_element_type3A_486, %and3A_535 : vector<16xi32>
    %eq3A_537 = arith.constant 0 : i32
    %eq3A_538 = vector.broadcast %eq3A_537 : i32 to vector<16xi32>
    %eq3A_539 = arith.cmpi eq, %and3A_536, %eq3A_538 : vector<16xi32>
    %jit3A_540 = arith.constant 1.000000e+00 : f32
    %jit3A_541 = arith.constant -1.000000e+00 : f32
    %broadcast_in_dim3A_542 = vector.broadcast %jit3A_540 : f32 to vector<16xf32>
    %broadcast_in_dim3A_543 = vector.broadcast %jit3A_541 : f32 to vector<16xf32>
    %select_n3A_544 = arith.select %eq3A_539, %broadcast_in_dim3A_542, %broadcast_in_dim3A_543 : vector<16xi1>, vector<16xf32>
    %mul3A_545 = arith.mulf %select_n3A_544, %mul3A_533 : vector<16xf32>
    %mul3A_546 = arith.mulf %select_n3A_544, %add3A_514 : vector<16xf32>
    %gather3A_547 = tpu.vector_load_idx %arg7[%and3A_364, %add3A_469] : memref<8x64xf32, #tpu.memory_space<vmem>>[vector<16xi32>, vector<16xi32>], vector<16xf32>,
    %add3A_548 = arith.constant 32 : i32
    %add3A_549 = vector.broadcast %add3A_548 : i32 to vector<16xi32>
    %add3A_550 = arith.addi %add3A_469, %add3A_549 : vector<16xi32>
    %gather3A_551 = tpu.vector_load_idx %arg7[%and3A_364, %add3A_550] : memref<8x64xf32, #tpu.memory_space<vmem>>[vector<16xi32>, vector<16xi32>], vector<16xf32>,
    %mul3A_552 = arith.mulf %gather3A_547, %mul3A_546 : vector<16xf32>
    %mul3A_553 = arith.mulf %gather3A_551, %mul3A_545 : vector<16xf32>
    %sub3A_554 = arith.subf %mul3A_552, %mul3A_553 : vector<16xf32>
    %swap3A_555 = arith.constant 2 : i32
    %swap3A_556 = arith.index_cast %swap3A_555 : i32 to index
    %swap3A_557 = arith.constant 16 : index
    %swap3A_558 = tpu.vector_load %arg9[%swap3A_556, %swap3A_557] {strides = array<i32>} : memref<5x64xf32, #tpu.memory_space<vmem>>, vector<16xf32>,
    tpu.vector_store %arg9[%swap3A_556, %swap3A_557], %sub3A_554 {strides = array<i32>} : memref<5x64xf32, #tpu.memory_space<vmem>>, vector<16xf32>,
    %mul3A_559 = arith.mulf %gather3A_547, %mul3A_545 : vector<16xf32>
    %mul3A_560 = arith.mulf %gather3A_551, %mul3A_546 : vector<16xf32>
    %add3A_561 = arith.addf %mul3A_559, %mul3A_560 : vector<16xf32>
    %swap3A_562 = arith.constant 2 : i32
    %swap3A_563 = arith.index_cast %swap3A_562 : i32 to index
    %swap3A_564 = arith.constant 48 : index
    %swap3A_565 = tpu.vector_load %arg9[%swap3A_563, %swap3A_564] {strides = array<i32>} : memref<5x64xf32, #tpu.memory_space<vmem>>, vector<16xf32>,
    tpu.vector_store %arg9[%swap3A_563, %swap3A_564], %add3A_561 {strides = array<i32>} : memref<5x64xf32, #tpu.memory_space<vmem>>, vector<16xf32>,
    %broadcast_in_dim3A_566 = arith.constant 2 : i32
    %broadcast_in_dim3A_567 = vector.broadcast %broadcast_in_dim3A_566 : i32 to vector<16xi32>
    %add3A_568 = arith.constant 4 : i32
    %add3A_569 = vector.broadcast %add3A_568 : i32 to vector<16xi32>
    %add3A_570 = arith.addi %broadcast_in_dim3A_567, %add3A_569 : vector<16xi32>
    %gather3A_571 = tpu.vector_load_idx %arg6[%add3A_570] : memref<16xi32, #tpu.memory_space<vmem>>[vector<16xi32>], vector<16xi32>,
    %add3A_572 = arith.constant 8 : i32
    %add3A_573 = vector.broadcast %add3A_572 : i32 to vector<16xi32>
    %add3A_574 = arith.addi %broadcast_in_dim3A_567, %add3A_573 : vector<16xi32>
    %gather3A_575 = tpu.vector_load_idx %arg6[%add3A_574] : memref<16xi32, #tpu.memory_space<vmem>>[vector<16xi32>], vector<16xi32>,
    %reduce_max3A_576 = arith.constant true
    %reduce_max3A_577 = vector.broadcast %reduce_max3A_576 : i1 to vector<16xi1>
    %reduce_max3A_578 = arith.constant -2147483648 : i32
    %reduce_max3A_579 = vector.broadcast %reduce_max3A_578 : i32 to vector<16xi32>
    %reduce_max3A_580 = arith.xori %gather3A_571, %reduce_max3A_579 : vector<16xi32>
    %reduce_max3A_581 = tpu.scan <max>, %reduce_max3A_580 masked %reduce_max3A_577 : vector<16xi32>, vector<16xi1> -> vector<16xi32>
    %reduce_max3A_582 = arith.xori %reduce_max3A_581, %reduce_max3A_579 : vector<16xi32>
    %reduce_max3A_583 = vector.extract %reduce_max3A_582[15] : i32 from vector<16xi32>
    %reduce_max3A_584 = arith.constant true
    %reduce_max3A_585 = vector.broadcast %reduce_max3A_584 : i1 to vector<16xi1>
    %reduce_max3A_586 = arith.constant -2147483648 : i32
    %reduce_max3A_587 = vector.broadcast %reduce_max3A_586 : i32 to vector<16xi32>
    %reduce_max3A_588 = arith.xori %gather3A_575, %reduce_max3A_587 : vector<16xi32>
    %reduce_max3A_589 = tpu.scan <max>, %reduce_max3A_588 masked %reduce_max3A_585 : vector<16xi32>, vector<16xi1> -> vector<16xi32>
    %reduce_max3A_590 = arith.xori %reduce_max3A_589, %reduce_max3A_587 : vector<16xi32>
    %reduce_max3A_591 = vector.extract %reduce_max3A_590[15] : i32 from vector<16xi32>
    %jit3A_592 = arith.constant 8 : i32
    %div3A_593 = arith.divsi %reduce_max3A_583, %jit3A_592 : i32
    %sign3A_594 = arith.constant 0 : i32
    %sign3A_595 = arith.cmpi sgt, %reduce_max3A_583, %sign3A_594 : i32
    %sign3A_596 = arith.extui %sign3A_595 : i1 to i32
    %sign3A_597 = arith.constant 0 : i32
    %sign3A_598 = arith.cmpi slt, %reduce_max3A_583, %sign3A_597 : i32
    %sign3A_599 = arith.extui %sign3A_598 : i1 to i32
    %sign3A_600 = arith.subi %sign3A_596, %sign3A_599 : i32
    %sign3A_601 = arith.constant 0 : i32
    %sign3A_602 = arith.cmpi sgt, %jit3A_592, %sign3A_601 : i32
    %sign3A_603 = arith.extui %sign3A_602 : i1 to i32
    %sign3A_604 = arith.constant 0 : i32
    %sign3A_605 = arith.cmpi slt, %jit3A_592, %sign3A_604 : i32
    %sign3A_606 = arith.extui %sign3A_605 : i1 to i32
    %sign3A_607 = arith.subi %sign3A_603, %sign3A_606 : i32
    %ne3A_608 = arith.cmpi ne, %sign3A_600, %sign3A_607 : i32
    %rem3A_609 = arith.remsi %reduce_max3A_583, %jit3A_592 : i32
    %ne3A_610 = arith.constant 0 : i32
    %ne3A_611 = arith.cmpi ne, %rem3A_609, %ne3A_610 : i32
    %and3A_612 = arith.andi %ne3A_608, %ne3A_611 : i1
    %sub3A_613 = arith.constant 1 : i32
    %sub3A_614 = arith.subi %div3A_593, %sub3A_613 : i32
    %select_n3A_615 = arith.select %and3A_612, %sub3A_614, %div3A_593 : i32
    %mul3A_616 = arith.constant 8 : i32
    %mul3A_617 = arith.muli %select_n3A_615, %mul3A_616 : i32
    %multiple_of3A_618 = tpu.assume_multiple %mul3A_617, 8 : i32
    %jit3A_619 = arith.constant 8 : i32
    %div3A_620 = arith.divsi %reduce_max3A_591, %jit3A_619 : i32
    %sign3A_621 = arith.constant 0 : i32
    %sign3A_622 = arith.cmpi sgt, %reduce_max3A_591, %sign3A_621 : i32
    %sign3A_623 = arith.extui %sign3A_622 : i1 to i32
    %sign3A_624 = arith.constant 0 : i32
    %sign3A_625 = arith.cmpi slt, %reduce_max3A_591, %sign3A_624 : i32
    %sign3A_626 = arith.extui %sign3A_625 : i1 to i32
    %sign3A_627 = arith.subi %sign3A_623, %sign3A_626 : i32
    %sign3A_628 = arith.constant 0 : i32
    %sign3A_629 = arith.cmpi sgt, %jit3A_619, %sign3A_628 : i32
    %sign3A_630 = arith.extui %sign3A_629 : i1 to i32
    %sign3A_631 = arith.constant 0 : i32
    %sign3A_632 = arith.cmpi slt, %jit3A_619, %sign3A_631 : i32
    %sign3A_633 = arith.extui %sign3A_632 : i1 to i32
    %sign3A_634 = arith.subi %sign3A_630, %sign3A_633 : i32
    %ne3A_635 = arith.cmpi ne, %sign3A_627, %sign3A_634 : i32
    %rem3A_636 = arith.remsi %reduce_max3A_591, %jit3A_619 : i32
    %ne3A_637 = arith.constant 0 : i32
    %ne3A_638 = arith.cmpi ne, %rem3A_636, %ne3A_637 : i32
    %and3A_639 = arith.andi %ne3A_635, %ne3A_638 : i1
    %sub3A_640 = arith.constant 1 : i32
    %sub3A_641 = arith.subi %div3A_620, %sub3A_640 : i32
    %select_n3A_642 = arith.select %and3A_639, %sub3A_641, %div3A_620 : i32
    %mul3A_643 = arith.constant 8 : i32
    %mul3A_644 = arith.muli %select_n3A_642, %mul3A_643 : i32
    %multiple_of3A_645 = tpu.assume_multiple %mul3A_644, 8 : i32
    "tpu.region"() ({
      %run_scoped3A = tpu.sem_alloc : memref<!tpu.dma_semaphore, #tpu.memory_space<semaphore_mem>>
      %dma_start3A_1427 = arith.constant 0 : i32
      %dma_start3A_1428 = tpu.memref_slice %arg3[%multiple_of3A_618, %dma_start3A_1427] : memref<100000x64xf32, #tpu.memory_space<hbm>> -> memref<8x64xf32, #tpu.memory_space<hbm>>
      %dma_start3A_1429 = arith.constant 0 : i32
      %dma_start3A_1430 = tpu.memref_slice %arg3[%multiple_of3A_618, %dma_start3A_1429] : memref<100000x64xf32, #tpu.memory_space<hbm>> -> memref<8x64xf32, #tpu.memory_space<hbm>>
      tpu.enqueue_dma source(%dma_start3A_1430 : memref<8x64xf32, #tpu.memory_space<hbm>>) target(%arg7 : memref<8x64xf32, #tpu.memory_space<vmem>>) target_semaphore(%run_scoped3A : memref<!tpu.dma_semaphore, #tpu.memory_space<semaphore_mem>>)
      %dma_wait3A_1431 = arith.constant 0 : i32
      %dma_wait3A_1432 = tpu.memref_slice %arg3[%multiple_of3A_618, %dma_wait3A_1431] : memref<100000x64xf32, #tpu.memory_space<hbm>> -> memref<8x64xf32, #tpu.memory_space<hbm>>
      %dma_wait3A_1433 = arith.constant 0 : i32
      %dma_wait3A_1434 = tpu.memref_slice %arg3[%multiple_of3A_618, %dma_wait3A_1433] : memref<100000x64xf32, #tpu.memory_space<hbm>> -> memref<8x64xf32, #tpu.memory_space<hbm>>
      tpu.wait_dma2 semaphore(%run_scoped3A : memref<!tpu.dma_semaphore, #tpu.memory_space<semaphore_mem>>) src(%dma_wait3A_1434 : memref<8x64xf32, #tpu.memory_space<hbm>>) dst(%arg7 : memref<8x64xf32, #tpu.memory_space<vmem>>)
      tpu.yield
    }) : () -> ()
    "tpu.region"() ({
      %run_scoped3A = tpu.sem_alloc : memref<!tpu.dma_semaphore, #tpu.memory_space<semaphore_mem>>
      %dma_start3A_1427 = arith.constant 0 : i32
      %dma_start3A_1428 = tpu.memref_slice %arg4[%multiple_of3A_645, %dma_start3A_1427] : memref<512x32xf32, #tpu.memory_space<hbm>> -> memref<8x32xf32, #tpu.memory_space<hbm>>
      %dma_start3A_1429 = arith.constant 0 : i32
      %dma_start3A_1430 = tpu.memref_slice %arg4[%multiple_of3A_645, %dma_start3A_1429] : memref<512x32xf32, #tpu.memory_space<hbm>> -> memref<8x32xf32, #tpu.memory_space<hbm>>
      tpu.enqueue_dma source(%dma_start3A_1430 : memref<8x32xf32, #tpu.memory_space<hbm>>) target(%arg8 : memref<8x32xf32, #tpu.memory_space<vmem>>) target_semaphore(%run_scoped3A : memref<!tpu.dma_semaphore, #tpu.memory_space<semaphore_mem>>)
      %dma_wait3A_1431 = arith.constant 0 : i32
      %dma_wait3A_1432 = tpu.memref_slice %arg4[%multiple_of3A_645, %dma_wait3A_1431] : memref<512x32xf32, #tpu.memory_space<hbm>> -> memref<8x32xf32, #tpu.memory_space<hbm>>
      %dma_wait3A_1433 = arith.constant 0 : i32
      %dma_wait3A_1434 = tpu.memref_slice %arg4[%multiple_of3A_645, %dma_wait3A_1433] : memref<512x32xf32, #tpu.memory_space<hbm>> -> memref<8x32xf32, #tpu.memory_space<hbm>>
      tpu.wait_dma2 semaphore(%run_scoped3A : memref<!tpu.dma_semaphore, #tpu.memory_space<semaphore_mem>>) src(%dma_wait3A_1434 : memref<8x32xf32, #tpu.memory_space<hbm>>) dst(%arg8 : memref<8x32xf32, #tpu.memory_space<vmem>>)
      tpu.yield
    }) : () -> ()
    %and3A_646 = arith.constant 7 : i32
    %and3A_647 = vector.broadcast %and3A_646 : i32 to vector<16xi32>
    %and3A_648 = arith.andi %gather3A_571, %and3A_647 : vector<16xi32>
    %and3A_649 = arith.constant 7 : i32
    %and3A_650 = vector.broadcast %and3A_649 : i32 to vector<16xi32>
    %and3A_651 = arith.andi %gather3A_575, %and3A_650 : vector<16xi32>
    %add3A_652 = arith.constant 0 : i32
    %add3A_653 = vector.broadcast %add3A_652 : i32 to vector<16xi32>
    %add3A_654 = arith.addi %iota3A, %add3A_653 : vector<16xi32>
    %gather3A_655 = tpu.vector_load_idx %arg8[%and3A_651, %add3A_654] : memref<8x32xf32, #tpu.memory_space<vmem>>[vector<16xi32>, vector<16xi32>], vector<16xf32>,
    %mul3A_656 = arith.constant 7.18078327 : f32
    %mul3A_657 = vector.broadcast %mul3A_656 : f32 to vector<16xf32>
    %mul3A_658 = arith.mulf %gather3A_655, %mul3A_657 : vector<16xf32>
    %mul3A_659 = arith.constant 0.318309873 : f32
    %mul3A_660 = vector.broadcast %mul3A_659 : f32 to vector<16xf32>
    %mul3A_661 = arith.mulf %mul3A_658, %mul3A_660 : vector<16xf32>
    %ge3A_662 = arith.constant 0.000000e+00 : f32
    %ge3A_663 = vector.broadcast %ge3A_662 : f32 to vector<16xf32>
    %ge3A_664 = arith.cmpf oge, %mul3A_661, %ge3A_663 : vector<16xf32>
    %jit3A_665 = arith.constant 5.000000e-01 : f32
    %jit3A_666 = arith.constant -5.000000e-01 : f32
    %broadcast_in_dim3A_667 = vector.broadcast %jit3A_665 : f32 to vector<16xf32>
    %broadcast_in_dim3A_668 = vector.broadcast %jit3A_666 : f32 to vector<16xf32>
    %select_n3A_669 = arith.select %ge3A_664, %broadcast_in_dim3A_667, %broadcast_in_dim3A_668 : vector<16xi1>, vector<16xf32>
    %add3A_670 = arith.addf %mul3A_661, %select_n3A_669 : vector<16xf32>
    %convert_element_type3A_671 = arith.fptosi %add3A_670 : vector<16xf32> to vector<16xi32>
    %convert_element_type3A_672 = arith.sitofp %convert_element_type3A_671 : vector<16xi32> to vector<16xf32>
    %mul3A_673 = arith.constant 3.14159274 : f32
    %mul3A_674 = vector.broadcast %mul3A_673 : f32 to vector<16xf32>
    %mul3A_675 = arith.mulf %convert_element_type3A_672, %mul3A_674 : vector<16xf32>
    %sub3A_676 = arith.subf %mul3A_658, %mul3A_675 : vector<16xf32>
    %mul3A_677 = arith.mulf %sub3A_676, %sub3A_676 : vector<16xf32>
    %mul3A_678 = arith.constant -2.755732E-7 : f32
    %mul3A_679 = vector.broadcast %mul3A_678 : f32 to vector<16xf32>
    %mul3A_680 = arith.mulf %mul3A_679, %mul3A_677 : vector<16xf32>
    %add3A_681 = arith.constant 2.48015876E-5 : f32
    %add3A_682 = vector.broadcast %add3A_681 : f32 to vector<16xf32>
    %add3A_683 = arith.addf %mul3A_680, %add3A_682 : vector<16xf32>
    %mul3A_684 = arith.mulf %add3A_683, %mul3A_677 : vector<16xf32>
    %add3A_685 = arith.constant -0.00138888892 : f32
    %add3A_686 = vector.broadcast %add3A_685 : f32 to vector<16xf32>
    %add3A_687 = arith.addf %mul3A_684, %add3A_686 : vector<16xf32>
    %mul3A_688 = arith.mulf %add3A_687, %mul3A_677 : vector<16xf32>
    %add3A_689 = arith.constant 0.0416666679 : f32
    %add3A_690 = vector.broadcast %add3A_689 : f32 to vector<16xf32>
    %add3A_691 = arith.addf %mul3A_688, %add3A_690 : vector<16xf32>
    %mul3A_692 = arith.mulf %add3A_691, %mul3A_677 : vector<16xf32>
    %add3A_693 = arith.constant -5.000000e-01 : f32
    %add3A_694 = vector.broadcast %add3A_693 : f32 to vector<16xf32>
    %add3A_695 = arith.addf %mul3A_692, %add3A_694 : vector<16xf32>
    %mul3A_696 = arith.mulf %add3A_695, %mul3A_677 : vector<16xf32>
    %add3A_697 = arith.constant 1.000000e+00 : f32
    %add3A_698 = vector.broadcast %add3A_697 : f32 to vector<16xf32>
    %add3A_699 = arith.addf %mul3A_696, %add3A_698 : vector<16xf32>
    %mul3A_700 = arith.constant 2.75573188E-6 : f32
    %mul3A_701 = vector.broadcast %mul3A_700 : f32 to vector<16xf32>
    %mul3A_702 = arith.mulf %mul3A_701, %mul3A_677 : vector<16xf32>
    %add3A_703 = arith.constant -1.98412701E-4 : f32
    %add3A_704 = vector.broadcast %add3A_703 : f32 to vector<16xf32>
    %add3A_705 = arith.addf %mul3A_702, %add3A_704 : vector<16xf32>
    %mul3A_706 = arith.mulf %add3A_705, %mul3A_677 : vector<16xf32>
    %add3A_707 = arith.constant 0.00833333377 : f32
    %add3A_708 = vector.broadcast %add3A_707 : f32 to vector<16xf32>
    %add3A_709 = arith.addf %mul3A_706, %add3A_708 : vector<16xf32>
    %mul3A_710 = arith.mulf %add3A_709, %mul3A_677 : vector<16xf32>
    %add3A_711 = arith.constant -0.166666672 : f32
    %add3A_712 = vector.broadcast %add3A_711 : f32 to vector<16xf32>
    %add3A_713 = arith.addf %mul3A_710, %add3A_712 : vector<16xf32>
    %mul3A_714 = arith.mulf %add3A_713, %mul3A_677 : vector<16xf32>
    %add3A_715 = arith.constant 1.000000e+00 : f32
    %add3A_716 = vector.broadcast %add3A_715 : f32 to vector<16xf32>
    %add3A_717 = arith.addf %mul3A_714, %add3A_716 : vector<16xf32>
    %mul3A_718 = arith.mulf %add3A_717, %sub3A_676 : vector<16xf32>
    %and3A_719 = arith.constant 1 : i32
    %and3A_720 = vector.broadcast %and3A_719 : i32 to vector<16xi32>
    %and3A_721 = arith.andi %convert_element_type3A_671, %and3A_720 : vector<16xi32>
    %eq3A_722 = arith.constant 0 : i32
    %eq3A_723 = vector.broadcast %eq3A_722 : i32 to vector<16xi32>
    %eq3A_724 = arith.cmpi eq, %and3A_721, %eq3A_723 : vector<16xi32>
    %jit3A_725 = arith.constant 1.000000e+00 : f32
    %jit3A_726 = arith.constant -1.000000e+00 : f32
    %broadcast_in_dim3A_727 = vector.broadcast %jit3A_725 : f32 to vector<16xf32>
    %broadcast_in_dim3A_728 = vector.broadcast %jit3A_726 : f32 to vector<16xf32>
    %select_n3A_729 = arith.select %eq3A_724, %broadcast_in_dim3A_727, %broadcast_in_dim3A_728 : vector<16xi1>, vector<16xf32>
    %mul3A_730 = arith.mulf %select_n3A_729, %mul3A_718 : vector<16xf32>
    %mul3A_731 = arith.mulf %select_n3A_729, %add3A_699 : vector<16xf32>
    %gather3A_732 = tpu.vector_load_idx %arg7[%and3A_648, %add3A_654] : memref<8x64xf32, #tpu.memory_space<vmem>>[vector<16xi32>, vector<16xi32>], vector<16xf32>,
    %add3A_733 = arith.constant 32 : i32
    %add3A_734 = vector.broadcast %add3A_733 : i32 to vector<16xi32>
    %add3A_735 = arith.addi %add3A_654, %add3A_734 : vector<16xi32>
    %gather3A_736 = tpu.vector_load_idx %arg7[%and3A_648, %add3A_735] : memref<8x64xf32, #tpu.memory_space<vmem>>[vector<16xi32>, vector<16xi32>], vector<16xf32>,
    %mul3A_737 = arith.mulf %gather3A_732, %mul3A_731 : vector<16xf32>
    %mul3A_738 = arith.mulf %gather3A_736, %mul3A_730 : vector<16xf32>
    %sub3A_739 = arith.subf %mul3A_737, %mul3A_738 : vector<16xf32>
    %swap3A_740 = arith.constant 3 : i32
    %swap3A_741 = arith.index_cast %swap3A_740 : i32 to index
    %swap3A_742 = arith.constant 0 : index
    %swap3A_743 = tpu.vector_load %arg9[%swap3A_741, %swap3A_742] {strides = array<i32>} : memref<5x64xf32, #tpu.memory_space<vmem>>, vector<16xf32>,
    tpu.vector_store %arg9[%swap3A_741, %swap3A_742], %sub3A_739 {strides = array<i32>} : memref<5x64xf32, #tpu.memory_space<vmem>>, vector<16xf32>,
    %mul3A_744 = arith.mulf %gather3A_732, %mul3A_730 : vector<16xf32>
    %mul3A_745 = arith.mulf %gather3A_736, %mul3A_731 : vector<16xf32>
    %add3A_746 = arith.addf %mul3A_744, %mul3A_745 : vector<16xf32>
    %swap3A_747 = arith.constant 3 : i32
    %swap3A_748 = arith.index_cast %swap3A_747 : i32 to index
    %swap3A_749 = arith.constant 32 : index
    %swap3A_750 = tpu.vector_load %arg9[%swap3A_748, %swap3A_749] {strides = array<i32>} : memref<5x64xf32, #tpu.memory_space<vmem>>, vector<16xf32>,
    tpu.vector_store %arg9[%swap3A_748, %swap3A_749], %add3A_746 {strides = array<i32>} : memref<5x64xf32, #tpu.memory_space<vmem>>, vector<16xf32>,
    %add3A_751 = arith.constant 16 : i32
    %add3A_752 = vector.broadcast %add3A_751 : i32 to vector<16xi32>
    %add3A_753 = arith.addi %iota3A, %add3A_752 : vector<16xi32>
    %gather3A_754 = tpu.vector_load_idx %arg8[%and3A_651, %add3A_753] : memref<8x32xf32, #tpu.memory_space<vmem>>[vector<16xi32>, vector<16xi32>], vector<16xf32>,
    %mul3A_755 = arith.constant 7.18078327 : f32
    %mul3A_756 = vector.broadcast %mul3A_755 : f32 to vector<16xf32>
    %mul3A_757 = arith.mulf %gather3A_754, %mul3A_756 : vector<16xf32>
    %mul3A_758 = arith.constant 0.318309873 : f32
    %mul3A_759 = vector.broadcast %mul3A_758 : f32 to vector<16xf32>
    %mul3A_760 = arith.mulf %mul3A_757, %mul3A_759 : vector<16xf32>
    %ge3A_761 = arith.constant 0.000000e+00 : f32
    %ge3A_762 = vector.broadcast %ge3A_761 : f32 to vector<16xf32>
    %ge3A_763 = arith.cmpf oge, %mul3A_760, %ge3A_762 : vector<16xf32>
    %jit3A_764 = arith.constant 5.000000e-01 : f32
    %jit3A_765 = arith.constant -5.000000e-01 : f32
    %broadcast_in_dim3A_766 = vector.broadcast %jit3A_764 : f32 to vector<16xf32>
    %broadcast_in_dim3A_767 = vector.broadcast %jit3A_765 : f32 to vector<16xf32>
    %select_n3A_768 = arith.select %ge3A_763, %broadcast_in_dim3A_766, %broadcast_in_dim3A_767 : vector<16xi1>, vector<16xf32>
    %add3A_769 = arith.addf %mul3A_760, %select_n3A_768 : vector<16xf32>
    %convert_element_type3A_770 = arith.fptosi %add3A_769 : vector<16xf32> to vector<16xi32>
    %convert_element_type3A_771 = arith.sitofp %convert_element_type3A_770 : vector<16xi32> to vector<16xf32>
    %mul3A_772 = arith.constant 3.14159274 : f32
    %mul3A_773 = vector.broadcast %mul3A_772 : f32 to vector<16xf32>
    %mul3A_774 = arith.mulf %convert_element_type3A_771, %mul3A_773 : vector<16xf32>
    %sub3A_775 = arith.subf %mul3A_757, %mul3A_774 : vector<16xf32>
    %mul3A_776 = arith.mulf %sub3A_775, %sub3A_775 : vector<16xf32>
    %mul3A_777 = arith.constant -2.755732E-7 : f32
    %mul3A_778 = vector.broadcast %mul3A_777 : f32 to vector<16xf32>
    %mul3A_779 = arith.mulf %mul3A_778, %mul3A_776 : vector<16xf32>
    %add3A_780 = arith.constant 2.48015876E-5 : f32
    %add3A_781 = vector.broadcast %add3A_780 : f32 to vector<16xf32>
    %add3A_782 = arith.addf %mul3A_779, %add3A_781 : vector<16xf32>
    %mul3A_783 = arith.mulf %add3A_782, %mul3A_776 : vector<16xf32>
    %add3A_784 = arith.constant -0.00138888892 : f32
    %add3A_785 = vector.broadcast %add3A_784 : f32 to vector<16xf32>
    %add3A_786 = arith.addf %mul3A_783, %add3A_785 : vector<16xf32>
    %mul3A_787 = arith.mulf %add3A_786, %mul3A_776 : vector<16xf32>
    %add3A_788 = arith.constant 0.0416666679 : f32
    %add3A_789 = vector.broadcast %add3A_788 : f32 to vector<16xf32>
    %add3A_790 = arith.addf %mul3A_787, %add3A_789 : vector<16xf32>
    %mul3A_791 = arith.mulf %add3A_790, %mul3A_776 : vector<16xf32>
    %add3A_792 = arith.constant -5.000000e-01 : f32
    %add3A_793 = vector.broadcast %add3A_792 : f32 to vector<16xf32>
    %add3A_794 = arith.addf %mul3A_791, %add3A_793 : vector<16xf32>
    %mul3A_795 = arith.mulf %add3A_794, %mul3A_776 : vector<16xf32>
    %add3A_796 = arith.constant 1.000000e+00 : f32
    %add3A_797 = vector.broadcast %add3A_796 : f32 to vector<16xf32>
    %add3A_798 = arith.addf %mul3A_795, %add3A_797 : vector<16xf32>
    %mul3A_799 = arith.constant 2.75573188E-6 : f32
    %mul3A_800 = vector.broadcast %mul3A_799 : f32 to vector<16xf32>
    %mul3A_801 = arith.mulf %mul3A_800, %mul3A_776 : vector<16xf32>
    %add3A_802 = arith.constant -1.98412701E-4 : f32
    %add3A_803 = vector.broadcast %add3A_802 : f32 to vector<16xf32>
    %add3A_804 = arith.addf %mul3A_801, %add3A_803 : vector<16xf32>
    %mul3A_805 = arith.mulf %add3A_804, %mul3A_776 : vector<16xf32>
    %add3A_806 = arith.constant 0.00833333377 : f32
    %add3A_807 = vector.broadcast %add3A_806 : f32 to vector<16xf32>
    %add3A_808 = arith.addf %mul3A_805, %add3A_807 : vector<16xf32>
    %mul3A_809 = arith.mulf %add3A_808, %mul3A_776 : vector<16xf32>
    %add3A_810 = arith.constant -0.166666672 : f32
    %add3A_811 = vector.broadcast %add3A_810 : f32 to vector<16xf32>
    %add3A_812 = arith.addf %mul3A_809, %add3A_811 : vector<16xf32>
    %mul3A_813 = arith.mulf %add3A_812, %mul3A_776 : vector<16xf32>
    %add3A_814 = arith.constant 1.000000e+00 : f32
    %add3A_815 = vector.broadcast %add3A_814 : f32 to vector<16xf32>
    %add3A_816 = arith.addf %mul3A_813, %add3A_815 : vector<16xf32>
    %mul3A_817 = arith.mulf %add3A_816, %sub3A_775 : vector<16xf32>
    %and3A_818 = arith.constant 1 : i32
    %and3A_819 = vector.broadcast %and3A_818 : i32 to vector<16xi32>
    %and3A_820 = arith.andi %convert_element_type3A_770, %and3A_819 : vector<16xi32>
    %eq3A_821 = arith.constant 0 : i32
    %eq3A_822 = vector.broadcast %eq3A_821 : i32 to vector<16xi32>
    %eq3A_823 = arith.cmpi eq, %and3A_820, %eq3A_822 : vector<16xi32>
    %jit3A_824 = arith.constant 1.000000e+00 : f32
    %jit3A_825 = arith.constant -1.000000e+00 : f32
    %broadcast_in_dim3A_826 = vector.broadcast %jit3A_824 : f32 to vector<16xf32>
    %broadcast_in_dim3A_827 = vector.broadcast %jit3A_825 : f32 to vector<16xf32>
    %select_n3A_828 = arith.select %eq3A_823, %broadcast_in_dim3A_826, %broadcast_in_dim3A_827 : vector<16xi1>, vector<16xf32>
    %mul3A_829 = arith.mulf %select_n3A_828, %mul3A_817 : vector<16xf32>
    %mul3A_830 = arith.mulf %select_n3A_828, %add3A_798 : vector<16xf32>
    %gather3A_831 = tpu.vector_load_idx %arg7[%and3A_648, %add3A_753] : memref<8x64xf32, #tpu.memory_space<vmem>>[vector<16xi32>, vector<16xi32>], vector<16xf32>,
    %add3A_832 = arith.constant 32 : i32
    %add3A_833 = vector.broadcast %add3A_832 : i32 to vector<16xi32>
    %add3A_834 = arith.addi %add3A_753, %add3A_833 : vector<16xi32>
    %gather3A_835 = tpu.vector_load_idx %arg7[%and3A_648, %add3A_834] : memref<8x64xf32, #tpu.memory_space<vmem>>[vector<16xi32>, vector<16xi32>], vector<16xf32>,
    %mul3A_836 = arith.mulf %gather3A_831, %mul3A_830 : vector<16xf32>
    %mul3A_837 = arith.mulf %gather3A_835, %mul3A_829 : vector<16xf32>
    %sub3A_838 = arith.subf %mul3A_836, %mul3A_837 : vector<16xf32>
    %swap3A_839 = arith.constant 3 : i32
    %swap3A_840 = arith.index_cast %swap3A_839 : i32 to index
    %swap3A_841 = arith.constant 16 : index
    %swap3A_842 = tpu.vector_load %arg9[%swap3A_840, %swap3A_841] {strides = array<i32>} : memref<5x64xf32, #tpu.memory_space<vmem>>, vector<16xf32>,
    tpu.vector_store %arg9[%swap3A_840, %swap3A_841], %sub3A_838 {strides = array<i32>} : memref<5x64xf32, #tpu.memory_space<vmem>>, vector<16xf32>,
    %mul3A_843 = arith.mulf %gather3A_831, %mul3A_829 : vector<16xf32>
    %mul3A_844 = arith.mulf %gather3A_835, %mul3A_830 : vector<16xf32>
    %add3A_845 = arith.addf %mul3A_843, %mul3A_844 : vector<16xf32>
    %swap3A_846 = arith.constant 3 : i32
    %swap3A_847 = arith.index_cast %swap3A_846 : i32 to index
    %swap3A_848 = arith.constant 48 : index
    %swap3A_849 = tpu.vector_load %arg9[%swap3A_847, %swap3A_848] {strides = array<i32>} : memref<5x64xf32, #tpu.memory_space<vmem>>, vector<16xf32>,
    tpu.vector_store %arg9[%swap3A_847, %swap3A_848], %add3A_845 {strides = array<i32>} : memref<5x64xf32, #tpu.memory_space<vmem>>, vector<16xf32>,
    %broadcast_in_dim3A_850 = arith.constant 3 : i32
    %broadcast_in_dim3A_851 = vector.broadcast %broadcast_in_dim3A_850 : i32 to vector<16xi32>
    %add3A_852 = arith.constant 4 : i32
    %add3A_853 = vector.broadcast %add3A_852 : i32 to vector<16xi32>
    %add3A_854 = arith.addi %broadcast_in_dim3A_851, %add3A_853 : vector<16xi32>
    %gather3A_855 = tpu.vector_load_idx %arg6[%add3A_854] : memref<16xi32, #tpu.memory_space<vmem>>[vector<16xi32>], vector<16xi32>,
    %add3A_856 = arith.constant 8 : i32
    %add3A_857 = vector.broadcast %add3A_856 : i32 to vector<16xi32>
    %add3A_858 = arith.addi %broadcast_in_dim3A_851, %add3A_857 : vector<16xi32>
    %gather3A_859 = tpu.vector_load_idx %arg6[%add3A_858] : memref<16xi32, #tpu.memory_space<vmem>>[vector<16xi32>], vector<16xi32>,
    %reduce_max3A_860 = arith.constant true
    %reduce_max3A_861 = vector.broadcast %reduce_max3A_860 : i1 to vector<16xi1>
    %reduce_max3A_862 = arith.constant -2147483648 : i32
    %reduce_max3A_863 = vector.broadcast %reduce_max3A_862 : i32 to vector<16xi32>
    %reduce_max3A_864 = arith.xori %gather3A_855, %reduce_max3A_863 : vector<16xi32>
    %reduce_max3A_865 = tpu.scan <max>, %reduce_max3A_864 masked %reduce_max3A_861 : vector<16xi32>, vector<16xi1> -> vector<16xi32>
    %reduce_max3A_866 = arith.xori %reduce_max3A_865, %reduce_max3A_863 : vector<16xi32>
    %reduce_max3A_867 = vector.extract %reduce_max3A_866[15] : i32 from vector<16xi32>
    %reduce_max3A_868 = arith.constant true
    %reduce_max3A_869 = vector.broadcast %reduce_max3A_868 : i1 to vector<16xi1>
    %reduce_max3A_870 = arith.constant -2147483648 : i32
    %reduce_max3A_871 = vector.broadcast %reduce_max3A_870 : i32 to vector<16xi32>
    %reduce_max3A_872 = arith.xori %gather3A_859, %reduce_max3A_871 : vector<16xi32>
    %reduce_max3A_873 = tpu.scan <max>, %reduce_max3A_872 masked %reduce_max3A_869 : vector<16xi32>, vector<16xi1> -> vector<16xi32>
    %reduce_max3A_874 = arith.xori %reduce_max3A_873, %reduce_max3A_871 : vector<16xi32>
    %reduce_max3A_875 = vector.extract %reduce_max3A_874[15] : i32 from vector<16xi32>
    %jit3A_876 = arith.constant 8 : i32
    %div3A_877 = arith.divsi %reduce_max3A_867, %jit3A_876 : i32
    %sign3A_878 = arith.constant 0 : i32
    %sign3A_879 = arith.cmpi sgt, %reduce_max3A_867, %sign3A_878 : i32
    %sign3A_880 = arith.extui %sign3A_879 : i1 to i32
    %sign3A_881 = arith.constant 0 : i32
    %sign3A_882 = arith.cmpi slt, %reduce_max3A_867, %sign3A_881 : i32
    %sign3A_883 = arith.extui %sign3A_882 : i1 to i32
    %sign3A_884 = arith.subi %sign3A_880, %sign3A_883 : i32
    %sign3A_885 = arith.constant 0 : i32
    %sign3A_886 = arith.cmpi sgt, %jit3A_876, %sign3A_885 : i32
    %sign3A_887 = arith.extui %sign3A_886 : i1 to i32
    %sign3A_888 = arith.constant 0 : i32
    %sign3A_889 = arith.cmpi slt, %jit3A_876, %sign3A_888 : i32
    %sign3A_890 = arith.extui %sign3A_889 : i1 to i32
    %sign3A_891 = arith.subi %sign3A_887, %sign3A_890 : i32
    %ne3A_892 = arith.cmpi ne, %sign3A_884, %sign3A_891 : i32
    %rem3A_893 = arith.remsi %reduce_max3A_867, %jit3A_876 : i32
    %ne3A_894 = arith.constant 0 : i32
    %ne3A_895 = arith.cmpi ne, %rem3A_893, %ne3A_894 : i32
    %and3A_896 = arith.andi %ne3A_892, %ne3A_895 : i1
    %sub3A_897 = arith.constant 1 : i32
    %sub3A_898 = arith.subi %div3A_877, %sub3A_897 : i32
    %select_n3A_899 = arith.select %and3A_896, %sub3A_898, %div3A_877 : i32
    %mul3A_900 = arith.constant 8 : i32
    %mul3A_901 = arith.muli %select_n3A_899, %mul3A_900 : i32
    %multiple_of3A_902 = tpu.assume_multiple %mul3A_901, 8 : i32
    %jit3A_903 = arith.constant 8 : i32
    %div3A_904 = arith.divsi %reduce_max3A_875, %jit3A_903 : i32
    %sign3A_905 = arith.constant 0 : i32
    %sign3A_906 = arith.cmpi sgt, %reduce_max3A_875, %sign3A_905 : i32
    %sign3A_907 = arith.extui %sign3A_906 : i1 to i32
    %sign3A_908 = arith.constant 0 : i32
    %sign3A_909 = arith.cmpi slt, %reduce_max3A_875, %sign3A_908 : i32
    %sign3A_910 = arith.extui %sign3A_909 : i1 to i32
    %sign3A_911 = arith.subi %sign3A_907, %sign3A_910 : i32
    %sign3A_912 = arith.constant 0 : i32
    %sign3A_913 = arith.cmpi sgt, %jit3A_903, %sign3A_912 : i32
    %sign3A_914 = arith.extui %sign3A_913 : i1 to i32
    %sign3A_915 = arith.constant 0 : i32
    %sign3A_916 = arith.cmpi slt, %jit3A_903, %sign3A_915 : i32
    %sign3A_917 = arith.extui %sign3A_916 : i1 to i32
    %sign3A_918 = arith.subi %sign3A_914, %sign3A_917 : i32
    %ne3A_919 = arith.cmpi ne, %sign3A_911, %sign3A_918 : i32
    %rem3A_920 = arith.remsi %reduce_max3A_875, %jit3A_903 : i32
    %ne3A_921 = arith.constant 0 : i32
    %ne3A_922 = arith.cmpi ne, %rem3A_920, %ne3A_921 : i32
    %and3A_923 = arith.andi %ne3A_919, %ne3A_922 : i1
    %sub3A_924 = arith.constant 1 : i32
    %sub3A_925 = arith.subi %div3A_904, %sub3A_924 : i32
    %select_n3A_926 = arith.select %and3A_923, %sub3A_925, %div3A_904 : i32
    %mul3A_927 = arith.constant 8 : i32
    %mul3A_928 = arith.muli %select_n3A_926, %mul3A_927 : i32
    %multiple_of3A_929 = tpu.assume_multiple %mul3A_928, 8 : i32
    "tpu.region"() ({
      %run_scoped3A = tpu.sem_alloc : memref<!tpu.dma_semaphore, #tpu.memory_space<semaphore_mem>>
      %dma_start3A_1427 = arith.constant 0 : i32
      %dma_start3A_1428 = tpu.memref_slice %arg3[%multiple_of3A_902, %dma_start3A_1427] : memref<100000x64xf32, #tpu.memory_space<hbm>> -> memref<8x64xf32, #tpu.memory_space<hbm>>
      %dma_start3A_1429 = arith.constant 0 : i32
      %dma_start3A_1430 = tpu.memref_slice %arg3[%multiple_of3A_902, %dma_start3A_1429] : memref<100000x64xf32, #tpu.memory_space<hbm>> -> memref<8x64xf32, #tpu.memory_space<hbm>>
      tpu.enqueue_dma source(%dma_start3A_1430 : memref<8x64xf32, #tpu.memory_space<hbm>>) target(%arg7 : memref<8x64xf32, #tpu.memory_space<vmem>>) target_semaphore(%run_scoped3A : memref<!tpu.dma_semaphore, #tpu.memory_space<semaphore_mem>>)
      %dma_wait3A_1431 = arith.constant 0 : i32
      %dma_wait3A_1432 = tpu.memref_slice %arg3[%multiple_of3A_902, %dma_wait3A_1431] : memref<100000x64xf32, #tpu.memory_space<hbm>> -> memref<8x64xf32, #tpu.memory_space<hbm>>
      %dma_wait3A_1433 = arith.constant 0 : i32
      %dma_wait3A_1434 = tpu.memref_slice %arg3[%multiple_of3A_902, %dma_wait3A_1433] : memref<100000x64xf32, #tpu.memory_space<hbm>> -> memref<8x64xf32, #tpu.memory_space<hbm>>
      tpu.wait_dma2 semaphore(%run_scoped3A : memref<!tpu.dma_semaphore, #tpu.memory_space<semaphore_mem>>) src(%dma_wait3A_1434 : memref<8x64xf32, #tpu.memory_space<hbm>>) dst(%arg7 : memref<8x64xf32, #tpu.memory_space<vmem>>)
      tpu.yield
    }) : () -> ()
    "tpu.region"() ({
      %run_scoped3A = tpu.sem_alloc : memref<!tpu.dma_semaphore, #tpu.memory_space<semaphore_mem>>
      %dma_start3A_1427 = arith.constant 0 : i32
      %dma_start3A_1428 = tpu.memref_slice %arg4[%multiple_of3A_929, %dma_start3A_1427] : memref<512x32xf32, #tpu.memory_space<hbm>> -> memref<8x32xf32, #tpu.memory_space<hbm>>
      %dma_start3A_1429 = arith.constant 0 : i32
      %dma_start3A_1430 = tpu.memref_slice %arg4[%multiple_of3A_929, %dma_start3A_1429] : memref<512x32xf32, #tpu.memory_space<hbm>> -> memref<8x32xf32, #tpu.memory_space<hbm>>
      tpu.enqueue_dma source(%dma_start3A_1430 : memref<8x32xf32, #tpu.memory_space<hbm>>) target(%arg8 : memref<8x32xf32, #tpu.memory_space<vmem>>) target_semaphore(%run_scoped3A : memref<!tpu.dma_semaphore, #tpu.memory_space<semaphore_mem>>)
      %dma_wait3A_1431 = arith.constant 0 : i32
      %dma_wait3A_1432 = tpu.memref_slice %arg4[%multiple_of3A_929, %dma_wait3A_1431] : memref<512x32xf32, #tpu.memory_space<hbm>> -> memref<8x32xf32, #tpu.memory_space<hbm>>
      %dma_wait3A_1433 = arith.constant 0 : i32
      %dma_wait3A_1434 = tpu.memref_slice %arg4[%multiple_of3A_929, %dma_wait3A_1433] : memref<512x32xf32, #tpu.memory_space<hbm>> -> memref<8x32xf32, #tpu.memory_space<hbm>>
      tpu.wait_dma2 semaphore(%run_scoped3A : memref<!tpu.dma_semaphore, #tpu.memory_space<semaphore_mem>>) src(%dma_wait3A_1434 : memref<8x32xf32, #tpu.memory_space<hbm>>) dst(%arg8 : memref<8x32xf32, #tpu.memory_space<vmem>>)
      tpu.yield
    }) : () -> ()
    %and3A_930 = arith.constant 7 : i32
    %and3A_931 = vector.broadcast %and3A_930 : i32 to vector<16xi32>
    %and3A_932 = arith.andi %gather3A_855, %and3A_931 : vector<16xi32>
    %and3A_933 = arith.constant 7 : i32
    %and3A_934 = vector.broadcast %and3A_933 : i32 to vector<16xi32>
    %and3A_935 = arith.andi %gather3A_859, %and3A_934 : vector<16xi32>
    %add3A_936 = arith.constant 0 : i32
    %add3A_937 = vector.broadcast %add3A_936 : i32 to vector<16xi32>
    %add3A_938 = arith.addi %iota3A, %add3A_937 : vector<16xi32>
    %gather3A_939 = tpu.vector_load_idx %arg8[%and3A_935, %add3A_938] : memref<8x32xf32, #tpu.memory_space<vmem>>[vector<16xi32>, vector<16xi32>], vector<16xf32>,
    %mul3A_940 = arith.constant 7.18078327 : f32
    %mul3A_941 = vector.broadcast %mul3A_940 : f32 to vector<16xf32>
    %mul3A_942 = arith.mulf %gather3A_939, %mul3A_941 : vector<16xf32>
    %mul3A_943 = arith.constant 0.318309873 : f32
    %mul3A_944 = vector.broadcast %mul3A_943 : f32 to vector<16xf32>
    %mul3A_945 = arith.mulf %mul3A_942, %mul3A_944 : vector<16xf32>
    %ge3A_946 = arith.constant 0.000000e+00 : f32
    %ge3A_947 = vector.broadcast %ge3A_946 : f32 to vector<16xf32>
    %ge3A_948 = arith.cmpf oge, %mul3A_945, %ge3A_947 : vector<16xf32>
    %jit3A_949 = arith.constant 5.000000e-01 : f32
    %jit3A_950 = arith.constant -5.000000e-01 : f32
    %broadcast_in_dim3A_951 = vector.broadcast %jit3A_949 : f32 to vector<16xf32>
    %broadcast_in_dim3A_952 = vector.broadcast %jit3A_950 : f32 to vector<16xf32>
    %select_n3A_953 = arith.select %ge3A_948, %broadcast_in_dim3A_951, %broadcast_in_dim3A_952 : vector<16xi1>, vector<16xf32>
    %add3A_954 = arith.addf %mul3A_945, %select_n3A_953 : vector<16xf32>
    %convert_element_type3A_955 = arith.fptosi %add3A_954 : vector<16xf32> to vector<16xi32>
    %convert_element_type3A_956 = arith.sitofp %convert_element_type3A_955 : vector<16xi32> to vector<16xf32>
    %mul3A_957 = arith.constant 3.14159274 : f32
    %mul3A_958 = vector.broadcast %mul3A_957 : f32 to vector<16xf32>
    %mul3A_959 = arith.mulf %convert_element_type3A_956, %mul3A_958 : vector<16xf32>
    %sub3A_960 = arith.subf %mul3A_942, %mul3A_959 : vector<16xf32>
    %mul3A_961 = arith.mulf %sub3A_960, %sub3A_960 : vector<16xf32>
    %mul3A_962 = arith.constant -2.755732E-7 : f32
    %mul3A_963 = vector.broadcast %mul3A_962 : f32 to vector<16xf32>
    %mul3A_964 = arith.mulf %mul3A_963, %mul3A_961 : vector<16xf32>
    %add3A_965 = arith.constant 2.48015876E-5 : f32
    %add3A_966 = vector.broadcast %add3A_965 : f32 to vector<16xf32>
    %add3A_967 = arith.addf %mul3A_964, %add3A_966 : vector<16xf32>
    %mul3A_968 = arith.mulf %add3A_967, %mul3A_961 : vector<16xf32>
    %add3A_969 = arith.constant -0.00138888892 : f32
    %add3A_970 = vector.broadcast %add3A_969 : f32 to vector<16xf32>
    %add3A_971 = arith.addf %mul3A_968, %add3A_970 : vector<16xf32>
    %mul3A_972 = arith.mulf %add3A_971, %mul3A_961 : vector<16xf32>
    %add3A_973 = arith.constant 0.0416666679 : f32
    %add3A_974 = vector.broadcast %add3A_973 : f32 to vector<16xf32>
    %add3A_975 = arith.addf %mul3A_972, %add3A_974 : vector<16xf32>
    %mul3A_976 = arith.mulf %add3A_975, %mul3A_961 : vector<16xf32>
    %add3A_977 = arith.constant -5.000000e-01 : f32
    %add3A_978 = vector.broadcast %add3A_977 : f32 to vector<16xf32>
    %add3A_979 = arith.addf %mul3A_976, %add3A_978 : vector<16xf32>
    %mul3A_980 = arith.mulf %add3A_979, %mul3A_961 : vector<16xf32>
    %add3A_981 = arith.constant 1.000000e+00 : f32
    %add3A_982 = vector.broadcast %add3A_981 : f32 to vector<16xf32>
    %add3A_983 = arith.addf %mul3A_980, %add3A_982 : vector<16xf32>
    %mul3A_984 = arith.constant 2.75573188E-6 : f32
    %mul3A_985 = vector.broadcast %mul3A_984 : f32 to vector<16xf32>
    %mul3A_986 = arith.mulf %mul3A_985, %mul3A_961 : vector<16xf32>
    %add3A_987 = arith.constant -1.98412701E-4 : f32
    %add3A_988 = vector.broadcast %add3A_987 : f32 to vector<16xf32>
    %add3A_989 = arith.addf %mul3A_986, %add3A_988 : vector<16xf32>
    %mul3A_990 = arith.mulf %add3A_989, %mul3A_961 : vector<16xf32>
    %add3A_991 = arith.constant 0.00833333377 : f32
    %add3A_992 = vector.broadcast %add3A_991 : f32 to vector<16xf32>
    %add3A_993 = arith.addf %mul3A_990, %add3A_992 : vector<16xf32>
    %mul3A_994 = arith.mulf %add3A_993, %mul3A_961 : vector<16xf32>
    %add3A_995 = arith.constant -0.166666672 : f32
    %add3A_996 = vector.broadcast %add3A_995 : f32 to vector<16xf32>
    %add3A_997 = arith.addf %mul3A_994, %add3A_996 : vector<16xf32>
    %mul3A_998 = arith.mulf %add3A_997, %mul3A_961 : vector<16xf32>
    %add3A_999 = arith.constant 1.000000e+00 : f32
    %add3A_1000 = vector.broadcast %add3A_999 : f32 to vector<16xf32>
    %add3A_1001 = arith.addf %mul3A_998, %add3A_1000 : vector<16xf32>
    %mul3A_1002 = arith.mulf %add3A_1001, %sub3A_960 : vector<16xf32>
    %and3A_1003 = arith.constant 1 : i32
    %and3A_1004 = vector.broadcast %and3A_1003 : i32 to vector<16xi32>
    %and3A_1005 = arith.andi %convert_element_type3A_955, %and3A_1004 : vector<16xi32>
    %eq3A_1006 = arith.constant 0 : i32
    %eq3A_1007 = vector.broadcast %eq3A_1006 : i32 to vector<16xi32>
    %eq3A_1008 = arith.cmpi eq, %and3A_1005, %eq3A_1007 : vector<16xi32>
    %jit3A_1009 = arith.constant 1.000000e+00 : f32
    %jit3A_1010 = arith.constant -1.000000e+00 : f32
    %broadcast_in_dim3A_1011 = vector.broadcast %jit3A_1009 : f32 to vector<16xf32>
    %broadcast_in_dim3A_1012 = vector.broadcast %jit3A_1010 : f32 to vector<16xf32>
    %select_n3A_1013 = arith.select %eq3A_1008, %broadcast_in_dim3A_1011, %broadcast_in_dim3A_1012 : vector<16xi1>, vector<16xf32>
    %mul3A_1014 = arith.mulf %select_n3A_1013, %mul3A_1002 : vector<16xf32>
    %mul3A_1015 = arith.mulf %select_n3A_1013, %add3A_983 : vector<16xf32>
    %gather3A_1016 = tpu.vector_load_idx %arg7[%and3A_932, %add3A_938] : memref<8x64xf32, #tpu.memory_space<vmem>>[vector<16xi32>, vector<16xi32>], vector<16xf32>,
    %add3A_1017 = arith.constant 32 : i32
    %add3A_1018 = vector.broadcast %add3A_1017 : i32 to vector<16xi32>
    %add3A_1019 = arith.addi %add3A_938, %add3A_1018 : vector<16xi32>
    %gather3A_1020 = tpu.vector_load_idx %arg7[%and3A_932, %add3A_1019] : memref<8x64xf32, #tpu.memory_space<vmem>>[vector<16xi32>, vector<16xi32>], vector<16xf32>,
    %mul3A_1021 = arith.mulf %gather3A_1016, %mul3A_1015 : vector<16xf32>
    %mul3A_1022 = arith.mulf %gather3A_1020, %mul3A_1014 : vector<16xf32>
    %sub3A_1023 = arith.subf %mul3A_1021, %mul3A_1022 : vector<16xf32>
    %swap3A_1024 = arith.constant 4 : i32
    %swap3A_1025 = arith.index_cast %swap3A_1024 : i32 to index
    %swap3A_1026 = arith.constant 0 : index
    %swap3A_1027 = tpu.vector_load %arg9[%swap3A_1025, %swap3A_1026] {strides = array<i32>} : memref<5x64xf32, #tpu.memory_space<vmem>>, vector<16xf32>,
    tpu.vector_store %arg9[%swap3A_1025, %swap3A_1026], %sub3A_1023 {strides = array<i32>} : memref<5x64xf32, #tpu.memory_space<vmem>>, vector<16xf32>,
    %mul3A_1028 = arith.mulf %gather3A_1016, %mul3A_1014 : vector<16xf32>
    %mul3A_1029 = arith.mulf %gather3A_1020, %mul3A_1015 : vector<16xf32>
    %add3A_1030 = arith.addf %mul3A_1028, %mul3A_1029 : vector<16xf32>
    %swap3A_1031 = arith.constant 4 : i32
    %swap3A_1032 = arith.index_cast %swap3A_1031 : i32 to index
    %swap3A_1033 = arith.constant 32 : index
    %swap3A_1034 = tpu.vector_load %arg9[%swap3A_1032, %swap3A_1033] {strides = array<i32>} : memref<5x64xf32, #tpu.memory_space<vmem>>, vector<16xf32>,
    tpu.vector_store %arg9[%swap3A_1032, %swap3A_1033], %add3A_1030 {strides = array<i32>} : memref<5x64xf32, #tpu.memory_space<vmem>>, vector<16xf32>,
    %add3A_1035 = arith.constant 16 : i32
    %add3A_1036 = vector.broadcast %add3A_1035 : i32 to vector<16xi32>
    %add3A_1037 = arith.addi %iota3A, %add3A_1036 : vector<16xi32>
    %gather3A_1038 = tpu.vector_load_idx %arg8[%and3A_935, %add3A_1037] : memref<8x32xf32, #tpu.memory_space<vmem>>[vector<16xi32>, vector<16xi32>], vector<16xf32>,
    %mul3A_1039 = arith.constant 7.18078327 : f32
    %mul3A_1040 = vector.broadcast %mul3A_1039 : f32 to vector<16xf32>
    %mul3A_1041 = arith.mulf %gather3A_1038, %mul3A_1040 : vector<16xf32>
    %mul3A_1042 = arith.constant 0.318309873 : f32
    %mul3A_1043 = vector.broadcast %mul3A_1042 : f32 to vector<16xf32>
    %mul3A_1044 = arith.mulf %mul3A_1041, %mul3A_1043 : vector<16xf32>
    %ge3A_1045 = arith.constant 0.000000e+00 : f32
    %ge3A_1046 = vector.broadcast %ge3A_1045 : f32 to vector<16xf32>
    %ge3A_1047 = arith.cmpf oge, %mul3A_1044, %ge3A_1046 : vector<16xf32>
    %jit3A_1048 = arith.constant 5.000000e-01 : f32
    %jit3A_1049 = arith.constant -5.000000e-01 : f32
    %broadcast_in_dim3A_1050 = vector.broadcast %jit3A_1048 : f32 to vector<16xf32>
    %broadcast_in_dim3A_1051 = vector.broadcast %jit3A_1049 : f32 to vector<16xf32>
    %select_n3A_1052 = arith.select %ge3A_1047, %broadcast_in_dim3A_1050, %broadcast_in_dim3A_1051 : vector<16xi1>, vector<16xf32>
    %add3A_1053 = arith.addf %mul3A_1044, %select_n3A_1052 : vector<16xf32>
    %convert_element_type3A_1054 = arith.fptosi %add3A_1053 : vector<16xf32> to vector<16xi32>
    %convert_element_type3A_1055 = arith.sitofp %convert_element_type3A_1054 : vector<16xi32> to vector<16xf32>
    %mul3A_1056 = arith.constant 3.14159274 : f32
    %mul3A_1057 = vector.broadcast %mul3A_1056 : f32 to vector<16xf32>
    %mul3A_1058 = arith.mulf %convert_element_type3A_1055, %mul3A_1057 : vector<16xf32>
    %sub3A_1059 = arith.subf %mul3A_1041, %mul3A_1058 : vector<16xf32>
    %mul3A_1060 = arith.mulf %sub3A_1059, %sub3A_1059 : vector<16xf32>
    %mul3A_1061 = arith.constant -2.755732E-7 : f32
    %mul3A_1062 = vector.broadcast %mul3A_1061 : f32 to vector<16xf32>
    %mul3A_1063 = arith.mulf %mul3A_1062, %mul3A_1060 : vector<16xf32>
    %add3A_1064 = arith.constant 2.48015876E-5 : f32
    %add3A_1065 = vector.broadcast %add3A_1064 : f32 to vector<16xf32>
    %add3A_1066 = arith.addf %mul3A_1063, %add3A_1065 : vector<16xf32>
    %mul3A_1067 = arith.mulf %add3A_1066, %mul3A_1060 : vector<16xf32>
    %add3A_1068 = arith.constant -0.00138888892 : f32
    %add3A_1069 = vector.broadcast %add3A_1068 : f32 to vector<16xf32>
    %add3A_1070 = arith.addf %mul3A_1067, %add3A_1069 : vector<16xf32>
    %mul3A_1071 = arith.mulf %add3A_1070, %mul3A_1060 : vector<16xf32>
    %add3A_1072 = arith.constant 0.0416666679 : f32
    %add3A_1073 = vector.broadcast %add3A_1072 : f32 to vector<16xf32>
    %add3A_1074 = arith.addf %mul3A_1071, %add3A_1073 : vector<16xf32>
    %mul3A_1075 = arith.mulf %add3A_1074, %mul3A_1060 : vector<16xf32>
    %add3A_1076 = arith.constant -5.000000e-01 : f32
    %add3A_1077 = vector.broadcast %add3A_1076 : f32 to vector<16xf32>
    %add3A_1078 = arith.addf %mul3A_1075, %add3A_1077 : vector<16xf32>
    %mul3A_1079 = arith.mulf %add3A_1078, %mul3A_1060 : vector<16xf32>
    %add3A_1080 = arith.constant 1.000000e+00 : f32
    %add3A_1081 = vector.broadcast %add3A_1080 : f32 to vector<16xf32>
    %add3A_1082 = arith.addf %mul3A_1079, %add3A_1081 : vector<16xf32>
    %mul3A_1083 = arith.constant 2.75573188E-6 : f32
    %mul3A_1084 = vector.broadcast %mul3A_1083 : f32 to vector<16xf32>
    %mul3A_1085 = arith.mulf %mul3A_1084, %mul3A_1060 : vector<16xf32>
    %add3A_1086 = arith.constant -1.98412701E-4 : f32
    %add3A_1087 = vector.broadcast %add3A_1086 : f32 to vector<16xf32>
    %add3A_1088 = arith.addf %mul3A_1085, %add3A_1087 : vector<16xf32>
    %mul3A_1089 = arith.mulf %add3A_1088, %mul3A_1060 : vector<16xf32>
    %add3A_1090 = arith.constant 0.00833333377 : f32
    %add3A_1091 = vector.broadcast %add3A_1090 : f32 to vector<16xf32>
    %add3A_1092 = arith.addf %mul3A_1089, %add3A_1091 : vector<16xf32>
    %mul3A_1093 = arith.mulf %add3A_1092, %mul3A_1060 : vector<16xf32>
    %add3A_1094 = arith.constant -0.166666672 : f32
    %add3A_1095 = vector.broadcast %add3A_1094 : f32 to vector<16xf32>
    %add3A_1096 = arith.addf %mul3A_1093, %add3A_1095 : vector<16xf32>
    %mul3A_1097 = arith.mulf %add3A_1096, %mul3A_1060 : vector<16xf32>
    %add3A_1098 = arith.constant 1.000000e+00 : f32
    %add3A_1099 = vector.broadcast %add3A_1098 : f32 to vector<16xf32>
    %add3A_1100 = arith.addf %mul3A_1097, %add3A_1099 : vector<16xf32>
    %mul3A_1101 = arith.mulf %add3A_1100, %sub3A_1059 : vector<16xf32>
    %and3A_1102 = arith.constant 1 : i32
    %and3A_1103 = vector.broadcast %and3A_1102 : i32 to vector<16xi32>
    %and3A_1104 = arith.andi %convert_element_type3A_1054, %and3A_1103 : vector<16xi32>
    %eq3A_1105 = arith.constant 0 : i32
    %eq3A_1106 = vector.broadcast %eq3A_1105 : i32 to vector<16xi32>
    %eq3A_1107 = arith.cmpi eq, %and3A_1104, %eq3A_1106 : vector<16xi32>
    %jit3A_1108 = arith.constant 1.000000e+00 : f32
    %jit3A_1109 = arith.constant -1.000000e+00 : f32
    %broadcast_in_dim3A_1110 = vector.broadcast %jit3A_1108 : f32 to vector<16xf32>
    %broadcast_in_dim3A_1111 = vector.broadcast %jit3A_1109 : f32 to vector<16xf32>
    %select_n3A_1112 = arith.select %eq3A_1107, %broadcast_in_dim3A_1110, %broadcast_in_dim3A_1111 : vector<16xi1>, vector<16xf32>
    %mul3A_1113 = arith.mulf %select_n3A_1112, %mul3A_1101 : vector<16xf32>
    %mul3A_1114 = arith.mulf %select_n3A_1112, %add3A_1082 : vector<16xf32>
    %gather3A_1115 = tpu.vector_load_idx %arg7[%and3A_932, %add3A_1037] : memref<8x64xf32, #tpu.memory_space<vmem>>[vector<16xi32>, vector<16xi32>], vector<16xf32>,
    %add3A_1116 = arith.constant 32 : i32
    %add3A_1117 = vector.broadcast %add3A_1116 : i32 to vector<16xi32>
    %add3A_1118 = arith.addi %add3A_1037, %add3A_1117 : vector<16xi32>
    %gather3A_1119 = tpu.vector_load_idx %arg7[%and3A_932, %add3A_1118] : memref<8x64xf32, #tpu.memory_space<vmem>>[vector<16xi32>, vector<16xi32>], vector<16xf32>,
    %mul3A_1120 = arith.mulf %gather3A_1115, %mul3A_1114 : vector<16xf32>
    %mul3A_1121 = arith.mulf %gather3A_1119, %mul3A_1113 : vector<16xf32>
    %sub3A_1122 = arith.subf %mul3A_1120, %mul3A_1121 : vector<16xf32>
    %swap3A_1123 = arith.constant 4 : i32
    %swap3A_1124 = arith.index_cast %swap3A_1123 : i32 to index
    %swap3A_1125 = arith.constant 16 : index
    %swap3A_1126 = tpu.vector_load %arg9[%swap3A_1124, %swap3A_1125] {strides = array<i32>} : memref<5x64xf32, #tpu.memory_space<vmem>>, vector<16xf32>,
    tpu.vector_store %arg9[%swap3A_1124, %swap3A_1125], %sub3A_1122 {strides = array<i32>} : memref<5x64xf32, #tpu.memory_space<vmem>>, vector<16xf32>,
    %mul3A_1127 = arith.mulf %gather3A_1115, %mul3A_1113 : vector<16xf32>
    %mul3A_1128 = arith.mulf %gather3A_1119, %mul3A_1114 : vector<16xf32>
    %add3A_1129 = arith.addf %mul3A_1127, %mul3A_1128 : vector<16xf32>
    %swap3A_1130 = arith.constant 4 : i32
    %swap3A_1131 = arith.index_cast %swap3A_1130 : i32 to index
    %swap3A_1132 = arith.constant 48 : index
    %swap3A_1133 = tpu.vector_load %arg9[%swap3A_1131, %swap3A_1132] {strides = array<i32>} : memref<5x64xf32, #tpu.memory_space<vmem>>, vector<16xf32>,
    tpu.vector_store %arg9[%swap3A_1131, %swap3A_1132], %add3A_1129 {strides = array<i32>} : memref<5x64xf32, #tpu.memory_space<vmem>>, vector<16xf32>,
    %scan3A = arith.constant 0 : i32
    %scan3A_1134 = arith.constant 0 : i32
    %scan3A_1135 = arith.constant 32 : i32
    %scan3A_1136 = arith.addi %scan3A_1134, %scan3A_1135 : i32
    %scan3A_1137 = arith.constant 1 : i32
    %scan3A_1138 = scf.for %scan3A_1427 = %scan3A_1134 to %scan3A_1136 step %scan3A_1137 iter_args(%scan3A_1428 = %scan3A) -> (i32)  : i32 {
      %broadcast_in_dim3A_1429 = vector.broadcast %scan3A_1427 : i32 to vector<16xi32>
      %broadcast_in_dim3A_1430 = arith.constant 1 : i32
      %broadcast_in_dim3A_1431 = vector.broadcast %broadcast_in_dim3A_1430 : i32 to vector<16xi32>
      %gather3A_1432 = tpu.vector_load_idx %arg9[%broadcast_in_dim3A_1431, %broadcast_in_dim3A_1429] : memref<5x64xf32, #tpu.memory_space<vmem>>[vector<16xi32>, vector<16xi32>], vector<16xf32>,
      %swap3A_1433 = arith.constant 0 : i32
      %swap3A_1434 = arith.index_cast %swap3A_1433 : i32 to index
      %swap3A_1435 = arith.index_cast %scan3A_1427 : i32 to index
      %swap3A_1436 = arith.constant 0 : index
      %swap3A_1437 = tpu.vector_load %arg10[%swap3A_1434, %swap3A_1435, %swap3A_1436] {strides = array<i32>} : memref<8x32x16xf32, #tpu.memory_space<vmem>>, vector<16xf32>,
      tpu.vector_store %arg10[%swap3A_1434, %swap3A_1435, %swap3A_1436], %gather3A_1432 {strides = array<i32>} : memref<8x32x16xf32, #tpu.memory_space<vmem>>, vector<16xf32>,
      %add3A_1438 = arith.constant 32 : i32
      %add3A_1439 = vector.broadcast %add3A_1438 : i32 to vector<16xi32>
      %add3A_1440 = arith.addi %broadcast_in_dim3A_1429, %add3A_1439 : vector<16xi32>
      %gather3A_1441 = tpu.vector_load_idx %arg9[%broadcast_in_dim3A_1431, %add3A_1440] : memref<5x64xf32, #tpu.memory_space<vmem>>[vector<16xi32>, vector<16xi32>], vector<16xf32>,
      %swap3A_1442 = arith.constant 1 : i32
      %swap3A_1443 = arith.index_cast %swap3A_1442 : i32 to index
      %swap3A_1444 = arith.index_cast %scan3A_1427 : i32 to index
      %swap3A_1445 = arith.constant 0 : index
      %swap3A_1446 = tpu.vector_load %arg10[%swap3A_1443, %swap3A_1444, %swap3A_1445] {strides = array<i32>} : memref<8x32x16xf32, #tpu.memory_space<vmem>>, vector<16xf32>,
      tpu.vector_store %arg10[%swap3A_1443, %swap3A_1444, %swap3A_1445], %gather3A_1441 {strides = array<i32>} : memref<8x32x16xf32, #tpu.memory_space<vmem>>, vector<16xf32>,
      %broadcast_in_dim3A_1447 = arith.constant 2 : i32
      %broadcast_in_dim3A_1448 = vector.broadcast %broadcast_in_dim3A_1447 : i32 to vector<16xi32>
      %gather3A_1449 = tpu.vector_load_idx %arg9[%broadcast_in_dim3A_1448, %broadcast_in_dim3A_1429] : memref<5x64xf32, #tpu.memory_space<vmem>>[vector<16xi32>, vector<16xi32>], vector<16xf32>,
      %swap3A_1450 = arith.constant 2 : i32
      %swap3A_1451 = arith.index_cast %swap3A_1450 : i32 to index
      %swap3A_1452 = arith.index_cast %scan3A_1427 : i32 to index
      %swap3A_1453 = arith.constant 0 : index
      %swap3A_1454 = tpu.vector_load %arg10[%swap3A_1451, %swap3A_1452, %swap3A_1453] {strides = array<i32>} : memref<8x32x16xf32, #tpu.memory_space<vmem>>, vector<16xf32>,
      tpu.vector_store %arg10[%swap3A_1451, %swap3A_1452, %swap3A_1453], %gather3A_1449 {strides = array<i32>} : memref<8x32x16xf32, #tpu.memory_space<vmem>>, vector<16xf32>,
      %add3A_1455 = arith.constant 32 : i32
      %add3A_1456 = vector.broadcast %add3A_1455 : i32 to vector<16xi32>
      %add3A_1457 = arith.addi %broadcast_in_dim3A_1429, %add3A_1456 : vector<16xi32>
      %gather3A_1458 = tpu.vector_load_idx %arg9[%broadcast_in_dim3A_1448, %add3A_1457] : memref<5x64xf32, #tpu.memory_space<vmem>>[vector<16xi32>, vector<16xi32>], vector<16xf32>,
      %swap3A_1459 = arith.constant 3 : i32
      %swap3A_1460 = arith.index_cast %swap3A_1459 : i32 to index
      %swap3A_1461 = arith.index_cast %scan3A_1427 : i32 to index
      %swap3A_1462 = arith.constant 0 : index
      %swap3A_1463 = tpu.vector_load %arg10[%swap3A_1460, %swap3A_1461, %swap3A_1462] {strides = array<i32>} : memref<8x32x16xf32, #tpu.memory_space<vmem>>, vector<16xf32>,
      tpu.vector_store %arg10[%swap3A_1460, %swap3A_1461, %swap3A_1462], %gather3A_1458 {strides = array<i32>} : memref<8x32x16xf32, #tpu.memory_space<vmem>>, vector<16xf32>,
      %broadcast_in_dim3A_1464 = arith.constant 3 : i32
      %broadcast_in_dim3A_1465 = vector.broadcast %broadcast_in_dim3A_1464 : i32 to vector<16xi32>
      %gather3A_1466 = tpu.vector_load_idx %arg9[%broadcast_in_dim3A_1465, %broadcast_in_dim3A_1429] : memref<5x64xf32, #tpu.memory_space<vmem>>[vector<16xi32>, vector<16xi32>], vector<16xf32>,
      %swap3A_1467 = arith.constant 4 : i32
      %swap3A_1468 = arith.index_cast %swap3A_1467 : i32 to index
      %swap3A_1469 = arith.index_cast %scan3A_1427 : i32 to index
      %swap3A_1470 = arith.constant 0 : index
      %swap3A_1471 = tpu.vector_load %arg10[%swap3A_1468, %swap3A_1469, %swap3A_1470] {strides = array<i32>} : memref<8x32x16xf32, #tpu.memory_space<vmem>>, vector<16xf32>,
      tpu.vector_store %arg10[%swap3A_1468, %swap3A_1469, %swap3A_1470], %gather3A_1466 {strides = array<i32>} : memref<8x32x16xf32, #tpu.memory_space<vmem>>, vector<16xf32>,
      %add3A_1472 = arith.constant 32 : i32
      %add3A_1473 = vector.broadcast %add3A_1472 : i32 to vector<16xi32>
      %add3A_1474 = arith.addi %broadcast_in_dim3A_1429, %add3A_1473 : vector<16xi32>
      %gather3A_1475 = tpu.vector_load_idx %arg9[%broadcast_in_dim3A_1465, %add3A_1474] : memref<5x64xf32, #tpu.memory_space<vmem>>[vector<16xi32>, vector<16xi32>], vector<16xf32>,
      %swap3A_1476 = arith.constant 5 : i32
      %swap3A_1477 = arith.index_cast %swap3A_1476 : i32 to index
      %swap3A_1478 = arith.index_cast %scan3A_1427 : i32 to index
      %swap3A_1479 = arith.constant 0 : index
      %swap3A_1480 = tpu.vector_load %arg10[%swap3A_1477, %swap3A_1478, %swap3A_1479] {strides = array<i32>} : memref<8x32x16xf32, #tpu.memory_space<vmem>>, vector<16xf32>,
      tpu.vector_store %arg10[%swap3A_1477, %swap3A_1478, %swap3A_1479], %gather3A_1475 {strides = array<i32>} : memref<8x32x16xf32, #tpu.memory_space<vmem>>, vector<16xf32>,
      %broadcast_in_dim3A_1481 = arith.constant 4 : i32
      %broadcast_in_dim3A_1482 = vector.broadcast %broadcast_in_dim3A_1481 : i32 to vector<16xi32>
      %gather3A_1483 = tpu.vector_load_idx %arg9[%broadcast_in_dim3A_1482, %broadcast_in_dim3A_1429] : memref<5x64xf32, #tpu.memory_space<vmem>>[vector<16xi32>, vector<16xi32>], vector<16xf32>,
      %swap3A_1484 = arith.constant 6 : i32
      %swap3A_1485 = arith.index_cast %swap3A_1484 : i32 to index
      %swap3A_1486 = arith.index_cast %scan3A_1427 : i32 to index
      %swap3A_1487 = arith.constant 0 : index
      %swap3A_1488 = tpu.vector_load %arg10[%swap3A_1485, %swap3A_1486, %swap3A_1487] {strides = array<i32>} : memref<8x32x16xf32, #tpu.memory_space<vmem>>, vector<16xf32>,
      tpu.vector_store %arg10[%swap3A_1485, %swap3A_1486, %swap3A_1487], %gather3A_1483 {strides = array<i32>} : memref<8x32x16xf32, #tpu.memory_space<vmem>>, vector<16xf32>,
      %add3A_1489 = arith.constant 32 : i32
      %add3A_1490 = vector.broadcast %add3A_1489 : i32 to vector<16xi32>
      %add3A_1491 = arith.addi %broadcast_in_dim3A_1429, %add3A_1490 : vector<16xi32>
      %gather3A_1492 = tpu.vector_load_idx %arg9[%broadcast_in_dim3A_1482, %add3A_1491] : memref<5x64xf32, #tpu.memory_space<vmem>>[vector<16xi32>, vector<16xi32>], vector<16xf32>,
      %swap3A_1493 = arith.constant 7 : i32
      %swap3A_1494 = arith.index_cast %swap3A_1493 : i32 to index
      %swap3A_1495 = arith.index_cast %scan3A_1427 : i32 to index
      %swap3A_1496 = arith.constant 0 : index
      %swap3A_1497 = tpu.vector_load %arg10[%swap3A_1494, %swap3A_1495, %swap3A_1496] {strides = array<i32>} : memref<8x32x16xf32, #tpu.memory_space<vmem>>, vector<16xf32>,
      tpu.vector_store %arg10[%swap3A_1494, %swap3A_1495, %swap3A_1496], %gather3A_1492 {strides = array<i32>} : memref<8x32x16xf32, #tpu.memory_space<vmem>>, vector<16xf32>,
      %scan3A_1498 = arith.constant 0 : i32
      scf.yield %scan3A_1498 : i32
    }
    %scan3A_1139 = arith.constant 32 : i32
    %dma_wait3A = arith.constant 0 : i32
    %dma_wait3A_1140 = arith.constant 0 : i32
    %dma_wait3A_1141 = tpu.memref_slice %arg3[%dma_wait3A, %dma_wait3A_1140] : memref<100000x64xf32, #tpu.memory_space<hbm>> -> memref<320x64xf32, #tpu.memory_space<hbm>>
    %dma_wait3A_1142 = arith.constant 0 : i32
    %dma_wait3A_1143 = arith.constant 0 : i32
    %dma_wait3A_1144 = tpu.memref_slice %arg3[%dma_wait3A_1142, %dma_wait3A_1143] : memref<100000x64xf32, #tpu.memory_space<hbm>> -> memref<320x64xf32, #tpu.memory_space<hbm>>
    tpu.wait_dma2 semaphore(%arg15 : memref<!tpu.dma_semaphore, #tpu.memory_space<semaphore_mem>>) src(%dma_wait3A_1144 : memref<320x64xf32, #tpu.memory_space<hbm>>) dst(%arg13 : memref<320x64xf32, #tpu.memory_space<vmem>>)
    %parallel_loop3A = arith.constant 0 : i32
    %parallel_loop3A_1145 = arith.constant 320 : i32
    %parallel_loop3A_1146 = arith.constant 1 : i32
    scf.for %parallel_loop3A_1427 = %parallel_loop3A to %parallel_loop3A_1145 step %parallel_loop3A_1146  : i32 {
      %parallel_loop3A_1428 = arith.constant 0 : i32
      %parallel_loop3A_1429 = arith.addi %parallel_loop3A_1427, %parallel_loop3A_1428 : i32
      %parallel_loop3A_1430 = arith.constant 65 : i32
      %parallel_loop3A_1431 = arith.muli %parallel_loop3A_1429, %parallel_loop3A_1430 : i32
      %parallel_loop3A_1432 = arith.index_cast %parallel_loop3A_1427 : i32 to index
      %parallel_loop3A_1433 = arith.constant 0 : index
      %parallel_loop3A_1434 = tpu.vector_load %arg13[%parallel_loop3A_1432, %parallel_loop3A_1433] {strides = array<i32>} : memref<320x64xf32, #tpu.memory_space<vmem>>, vector<16xf32>,
      %parallel_loop3A_1435 = arith.constant 0 : i32
      %parallel_loop3A_1436 = arith.addi %parallel_loop3A_1431, %parallel_loop3A_1435 : i32
      %parallel_loop3A_1437 = arith.index_cast %parallel_loop3A_1436 : i32 to index
      %parallel_loop3A_1438 = tpu.vector_load %arg14[%parallel_loop3A_1437] {strides = array<i32>} : memref<41600xf32, #tpu.memory_space<vmem>>, vector<16xf32>,
      tpu.vector_store %arg14[%parallel_loop3A_1437], %parallel_loop3A_1434 {strides = array<i32>} : memref<41600xf32, #tpu.memory_space<vmem>>, vector<16xf32>,
      %parallel_loop3A_1439 = arith.index_cast %parallel_loop3A_1427 : i32 to index
      %parallel_loop3A_1440 = arith.constant 16 : index
      %parallel_loop3A_1441 = tpu.vector_load %arg13[%parallel_loop3A_1439, %parallel_loop3A_1440] {strides = array<i32>} : memref<320x64xf32, #tpu.memory_space<vmem>>, vector<16xf32>,
      %parallel_loop3A_1442 = arith.constant 16 : i32
      %parallel_loop3A_1443 = arith.addi %parallel_loop3A_1431, %parallel_loop3A_1442 : i32
      %parallel_loop3A_1444 = arith.index_cast %parallel_loop3A_1443 : i32 to index
      %parallel_loop3A_1445 = tpu.vector_load %arg14[%parallel_loop3A_1444] {strides = array<i32>} : memref<41600xf32, #tpu.memory_space<vmem>>, vector<16xf32>,
      tpu.vector_store %arg14[%parallel_loop3A_1444], %parallel_loop3A_1441 {strides = array<i32>} : memref<41600xf32, #tpu.memory_space<vmem>>, vector<16xf32>,
      %parallel_loop3A_1446 = arith.index_cast %parallel_loop3A_1427 : i32 to index
      %parallel_loop3A_1447 = arith.constant 32 : index
      %parallel_loop3A_1448 = tpu.vector_load %arg13[%parallel_loop3A_1446, %parallel_loop3A_1447] {strides = array<i32>} : memref<320x64xf32, #tpu.memory_space<vmem>>, vector<16xf32>,
      %parallel_loop3A_1449 = arith.constant 32 : i32
      %parallel_loop3A_1450 = arith.addi %parallel_loop3A_1431, %parallel_loop3A_1449 : i32
      %parallel_loop3A_1451 = arith.index_cast %parallel_loop3A_1450 : i32 to index
      %parallel_loop3A_1452 = tpu.vector_load %arg14[%parallel_loop3A_1451] {strides = array<i32>} : memref<41600xf32, #tpu.memory_space<vmem>>, vector<16xf32>,
      tpu.vector_store %arg14[%parallel_loop3A_1451], %parallel_loop3A_1448 {strides = array<i32>} : memref<41600xf32, #tpu.memory_space<vmem>>, vector<16xf32>,
      %parallel_loop3A_1453 = arith.index_cast %parallel_loop3A_1427 : i32 to index
      %parallel_loop3A_1454 = arith.constant 48 : index
      %parallel_loop3A_1455 = tpu.vector_load %arg13[%parallel_loop3A_1453, %parallel_loop3A_1454] {strides = array<i32>} : memref<320x64xf32, #tpu.memory_space<vmem>>, vector<16xf32>,
      %parallel_loop3A_1456 = arith.constant 48 : i32
      %parallel_loop3A_1457 = arith.addi %parallel_loop3A_1431, %parallel_loop3A_1456 : i32
      %parallel_loop3A_1458 = arith.index_cast %parallel_loop3A_1457 : i32 to index
      %parallel_loop3A_1459 = tpu.vector_load %arg14[%parallel_loop3A_1458] {strides = array<i32>} : memref<41600xf32, #tpu.memory_space<vmem>>, vector<16xf32>,
      tpu.vector_store %arg14[%parallel_loop3A_1458], %parallel_loop3A_1455 {strides = array<i32>} : memref<41600xf32, #tpu.memory_space<vmem>>, vector<16xf32>,
    } {sc.loop_unroll_factor = 2 : i64, sc.parallel_access}
    %add3A_1147 = arith.constant 0 : i32
    %add3A_1148 = arith.addi %mul3A_2, %add3A_1147 : i32
    %min3A_1149 = arith.constant 99360 : i32
    %min3A_1150 = arith.minsi %add3A_1148, %min3A_1149 : i32
    %add3A_1151 = arith.constant 320 : i32
    %add3A_1152 = arith.addi %min3A_1150, %add3A_1151 : i32
    %multiple_of3A_1153 = tpu.assume_multiple %add3A_1152, 8 : i32
    %dma_start3A_1154 = arith.constant 0 : i32
    %dma_start3A_1155 = tpu.memref_slice %arg3[%multiple_of3A_1153, %dma_start3A_1154] : memref<100000x64xf32, #tpu.memory_space<hbm>> -> memref<320x64xf32, #tpu.memory_space<hbm>>
    %dma_start3A_1156 = arith.constant 0 : i32
    %dma_start3A_1157 = tpu.memref_slice %arg3[%multiple_of3A_1153, %dma_start3A_1156] : memref<100000x64xf32, #tpu.memory_space<hbm>> -> memref<320x64xf32, #tpu.memory_space<hbm>>
    tpu.enqueue_dma source(%dma_start3A_1157 : memref<320x64xf32, #tpu.memory_space<hbm>>) target(%arg13 : memref<320x64xf32, #tpu.memory_space<vmem>>) target_semaphore(%arg15 : memref<!tpu.dma_semaphore, #tpu.memory_space<semaphore_mem>>)
    %dma_wait3A_1158 = arith.constant 0 : i32
    %dma_wait3A_1159 = arith.constant 0 : i32
    %dma_wait3A_1160 = tpu.memref_slice %arg3[%dma_wait3A_1158, %dma_wait3A_1159] : memref<100000x64xf32, #tpu.memory_space<hbm>> -> memref<320x64xf32, #tpu.memory_space<hbm>>
    %dma_wait3A_1161 = arith.constant 0 : i32
    %dma_wait3A_1162 = arith.constant 0 : i32
    %dma_wait3A_1163 = tpu.memref_slice %arg3[%dma_wait3A_1161, %dma_wait3A_1162] : memref<100000x64xf32, #tpu.memory_space<hbm>> -> memref<320x64xf32, #tpu.memory_space<hbm>>
    tpu.wait_dma2 semaphore(%arg15 : memref<!tpu.dma_semaphore, #tpu.memory_space<semaphore_mem>>) src(%dma_wait3A_1163 : memref<320x64xf32, #tpu.memory_space<hbm>>) dst(%arg13 : memref<320x64xf32, #tpu.memory_space<vmem>>)
    %parallel_loop3A_1164 = arith.constant 0 : i32
    %parallel_loop3A_1165 = arith.constant 320 : i32
    %parallel_loop3A_1166 = arith.constant 1 : i32
    scf.for %parallel_loop3A_1427 = %parallel_loop3A_1164 to %parallel_loop3A_1165 step %parallel_loop3A_1166  : i32 {
      %parallel_loop3A_1428 = arith.constant 320 : i32
      %parallel_loop3A_1429 = arith.addi %parallel_loop3A_1427, %parallel_loop3A_1428 : i32
      %parallel_loop3A_1430 = arith.constant 65 : i32
      %parallel_loop3A_1431 = arith.muli %parallel_loop3A_1429, %parallel_loop3A_1430 : i32
      %parallel_loop3A_1432 = arith.index_cast %parallel_loop3A_1427 : i32 to index
      %parallel_loop3A_1433 = arith.constant 0 : index
      %parallel_loop3A_1434 = tpu.vector_load %arg13[%parallel_loop3A_1432, %parallel_loop3A_1433] {strides = array<i32>} : memref<320x64xf32, #tpu.memory_space<vmem>>, vector<16xf32>,
      %parallel_loop3A_1435 = arith.constant 0 : i32
      %parallel_loop3A_1436 = arith.addi %parallel_loop3A_1431, %parallel_loop3A_1435 : i32
      %parallel_loop3A_1437 = arith.index_cast %parallel_loop3A_1436 : i32 to index
      %parallel_loop3A_1438 = tpu.vector_load %arg14[%parallel_loop3A_1437] {strides = array<i32>} : memref<41600xf32, #tpu.memory_space<vmem>>, vector<16xf32>,
      tpu.vector_store %arg14[%parallel_loop3A_1437], %parallel_loop3A_1434 {strides = array<i32>} : memref<41600xf32, #tpu.memory_space<vmem>>, vector<16xf32>,
      %parallel_loop3A_1439 = arith.index_cast %parallel_loop3A_1427 : i32 to index
      %parallel_loop3A_1440 = arith.constant 16 : index
      %parallel_loop3A_1441 = tpu.vector_load %arg13[%parallel_loop3A_1439, %parallel_loop3A_1440] {strides = array<i32>} : memref<320x64xf32, #tpu.memory_space<vmem>>, vector<16xf32>,
      %parallel_loop3A_1442 = arith.constant 16 : i32
      %parallel_loop3A_1443 = arith.addi %parallel_loop3A_1431, %parallel_loop3A_1442 : i32
      %parallel_loop3A_1444 = arith.index_cast %parallel_loop3A_1443 : i32 to index
      %parallel_loop3A_1445 = tpu.vector_load %arg14[%parallel_loop3A_1444] {strides = array<i32>} : memref<41600xf32, #tpu.memory_space<vmem>>, vector<16xf32>,
      tpu.vector_store %arg14[%parallel_loop3A_1444], %parallel_loop3A_1441 {strides = array<i32>} : memref<41600xf32, #tpu.memory_space<vmem>>, vector<16xf32>,
      %parallel_loop3A_1446 = arith.index_cast %parallel_loop3A_1427 : i32 to index
      %parallel_loop3A_1447 = arith.constant 32 : index
      %parallel_loop3A_1448 = tpu.vector_load %arg13[%parallel_loop3A_1446, %parallel_loop3A_1447] {strides = array<i32>} : memref<320x64xf32, #tpu.memory_space<vmem>>, vector<16xf32>,
      %parallel_loop3A_1449 = arith.constant 32 : i32
      %parallel_loop3A_1450 = arith.addi %parallel_loop3A_1431, %parallel_loop3A_1449 : i32
      %parallel_loop3A_1451 = arith.index_cast %parallel_loop3A_1450 : i32 to index
      %parallel_loop3A_1452 = tpu.vector_load %arg14[%parallel_loop3A_1451] {strides = array<i32>} : memref<41600xf32, #tpu.memory_space<vmem>>, vector<16xf32>,
      tpu.vector_store %arg14[%parallel_loop3A_1451], %parallel_loop3A_1448 {strides = array<i32>} : memref<41600xf32, #tpu.memory_space<vmem>>, vector<16xf32>,
      %parallel_loop3A_1453 = arith.index_cast %parallel_loop3A_1427 : i32 to index
      %parallel_loop3A_1454 = arith.constant 48 : index
      %parallel_loop3A_1455 = tpu.vector_load %arg13[%parallel_loop3A_1453, %parallel_loop3A_1454] {strides = array<i32>} : memref<320x64xf32, #tpu.memory_space<vmem>>, vector<16xf32>,
      %parallel_loop3A_1456 = arith.constant 48 : i32
      %parallel_loop3A_1457 = arith.addi %parallel_loop3A_1431, %parallel_loop3A_1456 : i32
      %parallel_loop3A_1458 = arith.index_cast %parallel_loop3A_1457 : i32 to index
      %parallel_loop3A_1459 = tpu.vector_load %arg14[%parallel_loop3A_1458] {strides = array<i32>} : memref<41600xf32, #tpu.memory_space<vmem>>, vector<16xf32>,
      tpu.vector_store %arg14[%parallel_loop3A_1458], %parallel_loop3A_1455 {strides = array<i32>} : memref<41600xf32, #tpu.memory_space<vmem>>, vector<16xf32>,
    } {sc.loop_unroll_factor = 2 : i64, sc.parallel_access}
    %add3A_1167 = arith.constant 640 : i32
    %add3A_1168 = arith.addi %mul3A_2, %add3A_1167 : i32
    %min3A_1169 = arith.constant 99360 : i32
    %min3A_1170 = arith.minsi %add3A_1168, %min3A_1169 : i32
    %add3A_1171 = arith.constant 0 : i32
    %add3A_1172 = arith.addi %min3A_1170, %add3A_1171 : i32
    %multiple_of3A_1173 = tpu.assume_multiple %add3A_1172, 8 : i32
    %dma_start3A_1174 = arith.constant 0 : i32
    %dma_start3A_1175 = tpu.memref_slice %arg3[%multiple_of3A_1173, %dma_start3A_1174] : memref<100000x64xf32, #tpu.memory_space<hbm>> -> memref<320x64xf32, #tpu.memory_space<hbm>>
    %dma_start3A_1176 = arith.constant 0 : i32
    %dma_start3A_1177 = tpu.memref_slice %arg3[%multiple_of3A_1173, %dma_start3A_1176] : memref<100000x64xf32, #tpu.memory_space<hbm>> -> memref<320x64xf32, #tpu.memory_space<hbm>>
    tpu.enqueue_dma source(%dma_start3A_1177 : memref<320x64xf32, #tpu.memory_space<hbm>>) target(%arg13 : memref<320x64xf32, #tpu.memory_space<vmem>>) target_semaphore(%arg15 : memref<!tpu.dma_semaphore, #tpu.memory_space<semaphore_mem>>)
    %add3A_1178 = arith.constant 0 : i32
    %add3A_1179 = arith.addi %mul3A_2, %add3A_1178 : i32
    %min3A_1180 = arith.constant 99360 : i32
    %min3A_1181 = arith.minsi %add3A_1179, %min3A_1180 : i32
    %sub3A_1182 = arith.subi %add3A_1179, %min3A_1181 : i32
    %scan3A_1183 = arith.constant 0 : i32
    %scan3A_1184 = arith.constant 0 : i32
    %scan3A_1185 = arith.constant 40 : i32
    %scan3A_1186 = arith.addi %scan3A_1184, %scan3A_1185 : i32
    %scan3A_1187 = arith.constant 1 : i32
    %scan3A_1188 = scf.for %scan3A_1427 = %scan3A_1184 to %scan3A_1186 step %scan3A_1187 iter_args(%scan3A_1428 = %scan3A_1183) -> (i32)  : i32 {
      %mul3A_1429 = arith.constant 16 : i32
      %mul3A_1430 = arith.muli %scan3A_1427, %mul3A_1429 : i32
      %add3A_1431 = arith.addi %sub3A_1182, %mul3A_1430 : i32
      %add3A_1432 = vector.broadcast %add3A_1431 : i32 to vector<16xi32>
      %add3A_1433 = arith.addi %add3A_1432, %iota3A : vector<16xi32>
      %min3A_1434 = arith.constant 639 : i32
      %min3A_1435 = vector.broadcast %min3A_1434 : i32 to vector<16xi32>
      %min3A_1436 = arith.minsi %add3A_1433, %min3A_1435 : vector<16xi32>
      %mul3A_1437 = arith.constant 65 : i32
      %mul3A_1438 = vector.broadcast %mul3A_1437 : i32 to vector<16xi32>
      %mul3A_1439 = arith.muli %min3A_1436, %mul3A_1438 : vector<16xi32>
      %swap3A_1440 = arith.index_cast %scan3A_1427 : i32 to index
      %swap3A_1441 = arith.constant 0 : index
      %swap3A_1442 = tpu.vector_load %arg11[%swap3A_1440, %swap3A_1441] {strides = array<i32>} : memref<40x16xi32, #tpu.memory_space<vmem>>, vector<16xi32>,
      tpu.vector_store %arg11[%swap3A_1440, %swap3A_1441], %mul3A_1439 {strides = array<i32>} : memref<40x16xi32, #tpu.memory_space<vmem>>, vector<16xi32>,
      %mul3A_1443 = arith.constant 16 : i32
      %mul3A_1444 = arith.muli %scan3A_1427, %mul3A_1443 : i32
      %swap3A_1445 = arith.constant 0 : i32
      %swap3A_1446 = arith.index_cast %swap3A_1445 : i32 to index
      %swap3A_1447 = arith.index_cast %mul3A_1444 : i32 to index
      %swap3A_1448 = tpu.vector_load %arg12[%swap3A_1446, %swap3A_1447] {strides = array<i32>} : memref<4x640xf32, #tpu.memory_space<vmem>>, vector<16xf32>,
      tpu.vector_store %arg12[%swap3A_1446, %swap3A_1447], %broadcast_in_dim3A_3 {strides = array<i32>} : memref<4x640xf32, #tpu.memory_space<vmem>>, vector<16xf32>,
      %swap3A_1449 = arith.constant 1 : i32
      %swap3A_1450 = arith.index_cast %swap3A_1449 : i32 to index
      %swap3A_1451 = arith.index_cast %mul3A_1444 : i32 to index
      %swap3A_1452 = tpu.vector_load %arg12[%swap3A_1450, %swap3A_1451] {strides = array<i32>} : memref<4x640xf32, #tpu.memory_space<vmem>>, vector<16xf32>,
      tpu.vector_store %arg12[%swap3A_1450, %swap3A_1451], %broadcast_in_dim3A_3 {strides = array<i32>} : memref<4x640xf32, #tpu.memory_space<vmem>>, vector<16xf32>,
      %swap3A_1453 = arith.constant 2 : i32
      %swap3A_1454 = arith.index_cast %swap3A_1453 : i32 to index
      %swap3A_1455 = arith.index_cast %mul3A_1444 : i32 to index
      %swap3A_1456 = tpu.vector_load %arg12[%swap3A_1454, %swap3A_1455] {strides = array<i32>} : memref<4x640xf32, #tpu.memory_space<vmem>>, vector<16xf32>,
      tpu.vector_store %arg12[%swap3A_1454, %swap3A_1455], %broadcast_in_dim3A_3 {strides = array<i32>} : memref<4x640xf32, #tpu.memory_space<vmem>>, vector<16xf32>,
      %swap3A_1457 = arith.constant 3 : i32
      %swap3A_1458 = arith.index_cast %swap3A_1457 : i32 to index
      %swap3A_1459 = arith.index_cast %mul3A_1444 : i32 to index
      %swap3A_1460 = tpu.vector_load %arg12[%swap3A_1458, %swap3A_1459] {strides = array<i32>} : memref<4x640xf32, #tpu.memory_space<vmem>>, vector<16xf32>,
      tpu.vector_store %arg12[%swap3A_1458, %swap3A_1459], %broadcast_in_dim3A_3 {strides = array<i32>} : memref<4x640xf32, #tpu.memory_space<vmem>>, vector<16xf32>,
      %scan3A_1461 = arith.constant 0 : i32
      scf.yield %scan3A_1461 : i32
    }
    %scan3A_1189 = arith.constant 40 : i32
    %scan3A_1190 = arith.constant 0 : i32
    %scan3A_1191 = arith.constant 0 : i32
    %scan3A_1192 = arith.constant 32 : i32
    %scan3A_1193 = arith.addi %scan3A_1191, %scan3A_1192 : i32
    %scan3A_1194 = arith.constant 1 : i32
    %scan3A_1195 = scf.for %scan3A_1427 = %scan3A_1191 to %scan3A_1193 step %scan3A_1194 iter_args(%scan3A_1428 = %scan3A_1190) -> (i32)  : i32 {
      %broadcast_in_dim3A_1429 = vector.broadcast %scan3A_1427 : i32 to vector<16xi32>
      %get3A = arith.constant 0 : i32
      %get3A_1430 = arith.index_cast %get3A : i32 to index
      %get3A_1431 = arith.index_cast %scan3A_1427 : i32 to index
      %get3A_1432 = arith.constant 0 : index
      %get3A_1433 = tpu.vector_load %arg10[%get3A_1430, %get3A_1431, %get3A_1432] {strides = array<i32>} : memref<8x32x16xf32, #tpu.memory_space<vmem>>, vector<16xf32>,
      %get3A_1434 = arith.constant 1 : i32
      %get3A_1435 = arith.index_cast %get3A_1434 : i32 to index
      %get3A_1436 = arith.index_cast %scan3A_1427 : i32 to index
      %get3A_1437 = arith.constant 0 : index
      %get3A_1438 = tpu.vector_load %arg10[%get3A_1435, %get3A_1436, %get3A_1437] {strides = array<i32>} : memref<8x32x16xf32, #tpu.memory_space<vmem>>, vector<16xf32>,
      %get3A_1439 = arith.constant 2 : i32
      %get3A_1440 = arith.index_cast %get3A_1439 : i32 to index
      %get3A_1441 = arith.index_cast %scan3A_1427 : i32 to index
      %get3A_1442 = arith.constant 0 : index
      %get3A_1443 = tpu.vector_load %arg10[%get3A_1440, %get3A_1441, %get3A_1442] {strides = array<i32>} : memref<8x32x16xf32, #tpu.memory_space<vmem>>, vector<16xf32>,
      %get3A_1444 = arith.constant 3 : i32
      %get3A_1445 = arith.index_cast %get3A_1444 : i32 to index
      %get3A_1446 = arith.index_cast %scan3A_1427 : i32 to index
      %get3A_1447 = arith.constant 0 : index
      %get3A_1448 = tpu.vector_load %arg10[%get3A_1445, %get3A_1446, %get3A_1447] {strides = array<i32>} : memref<8x32x16xf32, #tpu.memory_space<vmem>>, vector<16xf32>,
      %get3A_1449 = arith.constant 4 : i32
      %get3A_1450 = arith.index_cast %get3A_1449 : i32 to index
      %get3A_1451 = arith.index_cast %scan3A_1427 : i32 to index
      %get3A_1452 = arith.constant 0 : index
      %get3A_1453 = tpu.vector_load %arg10[%get3A_1450, %get3A_1451, %get3A_1452] {strides = array<i32>} : memref<8x32x16xf32, #tpu.memory_space<vmem>>, vector<16xf32>,
      %get3A_1454 = arith.constant 5 : i32
      %get3A_1455 = arith.index_cast %get3A_1454 : i32 to index
      %get3A_1456 = arith.index_cast %scan3A_1427 : i32 to index
      %get3A_1457 = arith.constant 0 : index
      %get3A_1458 = tpu.vector_load %arg10[%get3A_1455, %get3A_1456, %get3A_1457] {strides = array<i32>} : memref<8x32x16xf32, #tpu.memory_space<vmem>>, vector<16xf32>,
      %get3A_1459 = arith.constant 6 : i32
      %get3A_1460 = arith.index_cast %get3A_1459 : i32 to index
      %get3A_1461 = arith.index_cast %scan3A_1427 : i32 to index
      %get3A_1462 = arith.constant 0 : index
      %get3A_1463 = tpu.vector_load %arg10[%get3A_1460, %get3A_1461, %get3A_1462] {strides = array<i32>} : memref<8x32x16xf32, #tpu.memory_space<vmem>>, vector<16xf32>,
      %get3A_1464 = arith.constant 7 : i32
      %get3A_1465 = arith.index_cast %get3A_1464 : i32 to index
      %get3A_1466 = arith.index_cast %scan3A_1427 : i32 to index
      %get3A_1467 = arith.constant 0 : index
      %get3A_1468 = tpu.vector_load %arg10[%get3A_1465, %get3A_1466, %get3A_1467] {strides = array<i32>} : memref<8x32x16xf32, #tpu.memory_space<vmem>>, vector<16xf32>,
      %parallel_loop3A_1469 = arith.constant 0 : i32
      %parallel_loop3A_1470 = arith.constant 40 : i32
      %parallel_loop3A_1471 = arith.constant 1 : i32
      scf.for %parallel_loop3A_1473 = %parallel_loop3A_1469 to %parallel_loop3A_1470 step %parallel_loop3A_1471  : i32 {
        %parallel_loop3A_1474 = arith.index_cast %parallel_loop3A_1473 : i32 to index
        %parallel_loop3A_1475 = arith.constant 0 : index
        %parallel_loop3A_1476 = tpu.vector_load %arg11[%parallel_loop3A_1474, %parallel_loop3A_1475] {strides = array<i32>} : memref<40x16xi32, #tpu.memory_space<vmem>>, vector<16xi32>,
        %parallel_loop3A_1477 = arith.addi %parallel_loop3A_1476, %broadcast_in_dim3A_1429 : vector<16xi32>
        %parallel_loop3A_1478 = arith.constant 32 : i32
        %parallel_loop3A_1479 = vector.broadcast %parallel_loop3A_1478 : i32 to vector<16xi32>
        %parallel_loop3A_1480 = arith.addi %parallel_loop3A_1477, %parallel_loop3A_1479 : vector<16xi32>
        %parallel_loop3A_1481 = tpu.vector_load_idx %arg14[%parallel_loop3A_1477] : memref<41600xf32, #tpu.memory_space<vmem>>[vector<16xi32>], vector<16xf32>,
        %parallel_loop3A_1482 = tpu.vector_load_idx %arg14[%parallel_loop3A_1480] : memref<41600xf32, #tpu.memory_space<vmem>>[vector<16xi32>], vector<16xf32>,
        %parallel_loop3A_1483 = arith.constant 16 : i32
        %parallel_loop3A_1484 = arith.muli %parallel_loop3A_1473, %parallel_loop3A_1483 : i32
        %parallel_loop3A_1485 = arith.subf %get3A_1433, %parallel_loop3A_1481 : vector<16xf32>
        %parallel_loop3A_1486 = arith.subf %get3A_1438, %parallel_loop3A_1482 : vector<16xf32>
        %parallel_loop3A_1487 = arith.mulf %parallel_loop3A_1485, %parallel_loop3A_1485 : vector<16xf32>
        %parallel_loop3A_1488 = arith.mulf %parallel_loop3A_1486, %parallel_loop3A_1486 : vector<16xf32>
        %parallel_loop3A_1489 = arith.addf %parallel_loop3A_1487, %parallel_loop3A_1488 : vector<16xf32>
        %parallel_loop3A_1490 = vector.bitcast %parallel_loop3A_1489 : vector<16xf32> to vector<16xi32>
        %parallel_loop3A_1491 = arith.constant 1 : i32
        %parallel_loop3A_1492 = vector.broadcast %parallel_loop3A_1491 : i32 to vector<16xi32>
        %parallel_loop3A_1493 = arith.shrsi %parallel_loop3A_1490, %parallel_loop3A_1492 : vector<16xi32>
        %parallel_loop3A_1494 = arith.constant -550020641 : i32
        %parallel_loop3A_1495 = vector.broadcast %parallel_loop3A_1494 : i32 to vector<16xi32>
        %parallel_loop3A_1496 = arith.subi %parallel_loop3A_1495, %parallel_loop3A_1493 : vector<16xi32>
        %parallel_loop3A_1497 = vector.bitcast %parallel_loop3A_1496 : vector<16xi32> to vector<16xf32>
        %parallel_loop3A_1498 = arith.constant 5.000000e-01 : f32
        %parallel_loop3A_1499 = vector.broadcast %parallel_loop3A_1498 : f32 to vector<16xf32>
        %parallel_loop3A_1500 = arith.mulf %parallel_loop3A_1499, %parallel_loop3A_1489 : vector<16xf32>
        %parallel_loop3A_1501 = arith.mulf %parallel_loop3A_1497, %parallel_loop3A_1497 : vector<16xf32>
        %parallel_loop3A_1502 = arith.mulf %parallel_loop3A_1500, %parallel_loop3A_1501 : vector<16xf32>
        %parallel_loop3A_1503 = arith.constant 1.500000e+00 : f32
        %parallel_loop3A_1504 = vector.broadcast %parallel_loop3A_1503 : f32 to vector<16xf32>
        %parallel_loop3A_1505 = arith.subf %parallel_loop3A_1504, %parallel_loop3A_1502 : vector<16xf32>
        %parallel_loop3A_1506 = arith.mulf %parallel_loop3A_1497, %parallel_loop3A_1505 : vector<16xf32>
        %parallel_loop3A_1507 = arith.mulf %parallel_loop3A_1489, %parallel_loop3A_1506 : vector<16xf32>
        %parallel_loop3A_1508 = arith.constant 0 : i32
        %parallel_loop3A_1509 = arith.index_cast %parallel_loop3A_1508 : i32 to index
        %parallel_loop3A_1510 = arith.index_cast %parallel_loop3A_1484 : i32 to index
        %parallel_loop3A_1511 = tpu.vector_load %arg12[%parallel_loop3A_1509, %parallel_loop3A_1510] {strides = array<i32>} : memref<4x640xf32, #tpu.memory_space<vmem>>, vector<16xf32>,
        tpu.vector_store %arg12[%parallel_loop3A_1509, %parallel_loop3A_1510], %parallel_loop3A_1507 {add = true, strides = array<i32>} : memref<4x640xf32, #tpu.memory_space<vmem>>, vector<16xf32>,
        %parallel_loop3A_1512 = arith.subf %get3A_1443, %parallel_loop3A_1481 : vector<16xf32>
        %parallel_loop3A_1513 = arith.subf %get3A_1448, %parallel_loop3A_1482 : vector<16xf32>
        %parallel_loop3A_1514 = arith.mulf %parallel_loop3A_1512, %parallel_loop3A_1512 : vector<16xf32>
        %parallel_loop3A_1515 = arith.mulf %parallel_loop3A_1513, %parallel_loop3A_1513 : vector<16xf32>
        %parallel_loop3A_1516 = arith.addf %parallel_loop3A_1514, %parallel_loop3A_1515 : vector<16xf32>
        %parallel_loop3A_1517 = vector.bitcast %parallel_loop3A_1516 : vector<16xf32> to vector<16xi32>
        %parallel_loop3A_1518 = arith.constant 1 : i32
        %parallel_loop3A_1519 = vector.broadcast %parallel_loop3A_1518 : i32 to vector<16xi32>
        %parallel_loop3A_1520 = arith.shrsi %parallel_loop3A_1517, %parallel_loop3A_1519 : vector<16xi32>
        %parallel_loop3A_1521 = arith.constant -550020641 : i32
        %parallel_loop3A_1522 = vector.broadcast %parallel_loop3A_1521 : i32 to vector<16xi32>
        %parallel_loop3A_1523 = arith.subi %parallel_loop3A_1522, %parallel_loop3A_1520 : vector<16xi32>
        %parallel_loop3A_1524 = vector.bitcast %parallel_loop3A_1523 : vector<16xi32> to vector<16xf32>
        %parallel_loop3A_1525 = arith.constant 5.000000e-01 : f32
        %parallel_loop3A_1526 = vector.broadcast %parallel_loop3A_1525 : f32 to vector<16xf32>
        %parallel_loop3A_1527 = arith.mulf %parallel_loop3A_1526, %parallel_loop3A_1516 : vector<16xf32>
        %parallel_loop3A_1528 = arith.mulf %parallel_loop3A_1524, %parallel_loop3A_1524 : vector<16xf32>
        %parallel_loop3A_1529 = arith.mulf %parallel_loop3A_1527, %parallel_loop3A_1528 : vector<16xf32>
        %parallel_loop3A_1530 = arith.constant 1.500000e+00 : f32
        %parallel_loop3A_1531 = vector.broadcast %parallel_loop3A_1530 : f32 to vector<16xf32>
        %parallel_loop3A_1532 = arith.subf %parallel_loop3A_1531, %parallel_loop3A_1529 : vector<16xf32>
        %parallel_loop3A_1533 = arith.mulf %parallel_loop3A_1524, %parallel_loop3A_1532 : vector<16xf32>
        %parallel_loop3A_1534 = arith.mulf %parallel_loop3A_1516, %parallel_loop3A_1533 : vector<16xf32>
        %parallel_loop3A_1535 = arith.constant 1 : i32
        %parallel_loop3A_1536 = arith.index_cast %parallel_loop3A_1535 : i32 to index
        %parallel_loop3A_1537 = arith.index_cast %parallel_loop3A_1484 : i32 to index
        %parallel_loop3A_1538 = tpu.vector_load %arg12[%parallel_loop3A_1536, %parallel_loop3A_1537] {strides = array<i32>} : memref<4x640xf32, #tpu.memory_space<vmem>>, vector<16xf32>,
        tpu.vector_store %arg12[%parallel_loop3A_1536, %parallel_loop3A_1537], %parallel_loop3A_1534 {add = true, strides = array<i32>} : memref<4x640xf32, #tpu.memory_space<vmem>>, vector<16xf32>,
        %parallel_loop3A_1539 = arith.subf %get3A_1453, %parallel_loop3A_1481 : vector<16xf32>
        %parallel_loop3A_1540 = arith.subf %get3A_1458, %parallel_loop3A_1482 : vector<16xf32>
        %parallel_loop3A_1541 = arith.mulf %parallel_loop3A_1539, %parallel_loop3A_1539 : vector<16xf32>
        %parallel_loop3A_1542 = arith.mulf %parallel_loop3A_1540, %parallel_loop3A_1540 : vector<16xf32>
        %parallel_loop3A_1543 = arith.addf %parallel_loop3A_1541, %parallel_loop3A_1542 : vector<16xf32>
        %parallel_loop3A_1544 = vector.bitcast %parallel_loop3A_1543 : vector<16xf32> to vector<16xi32>
        %parallel_loop3A_1545 = arith.constant 1 : i32
        %parallel_loop3A_1546 = vector.broadcast %parallel_loop3A_1545 : i32 to vector<16xi32>
        %parallel_loop3A_1547 = arith.shrsi %parallel_loop3A_1544, %parallel_loop3A_1546 : vector<16xi32>
        %parallel_loop3A_1548 = arith.constant -550020641 : i32
        %parallel_loop3A_1549 = vector.broadcast %parallel_loop3A_1548 : i32 to vector<16xi32>
        %parallel_loop3A_1550 = arith.subi %parallel_loop3A_1549, %parallel_loop3A_1547 : vector<16xi32>
        %parallel_loop3A_1551 = vector.bitcast %parallel_loop3A_1550 : vector<16xi32> to vector<16xf32>
        %parallel_loop3A_1552 = arith.constant 5.000000e-01 : f32
        %parallel_loop3A_1553 = vector.broadcast %parallel_loop3A_1552 : f32 to vector<16xf32>
        %parallel_loop3A_1554 = arith.mulf %parallel_loop3A_1553, %parallel_loop3A_1543 : vector<16xf32>
        %parallel_loop3A_1555 = arith.mulf %parallel_loop3A_1551, %parallel_loop3A_1551 : vector<16xf32>
        %parallel_loop3A_1556 = arith.mulf %parallel_loop3A_1554, %parallel_loop3A_1555 : vector<16xf32>
        %parallel_loop3A_1557 = arith.constant 1.500000e+00 : f32
        %parallel_loop3A_1558 = vector.broadcast %parallel_loop3A_1557 : f32 to vector<16xf32>
        %parallel_loop3A_1559 = arith.subf %parallel_loop3A_1558, %parallel_loop3A_1556 : vector<16xf32>
        %parallel_loop3A_1560 = arith.mulf %parallel_loop3A_1551, %parallel_loop3A_1559 : vector<16xf32>
        %parallel_loop3A_1561 = arith.mulf %parallel_loop3A_1543, %parallel_loop3A_1560 : vector<16xf32>
        %parallel_loop3A_1562 = arith.constant 2 : i32
        %parallel_loop3A_1563 = arith.index_cast %parallel_loop3A_1562 : i32 to index
        %parallel_loop3A_1564 = arith.index_cast %parallel_loop3A_1484 : i32 to index
        %parallel_loop3A_1565 = tpu.vector_load %arg12[%parallel_loop3A_1563, %parallel_loop3A_1564] {strides = array<i32>} : memref<4x640xf32, #tpu.memory_space<vmem>>, vector<16xf32>,
        tpu.vector_store %arg12[%parallel_loop3A_1563, %parallel_loop3A_1564], %parallel_loop3A_1561 {add = true, strides = array<i32>} : memref<4x640xf32, #tpu.memory_space<vmem>>, vector<16xf32>,
        %parallel_loop3A_1566 = arith.subf %get3A_1463, %parallel_loop3A_1481 : vector<16xf32>
        %parallel_loop3A_1567 = arith.subf %get3A_1468, %parallel_loop3A_1482 : vector<16xf32>
        %parallel_loop3A_1568 = arith.mulf %parallel_loop3A_1566, %parallel_loop3A_1566 : vector<16xf32>
        %parallel_loop3A_1569 = arith.mulf %parallel_loop3A_1567, %parallel_loop3A_1567 : vector<16xf32>
        %parallel_loop3A_1570 = arith.addf %parallel_loop3A_1568, %parallel_loop3A_1569 : vector<16xf32>
        %parallel_loop3A_1571 = vector.bitcast %parallel_loop3A_1570 : vector<16xf32> to vector<16xi32>
        %parallel_loop3A_1572 = arith.constant 1 : i32
        %parallel_loop3A_1573 = vector.broadcast %parallel_loop3A_1572 : i32 to vector<16xi32>
        %parallel_loop3A_1574 = arith.shrsi %parallel_loop3A_1571, %parallel_loop3A_1573 : vector<16xi32>
        %parallel_loop3A_1575 = arith.constant -550020641 : i32
        %parallel_loop3A_1576 = vector.broadcast %parallel_loop3A_1575 : i32 to vector<16xi32>
        %parallel_loop3A_1577 = arith.subi %parallel_loop3A_1576, %parallel_loop3A_1574 : vector<16xi32>
        %parallel_loop3A_1578 = vector.bitcast %parallel_loop3A_1577 : vector<16xi32> to vector<16xf32>
        %parallel_loop3A_1579 = arith.constant 5.000000e-01 : f32
        %parallel_loop3A_1580 = vector.broadcast %parallel_loop3A_1579 : f32 to vector<16xf32>
        %parallel_loop3A_1581 = arith.mulf %parallel_loop3A_1580, %parallel_loop3A_1570 : vector<16xf32>
        %parallel_loop3A_1582 = arith.mulf %parallel_loop3A_1578, %parallel_loop3A_1578 : vector<16xf32>
        %parallel_loop3A_1583 = arith.mulf %parallel_loop3A_1581, %parallel_loop3A_1582 : vector<16xf32>
        %parallel_loop3A_1584 = arith.constant 1.500000e+00 : f32
        %parallel_loop3A_1585 = vector.broadcast %parallel_loop3A_1584 : f32 to vector<16xf32>
        %parallel_loop3A_1586 = arith.subf %parallel_loop3A_1585, %parallel_loop3A_1583 : vector<16xf32>
        %parallel_loop3A_1587 = arith.mulf %parallel_loop3A_1578, %parallel_loop3A_1586 : vector<16xf32>
        %parallel_loop3A_1588 = arith.mulf %parallel_loop3A_1570, %parallel_loop3A_1587 : vector<16xf32>
        %parallel_loop3A_1589 = arith.constant 3 : i32
        %parallel_loop3A_1590 = arith.index_cast %parallel_loop3A_1589 : i32 to index
        %parallel_loop3A_1591 = arith.index_cast %parallel_loop3A_1484 : i32 to index
        %parallel_loop3A_1592 = tpu.vector_load %arg12[%parallel_loop3A_1590, %parallel_loop3A_1591] {strides = array<i32>} : memref<4x640xf32, #tpu.memory_space<vmem>>, vector<16xf32>,
        tpu.vector_store %arg12[%parallel_loop3A_1590, %parallel_loop3A_1591], %parallel_loop3A_1588 {add = true, strides = array<i32>} : memref<4x640xf32, #tpu.memory_space<vmem>>, vector<16xf32>,
      } {sc.loop_unroll_factor = 2 : i64, sc.parallel_access}
      %scan3A_1472 = arith.constant 0 : i32
      scf.yield %scan3A_1472 : i32
    }
    %scan3A_1196 = arith.constant 32 : i32
    %multiple_of3A_1197 = tpu.assume_multiple %add3A_1179, 128 : i32
    "tpu.region"() ({
      %run_scoped3A = tpu.sem_alloc : memref<!tpu.dma_semaphore, #tpu.memory_space<semaphore_mem>>
      %dma_start3A_1427 = arith.constant 0 : i32
      %dma_start3A_1428 = tpu.memref_slice %arg5[%dma_start3A_1427, %multiple_of3A_1197] : memref<4x102400xf32, #tpu.memory_space<hbm>> -> memref<4x640xf32, #tpu.memory_space<hbm>>
      %dma_start3A_1429 = arith.constant 0 : i32
      %dma_start3A_1430 = tpu.memref_slice %arg5[%dma_start3A_1429, %multiple_of3A_1197] : memref<4x102400xf32, #tpu.memory_space<hbm>> -> memref<4x640xf32, #tpu.memory_space<hbm>>
      tpu.enqueue_dma source(%arg12 : memref<4x640xf32, #tpu.memory_space<vmem>>) target(%dma_start3A_1430 : memref<4x640xf32, #tpu.memory_space<hbm>>) target_semaphore(%run_scoped3A : memref<!tpu.dma_semaphore, #tpu.memory_space<semaphore_mem>>)
      %dma_wait3A_1431 = arith.constant 0 : i32
      %dma_wait3A_1432 = tpu.memref_slice %arg5[%dma_wait3A_1431, %multiple_of3A_1197] : memref<4x102400xf32, #tpu.memory_space<hbm>> -> memref<4x640xf32, #tpu.memory_space<hbm>>
      %dma_wait3A_1433 = arith.constant 0 : i32
      %dma_wait3A_1434 = tpu.memref_slice %arg5[%dma_wait3A_1433, %multiple_of3A_1197] : memref<4x102400xf32, #tpu.memory_space<hbm>> -> memref<4x640xf32, #tpu.memory_space<hbm>>
      tpu.wait_dma2 semaphore(%run_scoped3A : memref<!tpu.dma_semaphore, #tpu.memory_space<semaphore_mem>>) src(%arg12 : memref<4x640xf32, #tpu.memory_space<vmem>>) dst(%dma_wait3A_1434 : memref<4x640xf32, #tpu.memory_space<hbm>>)
      tpu.yield
    }) : () -> ()
    %dma_wait3A_1198 = arith.constant 0 : i32
    %dma_wait3A_1199 = arith.constant 0 : i32
    %dma_wait3A_1200 = tpu.memref_slice %arg3[%dma_wait3A_1198, %dma_wait3A_1199] : memref<100000x64xf32, #tpu.memory_space<hbm>> -> memref<320x64xf32, #tpu.memory_space<hbm>>
    %dma_wait3A_1201 = arith.constant 0 : i32
    %dma_wait3A_1202 = arith.constant 0 : i32
    %dma_wait3A_1203 = tpu.memref_slice %arg3[%dma_wait3A_1201, %dma_wait3A_1202] : memref<100000x64xf32, #tpu.memory_space<hbm>> -> memref<320x64xf32, #tpu.memory_space<hbm>>
    tpu.wait_dma2 semaphore(%arg15 : memref<!tpu.dma_semaphore, #tpu.memory_space<semaphore_mem>>) src(%dma_wait3A_1203 : memref<320x64xf32, #tpu.memory_space<hbm>>) dst(%arg13 : memref<320x64xf32, #tpu.memory_space<vmem>>)
    %parallel_loop3A_1204 = arith.constant 0 : i32
    %parallel_loop3A_1205 = arith.constant 320 : i32
    %parallel_loop3A_1206 = arith.constant 1 : i32
    scf.for %parallel_loop3A_1427 = %parallel_loop3A_1204 to %parallel_loop3A_1205 step %parallel_loop3A_1206  : i32 {
      %parallel_loop3A_1428 = arith.constant 0 : i32
      %parallel_loop3A_1429 = arith.addi %parallel_loop3A_1427, %parallel_loop3A_1428 : i32
      %parallel_loop3A_1430 = arith.constant 65 : i32
      %parallel_loop3A_1431 = arith.muli %parallel_loop3A_1429, %parallel_loop3A_1430 : i32
      %parallel_loop3A_1432 = arith.index_cast %parallel_loop3A_1427 : i32 to index
      %parallel_loop3A_1433 = arith.constant 0 : index
      %parallel_loop3A_1434 = tpu.vector_load %arg13[%parallel_loop3A_1432, %parallel_loop3A_1433] {strides = array<i32>} : memref<320x64xf32, #tpu.memory_space<vmem>>, vector<16xf32>,
      %parallel_loop3A_1435 = arith.constant 0 : i32
      %parallel_loop3A_1436 = arith.addi %parallel_loop3A_1431, %parallel_loop3A_1435 : i32
      %parallel_loop3A_1437 = arith.index_cast %parallel_loop3A_1436 : i32 to index
      %parallel_loop3A_1438 = tpu.vector_load %arg14[%parallel_loop3A_1437] {strides = array<i32>} : memref<41600xf32, #tpu.memory_space<vmem>>, vector<16xf32>,
      tpu.vector_store %arg14[%parallel_loop3A_1437], %parallel_loop3A_1434 {strides = array<i32>} : memref<41600xf32, #tpu.memory_space<vmem>>, vector<16xf32>,
      %parallel_loop3A_1439 = arith.index_cast %parallel_loop3A_1427 : i32 to index
      %parallel_loop3A_1440 = arith.constant 16 : index
      %parallel_loop3A_1441 = tpu.vector_load %arg13[%parallel_loop3A_1439, %parallel_loop3A_1440] {strides = array<i32>} : memref<320x64xf32, #tpu.memory_space<vmem>>, vector<16xf32>,
      %parallel_loop3A_1442 = arith.constant 16 : i32
      %parallel_loop3A_1443 = arith.addi %parallel_loop3A_1431, %parallel_loop3A_1442 : i32
      %parallel_loop3A_1444 = arith.index_cast %parallel_loop3A_1443 : i32 to index
      %parallel_loop3A_1445 = tpu.vector_load %arg14[%parallel_loop3A_1444] {strides = array<i32>} : memref<41600xf32, #tpu.memory_space<vmem>>, vector<16xf32>,
      tpu.vector_store %arg14[%parallel_loop3A_1444], %parallel_loop3A_1441 {strides = array<i32>} : memref<41600xf32, #tpu.memory_space<vmem>>, vector<16xf32>,
      %parallel_loop3A_1446 = arith.index_cast %parallel_loop3A_1427 : i32 to index
      %parallel_loop3A_1447 = arith.constant 32 : index
      %parallel_loop3A_1448 = tpu.vector_load %arg13[%parallel_loop3A_1446, %parallel_loop3A_1447] {strides = array<i32>} : memref<320x64xf32, #tpu.memory_space<vmem>>, vector<16xf32>,
      %parallel_loop3A_1449 = arith.constant 32 : i32
      %parallel_loop3A_1450 = arith.addi %parallel_loop3A_1431, %parallel_loop3A_1449 : i32
      %parallel_loop3A_1451 = arith.index_cast %parallel_loop3A_1450 : i32 to index
      %parallel_loop3A_1452 = tpu.vector_load %arg14[%parallel_loop3A_1451] {strides = array<i32>} : memref<41600xf32, #tpu.memory_space<vmem>>, vector<16xf32>,
      tpu.vector_store %arg14[%parallel_loop3A_1451], %parallel_loop3A_1448 {strides = array<i32>} : memref<41600xf32, #tpu.memory_space<vmem>>, vector<16xf32>,
      %parallel_loop3A_1453 = arith.index_cast %parallel_loop3A_1427 : i32 to index
      %parallel_loop3A_1454 = arith.constant 48 : index
      %parallel_loop3A_1455 = tpu.vector_load %arg13[%parallel_loop3A_1453, %parallel_loop3A_1454] {strides = array<i32>} : memref<320x64xf32, #tpu.memory_space<vmem>>, vector<16xf32>,
      %parallel_loop3A_1456 = arith.constant 48 : i32
      %parallel_loop3A_1457 = arith.addi %parallel_loop3A_1431, %parallel_loop3A_1456 : i32
      %parallel_loop3A_1458 = arith.index_cast %parallel_loop3A_1457 : i32 to index
      %parallel_loop3A_1459 = tpu.vector_load %arg14[%parallel_loop3A_1458] {strides = array<i32>} : memref<41600xf32, #tpu.memory_space<vmem>>, vector<16xf32>,
      tpu.vector_store %arg14[%parallel_loop3A_1458], %parallel_loop3A_1455 {strides = array<i32>} : memref<41600xf32, #tpu.memory_space<vmem>>, vector<16xf32>,
    } {sc.loop_unroll_factor = 2 : i64, sc.parallel_access}
    %add3A_1207 = arith.constant 640 : i32
    %add3A_1208 = arith.addi %mul3A_2, %add3A_1207 : i32
    %min3A_1209 = arith.constant 99360 : i32
    %min3A_1210 = arith.minsi %add3A_1208, %min3A_1209 : i32
    %add3A_1211 = arith.constant 320 : i32
    %add3A_1212 = arith.addi %min3A_1210, %add3A_1211 : i32
    %multiple_of3A_1213 = tpu.assume_multiple %add3A_1212, 8 : i32
    %dma_start3A_1214 = arith.constant 0 : i32
    %dma_start3A_1215 = tpu.memref_slice %arg3[%multiple_of3A_1213, %dma_start3A_1214] : memref<100000x64xf32, #tpu.memory_space<hbm>> -> memref<320x64xf32, #tpu.memory_space<hbm>>
    %dma_start3A_1216 = arith.constant 0 : i32
    %dma_start3A_1217 = tpu.memref_slice %arg3[%multiple_of3A_1213, %dma_start3A_1216] : memref<100000x64xf32, #tpu.memory_space<hbm>> -> memref<320x64xf32, #tpu.memory_space<hbm>>
    tpu.enqueue_dma source(%dma_start3A_1217 : memref<320x64xf32, #tpu.memory_space<hbm>>) target(%arg13 : memref<320x64xf32, #tpu.memory_space<vmem>>) target_semaphore(%arg15 : memref<!tpu.dma_semaphore, #tpu.memory_space<semaphore_mem>>)
    %dma_wait3A_1218 = arith.constant 0 : i32
    %dma_wait3A_1219 = arith.constant 0 : i32
    %dma_wait3A_1220 = tpu.memref_slice %arg3[%dma_wait3A_1218, %dma_wait3A_1219] : memref<100000x64xf32, #tpu.memory_space<hbm>> -> memref<320x64xf32, #tpu.memory_space<hbm>>
    %dma_wait3A_1221 = arith.constant 0 : i32
    %dma_wait3A_1222 = arith.constant 0 : i32
    %dma_wait3A_1223 = tpu.memref_slice %arg3[%dma_wait3A_1221, %dma_wait3A_1222] : memref<100000x64xf32, #tpu.memory_space<hbm>> -> memref<320x64xf32, #tpu.memory_space<hbm>>
    tpu.wait_dma2 semaphore(%arg15 : memref<!tpu.dma_semaphore, #tpu.memory_space<semaphore_mem>>) src(%dma_wait3A_1223 : memref<320x64xf32, #tpu.memory_space<hbm>>) dst(%arg13 : memref<320x64xf32, #tpu.memory_space<vmem>>)
    %parallel_loop3A_1224 = arith.constant 0 : i32
    %parallel_loop3A_1225 = arith.constant 320 : i32
    %parallel_loop3A_1226 = arith.constant 1 : i32
    scf.for %parallel_loop3A_1427 = %parallel_loop3A_1224 to %parallel_loop3A_1225 step %parallel_loop3A_1226  : i32 {
      %parallel_loop3A_1428 = arith.constant 320 : i32
      %parallel_loop3A_1429 = arith.addi %parallel_loop3A_1427, %parallel_loop3A_1428 : i32
      %parallel_loop3A_1430 = arith.constant 65 : i32
      %parallel_loop3A_1431 = arith.muli %parallel_loop3A_1429, %parallel_loop3A_1430 : i32
      %parallel_loop3A_1432 = arith.index_cast %parallel_loop3A_1427 : i32 to index
      %parallel_loop3A_1433 = arith.constant 0 : index
      %parallel_loop3A_1434 = tpu.vector_load %arg13[%parallel_loop3A_1432, %parallel_loop3A_1433] {strides = array<i32>} : memref<320x64xf32, #tpu.memory_space<vmem>>, vector<16xf32>,
      %parallel_loop3A_1435 = arith.constant 0 : i32
      %parallel_loop3A_1436 = arith.addi %parallel_loop3A_1431, %parallel_loop3A_1435 : i32
      %parallel_loop3A_1437 = arith.index_cast %parallel_loop3A_1436 : i32 to index
      %parallel_loop3A_1438 = tpu.vector_load %arg14[%parallel_loop3A_1437] {strides = array<i32>} : memref<41600xf32, #tpu.memory_space<vmem>>, vector<16xf32>,
      tpu.vector_store %arg14[%parallel_loop3A_1437], %parallel_loop3A_1434 {strides = array<i32>} : memref<41600xf32, #tpu.memory_space<vmem>>, vector<16xf32>,
      %parallel_loop3A_1439 = arith.index_cast %parallel_loop3A_1427 : i32 to index
      %parallel_loop3A_1440 = arith.constant 16 : index
      %parallel_loop3A_1441 = tpu.vector_load %arg13[%parallel_loop3A_1439, %parallel_loop3A_1440] {strides = array<i32>} : memref<320x64xf32, #tpu.memory_space<vmem>>, vector<16xf32>,
      %parallel_loop3A_1442 = arith.constant 16 : i32
      %parallel_loop3A_1443 = arith.addi %parallel_loop3A_1431, %parallel_loop3A_1442 : i32
      %parallel_loop3A_1444 = arith.index_cast %parallel_loop3A_1443 : i32 to index
      %parallel_loop3A_1445 = tpu.vector_load %arg14[%parallel_loop3A_1444] {strides = array<i32>} : memref<41600xf32, #tpu.memory_space<vmem>>, vector<16xf32>,
      tpu.vector_store %arg14[%parallel_loop3A_1444], %parallel_loop3A_1441 {strides = array<i32>} : memref<41600xf32, #tpu.memory_space<vmem>>, vector<16xf32>,
      %parallel_loop3A_1446 = arith.index_cast %parallel_loop3A_1427 : i32 to index
      %parallel_loop3A_1447 = arith.constant 32 : index
      %parallel_loop3A_1448 = tpu.vector_load %arg13[%parallel_loop3A_1446, %parallel_loop3A_1447] {strides = array<i32>} : memref<320x64xf32, #tpu.memory_space<vmem>>, vector<16xf32>,
      %parallel_loop3A_1449 = arith.constant 32 : i32
      %parallel_loop3A_1450 = arith.addi %parallel_loop3A_1431, %parallel_loop3A_1449 : i32
      %parallel_loop3A_1451 = arith.index_cast %parallel_loop3A_1450 : i32 to index
      %parallel_loop3A_1452 = tpu.vector_load %arg14[%parallel_loop3A_1451] {strides = array<i32>} : memref<41600xf32, #tpu.memory_space<vmem>>, vector<16xf32>,
      tpu.vector_store %arg14[%parallel_loop3A_1451], %parallel_loop3A_1448 {strides = array<i32>} : memref<41600xf32, #tpu.memory_space<vmem>>, vector<16xf32>,
      %parallel_loop3A_1453 = arith.index_cast %parallel_loop3A_1427 : i32 to index
      %parallel_loop3A_1454 = arith.constant 48 : index
      %parallel_loop3A_1455 = tpu.vector_load %arg13[%parallel_loop3A_1453, %parallel_loop3A_1454] {strides = array<i32>} : memref<320x64xf32, #tpu.memory_space<vmem>>, vector<16xf32>,
      %parallel_loop3A_1456 = arith.constant 48 : i32
      %parallel_loop3A_1457 = arith.addi %parallel_loop3A_1431, %parallel_loop3A_1456 : i32
      %parallel_loop3A_1458 = arith.index_cast %parallel_loop3A_1457 : i32 to index
      %parallel_loop3A_1459 = tpu.vector_load %arg14[%parallel_loop3A_1458] {strides = array<i32>} : memref<41600xf32, #tpu.memory_space<vmem>>, vector<16xf32>,
      tpu.vector_store %arg14[%parallel_loop3A_1458], %parallel_loop3A_1455 {strides = array<i32>} : memref<41600xf32, #tpu.memory_space<vmem>>, vector<16xf32>,
    } {sc.loop_unroll_factor = 2 : i64, sc.parallel_access}
    %add3A_1227 = arith.constant 1280 : i32
    %add3A_1228 = arith.addi %mul3A_2, %add3A_1227 : i32
    %min3A_1229 = arith.constant 99360 : i32
    %min3A_1230 = arith.minsi %add3A_1228, %min3A_1229 : i32
    %add3A_1231 = arith.constant 0 : i32
    %add3A_1232 = arith.addi %min3A_1230, %add3A_1231 : i32
    %multiple_of3A_1233 = tpu.assume_multiple %add3A_1232, 8 : i32
    %dma_start3A_1234 = arith.constant 0 : i32
    %dma_start3A_1235 = tpu.memref_slice %arg3[%multiple_of3A_1233, %dma_start3A_1234] : memref<100000x64xf32, #tpu.memory_space<hbm>> -> memref<320x64xf32, #tpu.memory_space<hbm>>
    %dma_start3A_1236 = arith.constant 0 : i32
    %dma_start3A_1237 = tpu.memref_slice %arg3[%multiple_of3A_1233, %dma_start3A_1236] : memref<100000x64xf32, #tpu.memory_space<hbm>> -> memref<320x64xf32, #tpu.memory_space<hbm>>
    tpu.enqueue_dma source(%dma_start3A_1237 : memref<320x64xf32, #tpu.memory_space<hbm>>) target(%arg13 : memref<320x64xf32, #tpu.memory_space<vmem>>) target_semaphore(%arg15 : memref<!tpu.dma_semaphore, #tpu.memory_space<semaphore_mem>>)
    %add3A_1238 = arith.constant 640 : i32
    %add3A_1239 = arith.addi %mul3A_2, %add3A_1238 : i32
    %min3A_1240 = arith.constant 99360 : i32
    %min3A_1241 = arith.minsi %add3A_1239, %min3A_1240 : i32
    %sub3A_1242 = arith.subi %add3A_1239, %min3A_1241 : i32
    %scan3A_1243 = arith.constant 0 : i32
    %scan3A_1244 = arith.constant 0 : i32
    %scan3A_1245 = arith.constant 40 : i32
    %scan3A_1246 = arith.addi %scan3A_1244, %scan3A_1245 : i32
    %scan3A_1247 = arith.constant 1 : i32
    %scan3A_1248 = scf.for %scan3A_1427 = %scan3A_1244 to %scan3A_1246 step %scan3A_1247 iter_args(%scan3A_1428 = %scan3A_1243) -> (i32)  : i32 {
      %mul3A_1429 = arith.constant 16 : i32
      %mul3A_1430 = arith.muli %scan3A_1427, %mul3A_1429 : i32
      %add3A_1431 = arith.addi %sub3A_1242, %mul3A_1430 : i32
      %add3A_1432 = vector.broadcast %add3A_1431 : i32 to vector<16xi32>
      %add3A_1433 = arith.addi %add3A_1432, %iota3A : vector<16xi32>
      %min3A_1434 = arith.constant 639 : i32
      %min3A_1435 = vector.broadcast %min3A_1434 : i32 to vector<16xi32>
      %min3A_1436 = arith.minsi %add3A_1433, %min3A_1435 : vector<16xi32>
      %mul3A_1437 = arith.constant 65 : i32
      %mul3A_1438 = vector.broadcast %mul3A_1437 : i32 to vector<16xi32>
      %mul3A_1439 = arith.muli %min3A_1436, %mul3A_1438 : vector<16xi32>
      %swap3A_1440 = arith.index_cast %scan3A_1427 : i32 to index
      %swap3A_1441 = arith.constant 0 : index
      %swap3A_1442 = tpu.vector_load %arg11[%swap3A_1440, %swap3A_1441] {strides = array<i32>} : memref<40x16xi32, #tpu.memory_space<vmem>>, vector<16xi32>,
      tpu.vector_store %arg11[%swap3A_1440, %swap3A_1441], %mul3A_1439 {strides = array<i32>} : memref<40x16xi32, #tpu.memory_space<vmem>>, vector<16xi32>,
      %mul3A_1443 = arith.constant 16 : i32
      %mul3A_1444 = arith.muli %scan3A_1427, %mul3A_1443 : i32
      %swap3A_1445 = arith.constant 0 : i32
      %swap3A_1446 = arith.index_cast %swap3A_1445 : i32 to index
      %swap3A_1447 = arith.index_cast %mul3A_1444 : i32 to index
      %swap3A_1448 = tpu.vector_load %arg12[%swap3A_1446, %swap3A_1447] {strides = array<i32>} : memref<4x640xf32, #tpu.memory_space<vmem>>, vector<16xf32>,
      tpu.vector_store %arg12[%swap3A_1446, %swap3A_1447], %broadcast_in_dim3A_3 {strides = array<i32>} : memref<4x640xf32, #tpu.memory_space<vmem>>, vector<16xf32>,
      %swap3A_1449 = arith.constant 1 : i32
      %swap3A_1450 = arith.index_cast %swap3A_1449 : i32 to index
      %swap3A_1451 = arith.index_cast %mul3A_1444 : i32 to index
      %swap3A_1452 = tpu.vector_load %arg12[%swap3A_1450, %swap3A_1451] {strides = array<i32>} : memref<4x640xf32, #tpu.memory_space<vmem>>, vector<16xf32>,
      tpu.vector_store %arg12[%swap3A_1450, %swap3A_1451], %broadcast_in_dim3A_3 {strides = array<i32>} : memref<4x640xf32, #tpu.memory_space<vmem>>, vector<16xf32>,
      %swap3A_1453 = arith.constant 2 : i32
      %swap3A_1454 = arith.index_cast %swap3A_1453 : i32 to index
      %swap3A_1455 = arith.index_cast %mul3A_1444 : i32 to index
      %swap3A_1456 = tpu.vector_load %arg12[%swap3A_1454, %swap3A_1455] {strides = array<i32>} : memref<4x640xf32, #tpu.memory_space<vmem>>, vector<16xf32>,
      tpu.vector_store %arg12[%swap3A_1454, %swap3A_1455], %broadcast_in_dim3A_3 {strides = array<i32>} : memref<4x640xf32, #tpu.memory_space<vmem>>, vector<16xf32>,
      %swap3A_1457 = arith.constant 3 : i32
      %swap3A_1458 = arith.index_cast %swap3A_1457 : i32 to index
      %swap3A_1459 = arith.index_cast %mul3A_1444 : i32 to index
      %swap3A_1460 = tpu.vector_load %arg12[%swap3A_1458, %swap3A_1459] {strides = array<i32>} : memref<4x640xf32, #tpu.memory_space<vmem>>, vector<16xf32>,
      tpu.vector_store %arg12[%swap3A_1458, %swap3A_1459], %broadcast_in_dim3A_3 {strides = array<i32>} : memref<4x640xf32, #tpu.memory_space<vmem>>, vector<16xf32>,
      %scan3A_1461 = arith.constant 0 : i32
      scf.yield %scan3A_1461 : i32
    }
    %scan3A_1249 = arith.constant 40 : i32
    %scan3A_1250 = arith.constant 0 : i32
    %scan3A_1251 = arith.constant 0 : i32
    %scan3A_1252 = arith.constant 32 : i32
    %scan3A_1253 = arith.addi %scan3A_1251, %scan3A_1252 : i32
    %scan3A_1254 = arith.constant 1 : i32
    %scan3A_1255 = scf.for %scan3A_1427 = %scan3A_1251 to %scan3A_1253 step %scan3A_1254 iter_args(%scan3A_1428 = %scan3A_1250) -> (i32)  : i32 {
      %broadcast_in_dim3A_1429 = vector.broadcast %scan3A_1427 : i32 to vector<16xi32>
      %get3A = arith.constant 0 : i32
      %get3A_1430 = arith.index_cast %get3A : i32 to index
      %get3A_1431 = arith.index_cast %scan3A_1427 : i32 to index
      %get3A_1432 = arith.constant 0 : index
      %get3A_1433 = tpu.vector_load %arg10[%get3A_1430, %get3A_1431, %get3A_1432] {strides = array<i32>} : memref<8x32x16xf32, #tpu.memory_space<vmem>>, vector<16xf32>,
      %get3A_1434 = arith.constant 1 : i32
      %get3A_1435 = arith.index_cast %get3A_1434 : i32 to index
      %get3A_1436 = arith.index_cast %scan3A_1427 : i32 to index
      %get3A_1437 = arith.constant 0 : index
      %get3A_1438 = tpu.vector_load %arg10[%get3A_1435, %get3A_1436, %get3A_1437] {strides = array<i32>} : memref<8x32x16xf32, #tpu.memory_space<vmem>>, vector<16xf32>,
      %get3A_1439 = arith.constant 2 : i32
      %get3A_1440 = arith.index_cast %get3A_1439 : i32 to index
      %get3A_1441 = arith.index_cast %scan3A_1427 : i32 to index
      %get3A_1442 = arith.constant 0 : index
      %get3A_1443 = tpu.vector_load %arg10[%get3A_1440, %get3A_1441, %get3A_1442] {strides = array<i32>} : memref<8x32x16xf32, #tpu.memory_space<vmem>>, vector<16xf32>,
      %get3A_1444 = arith.constant 3 : i32
      %get3A_1445 = arith.index_cast %get3A_1444 : i32 to index
      %get3A_1446 = arith.index_cast %scan3A_1427 : i32 to index
      %get3A_1447 = arith.constant 0 : index
      %get3A_1448 = tpu.vector_load %arg10[%get3A_1445, %get3A_1446, %get3A_1447] {strides = array<i32>} : memref<8x32x16xf32, #tpu.memory_space<vmem>>, vector<16xf32>,
      %get3A_1449 = arith.constant 4 : i32
      %get3A_1450 = arith.index_cast %get3A_1449 : i32 to index
      %get3A_1451 = arith.index_cast %scan3A_1427 : i32 to index
      %get3A_1452 = arith.constant 0 : index
      %get3A_1453 = tpu.vector_load %arg10[%get3A_1450, %get3A_1451, %get3A_1452] {strides = array<i32>} : memref<8x32x16xf32, #tpu.memory_space<vmem>>, vector<16xf32>,
      %get3A_1454 = arith.constant 5 : i32
      %get3A_1455 = arith.index_cast %get3A_1454 : i32 to index
      %get3A_1456 = arith.index_cast %scan3A_1427 : i32 to index
      %get3A_1457 = arith.constant 0 : index
      %get3A_1458 = tpu.vector_load %arg10[%get3A_1455, %get3A_1456, %get3A_1457] {strides = array<i32>} : memref<8x32x16xf32, #tpu.memory_space<vmem>>, vector<16xf32>,
      %get3A_1459 = arith.constant 6 : i32
      %get3A_1460 = arith.index_cast %get3A_1459 : i32 to index
      %get3A_1461 = arith.index_cast %scan3A_1427 : i32 to index
      %get3A_1462 = arith.constant 0 : index
      %get3A_1463 = tpu.vector_load %arg10[%get3A_1460, %get3A_1461, %get3A_1462] {strides = array<i32>} : memref<8x32x16xf32, #tpu.memory_space<vmem>>, vector<16xf32>,
      %get3A_1464 = arith.constant 7 : i32
      %get3A_1465 = arith.index_cast %get3A_1464 : i32 to index
      %get3A_1466 = arith.index_cast %scan3A_1427 : i32 to index
      %get3A_1467 = arith.constant 0 : index
      %get3A_1468 = tpu.vector_load %arg10[%get3A_1465, %get3A_1466, %get3A_1467] {strides = array<i32>} : memref<8x32x16xf32, #tpu.memory_space<vmem>>, vector<16xf32>,
      %parallel_loop3A_1469 = arith.constant 0 : i32
      %parallel_loop3A_1470 = arith.constant 40 : i32
      %parallel_loop3A_1471 = arith.constant 1 : i32
      scf.for %parallel_loop3A_1473 = %parallel_loop3A_1469 to %parallel_loop3A_1470 step %parallel_loop3A_1471  : i32 {
        %parallel_loop3A_1474 = arith.index_cast %parallel_loop3A_1473 : i32 to index
        %parallel_loop3A_1475 = arith.constant 0 : index
        %parallel_loop3A_1476 = tpu.vector_load %arg11[%parallel_loop3A_1474, %parallel_loop3A_1475] {strides = array<i32>} : memref<40x16xi32, #tpu.memory_space<vmem>>, vector<16xi32>,
        %parallel_loop3A_1477 = arith.addi %parallel_loop3A_1476, %broadcast_in_dim3A_1429 : vector<16xi32>
        %parallel_loop3A_1478 = arith.constant 32 : i32
        %parallel_loop3A_1479 = vector.broadcast %parallel_loop3A_1478 : i32 to vector<16xi32>
        %parallel_loop3A_1480 = arith.addi %parallel_loop3A_1477, %parallel_loop3A_1479 : vector<16xi32>
        %parallel_loop3A_1481 = tpu.vector_load_idx %arg14[%parallel_loop3A_1477] : memref<41600xf32, #tpu.memory_space<vmem>>[vector<16xi32>], vector<16xf32>,
        %parallel_loop3A_1482 = tpu.vector_load_idx %arg14[%parallel_loop3A_1480] : memref<41600xf32, #tpu.memory_space<vmem>>[vector<16xi32>], vector<16xf32>,
        %parallel_loop3A_1483 = arith.constant 16 : i32
        %parallel_loop3A_1484 = arith.muli %parallel_loop3A_1473, %parallel_loop3A_1483 : i32
        %parallel_loop3A_1485 = arith.subf %get3A_1433, %parallel_loop3A_1481 : vector<16xf32>
        %parallel_loop3A_1486 = arith.subf %get3A_1438, %parallel_loop3A_1482 : vector<16xf32>
        %parallel_loop3A_1487 = arith.mulf %parallel_loop3A_1485, %parallel_loop3A_1485 : vector<16xf32>
        %parallel_loop3A_1488 = arith.mulf %parallel_loop3A_1486, %parallel_loop3A_1486 : vector<16xf32>
        %parallel_loop3A_1489 = arith.addf %parallel_loop3A_1487, %parallel_loop3A_1488 : vector<16xf32>
        %parallel_loop3A_1490 = vector.bitcast %parallel_loop3A_1489 : vector<16xf32> to vector<16xi32>
        %parallel_loop3A_1491 = arith.constant 1 : i32
        %parallel_loop3A_1492 = vector.broadcast %parallel_loop3A_1491 : i32 to vector<16xi32>
        %parallel_loop3A_1493 = arith.shrsi %parallel_loop3A_1490, %parallel_loop3A_1492 : vector<16xi32>
        %parallel_loop3A_1494 = arith.constant -550020641 : i32
        %parallel_loop3A_1495 = vector.broadcast %parallel_loop3A_1494 : i32 to vector<16xi32>
        %parallel_loop3A_1496 = arith.subi %parallel_loop3A_1495, %parallel_loop3A_1493 : vector<16xi32>
        %parallel_loop3A_1497 = vector.bitcast %parallel_loop3A_1496 : vector<16xi32> to vector<16xf32>
        %parallel_loop3A_1498 = arith.constant 5.000000e-01 : f32
        %parallel_loop3A_1499 = vector.broadcast %parallel_loop3A_1498 : f32 to vector<16xf32>
        %parallel_loop3A_1500 = arith.mulf %parallel_loop3A_1499, %parallel_loop3A_1489 : vector<16xf32>
        %parallel_loop3A_1501 = arith.mulf %parallel_loop3A_1497, %parallel_loop3A_1497 : vector<16xf32>
        %parallel_loop3A_1502 = arith.mulf %parallel_loop3A_1500, %parallel_loop3A_1501 : vector<16xf32>
        %parallel_loop3A_1503 = arith.constant 1.500000e+00 : f32
        %parallel_loop3A_1504 = vector.broadcast %parallel_loop3A_1503 : f32 to vector<16xf32>
        %parallel_loop3A_1505 = arith.subf %parallel_loop3A_1504, %parallel_loop3A_1502 : vector<16xf32>
        %parallel_loop3A_1506 = arith.mulf %parallel_loop3A_1497, %parallel_loop3A_1505 : vector<16xf32>
        %parallel_loop3A_1507 = arith.mulf %parallel_loop3A_1489, %parallel_loop3A_1506 : vector<16xf32>
        %parallel_loop3A_1508 = arith.constant 0 : i32
        %parallel_loop3A_1509 = arith.index_cast %parallel_loop3A_1508 : i32 to index
        %parallel_loop3A_1510 = arith.index_cast %parallel_loop3A_1484 : i32 to index
        %parallel_loop3A_1511 = tpu.vector_load %arg12[%parallel_loop3A_1509, %parallel_loop3A_1510] {strides = array<i32>} : memref<4x640xf32, #tpu.memory_space<vmem>>, vector<16xf32>,
        tpu.vector_store %arg12[%parallel_loop3A_1509, %parallel_loop3A_1510], %parallel_loop3A_1507 {add = true, strides = array<i32>} : memref<4x640xf32, #tpu.memory_space<vmem>>, vector<16xf32>,
        %parallel_loop3A_1512 = arith.subf %get3A_1443, %parallel_loop3A_1481 : vector<16xf32>
        %parallel_loop3A_1513 = arith.subf %get3A_1448, %parallel_loop3A_1482 : vector<16xf32>
        %parallel_loop3A_1514 = arith.mulf %parallel_loop3A_1512, %parallel_loop3A_1512 : vector<16xf32>
        %parallel_loop3A_1515 = arith.mulf %parallel_loop3A_1513, %parallel_loop3A_1513 : vector<16xf32>
        %parallel_loop3A_1516 = arith.addf %parallel_loop3A_1514, %parallel_loop3A_1515 : vector<16xf32>
        %parallel_loop3A_1517 = vector.bitcast %parallel_loop3A_1516 : vector<16xf32> to vector<16xi32>
        %parallel_loop3A_1518 = arith.constant 1 : i32
        %parallel_loop3A_1519 = vector.broadcast %parallel_loop3A_1518 : i32 to vector<16xi32>
        %parallel_loop3A_1520 = arith.shrsi %parallel_loop3A_1517, %parallel_loop3A_1519 : vector<16xi32>
        %parallel_loop3A_1521 = arith.constant -550020641 : i32
        %parallel_loop3A_1522 = vector.broadcast %parallel_loop3A_1521 : i32 to vector<16xi32>
        %parallel_loop3A_1523 = arith.subi %parallel_loop3A_1522, %parallel_loop3A_1520 : vector<16xi32>
        %parallel_loop3A_1524 = vector.bitcast %parallel_loop3A_1523 : vector<16xi32> to vector<16xf32>
        %parallel_loop3A_1525 = arith.constant 5.000000e-01 : f32
        %parallel_loop3A_1526 = vector.broadcast %parallel_loop3A_1525 : f32 to vector<16xf32>
        %parallel_loop3A_1527 = arith.mulf %parallel_loop3A_1526, %parallel_loop3A_1516 : vector<16xf32>
        %parallel_loop3A_1528 = arith.mulf %parallel_loop3A_1524, %parallel_loop3A_1524 : vector<16xf32>
        %parallel_loop3A_1529 = arith.mulf %parallel_loop3A_1527, %parallel_loop3A_1528 : vector<16xf32>
        %parallel_loop3A_1530 = arith.constant 1.500000e+00 : f32
        %parallel_loop3A_1531 = vector.broadcast %parallel_loop3A_1530 : f32 to vector<16xf32>
        %parallel_loop3A_1532 = arith.subf %parallel_loop3A_1531, %parallel_loop3A_1529 : vector<16xf32>
        %parallel_loop3A_1533 = arith.mulf %parallel_loop3A_1524, %parallel_loop3A_1532 : vector<16xf32>
        %parallel_loop3A_1534 = arith.mulf %parallel_loop3A_1516, %parallel_loop3A_1533 : vector<16xf32>
        %parallel_loop3A_1535 = arith.constant 1 : i32
        %parallel_loop3A_1536 = arith.index_cast %parallel_loop3A_1535 : i32 to index
        %parallel_loop3A_1537 = arith.index_cast %parallel_loop3A_1484 : i32 to index
        %parallel_loop3A_1538 = tpu.vector_load %arg12[%parallel_loop3A_1536, %parallel_loop3A_1537] {strides = array<i32>} : memref<4x640xf32, #tpu.memory_space<vmem>>, vector<16xf32>,
        tpu.vector_store %arg12[%parallel_loop3A_1536, %parallel_loop3A_1537], %parallel_loop3A_1534 {add = true, strides = array<i32>} : memref<4x640xf32, #tpu.memory_space<vmem>>, vector<16xf32>,
        %parallel_loop3A_1539 = arith.subf %get3A_1453, %parallel_loop3A_1481 : vector<16xf32>
        %parallel_loop3A_1540 = arith.subf %get3A_1458, %parallel_loop3A_1482 : vector<16xf32>
        %parallel_loop3A_1541 = arith.mulf %parallel_loop3A_1539, %parallel_loop3A_1539 : vector<16xf32>
        %parallel_loop3A_1542 = arith.mulf %parallel_loop3A_1540, %parallel_loop3A_1540 : vector<16xf32>
        %parallel_loop3A_1543 = arith.addf %parallel_loop3A_1541, %parallel_loop3A_1542 : vector<16xf32>
        %parallel_loop3A_1544 = vector.bitcast %parallel_loop3A_1543 : vector<16xf32> to vector<16xi32>
        %parallel_loop3A_1545 = arith.constant 1 : i32
        %parallel_loop3A_1546 = vector.broadcast %parallel_loop3A_1545 : i32 to vector<16xi32>
        %parallel_loop3A_1547 = arith.shrsi %parallel_loop3A_1544, %parallel_loop3A_1546 : vector<16xi32>
        %parallel_loop3A_1548 = arith.constant -550020641 : i32
        %parallel_loop3A_1549 = vector.broadcast %parallel_loop3A_1548 : i32 to vector<16xi32>
        %parallel_loop3A_1550 = arith.subi %parallel_loop3A_1549, %parallel_loop3A_1547 : vector<16xi32>
        %parallel_loop3A_1551 = vector.bitcast %parallel_loop3A_1550 : vector<16xi32> to vector<16xf32>
        %parallel_loop3A_1552 = arith.constant 5.000000e-01 : f32
        %parallel_loop3A_1553 = vector.broadcast %parallel_loop3A_1552 : f32 to vector<16xf32>
        %parallel_loop3A_1554 = arith.mulf %parallel_loop3A_1553, %parallel_loop3A_1543 : vector<16xf32>
        %parallel_loop3A_1555 = arith.mulf %parallel_loop3A_1551, %parallel_loop3A_1551 : vector<16xf32>
        %parallel_loop3A_1556 = arith.mulf %parallel_loop3A_1554, %parallel_loop3A_1555 : vector<16xf32>
        %parallel_loop3A_1557 = arith.constant 1.500000e+00 : f32
        %parallel_loop3A_1558 = vector.broadcast %parallel_loop3A_1557 : f32 to vector<16xf32>
        %parallel_loop3A_1559 = arith.subf %parallel_loop3A_1558, %parallel_loop3A_1556 : vector<16xf32>
        %parallel_loop3A_1560 = arith.mulf %parallel_loop3A_1551, %parallel_loop3A_1559 : vector<16xf32>
        %parallel_loop3A_1561 = arith.mulf %parallel_loop3A_1543, %parallel_loop3A_1560 : vector<16xf32>
        %parallel_loop3A_1562 = arith.constant 2 : i32
        %parallel_loop3A_1563 = arith.index_cast %parallel_loop3A_1562 : i32 to index
        %parallel_loop3A_1564 = arith.index_cast %parallel_loop3A_1484 : i32 to index
        %parallel_loop3A_1565 = tpu.vector_load %arg12[%parallel_loop3A_1563, %parallel_loop3A_1564] {strides = array<i32>} : memref<4x640xf32, #tpu.memory_space<vmem>>, vector<16xf32>,
        tpu.vector_store %arg12[%parallel_loop3A_1563, %parallel_loop3A_1564], %parallel_loop3A_1561 {add = true, strides = array<i32>} : memref<4x640xf32, #tpu.memory_space<vmem>>, vector<16xf32>,
        %parallel_loop3A_1566 = arith.subf %get3A_1463, %parallel_loop3A_1481 : vector<16xf32>
        %parallel_loop3A_1567 = arith.subf %get3A_1468, %parallel_loop3A_1482 : vector<16xf32>
        %parallel_loop3A_1568 = arith.mulf %parallel_loop3A_1566, %parallel_loop3A_1566 : vector<16xf32>
        %parallel_loop3A_1569 = arith.mulf %parallel_loop3A_1567, %parallel_loop3A_1567 : vector<16xf32>
        %parallel_loop3A_1570 = arith.addf %parallel_loop3A_1568, %parallel_loop3A_1569 : vector<16xf32>
        %parallel_loop3A_1571 = vector.bitcast %parallel_loop3A_1570 : vector<16xf32> to vector<16xi32>
        %parallel_loop3A_1572 = arith.constant 1 : i32
        %parallel_loop3A_1573 = vector.broadcast %parallel_loop3A_1572 : i32 to vector<16xi32>
        %parallel_loop3A_1574 = arith.shrsi %parallel_loop3A_1571, %parallel_loop3A_1573 : vector<16xi32>
        %parallel_loop3A_1575 = arith.constant -550020641 : i32
        %parallel_loop3A_1576 = vector.broadcast %parallel_loop3A_1575 : i32 to vector<16xi32>
        %parallel_loop3A_1577 = arith.subi %parallel_loop3A_1576, %parallel_loop3A_1574 : vector<16xi32>
        %parallel_loop3A_1578 = vector.bitcast %parallel_loop3A_1577 : vector<16xi32> to vector<16xf32>
        %parallel_loop3A_1579 = arith.constant 5.000000e-01 : f32
        %parallel_loop3A_1580 = vector.broadcast %parallel_loop3A_1579 : f32 to vector<16xf32>
        %parallel_loop3A_1581 = arith.mulf %parallel_loop3A_1580, %parallel_loop3A_1570 : vector<16xf32>
        %parallel_loop3A_1582 = arith.mulf %parallel_loop3A_1578, %parallel_loop3A_1578 : vector<16xf32>
        %parallel_loop3A_1583 = arith.mulf %parallel_loop3A_1581, %parallel_loop3A_1582 : vector<16xf32>
        %parallel_loop3A_1584 = arith.constant 1.500000e+00 : f32
        %parallel_loop3A_1585 = vector.broadcast %parallel_loop3A_1584 : f32 to vector<16xf32>
        %parallel_loop3A_1586 = arith.subf %parallel_loop3A_1585, %parallel_loop3A_1583 : vector<16xf32>
        %parallel_loop3A_1587 = arith.mulf %parallel_loop3A_1578, %parallel_loop3A_1586 : vector<16xf32>
        %parallel_loop3A_1588 = arith.mulf %parallel_loop3A_1570, %parallel_loop3A_1587 : vector<16xf32>
        %parallel_loop3A_1589 = arith.constant 3 : i32
        %parallel_loop3A_1590 = arith.index_cast %parallel_loop3A_1589 : i32 to index
        %parallel_loop3A_1591 = arith.index_cast %parallel_loop3A_1484 : i32 to index
        %parallel_loop3A_1592 = tpu.vector_load %arg12[%parallel_loop3A_1590, %parallel_loop3A_1591] {strides = array<i32>} : memref<4x640xf32, #tpu.memory_space<vmem>>, vector<16xf32>,
        tpu.vector_store %arg12[%parallel_loop3A_1590, %parallel_loop3A_1591], %parallel_loop3A_1588 {add = true, strides = array<i32>} : memref<4x640xf32, #tpu.memory_space<vmem>>, vector<16xf32>,
      } {sc.loop_unroll_factor = 2 : i64, sc.parallel_access}
      %scan3A_1472 = arith.constant 0 : i32
      scf.yield %scan3A_1472 : i32
    }
    %scan3A_1256 = arith.constant 32 : i32
    %multiple_of3A_1257 = tpu.assume_multiple %add3A_1239, 128 : i32
    "tpu.region"() ({
      %run_scoped3A = tpu.sem_alloc : memref<!tpu.dma_semaphore, #tpu.memory_space<semaphore_mem>>
      %dma_start3A_1427 = arith.constant 0 : i32
      %dma_start3A_1428 = tpu.memref_slice %arg5[%dma_start3A_1427, %multiple_of3A_1257] : memref<4x102400xf32, #tpu.memory_space<hbm>> -> memref<4x640xf32, #tpu.memory_space<hbm>>
      %dma_start3A_1429 = arith.constant 0 : i32
      %dma_start3A_1430 = tpu.memref_slice %arg5[%dma_start3A_1429, %multiple_of3A_1257] : memref<4x102400xf32, #tpu.memory_space<hbm>> -> memref<4x640xf32, #tpu.memory_space<hbm>>
      tpu.enqueue_dma source(%arg12 : memref<4x640xf32, #tpu.memory_space<vmem>>) target(%dma_start3A_1430 : memref<4x640xf32, #tpu.memory_space<hbm>>) target_semaphore(%run_scoped3A : memref<!tpu.dma_semaphore, #tpu.memory_space<semaphore_mem>>)
      %dma_wait3A_1431 = arith.constant 0 : i32
      %dma_wait3A_1432 = tpu.memref_slice %arg5[%dma_wait3A_1431, %multiple_of3A_1257] : memref<4x102400xf32, #tpu.memory_space<hbm>> -> memref<4x640xf32, #tpu.memory_space<hbm>>
      %dma_wait3A_1433 = arith.constant 0 : i32
      %dma_wait3A_1434 = tpu.memref_slice %arg5[%dma_wait3A_1433, %multiple_of3A_1257] : memref<4x102400xf32, #tpu.memory_space<hbm>> -> memref<4x640xf32, #tpu.memory_space<hbm>>
      tpu.wait_dma2 semaphore(%run_scoped3A : memref<!tpu.dma_semaphore, #tpu.memory_space<semaphore_mem>>) src(%arg12 : memref<4x640xf32, #tpu.memory_space<vmem>>) dst(%dma_wait3A_1434 : memref<4x640xf32, #tpu.memory_space<hbm>>)
      tpu.yield
    }) : () -> ()
    %dma_wait3A_1258 = arith.constant 0 : i32
    %dma_wait3A_1259 = arith.constant 0 : i32
    %dma_wait3A_1260 = tpu.memref_slice %arg3[%dma_wait3A_1258, %dma_wait3A_1259] : memref<100000x64xf32, #tpu.memory_space<hbm>> -> memref<320x64xf32, #tpu.memory_space<hbm>>
    %dma_wait3A_1261 = arith.constant 0 : i32
    %dma_wait3A_1262 = arith.constant 0 : i32
    %dma_wait3A_1263 = tpu.memref_slice %arg3[%dma_wait3A_1261, %dma_wait3A_1262] : memref<100000x64xf32, #tpu.memory_space<hbm>> -> memref<320x64xf32, #tpu.memory_space<hbm>>
    tpu.wait_dma2 semaphore(%arg15 : memref<!tpu.dma_semaphore, #tpu.memory_space<semaphore_mem>>) src(%dma_wait3A_1263 : memref<320x64xf32, #tpu.memory_space<hbm>>) dst(%arg13 : memref<320x64xf32, #tpu.memory_space<vmem>>)
    %parallel_loop3A_1264 = arith.constant 0 : i32
    %parallel_loop3A_1265 = arith.constant 320 : i32
    %parallel_loop3A_1266 = arith.constant 1 : i32
    scf.for %parallel_loop3A_1427 = %parallel_loop3A_1264 to %parallel_loop3A_1265 step %parallel_loop3A_1266  : i32 {
      %parallel_loop3A_1428 = arith.constant 0 : i32
      %parallel_loop3A_1429 = arith.addi %parallel_loop3A_1427, %parallel_loop3A_1428 : i32
      %parallel_loop3A_1430 = arith.constant 65 : i32
      %parallel_loop3A_1431 = arith.muli %parallel_loop3A_1429, %parallel_loop3A_1430 : i32
      %parallel_loop3A_1432 = arith.index_cast %parallel_loop3A_1427 : i32 to index
      %parallel_loop3A_1433 = arith.constant 0 : index
      %parallel_loop3A_1434 = tpu.vector_load %arg13[%parallel_loop3A_1432, %parallel_loop3A_1433] {strides = array<i32>} : memref<320x64xf32, #tpu.memory_space<vmem>>, vector<16xf32>,
      %parallel_loop3A_1435 = arith.constant 0 : i32
      %parallel_loop3A_1436 = arith.addi %parallel_loop3A_1431, %parallel_loop3A_1435 : i32
      %parallel_loop3A_1437 = arith.index_cast %parallel_loop3A_1436 : i32 to index
      %parallel_loop3A_1438 = tpu.vector_load %arg14[%parallel_loop3A_1437] {strides = array<i32>} : memref<41600xf32, #tpu.memory_space<vmem>>, vector<16xf32>,
      tpu.vector_store %arg14[%parallel_loop3A_1437], %parallel_loop3A_1434 {strides = array<i32>} : memref<41600xf32, #tpu.memory_space<vmem>>, vector<16xf32>,
      %parallel_loop3A_1439 = arith.index_cast %parallel_loop3A_1427 : i32 to index
      %parallel_loop3A_1440 = arith.constant 16 : index
      %parallel_loop3A_1441 = tpu.vector_load %arg13[%parallel_loop3A_1439, %parallel_loop3A_1440] {strides = array<i32>} : memref<320x64xf32, #tpu.memory_space<vmem>>, vector<16xf32>,
      %parallel_loop3A_1442 = arith.constant 16 : i32
      %parallel_loop3A_1443 = arith.addi %parallel_loop3A_1431, %parallel_loop3A_1442 : i32
      %parallel_loop3A_1444 = arith.index_cast %parallel_loop3A_1443 : i32 to index
      %parallel_loop3A_1445 = tpu.vector_load %arg14[%parallel_loop3A_1444] {strides = array<i32>} : memref<41600xf32, #tpu.memory_space<vmem>>, vector<16xf32>,
      tpu.vector_store %arg14[%parallel_loop3A_1444], %parallel_loop3A_1441 {strides = array<i32>} : memref<41600xf32, #tpu.memory_space<vmem>>, vector<16xf32>,
      %parallel_loop3A_1446 = arith.index_cast %parallel_loop3A_1427 : i32 to index
      %parallel_loop3A_1447 = arith.constant 32 : index
      %parallel_loop3A_1448 = tpu.vector_load %arg13[%parallel_loop3A_1446, %parallel_loop3A_1447] {strides = array<i32>} : memref<320x64xf32, #tpu.memory_space<vmem>>, vector<16xf32>,
      %parallel_loop3A_1449 = arith.constant 32 : i32
      %parallel_loop3A_1450 = arith.addi %parallel_loop3A_1431, %parallel_loop3A_1449 : i32
      %parallel_loop3A_1451 = arith.index_cast %parallel_loop3A_1450 : i32 to index
      %parallel_loop3A_1452 = tpu.vector_load %arg14[%parallel_loop3A_1451] {strides = array<i32>} : memref<41600xf32, #tpu.memory_space<vmem>>, vector<16xf32>,
      tpu.vector_store %arg14[%parallel_loop3A_1451], %parallel_loop3A_1448 {strides = array<i32>} : memref<41600xf32, #tpu.memory_space<vmem>>, vector<16xf32>,
      %parallel_loop3A_1453 = arith.index_cast %parallel_loop3A_1427 : i32 to index
      %parallel_loop3A_1454 = arith.constant 48 : index
      %parallel_loop3A_1455 = tpu.vector_load %arg13[%parallel_loop3A_1453, %parallel_loop3A_1454] {strides = array<i32>} : memref<320x64xf32, #tpu.memory_space<vmem>>, vector<16xf32>,
      %parallel_loop3A_1456 = arith.constant 48 : i32
      %parallel_loop3A_1457 = arith.addi %parallel_loop3A_1431, %parallel_loop3A_1456 : i32
      %parallel_loop3A_1458 = arith.index_cast %parallel_loop3A_1457 : i32 to index
      %parallel_loop3A_1459 = tpu.vector_load %arg14[%parallel_loop3A_1458] {strides = array<i32>} : memref<41600xf32, #tpu.memory_space<vmem>>, vector<16xf32>,
      tpu.vector_store %arg14[%parallel_loop3A_1458], %parallel_loop3A_1455 {strides = array<i32>} : memref<41600xf32, #tpu.memory_space<vmem>>, vector<16xf32>,
    } {sc.loop_unroll_factor = 2 : i64, sc.parallel_access}
    %add3A_1267 = arith.constant 1280 : i32
    %add3A_1268 = arith.addi %mul3A_2, %add3A_1267 : i32
    %min3A_1269 = arith.constant 99360 : i32
    %min3A_1270 = arith.minsi %add3A_1268, %min3A_1269 : i32
    %add3A_1271 = arith.constant 320 : i32
    %add3A_1272 = arith.addi %min3A_1270, %add3A_1271 : i32
    %multiple_of3A_1273 = tpu.assume_multiple %add3A_1272, 8 : i32
    %dma_start3A_1274 = arith.constant 0 : i32
    %dma_start3A_1275 = tpu.memref_slice %arg3[%multiple_of3A_1273, %dma_start3A_1274] : memref<100000x64xf32, #tpu.memory_space<hbm>> -> memref<320x64xf32, #tpu.memory_space<hbm>>
    %dma_start3A_1276 = arith.constant 0 : i32
    %dma_start3A_1277 = tpu.memref_slice %arg3[%multiple_of3A_1273, %dma_start3A_1276] : memref<100000x64xf32, #tpu.memory_space<hbm>> -> memref<320x64xf32, #tpu.memory_space<hbm>>
    tpu.enqueue_dma source(%dma_start3A_1277 : memref<320x64xf32, #tpu.memory_space<hbm>>) target(%arg13 : memref<320x64xf32, #tpu.memory_space<vmem>>) target_semaphore(%arg15 : memref<!tpu.dma_semaphore, #tpu.memory_space<semaphore_mem>>)
    %dma_wait3A_1278 = arith.constant 0 : i32
    %dma_wait3A_1279 = arith.constant 0 : i32
    %dma_wait3A_1280 = tpu.memref_slice %arg3[%dma_wait3A_1278, %dma_wait3A_1279] : memref<100000x64xf32, #tpu.memory_space<hbm>> -> memref<320x64xf32, #tpu.memory_space<hbm>>
    %dma_wait3A_1281 = arith.constant 0 : i32
    %dma_wait3A_1282 = arith.constant 0 : i32
    %dma_wait3A_1283 = tpu.memref_slice %arg3[%dma_wait3A_1281, %dma_wait3A_1282] : memref<100000x64xf32, #tpu.memory_space<hbm>> -> memref<320x64xf32, #tpu.memory_space<hbm>>
    tpu.wait_dma2 semaphore(%arg15 : memref<!tpu.dma_semaphore, #tpu.memory_space<semaphore_mem>>) src(%dma_wait3A_1283 : memref<320x64xf32, #tpu.memory_space<hbm>>) dst(%arg13 : memref<320x64xf32, #tpu.memory_space<vmem>>)
    %parallel_loop3A_1284 = arith.constant 0 : i32
    %parallel_loop3A_1285 = arith.constant 320 : i32
    %parallel_loop3A_1286 = arith.constant 1 : i32
    scf.for %parallel_loop3A_1427 = %parallel_loop3A_1284 to %parallel_loop3A_1285 step %parallel_loop3A_1286  : i32 {
      %parallel_loop3A_1428 = arith.constant 320 : i32
      %parallel_loop3A_1429 = arith.addi %parallel_loop3A_1427, %parallel_loop3A_1428 : i32
      %parallel_loop3A_1430 = arith.constant 65 : i32
      %parallel_loop3A_1431 = arith.muli %parallel_loop3A_1429, %parallel_loop3A_1430 : i32
      %parallel_loop3A_1432 = arith.index_cast %parallel_loop3A_1427 : i32 to index
      %parallel_loop3A_1433 = arith.constant 0 : index
      %parallel_loop3A_1434 = tpu.vector_load %arg13[%parallel_loop3A_1432, %parallel_loop3A_1433] {strides = array<i32>} : memref<320x64xf32, #tpu.memory_space<vmem>>, vector<16xf32>,
      %parallel_loop3A_1435 = arith.constant 0 : i32
      %parallel_loop3A_1436 = arith.addi %parallel_loop3A_1431, %parallel_loop3A_1435 : i32
      %parallel_loop3A_1437 = arith.index_cast %parallel_loop3A_1436 : i32 to index
      %parallel_loop3A_1438 = tpu.vector_load %arg14[%parallel_loop3A_1437] {strides = array<i32>} : memref<41600xf32, #tpu.memory_space<vmem>>, vector<16xf32>,
      tpu.vector_store %arg14[%parallel_loop3A_1437], %parallel_loop3A_1434 {strides = array<i32>} : memref<41600xf32, #tpu.memory_space<vmem>>, vector<16xf32>,
      %parallel_loop3A_1439 = arith.index_cast %parallel_loop3A_1427 : i32 to index
      %parallel_loop3A_1440 = arith.constant 16 : index
      %parallel_loop3A_1441 = tpu.vector_load %arg13[%parallel_loop3A_1439, %parallel_loop3A_1440] {strides = array<i32>} : memref<320x64xf32, #tpu.memory_space<vmem>>, vector<16xf32>,
      %parallel_loop3A_1442 = arith.constant 16 : i32
      %parallel_loop3A_1443 = arith.addi %parallel_loop3A_1431, %parallel_loop3A_1442 : i32
      %parallel_loop3A_1444 = arith.index_cast %parallel_loop3A_1443 : i32 to index
      %parallel_loop3A_1445 = tpu.vector_load %arg14[%parallel_loop3A_1444] {strides = array<i32>} : memref<41600xf32, #tpu.memory_space<vmem>>, vector<16xf32>,
      tpu.vector_store %arg14[%parallel_loop3A_1444], %parallel_loop3A_1441 {strides = array<i32>} : memref<41600xf32, #tpu.memory_space<vmem>>, vector<16xf32>,
      %parallel_loop3A_1446 = arith.index_cast %parallel_loop3A_1427 : i32 to index
      %parallel_loop3A_1447 = arith.constant 32 : index
      %parallel_loop3A_1448 = tpu.vector_load %arg13[%parallel_loop3A_1446, %parallel_loop3A_1447] {strides = array<i32>} : memref<320x64xf32, #tpu.memory_space<vmem>>, vector<16xf32>,
      %parallel_loop3A_1449 = arith.constant 32 : i32
      %parallel_loop3A_1450 = arith.addi %parallel_loop3A_1431, %parallel_loop3A_1449 : i32
      %parallel_loop3A_1451 = arith.index_cast %parallel_loop3A_1450 : i32 to index
      %parallel_loop3A_1452 = tpu.vector_load %arg14[%parallel_loop3A_1451] {strides = array<i32>} : memref<41600xf32, #tpu.memory_space<vmem>>, vector<16xf32>,
      tpu.vector_store %arg14[%parallel_loop3A_1451], %parallel_loop3A_1448 {strides = array<i32>} : memref<41600xf32, #tpu.memory_space<vmem>>, vector<16xf32>,
      %parallel_loop3A_1453 = arith.index_cast %parallel_loop3A_1427 : i32 to index
      %parallel_loop3A_1454 = arith.constant 48 : index
      %parallel_loop3A_1455 = tpu.vector_load %arg13[%parallel_loop3A_1453, %parallel_loop3A_1454] {strides = array<i32>} : memref<320x64xf32, #tpu.memory_space<vmem>>, vector<16xf32>,
      %parallel_loop3A_1456 = arith.constant 48 : i32
      %parallel_loop3A_1457 = arith.addi %parallel_loop3A_1431, %parallel_loop3A_1456 : i32
      %parallel_loop3A_1458 = arith.index_cast %parallel_loop3A_1457 : i32 to index
      %parallel_loop3A_1459 = tpu.vector_load %arg14[%parallel_loop3A_1458] {strides = array<i32>} : memref<41600xf32, #tpu.memory_space<vmem>>, vector<16xf32>,
      tpu.vector_store %arg14[%parallel_loop3A_1458], %parallel_loop3A_1455 {strides = array<i32>} : memref<41600xf32, #tpu.memory_space<vmem>>, vector<16xf32>,
    } {sc.loop_unroll_factor = 2 : i64, sc.parallel_access}
    %add3A_1287 = arith.constant 1920 : i32
    %add3A_1288 = arith.addi %mul3A_2, %add3A_1287 : i32
    %min3A_1289 = arith.constant 99360 : i32
    %min3A_1290 = arith.minsi %add3A_1288, %min3A_1289 : i32
    %add3A_1291 = arith.constant 0 : i32
    %add3A_1292 = arith.addi %min3A_1290, %add3A_1291 : i32
    %multiple_of3A_1293 = tpu.assume_multiple %add3A_1292, 8 : i32
    %dma_start3A_1294 = arith.constant 0 : i32
    %dma_start3A_1295 = tpu.memref_slice %arg3[%multiple_of3A_1293, %dma_start3A_1294] : memref<100000x64xf32, #tpu.memory_space<hbm>> -> memref<320x64xf32, #tpu.memory_space<hbm>>
    %dma_start3A_1296 = arith.constant 0 : i32
    %dma_start3A_1297 = tpu.memref_slice %arg3[%multiple_of3A_1293, %dma_start3A_1296] : memref<100000x64xf32, #tpu.memory_space<hbm>> -> memref<320x64xf32, #tpu.memory_space<hbm>>
    tpu.enqueue_dma source(%dma_start3A_1297 : memref<320x64xf32, #tpu.memory_space<hbm>>) target(%arg13 : memref<320x64xf32, #tpu.memory_space<vmem>>) target_semaphore(%arg15 : memref<!tpu.dma_semaphore, #tpu.memory_space<semaphore_mem>>)
    %add3A_1298 = arith.constant 1280 : i32
    %add3A_1299 = arith.addi %mul3A_2, %add3A_1298 : i32
    %min3A_1300 = arith.constant 99360 : i32
    %min3A_1301 = arith.minsi %add3A_1299, %min3A_1300 : i32
    %sub3A_1302 = arith.subi %add3A_1299, %min3A_1301 : i32
    %scan3A_1303 = arith.constant 0 : i32
    %scan3A_1304 = arith.constant 0 : i32
    %scan3A_1305 = arith.constant 40 : i32
    %scan3A_1306 = arith.addi %scan3A_1304, %scan3A_1305 : i32
    %scan3A_1307 = arith.constant 1 : i32
    %scan3A_1308 = scf.for %scan3A_1427 = %scan3A_1304 to %scan3A_1306 step %scan3A_1307 iter_args(%scan3A_1428 = %scan3A_1303) -> (i32)  : i32 {
      %mul3A_1429 = arith.constant 16 : i32
      %mul3A_1430 = arith.muli %scan3A_1427, %mul3A_1429 : i32
      %add3A_1431 = arith.addi %sub3A_1302, %mul3A_1430 : i32
      %add3A_1432 = vector.broadcast %add3A_1431 : i32 to vector<16xi32>
      %add3A_1433 = arith.addi %add3A_1432, %iota3A : vector<16xi32>
      %min3A_1434 = arith.constant 639 : i32
      %min3A_1435 = vector.broadcast %min3A_1434 : i32 to vector<16xi32>
      %min3A_1436 = arith.minsi %add3A_1433, %min3A_1435 : vector<16xi32>
      %mul3A_1437 = arith.constant 65 : i32
      %mul3A_1438 = vector.broadcast %mul3A_1437 : i32 to vector<16xi32>
      %mul3A_1439 = arith.muli %min3A_1436, %mul3A_1438 : vector<16xi32>
      %swap3A_1440 = arith.index_cast %scan3A_1427 : i32 to index
      %swap3A_1441 = arith.constant 0 : index
      %swap3A_1442 = tpu.vector_load %arg11[%swap3A_1440, %swap3A_1441] {strides = array<i32>} : memref<40x16xi32, #tpu.memory_space<vmem>>, vector<16xi32>,
      tpu.vector_store %arg11[%swap3A_1440, %swap3A_1441], %mul3A_1439 {strides = array<i32>} : memref<40x16xi32, #tpu.memory_space<vmem>>, vector<16xi32>,
      %mul3A_1443 = arith.constant 16 : i32
      %mul3A_1444 = arith.muli %scan3A_1427, %mul3A_1443 : i32
      %swap3A_1445 = arith.constant 0 : i32
      %swap3A_1446 = arith.index_cast %swap3A_1445 : i32 to index
      %swap3A_1447 = arith.index_cast %mul3A_1444 : i32 to index
      %swap3A_1448 = tpu.vector_load %arg12[%swap3A_1446, %swap3A_1447] {strides = array<i32>} : memref<4x640xf32, #tpu.memory_space<vmem>>, vector<16xf32>,
      tpu.vector_store %arg12[%swap3A_1446, %swap3A_1447], %broadcast_in_dim3A_3 {strides = array<i32>} : memref<4x640xf32, #tpu.memory_space<vmem>>, vector<16xf32>,
      %swap3A_1449 = arith.constant 1 : i32
      %swap3A_1450 = arith.index_cast %swap3A_1449 : i32 to index
      %swap3A_1451 = arith.index_cast %mul3A_1444 : i32 to index
      %swap3A_1452 = tpu.vector_load %arg12[%swap3A_1450, %swap3A_1451] {strides = array<i32>} : memref<4x640xf32, #tpu.memory_space<vmem>>, vector<16xf32>,
      tpu.vector_store %arg12[%swap3A_1450, %swap3A_1451], %broadcast_in_dim3A_3 {strides = array<i32>} : memref<4x640xf32, #tpu.memory_space<vmem>>, vector<16xf32>,
      %swap3A_1453 = arith.constant 2 : i32
      %swap3A_1454 = arith.index_cast %swap3A_1453 : i32 to index
      %swap3A_1455 = arith.index_cast %mul3A_1444 : i32 to index
      %swap3A_1456 = tpu.vector_load %arg12[%swap3A_1454, %swap3A_1455] {strides = array<i32>} : memref<4x640xf32, #tpu.memory_space<vmem>>, vector<16xf32>,
      tpu.vector_store %arg12[%swap3A_1454, %swap3A_1455], %broadcast_in_dim3A_3 {strides = array<i32>} : memref<4x640xf32, #tpu.memory_space<vmem>>, vector<16xf32>,
      %swap3A_1457 = arith.constant 3 : i32
      %swap3A_1458 = arith.index_cast %swap3A_1457 : i32 to index
      %swap3A_1459 = arith.index_cast %mul3A_1444 : i32 to index
      %swap3A_1460 = tpu.vector_load %arg12[%swap3A_1458, %swap3A_1459] {strides = array<i32>} : memref<4x640xf32, #tpu.memory_space<vmem>>, vector<16xf32>,
      tpu.vector_store %arg12[%swap3A_1458, %swap3A_1459], %broadcast_in_dim3A_3 {strides = array<i32>} : memref<4x640xf32, #tpu.memory_space<vmem>>, vector<16xf32>,
      %scan3A_1461 = arith.constant 0 : i32
      scf.yield %scan3A_1461 : i32
    }
    %scan3A_1309 = arith.constant 40 : i32
    %scan3A_1310 = arith.constant 0 : i32
    %scan3A_1311 = arith.constant 0 : i32
    %scan3A_1312 = arith.constant 32 : i32
    %scan3A_1313 = arith.addi %scan3A_1311, %scan3A_1312 : i32
    %scan3A_1314 = arith.constant 1 : i32
    %scan3A_1315 = scf.for %scan3A_1427 = %scan3A_1311 to %scan3A_1313 step %scan3A_1314 iter_args(%scan3A_1428 = %scan3A_1310) -> (i32)  : i32 {
      %broadcast_in_dim3A_1429 = vector.broadcast %scan3A_1427 : i32 to vector<16xi32>
      %get3A = arith.constant 0 : i32
      %get3A_1430 = arith.index_cast %get3A : i32 to index
      %get3A_1431 = arith.index_cast %scan3A_1427 : i32 to index
      %get3A_1432 = arith.constant 0 : index
      %get3A_1433 = tpu.vector_load %arg10[%get3A_1430, %get3A_1431, %get3A_1432] {strides = array<i32>} : memref<8x32x16xf32, #tpu.memory_space<vmem>>, vector<16xf32>,
      %get3A_1434 = arith.constant 1 : i32
      %get3A_1435 = arith.index_cast %get3A_1434 : i32 to index
      %get3A_1436 = arith.index_cast %scan3A_1427 : i32 to index
      %get3A_1437 = arith.constant 0 : index
      %get3A_1438 = tpu.vector_load %arg10[%get3A_1435, %get3A_1436, %get3A_1437] {strides = array<i32>} : memref<8x32x16xf32, #tpu.memory_space<vmem>>, vector<16xf32>,
      %get3A_1439 = arith.constant 2 : i32
      %get3A_1440 = arith.index_cast %get3A_1439 : i32 to index
      %get3A_1441 = arith.index_cast %scan3A_1427 : i32 to index
      %get3A_1442 = arith.constant 0 : index
      %get3A_1443 = tpu.vector_load %arg10[%get3A_1440, %get3A_1441, %get3A_1442] {strides = array<i32>} : memref<8x32x16xf32, #tpu.memory_space<vmem>>, vector<16xf32>,
      %get3A_1444 = arith.constant 3 : i32
      %get3A_1445 = arith.index_cast %get3A_1444 : i32 to index
      %get3A_1446 = arith.index_cast %scan3A_1427 : i32 to index
      %get3A_1447 = arith.constant 0 : index
      %get3A_1448 = tpu.vector_load %arg10[%get3A_1445, %get3A_1446, %get3A_1447] {strides = array<i32>} : memref<8x32x16xf32, #tpu.memory_space<vmem>>, vector<16xf32>,
      %get3A_1449 = arith.constant 4 : i32
      %get3A_1450 = arith.index_cast %get3A_1449 : i32 to index
      %get3A_1451 = arith.index_cast %scan3A_1427 : i32 to index
      %get3A_1452 = arith.constant 0 : index
      %get3A_1453 = tpu.vector_load %arg10[%get3A_1450, %get3A_1451, %get3A_1452] {strides = array<i32>} : memref<8x32x16xf32, #tpu.memory_space<vmem>>, vector<16xf32>,
      %get3A_1454 = arith.constant 5 : i32
      %get3A_1455 = arith.index_cast %get3A_1454 : i32 to index
      %get3A_1456 = arith.index_cast %scan3A_1427 : i32 to index
      %get3A_1457 = arith.constant 0 : index
      %get3A_1458 = tpu.vector_load %arg10[%get3A_1455, %get3A_1456, %get3A_1457] {strides = array<i32>} : memref<8x32x16xf32, #tpu.memory_space<vmem>>, vector<16xf32>,
      %get3A_1459 = arith.constant 6 : i32
      %get3A_1460 = arith.index_cast %get3A_1459 : i32 to index
      %get3A_1461 = arith.index_cast %scan3A_1427 : i32 to index
      %get3A_1462 = arith.constant 0 : index
      %get3A_1463 = tpu.vector_load %arg10[%get3A_1460, %get3A_1461, %get3A_1462] {strides = array<i32>} : memref<8x32x16xf32, #tpu.memory_space<vmem>>, vector<16xf32>,
      %get3A_1464 = arith.constant 7 : i32
      %get3A_1465 = arith.index_cast %get3A_1464 : i32 to index
      %get3A_1466 = arith.index_cast %scan3A_1427 : i32 to index
      %get3A_1467 = arith.constant 0 : index
      %get3A_1468 = tpu.vector_load %arg10[%get3A_1465, %get3A_1466, %get3A_1467] {strides = array<i32>} : memref<8x32x16xf32, #tpu.memory_space<vmem>>, vector<16xf32>,
      %parallel_loop3A_1469 = arith.constant 0 : i32
      %parallel_loop3A_1470 = arith.constant 40 : i32
      %parallel_loop3A_1471 = arith.constant 1 : i32
      scf.for %parallel_loop3A_1473 = %parallel_loop3A_1469 to %parallel_loop3A_1470 step %parallel_loop3A_1471  : i32 {
        %parallel_loop3A_1474 = arith.index_cast %parallel_loop3A_1473 : i32 to index
        %parallel_loop3A_1475 = arith.constant 0 : index
        %parallel_loop3A_1476 = tpu.vector_load %arg11[%parallel_loop3A_1474, %parallel_loop3A_1475] {strides = array<i32>} : memref<40x16xi32, #tpu.memory_space<vmem>>, vector<16xi32>,
        %parallel_loop3A_1477 = arith.addi %parallel_loop3A_1476, %broadcast_in_dim3A_1429 : vector<16xi32>
        %parallel_loop3A_1478 = arith.constant 32 : i32
        %parallel_loop3A_1479 = vector.broadcast %parallel_loop3A_1478 : i32 to vector<16xi32>
        %parallel_loop3A_1480 = arith.addi %parallel_loop3A_1477, %parallel_loop3A_1479 : vector<16xi32>
        %parallel_loop3A_1481 = tpu.vector_load_idx %arg14[%parallel_loop3A_1477] : memref<41600xf32, #tpu.memory_space<vmem>>[vector<16xi32>], vector<16xf32>,
        %parallel_loop3A_1482 = tpu.vector_load_idx %arg14[%parallel_loop3A_1480] : memref<41600xf32, #tpu.memory_space<vmem>>[vector<16xi32>], vector<16xf32>,
        %parallel_loop3A_1483 = arith.constant 16 : i32
        %parallel_loop3A_1484 = arith.muli %parallel_loop3A_1473, %parallel_loop3A_1483 : i32
        %parallel_loop3A_1485 = arith.subf %get3A_1433, %parallel_loop3A_1481 : vector<16xf32>
        %parallel_loop3A_1486 = arith.subf %get3A_1438, %parallel_loop3A_1482 : vector<16xf32>
        %parallel_loop3A_1487 = arith.mulf %parallel_loop3A_1485, %parallel_loop3A_1485 : vector<16xf32>
        %parallel_loop3A_1488 = arith.mulf %parallel_loop3A_1486, %parallel_loop3A_1486 : vector<16xf32>
        %parallel_loop3A_1489 = arith.addf %parallel_loop3A_1487, %parallel_loop3A_1488 : vector<16xf32>
        %parallel_loop3A_1490 = vector.bitcast %parallel_loop3A_1489 : vector<16xf32> to vector<16xi32>
        %parallel_loop3A_1491 = arith.constant 1 : i32
        %parallel_loop3A_1492 = vector.broadcast %parallel_loop3A_1491 : i32 to vector<16xi32>
        %parallel_loop3A_1493 = arith.shrsi %parallel_loop3A_1490, %parallel_loop3A_1492 : vector<16xi32>
        %parallel_loop3A_1494 = arith.constant -550020641 : i32
        %parallel_loop3A_1495 = vector.broadcast %parallel_loop3A_1494 : i32 to vector<16xi32>
        %parallel_loop3A_1496 = arith.subi %parallel_loop3A_1495, %parallel_loop3A_1493 : vector<16xi32>
        %parallel_loop3A_1497 = vector.bitcast %parallel_loop3A_1496 : vector<16xi32> to vector<16xf32>
        %parallel_loop3A_1498 = arith.constant 5.000000e-01 : f32
        %parallel_loop3A_1499 = vector.broadcast %parallel_loop3A_1498 : f32 to vector<16xf32>
        %parallel_loop3A_1500 = arith.mulf %parallel_loop3A_1499, %parallel_loop3A_1489 : vector<16xf32>
        %parallel_loop3A_1501 = arith.mulf %parallel_loop3A_1497, %parallel_loop3A_1497 : vector<16xf32>
        %parallel_loop3A_1502 = arith.mulf %parallel_loop3A_1500, %parallel_loop3A_1501 : vector<16xf32>
        %parallel_loop3A_1503 = arith.constant 1.500000e+00 : f32
        %parallel_loop3A_1504 = vector.broadcast %parallel_loop3A_1503 : f32 to vector<16xf32>
        %parallel_loop3A_1505 = arith.subf %parallel_loop3A_1504, %parallel_loop3A_1502 : vector<16xf32>
        %parallel_loop3A_1506 = arith.mulf %parallel_loop3A_1497, %parallel_loop3A_1505 : vector<16xf32>
        %parallel_loop3A_1507 = arith.mulf %parallel_loop3A_1489, %parallel_loop3A_1506 : vector<16xf32>
        %parallel_loop3A_1508 = arith.constant 0 : i32
        %parallel_loop3A_1509 = arith.index_cast %parallel_loop3A_1508 : i32 to index
        %parallel_loop3A_1510 = arith.index_cast %parallel_loop3A_1484 : i32 to index
        %parallel_loop3A_1511 = tpu.vector_load %arg12[%parallel_loop3A_1509, %parallel_loop3A_1510] {strides = array<i32>} : memref<4x640xf32, #tpu.memory_space<vmem>>, vector<16xf32>,
        tpu.vector_store %arg12[%parallel_loop3A_1509, %parallel_loop3A_1510], %parallel_loop3A_1507 {add = true, strides = array<i32>} : memref<4x640xf32, #tpu.memory_space<vmem>>, vector<16xf32>,
        %parallel_loop3A_1512 = arith.subf %get3A_1443, %parallel_loop3A_1481 : vector<16xf32>
        %parallel_loop3A_1513 = arith.subf %get3A_1448, %parallel_loop3A_1482 : vector<16xf32>
        %parallel_loop3A_1514 = arith.mulf %parallel_loop3A_1512, %parallel_loop3A_1512 : vector<16xf32>
        %parallel_loop3A_1515 = arith.mulf %parallel_loop3A_1513, %parallel_loop3A_1513 : vector<16xf32>
        %parallel_loop3A_1516 = arith.addf %parallel_loop3A_1514, %parallel_loop3A_1515 : vector<16xf32>
        %parallel_loop3A_1517 = vector.bitcast %parallel_loop3A_1516 : vector<16xf32> to vector<16xi32>
        %parallel_loop3A_1518 = arith.constant 1 : i32
        %parallel_loop3A_1519 = vector.broadcast %parallel_loop3A_1518 : i32 to vector<16xi32>
        %parallel_loop3A_1520 = arith.shrsi %parallel_loop3A_1517, %parallel_loop3A_1519 : vector<16xi32>
        %parallel_loop3A_1521 = arith.constant -550020641 : i32
        %parallel_loop3A_1522 = vector.broadcast %parallel_loop3A_1521 : i32 to vector<16xi32>
        %parallel_loop3A_1523 = arith.subi %parallel_loop3A_1522, %parallel_loop3A_1520 : vector<16xi32>
        %parallel_loop3A_1524 = vector.bitcast %parallel_loop3A_1523 : vector<16xi32> to vector<16xf32>
        %parallel_loop3A_1525 = arith.constant 5.000000e-01 : f32
        %parallel_loop3A_1526 = vector.broadcast %parallel_loop3A_1525 : f32 to vector<16xf32>
        %parallel_loop3A_1527 = arith.mulf %parallel_loop3A_1526, %parallel_loop3A_1516 : vector<16xf32>
        %parallel_loop3A_1528 = arith.mulf %parallel_loop3A_1524, %parallel_loop3A_1524 : vector<16xf32>
        %parallel_loop3A_1529 = arith.mulf %parallel_loop3A_1527, %parallel_loop3A_1528 : vector<16xf32>
        %parallel_loop3A_1530 = arith.constant 1.500000e+00 : f32
        %parallel_loop3A_1531 = vector.broadcast %parallel_loop3A_1530 : f32 to vector<16xf32>
        %parallel_loop3A_1532 = arith.subf %parallel_loop3A_1531, %parallel_loop3A_1529 : vector<16xf32>
        %parallel_loop3A_1533 = arith.mulf %parallel_loop3A_1524, %parallel_loop3A_1532 : vector<16xf32>
        %parallel_loop3A_1534 = arith.mulf %parallel_loop3A_1516, %parallel_loop3A_1533 : vector<16xf32>
        %parallel_loop3A_1535 = arith.constant 1 : i32
        %parallel_loop3A_1536 = arith.index_cast %parallel_loop3A_1535 : i32 to index
        %parallel_loop3A_1537 = arith.index_cast %parallel_loop3A_1484 : i32 to index
        %parallel_loop3A_1538 = tpu.vector_load %arg12[%parallel_loop3A_1536, %parallel_loop3A_1537] {strides = array<i32>} : memref<4x640xf32, #tpu.memory_space<vmem>>, vector<16xf32>,
        tpu.vector_store %arg12[%parallel_loop3A_1536, %parallel_loop3A_1537], %parallel_loop3A_1534 {add = true, strides = array<i32>} : memref<4x640xf32, #tpu.memory_space<vmem>>, vector<16xf32>,
        %parallel_loop3A_1539 = arith.subf %get3A_1453, %parallel_loop3A_1481 : vector<16xf32>
        %parallel_loop3A_1540 = arith.subf %get3A_1458, %parallel_loop3A_1482 : vector<16xf32>
        %parallel_loop3A_1541 = arith.mulf %parallel_loop3A_1539, %parallel_loop3A_1539 : vector<16xf32>
        %parallel_loop3A_1542 = arith.mulf %parallel_loop3A_1540, %parallel_loop3A_1540 : vector<16xf32>
        %parallel_loop3A_1543 = arith.addf %parallel_loop3A_1541, %parallel_loop3A_1542 : vector<16xf32>
        %parallel_loop3A_1544 = vector.bitcast %parallel_loop3A_1543 : vector<16xf32> to vector<16xi32>
        %parallel_loop3A_1545 = arith.constant 1 : i32
        %parallel_loop3A_1546 = vector.broadcast %parallel_loop3A_1545 : i32 to vector<16xi32>
        %parallel_loop3A_1547 = arith.shrsi %parallel_loop3A_1544, %parallel_loop3A_1546 : vector<16xi32>
        %parallel_loop3A_1548 = arith.constant -550020641 : i32
        %parallel_loop3A_1549 = vector.broadcast %parallel_loop3A_1548 : i32 to vector<16xi32>
        %parallel_loop3A_1550 = arith.subi %parallel_loop3A_1549, %parallel_loop3A_1547 : vector<16xi32>
        %parallel_loop3A_1551 = vector.bitcast %parallel_loop3A_1550 : vector<16xi32> to vector<16xf32>
        %parallel_loop3A_1552 = arith.constant 5.000000e-01 : f32
        %parallel_loop3A_1553 = vector.broadcast %parallel_loop3A_1552 : f32 to vector<16xf32>
        %parallel_loop3A_1554 = arith.mulf %parallel_loop3A_1553, %parallel_loop3A_1543 : vector<16xf32>
        %parallel_loop3A_1555 = arith.mulf %parallel_loop3A_1551, %parallel_loop3A_1551 : vector<16xf32>
        %parallel_loop3A_1556 = arith.mulf %parallel_loop3A_1554, %parallel_loop3A_1555 : vector<16xf32>
        %parallel_loop3A_1557 = arith.constant 1.500000e+00 : f32
        %parallel_loop3A_1558 = vector.broadcast %parallel_loop3A_1557 : f32 to vector<16xf32>
        %parallel_loop3A_1559 = arith.subf %parallel_loop3A_1558, %parallel_loop3A_1556 : vector<16xf32>
        %parallel_loop3A_1560 = arith.mulf %parallel_loop3A_1551, %parallel_loop3A_1559 : vector<16xf32>
        %parallel_loop3A_1561 = arith.mulf %parallel_loop3A_1543, %parallel_loop3A_1560 : vector<16xf32>
        %parallel_loop3A_1562 = arith.constant 2 : i32
        %parallel_loop3A_1563 = arith.index_cast %parallel_loop3A_1562 : i32 to index
        %parallel_loop3A_1564 = arith.index_cast %parallel_loop3A_1484 : i32 to index
        %parallel_loop3A_1565 = tpu.vector_load %arg12[%parallel_loop3A_1563, %parallel_loop3A_1564] {strides = array<i32>} : memref<4x640xf32, #tpu.memory_space<vmem>>, vector<16xf32>,
        tpu.vector_store %arg12[%parallel_loop3A_1563, %parallel_loop3A_1564], %parallel_loop3A_1561 {add = true, strides = array<i32>} : memref<4x640xf32, #tpu.memory_space<vmem>>, vector<16xf32>,
        %parallel_loop3A_1566 = arith.subf %get3A_1463, %parallel_loop3A_1481 : vector<16xf32>
        %parallel_loop3A_1567 = arith.subf %get3A_1468, %parallel_loop3A_1482 : vector<16xf32>
        %parallel_loop3A_1568 = arith.mulf %parallel_loop3A_1566, %parallel_loop3A_1566 : vector<16xf32>
        %parallel_loop3A_1569 = arith.mulf %parallel_loop3A_1567, %parallel_loop3A_1567 : vector<16xf32>
        %parallel_loop3A_1570 = arith.addf %parallel_loop3A_1568, %parallel_loop3A_1569 : vector<16xf32>
        %parallel_loop3A_1571 = vector.bitcast %parallel_loop3A_1570 : vector<16xf32> to vector<16xi32>
        %parallel_loop3A_1572 = arith.constant 1 : i32
        %parallel_loop3A_1573 = vector.broadcast %parallel_loop3A_1572 : i32 to vector<16xi32>
        %parallel_loop3A_1574 = arith.shrsi %parallel_loop3A_1571, %parallel_loop3A_1573 : vector<16xi32>
        %parallel_loop3A_1575 = arith.constant -550020641 : i32
        %parallel_loop3A_1576 = vector.broadcast %parallel_loop3A_1575 : i32 to vector<16xi32>
        %parallel_loop3A_1577 = arith.subi %parallel_loop3A_1576, %parallel_loop3A_1574 : vector<16xi32>
        %parallel_loop3A_1578 = vector.bitcast %parallel_loop3A_1577 : vector<16xi32> to vector<16xf32>
        %parallel_loop3A_1579 = arith.constant 5.000000e-01 : f32
        %parallel_loop3A_1580 = vector.broadcast %parallel_loop3A_1579 : f32 to vector<16xf32>
        %parallel_loop3A_1581 = arith.mulf %parallel_loop3A_1580, %parallel_loop3A_1570 : vector<16xf32>
        %parallel_loop3A_1582 = arith.mulf %parallel_loop3A_1578, %parallel_loop3A_1578 : vector<16xf32>
        %parallel_loop3A_1583 = arith.mulf %parallel_loop3A_1581, %parallel_loop3A_1582 : vector<16xf32>
        %parallel_loop3A_1584 = arith.constant 1.500000e+00 : f32
        %parallel_loop3A_1585 = vector.broadcast %parallel_loop3A_1584 : f32 to vector<16xf32>
        %parallel_loop3A_1586 = arith.subf %parallel_loop3A_1585, %parallel_loop3A_1583 : vector<16xf32>
        %parallel_loop3A_1587 = arith.mulf %parallel_loop3A_1578, %parallel_loop3A_1586 : vector<16xf32>
        %parallel_loop3A_1588 = arith.mulf %parallel_loop3A_1570, %parallel_loop3A_1587 : vector<16xf32>
        %parallel_loop3A_1589 = arith.constant 3 : i32
        %parallel_loop3A_1590 = arith.index_cast %parallel_loop3A_1589 : i32 to index
        %parallel_loop3A_1591 = arith.index_cast %parallel_loop3A_1484 : i32 to index
        %parallel_loop3A_1592 = tpu.vector_load %arg12[%parallel_loop3A_1590, %parallel_loop3A_1591] {strides = array<i32>} : memref<4x640xf32, #tpu.memory_space<vmem>>, vector<16xf32>,
        tpu.vector_store %arg12[%parallel_loop3A_1590, %parallel_loop3A_1591], %parallel_loop3A_1588 {add = true, strides = array<i32>} : memref<4x640xf32, #tpu.memory_space<vmem>>, vector<16xf32>,
      } {sc.loop_unroll_factor = 2 : i64, sc.parallel_access}
      %scan3A_1472 = arith.constant 0 : i32
      scf.yield %scan3A_1472 : i32
    }
    %scan3A_1316 = arith.constant 32 : i32
    %multiple_of3A_1317 = tpu.assume_multiple %add3A_1299, 128 : i32
    "tpu.region"() ({
      %run_scoped3A = tpu.sem_alloc : memref<!tpu.dma_semaphore, #tpu.memory_space<semaphore_mem>>
      %dma_start3A_1427 = arith.constant 0 : i32
      %dma_start3A_1428 = tpu.memref_slice %arg5[%dma_start3A_1427, %multiple_of3A_1317] : memref<4x102400xf32, #tpu.memory_space<hbm>> -> memref<4x640xf32, #tpu.memory_space<hbm>>
      %dma_start3A_1429 = arith.constant 0 : i32
      %dma_start3A_1430 = tpu.memref_slice %arg5[%dma_start3A_1429, %multiple_of3A_1317] : memref<4x102400xf32, #tpu.memory_space<hbm>> -> memref<4x640xf32, #tpu.memory_space<hbm>>
      tpu.enqueue_dma source(%arg12 : memref<4x640xf32, #tpu.memory_space<vmem>>) target(%dma_start3A_1430 : memref<4x640xf32, #tpu.memory_space<hbm>>) target_semaphore(%run_scoped3A : memref<!tpu.dma_semaphore, #tpu.memory_space<semaphore_mem>>)
      %dma_wait3A_1431 = arith.constant 0 : i32
      %dma_wait3A_1432 = tpu.memref_slice %arg5[%dma_wait3A_1431, %multiple_of3A_1317] : memref<4x102400xf32, #tpu.memory_space<hbm>> -> memref<4x640xf32, #tpu.memory_space<hbm>>
      %dma_wait3A_1433 = arith.constant 0 : i32
      %dma_wait3A_1434 = tpu.memref_slice %arg5[%dma_wait3A_1433, %multiple_of3A_1317] : memref<4x102400xf32, #tpu.memory_space<hbm>> -> memref<4x640xf32, #tpu.memory_space<hbm>>
      tpu.wait_dma2 semaphore(%run_scoped3A : memref<!tpu.dma_semaphore, #tpu.memory_space<semaphore_mem>>) src(%arg12 : memref<4x640xf32, #tpu.memory_space<vmem>>) dst(%dma_wait3A_1434 : memref<4x640xf32, #tpu.memory_space<hbm>>)
      tpu.yield
    }) : () -> ()
    %dma_wait3A_1318 = arith.constant 0 : i32
    %dma_wait3A_1319 = arith.constant 0 : i32
    %dma_wait3A_1320 = tpu.memref_slice %arg3[%dma_wait3A_1318, %dma_wait3A_1319] : memref<100000x64xf32, #tpu.memory_space<hbm>> -> memref<320x64xf32, #tpu.memory_space<hbm>>
    %dma_wait3A_1321 = arith.constant 0 : i32
    %dma_wait3A_1322 = arith.constant 0 : i32
    %dma_wait3A_1323 = tpu.memref_slice %arg3[%dma_wait3A_1321, %dma_wait3A_1322] : memref<100000x64xf32, #tpu.memory_space<hbm>> -> memref<320x64xf32, #tpu.memory_space<hbm>>
    tpu.wait_dma2 semaphore(%arg15 : memref<!tpu.dma_semaphore, #tpu.memory_space<semaphore_mem>>) src(%dma_wait3A_1323 : memref<320x64xf32, #tpu.memory_space<hbm>>) dst(%arg13 : memref<320x64xf32, #tpu.memory_space<vmem>>)
    %parallel_loop3A_1324 = arith.constant 0 : i32
    %parallel_loop3A_1325 = arith.constant 320 : i32
    %parallel_loop3A_1326 = arith.constant 1 : i32
    scf.for %parallel_loop3A_1427 = %parallel_loop3A_1324 to %parallel_loop3A_1325 step %parallel_loop3A_1326  : i32 {
      %parallel_loop3A_1428 = arith.constant 0 : i32
      %parallel_loop3A_1429 = arith.addi %parallel_loop3A_1427, %parallel_loop3A_1428 : i32
      %parallel_loop3A_1430 = arith.constant 65 : i32
      %parallel_loop3A_1431 = arith.muli %parallel_loop3A_1429, %parallel_loop3A_1430 : i32
      %parallel_loop3A_1432 = arith.index_cast %parallel_loop3A_1427 : i32 to index
      %parallel_loop3A_1433 = arith.constant 0 : index
      %parallel_loop3A_1434 = tpu.vector_load %arg13[%parallel_loop3A_1432, %parallel_loop3A_1433] {strides = array<i32>} : memref<320x64xf32, #tpu.memory_space<vmem>>, vector<16xf32>,
      %parallel_loop3A_1435 = arith.constant 0 : i32
      %parallel_loop3A_1436 = arith.addi %parallel_loop3A_1431, %parallel_loop3A_1435 : i32
      %parallel_loop3A_1437 = arith.index_cast %parallel_loop3A_1436 : i32 to index
      %parallel_loop3A_1438 = tpu.vector_load %arg14[%parallel_loop3A_1437] {strides = array<i32>} : memref<41600xf32, #tpu.memory_space<vmem>>, vector<16xf32>,
      tpu.vector_store %arg14[%parallel_loop3A_1437], %parallel_loop3A_1434 {strides = array<i32>} : memref<41600xf32, #tpu.memory_space<vmem>>, vector<16xf32>,
      %parallel_loop3A_1439 = arith.index_cast %parallel_loop3A_1427 : i32 to index
      %parallel_loop3A_1440 = arith.constant 16 : index
      %parallel_loop3A_1441 = tpu.vector_load %arg13[%parallel_loop3A_1439, %parallel_loop3A_1440] {strides = array<i32>} : memref<320x64xf32, #tpu.memory_space<vmem>>, vector<16xf32>,
      %parallel_loop3A_1442 = arith.constant 16 : i32
      %parallel_loop3A_1443 = arith.addi %parallel_loop3A_1431, %parallel_loop3A_1442 : i32
      %parallel_loop3A_1444 = arith.index_cast %parallel_loop3A_1443 : i32 to index
      %parallel_loop3A_1445 = tpu.vector_load %arg14[%parallel_loop3A_1444] {strides = array<i32>} : memref<41600xf32, #tpu.memory_space<vmem>>, vector<16xf32>,
      tpu.vector_store %arg14[%parallel_loop3A_1444], %parallel_loop3A_1441 {strides = array<i32>} : memref<41600xf32, #tpu.memory_space<vmem>>, vector<16xf32>,
      %parallel_loop3A_1446 = arith.index_cast %parallel_loop3A_1427 : i32 to index
      %parallel_loop3A_1447 = arith.constant 32 : index
      %parallel_loop3A_1448 = tpu.vector_load %arg13[%parallel_loop3A_1446, %parallel_loop3A_1447] {strides = array<i32>} : memref<320x64xf32, #tpu.memory_space<vmem>>, vector<16xf32>,
      %parallel_loop3A_1449 = arith.constant 32 : i32
      %parallel_loop3A_1450 = arith.addi %parallel_loop3A_1431, %parallel_loop3A_1449 : i32
      %parallel_loop3A_1451 = arith.index_cast %parallel_loop3A_1450 : i32 to index
      %parallel_loop3A_1452 = tpu.vector_load %arg14[%parallel_loop3A_1451] {strides = array<i32>} : memref<41600xf32, #tpu.memory_space<vmem>>, vector<16xf32>,
      tpu.vector_store %arg14[%parallel_loop3A_1451], %parallel_loop3A_1448 {strides = array<i32>} : memref<41600xf32, #tpu.memory_space<vmem>>, vector<16xf32>,
      %parallel_loop3A_1453 = arith.index_cast %parallel_loop3A_1427 : i32 to index
      %parallel_loop3A_1454 = arith.constant 48 : index
      %parallel_loop3A_1455 = tpu.vector_load %arg13[%parallel_loop3A_1453, %parallel_loop3A_1454] {strides = array<i32>} : memref<320x64xf32, #tpu.memory_space<vmem>>, vector<16xf32>,
      %parallel_loop3A_1456 = arith.constant 48 : i32
      %parallel_loop3A_1457 = arith.addi %parallel_loop3A_1431, %parallel_loop3A_1456 : i32
      %parallel_loop3A_1458 = arith.index_cast %parallel_loop3A_1457 : i32 to index
      %parallel_loop3A_1459 = tpu.vector_load %arg14[%parallel_loop3A_1458] {strides = array<i32>} : memref<41600xf32, #tpu.memory_space<vmem>>, vector<16xf32>,
      tpu.vector_store %arg14[%parallel_loop3A_1458], %parallel_loop3A_1455 {strides = array<i32>} : memref<41600xf32, #tpu.memory_space<vmem>>, vector<16xf32>,
    } {sc.loop_unroll_factor = 2 : i64, sc.parallel_access}
    %add3A_1327 = arith.constant 1920 : i32
    %add3A_1328 = arith.addi %mul3A_2, %add3A_1327 : i32
    %min3A_1329 = arith.constant 99360 : i32
    %min3A_1330 = arith.minsi %add3A_1328, %min3A_1329 : i32
    %add3A_1331 = arith.constant 320 : i32
    %add3A_1332 = arith.addi %min3A_1330, %add3A_1331 : i32
    %multiple_of3A_1333 = tpu.assume_multiple %add3A_1332, 8 : i32
    %dma_start3A_1334 = arith.constant 0 : i32
    %dma_start3A_1335 = tpu.memref_slice %arg3[%multiple_of3A_1333, %dma_start3A_1334] : memref<100000x64xf32, #tpu.memory_space<hbm>> -> memref<320x64xf32, #tpu.memory_space<hbm>>
    %dma_start3A_1336 = arith.constant 0 : i32
    %dma_start3A_1337 = tpu.memref_slice %arg3[%multiple_of3A_1333, %dma_start3A_1336] : memref<100000x64xf32, #tpu.memory_space<hbm>> -> memref<320x64xf32, #tpu.memory_space<hbm>>
    tpu.enqueue_dma source(%dma_start3A_1337 : memref<320x64xf32, #tpu.memory_space<hbm>>) target(%arg13 : memref<320x64xf32, #tpu.memory_space<vmem>>) target_semaphore(%arg15 : memref<!tpu.dma_semaphore, #tpu.memory_space<semaphore_mem>>)
    %dma_wait3A_1338 = arith.constant 0 : i32
    %dma_wait3A_1339 = arith.constant 0 : i32
    %dma_wait3A_1340 = tpu.memref_slice %arg3[%dma_wait3A_1338, %dma_wait3A_1339] : memref<100000x64xf32, #tpu.memory_space<hbm>> -> memref<320x64xf32, #tpu.memory_space<hbm>>
    %dma_wait3A_1341 = arith.constant 0 : i32
    %dma_wait3A_1342 = arith.constant 0 : i32
    %dma_wait3A_1343 = tpu.memref_slice %arg3[%dma_wait3A_1341, %dma_wait3A_1342] : memref<100000x64xf32, #tpu.memory_space<hbm>> -> memref<320x64xf32, #tpu.memory_space<hbm>>
    tpu.wait_dma2 semaphore(%arg15 : memref<!tpu.dma_semaphore, #tpu.memory_space<semaphore_mem>>) src(%dma_wait3A_1343 : memref<320x64xf32, #tpu.memory_space<hbm>>) dst(%arg13 : memref<320x64xf32, #tpu.memory_space<vmem>>)
    %parallel_loop3A_1344 = arith.constant 0 : i32
    %parallel_loop3A_1345 = arith.constant 320 : i32
    %parallel_loop3A_1346 = arith.constant 1 : i32
    scf.for %parallel_loop3A_1427 = %parallel_loop3A_1344 to %parallel_loop3A_1345 step %parallel_loop3A_1346  : i32 {
      %parallel_loop3A_1428 = arith.constant 320 : i32
      %parallel_loop3A_1429 = arith.addi %parallel_loop3A_1427, %parallel_loop3A_1428 : i32
      %parallel_loop3A_1430 = arith.constant 65 : i32
      %parallel_loop3A_1431 = arith.muli %parallel_loop3A_1429, %parallel_loop3A_1430 : i32
      %parallel_loop3A_1432 = arith.index_cast %parallel_loop3A_1427 : i32 to index
      %parallel_loop3A_1433 = arith.constant 0 : index
      %parallel_loop3A_1434 = tpu.vector_load %arg13[%parallel_loop3A_1432, %parallel_loop3A_1433] {strides = array<i32>} : memref<320x64xf32, #tpu.memory_space<vmem>>, vector<16xf32>,
      %parallel_loop3A_1435 = arith.constant 0 : i32
      %parallel_loop3A_1436 = arith.addi %parallel_loop3A_1431, %parallel_loop3A_1435 : i32
      %parallel_loop3A_1437 = arith.index_cast %parallel_loop3A_1436 : i32 to index
      %parallel_loop3A_1438 = tpu.vector_load %arg14[%parallel_loop3A_1437] {strides = array<i32>} : memref<41600xf32, #tpu.memory_space<vmem>>, vector<16xf32>,
      tpu.vector_store %arg14[%parallel_loop3A_1437], %parallel_loop3A_1434 {strides = array<i32>} : memref<41600xf32, #tpu.memory_space<vmem>>, vector<16xf32>,
      %parallel_loop3A_1439 = arith.index_cast %parallel_loop3A_1427 : i32 to index
      %parallel_loop3A_1440 = arith.constant 16 : index
      %parallel_loop3A_1441 = tpu.vector_load %arg13[%parallel_loop3A_1439, %parallel_loop3A_1440] {strides = array<i32>} : memref<320x64xf32, #tpu.memory_space<vmem>>, vector<16xf32>,
      %parallel_loop3A_1442 = arith.constant 16 : i32
      %parallel_loop3A_1443 = arith.addi %parallel_loop3A_1431, %parallel_loop3A_1442 : i32
      %parallel_loop3A_1444 = arith.index_cast %parallel_loop3A_1443 : i32 to index
      %parallel_loop3A_1445 = tpu.vector_load %arg14[%parallel_loop3A_1444] {strides = array<i32>} : memref<41600xf32, #tpu.memory_space<vmem>>, vector<16xf32>,
      tpu.vector_store %arg14[%parallel_loop3A_1444], %parallel_loop3A_1441 {strides = array<i32>} : memref<41600xf32, #tpu.memory_space<vmem>>, vector<16xf32>,
      %parallel_loop3A_1446 = arith.index_cast %parallel_loop3A_1427 : i32 to index
      %parallel_loop3A_1447 = arith.constant 32 : index
      %parallel_loop3A_1448 = tpu.vector_load %arg13[%parallel_loop3A_1446, %parallel_loop3A_1447] {strides = array<i32>} : memref<320x64xf32, #tpu.memory_space<vmem>>, vector<16xf32>,
      %parallel_loop3A_1449 = arith.constant 32 : i32
      %parallel_loop3A_1450 = arith.addi %parallel_loop3A_1431, %parallel_loop3A_1449 : i32
      %parallel_loop3A_1451 = arith.index_cast %parallel_loop3A_1450 : i32 to index
      %parallel_loop3A_1452 = tpu.vector_load %arg14[%parallel_loop3A_1451] {strides = array<i32>} : memref<41600xf32, #tpu.memory_space<vmem>>, vector<16xf32>,
      tpu.vector_store %arg14[%parallel_loop3A_1451], %parallel_loop3A_1448 {strides = array<i32>} : memref<41600xf32, #tpu.memory_space<vmem>>, vector<16xf32>,
      %parallel_loop3A_1453 = arith.index_cast %parallel_loop3A_1427 : i32 to index
      %parallel_loop3A_1454 = arith.constant 48 : index
      %parallel_loop3A_1455 = tpu.vector_load %arg13[%parallel_loop3A_1453, %parallel_loop3A_1454] {strides = array<i32>} : memref<320x64xf32, #tpu.memory_space<vmem>>, vector<16xf32>,
      %parallel_loop3A_1456 = arith.constant 48 : i32
      %parallel_loop3A_1457 = arith.addi %parallel_loop3A_1431, %parallel_loop3A_1456 : i32
      %parallel_loop3A_1458 = arith.index_cast %parallel_loop3A_1457 : i32 to index
      %parallel_loop3A_1459 = tpu.vector_load %arg14[%parallel_loop3A_1458] {strides = array<i32>} : memref<41600xf32, #tpu.memory_space<vmem>>, vector<16xf32>,
      tpu.vector_store %arg14[%parallel_loop3A_1458], %parallel_loop3A_1455 {strides = array<i32>} : memref<41600xf32, #tpu.memory_space<vmem>>, vector<16xf32>,
    } {sc.loop_unroll_factor = 2 : i64, sc.parallel_access}
    %add3A_1347 = arith.constant 2560 : i32
    %add3A_1348 = arith.addi %mul3A_2, %add3A_1347 : i32
    %min3A_1349 = arith.constant 99360 : i32
    %min3A_1350 = arith.minsi %add3A_1348, %min3A_1349 : i32
    %add3A_1351 = arith.constant 0 : i32
    %add3A_1352 = arith.addi %min3A_1350, %add3A_1351 : i32
    %multiple_of3A_1353 = tpu.assume_multiple %add3A_1352, 8 : i32
    %dma_start3A_1354 = arith.constant 0 : i32
    %dma_start3A_1355 = tpu.memref_slice %arg3[%multiple_of3A_1353, %dma_start3A_1354] : memref<100000x64xf32, #tpu.memory_space<hbm>> -> memref<320x64xf32, #tpu.memory_space<hbm>>
    %dma_start3A_1356 = arith.constant 0 : i32
    %dma_start3A_1357 = tpu.memref_slice %arg3[%multiple_of3A_1353, %dma_start3A_1356] : memref<100000x64xf32, #tpu.memory_space<hbm>> -> memref<320x64xf32, #tpu.memory_space<hbm>>
    tpu.enqueue_dma source(%dma_start3A_1357 : memref<320x64xf32, #tpu.memory_space<hbm>>) target(%arg13 : memref<320x64xf32, #tpu.memory_space<vmem>>) target_semaphore(%arg15 : memref<!tpu.dma_semaphore, #tpu.memory_space<semaphore_mem>>)
    %add3A_1358 = arith.constant 1920 : i32
    %add3A_1359 = arith.addi %mul3A_2, %add3A_1358 : i32
    %min3A_1360 = arith.constant 99360 : i32
    %min3A_1361 = arith.minsi %add3A_1359, %min3A_1360 : i32
    %sub3A_1362 = arith.subi %add3A_1359, %min3A_1361 : i32
    %scan3A_1363 = arith.constant 0 : i32
    %scan3A_1364 = arith.constant 0 : i32
    %scan3A_1365 = arith.constant 40 : i32
    %scan3A_1366 = arith.addi %scan3A_1364, %scan3A_1365 : i32
    %scan3A_1367 = arith.constant 1 : i32
    %scan3A_1368 = scf.for %scan3A_1427 = %scan3A_1364 to %scan3A_1366 step %scan3A_1367 iter_args(%scan3A_1428 = %scan3A_1363) -> (i32)  : i32 {
      %mul3A_1429 = arith.constant 16 : i32
      %mul3A_1430 = arith.muli %scan3A_1427, %mul3A_1429 : i32
      %add3A_1431 = arith.addi %sub3A_1362, %mul3A_1430 : i32
      %add3A_1432 = vector.broadcast %add3A_1431 : i32 to vector<16xi32>
      %add3A_1433 = arith.addi %add3A_1432, %iota3A : vector<16xi32>
      %min3A_1434 = arith.constant 639 : i32
      %min3A_1435 = vector.broadcast %min3A_1434 : i32 to vector<16xi32>
      %min3A_1436 = arith.minsi %add3A_1433, %min3A_1435 : vector<16xi32>
      %mul3A_1437 = arith.constant 65 : i32
      %mul3A_1438 = vector.broadcast %mul3A_1437 : i32 to vector<16xi32>
      %mul3A_1439 = arith.muli %min3A_1436, %mul3A_1438 : vector<16xi32>
      %swap3A_1440 = arith.index_cast %scan3A_1427 : i32 to index
      %swap3A_1441 = arith.constant 0 : index
      %swap3A_1442 = tpu.vector_load %arg11[%swap3A_1440, %swap3A_1441] {strides = array<i32>} : memref<40x16xi32, #tpu.memory_space<vmem>>, vector<16xi32>,
      tpu.vector_store %arg11[%swap3A_1440, %swap3A_1441], %mul3A_1439 {strides = array<i32>} : memref<40x16xi32, #tpu.memory_space<vmem>>, vector<16xi32>,
      %mul3A_1443 = arith.constant 16 : i32
      %mul3A_1444 = arith.muli %scan3A_1427, %mul3A_1443 : i32
      %swap3A_1445 = arith.constant 0 : i32
      %swap3A_1446 = arith.index_cast %swap3A_1445 : i32 to index
      %swap3A_1447 = arith.index_cast %mul3A_1444 : i32 to index
      %swap3A_1448 = tpu.vector_load %arg12[%swap3A_1446, %swap3A_1447] {strides = array<i32>} : memref<4x640xf32, #tpu.memory_space<vmem>>, vector<16xf32>,
      tpu.vector_store %arg12[%swap3A_1446, %swap3A_1447], %broadcast_in_dim3A_3 {strides = array<i32>} : memref<4x640xf32, #tpu.memory_space<vmem>>, vector<16xf32>,
      %swap3A_1449 = arith.constant 1 : i32
      %swap3A_1450 = arith.index_cast %swap3A_1449 : i32 to index
      %swap3A_1451 = arith.index_cast %mul3A_1444 : i32 to index
      %swap3A_1452 = tpu.vector_load %arg12[%swap3A_1450, %swap3A_1451] {strides = array<i32>} : memref<4x640xf32, #tpu.memory_space<vmem>>, vector<16xf32>,
      tpu.vector_store %arg12[%swap3A_1450, %swap3A_1451], %broadcast_in_dim3A_3 {strides = array<i32>} : memref<4x640xf32, #tpu.memory_space<vmem>>, vector<16xf32>,
      %swap3A_1453 = arith.constant 2 : i32
      %swap3A_1454 = arith.index_cast %swap3A_1453 : i32 to index
      %swap3A_1455 = arith.index_cast %mul3A_1444 : i32 to index
      %swap3A_1456 = tpu.vector_load %arg12[%swap3A_1454, %swap3A_1455] {strides = array<i32>} : memref<4x640xf32, #tpu.memory_space<vmem>>, vector<16xf32>,
      tpu.vector_store %arg12[%swap3A_1454, %swap3A_1455], %broadcast_in_dim3A_3 {strides = array<i32>} : memref<4x640xf32, #tpu.memory_space<vmem>>, vector<16xf32>,
      %swap3A_1457 = arith.constant 3 : i32
      %swap3A_1458 = arith.index_cast %swap3A_1457 : i32 to index
      %swap3A_1459 = arith.index_cast %mul3A_1444 : i32 to index
      %swap3A_1460 = tpu.vector_load %arg12[%swap3A_1458, %swap3A_1459] {strides = array<i32>} : memref<4x640xf32, #tpu.memory_space<vmem>>, vector<16xf32>,
      tpu.vector_store %arg12[%swap3A_1458, %swap3A_1459], %broadcast_in_dim3A_3 {strides = array<i32>} : memref<4x640xf32, #tpu.memory_space<vmem>>, vector<16xf32>,
      %scan3A_1461 = arith.constant 0 : i32
      scf.yield %scan3A_1461 : i32
    }
    %scan3A_1369 = arith.constant 40 : i32
    %scan3A_1370 = arith.constant 0 : i32
    %scan3A_1371 = arith.constant 0 : i32
    %scan3A_1372 = arith.constant 32 : i32
    %scan3A_1373 = arith.addi %scan3A_1371, %scan3A_1372 : i32
    %scan3A_1374 = arith.constant 1 : i32
    %scan3A_1375 = scf.for %scan3A_1427 = %scan3A_1371 to %scan3A_1373 step %scan3A_1374 iter_args(%scan3A_1428 = %scan3A_1370) -> (i32)  : i32 {
      %broadcast_in_dim3A_1429 = vector.broadcast %scan3A_1427 : i32 to vector<16xi32>
      %get3A = arith.constant 0 : i32
      %get3A_1430 = arith.index_cast %get3A : i32 to index
      %get3A_1431 = arith.index_cast %scan3A_1427 : i32 to index
      %get3A_1432 = arith.constant 0 : index
      %get3A_1433 = tpu.vector_load %arg10[%get3A_1430, %get3A_1431, %get3A_1432] {strides = array<i32>} : memref<8x32x16xf32, #tpu.memory_space<vmem>>, vector<16xf32>,
      %get3A_1434 = arith.constant 1 : i32
      %get3A_1435 = arith.index_cast %get3A_1434 : i32 to index
      %get3A_1436 = arith.index_cast %scan3A_1427 : i32 to index
      %get3A_1437 = arith.constant 0 : index
      %get3A_1438 = tpu.vector_load %arg10[%get3A_1435, %get3A_1436, %get3A_1437] {strides = array<i32>} : memref<8x32x16xf32, #tpu.memory_space<vmem>>, vector<16xf32>,
      %get3A_1439 = arith.constant 2 : i32
      %get3A_1440 = arith.index_cast %get3A_1439 : i32 to index
      %get3A_1441 = arith.index_cast %scan3A_1427 : i32 to index
      %get3A_1442 = arith.constant 0 : index
      %get3A_1443 = tpu.vector_load %arg10[%get3A_1440, %get3A_1441, %get3A_1442] {strides = array<i32>} : memref<8x32x16xf32, #tpu.memory_space<vmem>>, vector<16xf32>,
      %get3A_1444 = arith.constant 3 : i32
      %get3A_1445 = arith.index_cast %get3A_1444 : i32 to index
      %get3A_1446 = arith.index_cast %scan3A_1427 : i32 to index
      %get3A_1447 = arith.constant 0 : index
      %get3A_1448 = tpu.vector_load %arg10[%get3A_1445, %get3A_1446, %get3A_1447] {strides = array<i32>} : memref<8x32x16xf32, #tpu.memory_space<vmem>>, vector<16xf32>,
      %get3A_1449 = arith.constant 4 : i32
      %get3A_1450 = arith.index_cast %get3A_1449 : i32 to index
      %get3A_1451 = arith.index_cast %scan3A_1427 : i32 to index
      %get3A_1452 = arith.constant 0 : index
      %get3A_1453 = tpu.vector_load %arg10[%get3A_1450, %get3A_1451, %get3A_1452] {strides = array<i32>} : memref<8x32x16xf32, #tpu.memory_space<vmem>>, vector<16xf32>,
      %get3A_1454 = arith.constant 5 : i32
      %get3A_1455 = arith.index_cast %get3A_1454 : i32 to index
      %get3A_1456 = arith.index_cast %scan3A_1427 : i32 to index
      %get3A_1457 = arith.constant 0 : index
      %get3A_1458 = tpu.vector_load %arg10[%get3A_1455, %get3A_1456, %get3A_1457] {strides = array<i32>} : memref<8x32x16xf32, #tpu.memory_space<vmem>>, vector<16xf32>,
      %get3A_1459 = arith.constant 6 : i32
      %get3A_1460 = arith.index_cast %get3A_1459 : i32 to index
      %get3A_1461 = arith.index_cast %scan3A_1427 : i32 to index
      %get3A_1462 = arith.constant 0 : index
      %get3A_1463 = tpu.vector_load %arg10[%get3A_1460, %get3A_1461, %get3A_1462] {strides = array<i32>} : memref<8x32x16xf32, #tpu.memory_space<vmem>>, vector<16xf32>,
      %get3A_1464 = arith.constant 7 : i32
      %get3A_1465 = arith.index_cast %get3A_1464 : i32 to index
      %get3A_1466 = arith.index_cast %scan3A_1427 : i32 to index
      %get3A_1467 = arith.constant 0 : index
      %get3A_1468 = tpu.vector_load %arg10[%get3A_1465, %get3A_1466, %get3A_1467] {strides = array<i32>} : memref<8x32x16xf32, #tpu.memory_space<vmem>>, vector<16xf32>,
      %parallel_loop3A_1469 = arith.constant 0 : i32
      %parallel_loop3A_1470 = arith.constant 40 : i32
      %parallel_loop3A_1471 = arith.constant 1 : i32
      scf.for %parallel_loop3A_1473 = %parallel_loop3A_1469 to %parallel_loop3A_1470 step %parallel_loop3A_1471  : i32 {
        %parallel_loop3A_1474 = arith.index_cast %parallel_loop3A_1473 : i32 to index
        %parallel_loop3A_1475 = arith.constant 0 : index
        %parallel_loop3A_1476 = tpu.vector_load %arg11[%parallel_loop3A_1474, %parallel_loop3A_1475] {strides = array<i32>} : memref<40x16xi32, #tpu.memory_space<vmem>>, vector<16xi32>,
        %parallel_loop3A_1477 = arith.addi %parallel_loop3A_1476, %broadcast_in_dim3A_1429 : vector<16xi32>
        %parallel_loop3A_1478 = arith.constant 32 : i32
        %parallel_loop3A_1479 = vector.broadcast %parallel_loop3A_1478 : i32 to vector<16xi32>
        %parallel_loop3A_1480 = arith.addi %parallel_loop3A_1477, %parallel_loop3A_1479 : vector<16xi32>
        %parallel_loop3A_1481 = tpu.vector_load_idx %arg14[%parallel_loop3A_1477] : memref<41600xf32, #tpu.memory_space<vmem>>[vector<16xi32>], vector<16xf32>,
        %parallel_loop3A_1482 = tpu.vector_load_idx %arg14[%parallel_loop3A_1480] : memref<41600xf32, #tpu.memory_space<vmem>>[vector<16xi32>], vector<16xf32>,
        %parallel_loop3A_1483 = arith.constant 16 : i32
        %parallel_loop3A_1484 = arith.muli %parallel_loop3A_1473, %parallel_loop3A_1483 : i32
        %parallel_loop3A_1485 = arith.subf %get3A_1433, %parallel_loop3A_1481 : vector<16xf32>
        %parallel_loop3A_1486 = arith.subf %get3A_1438, %parallel_loop3A_1482 : vector<16xf32>
        %parallel_loop3A_1487 = arith.mulf %parallel_loop3A_1485, %parallel_loop3A_1485 : vector<16xf32>
        %parallel_loop3A_1488 = arith.mulf %parallel_loop3A_1486, %parallel_loop3A_1486 : vector<16xf32>
        %parallel_loop3A_1489 = arith.addf %parallel_loop3A_1487, %parallel_loop3A_1488 : vector<16xf32>
        %parallel_loop3A_1490 = vector.bitcast %parallel_loop3A_1489 : vector<16xf32> to vector<16xi32>
        %parallel_loop3A_1491 = arith.constant 1 : i32
        %parallel_loop3A_1492 = vector.broadcast %parallel_loop3A_1491 : i32 to vector<16xi32>
        %parallel_loop3A_1493 = arith.shrsi %parallel_loop3A_1490, %parallel_loop3A_1492 : vector<16xi32>
        %parallel_loop3A_1494 = arith.constant -550020641 : i32
        %parallel_loop3A_1495 = vector.broadcast %parallel_loop3A_1494 : i32 to vector<16xi32>
        %parallel_loop3A_1496 = arith.subi %parallel_loop3A_1495, %parallel_loop3A_1493 : vector<16xi32>
        %parallel_loop3A_1497 = vector.bitcast %parallel_loop3A_1496 : vector<16xi32> to vector<16xf32>
        %parallel_loop3A_1498 = arith.constant 5.000000e-01 : f32
        %parallel_loop3A_1499 = vector.broadcast %parallel_loop3A_1498 : f32 to vector<16xf32>
        %parallel_loop3A_1500 = arith.mulf %parallel_loop3A_1499, %parallel_loop3A_1489 : vector<16xf32>
        %parallel_loop3A_1501 = arith.mulf %parallel_loop3A_1497, %parallel_loop3A_1497 : vector<16xf32>
        %parallel_loop3A_1502 = arith.mulf %parallel_loop3A_1500, %parallel_loop3A_1501 : vector<16xf32>
        %parallel_loop3A_1503 = arith.constant 1.500000e+00 : f32
        %parallel_loop3A_1504 = vector.broadcast %parallel_loop3A_1503 : f32 to vector<16xf32>
        %parallel_loop3A_1505 = arith.subf %parallel_loop3A_1504, %parallel_loop3A_1502 : vector<16xf32>
        %parallel_loop3A_1506 = arith.mulf %parallel_loop3A_1497, %parallel_loop3A_1505 : vector<16xf32>
        %parallel_loop3A_1507 = arith.mulf %parallel_loop3A_1489, %parallel_loop3A_1506 : vector<16xf32>
        %parallel_loop3A_1508 = arith.constant 0 : i32
        %parallel_loop3A_1509 = arith.index_cast %parallel_loop3A_1508 : i32 to index
        %parallel_loop3A_1510 = arith.index_cast %parallel_loop3A_1484 : i32 to index
        %parallel_loop3A_1511 = tpu.vector_load %arg12[%parallel_loop3A_1509, %parallel_loop3A_1510] {strides = array<i32>} : memref<4x640xf32, #tpu.memory_space<vmem>>, vector<16xf32>,
        tpu.vector_store %arg12[%parallel_loop3A_1509, %parallel_loop3A_1510], %parallel_loop3A_1507 {add = true, strides = array<i32>} : memref<4x640xf32, #tpu.memory_space<vmem>>, vector<16xf32>,
        %parallel_loop3A_1512 = arith.subf %get3A_1443, %parallel_loop3A_1481 : vector<16xf32>
        %parallel_loop3A_1513 = arith.subf %get3A_1448, %parallel_loop3A_1482 : vector<16xf32>
        %parallel_loop3A_1514 = arith.mulf %parallel_loop3A_1512, %parallel_loop3A_1512 : vector<16xf32>
        %parallel_loop3A_1515 = arith.mulf %parallel_loop3A_1513, %parallel_loop3A_1513 : vector<16xf32>
        %parallel_loop3A_1516 = arith.addf %parallel_loop3A_1514, %parallel_loop3A_1515 : vector<16xf32>
        %parallel_loop3A_1517 = vector.bitcast %parallel_loop3A_1516 : vector<16xf32> to vector<16xi32>
        %parallel_loop3A_1518 = arith.constant 1 : i32
        %parallel_loop3A_1519 = vector.broadcast %parallel_loop3A_1518 : i32 to vector<16xi32>
        %parallel_loop3A_1520 = arith.shrsi %parallel_loop3A_1517, %parallel_loop3A_1519 : vector<16xi32>
        %parallel_loop3A_1521 = arith.constant -550020641 : i32
        %parallel_loop3A_1522 = vector.broadcast %parallel_loop3A_1521 : i32 to vector<16xi32>
        %parallel_loop3A_1523 = arith.subi %parallel_loop3A_1522, %parallel_loop3A_1520 : vector<16xi32>
        %parallel_loop3A_1524 = vector.bitcast %parallel_loop3A_1523 : vector<16xi32> to vector<16xf32>
        %parallel_loop3A_1525 = arith.constant 5.000000e-01 : f32
        %parallel_loop3A_1526 = vector.broadcast %parallel_loop3A_1525 : f32 to vector<16xf32>
        %parallel_loop3A_1527 = arith.mulf %parallel_loop3A_1526, %parallel_loop3A_1516 : vector<16xf32>
        %parallel_loop3A_1528 = arith.mulf %parallel_loop3A_1524, %parallel_loop3A_1524 : vector<16xf32>
        %parallel_loop3A_1529 = arith.mulf %parallel_loop3A_1527, %parallel_loop3A_1528 : vector<16xf32>
        %parallel_loop3A_1530 = arith.constant 1.500000e+00 : f32
        %parallel_loop3A_1531 = vector.broadcast %parallel_loop3A_1530 : f32 to vector<16xf32>
        %parallel_loop3A_1532 = arith.subf %parallel_loop3A_1531, %parallel_loop3A_1529 : vector<16xf32>
        %parallel_loop3A_1533 = arith.mulf %parallel_loop3A_1524, %parallel_loop3A_1532 : vector<16xf32>
        %parallel_loop3A_1534 = arith.mulf %parallel_loop3A_1516, %parallel_loop3A_1533 : vector<16xf32>
        %parallel_loop3A_1535 = arith.constant 1 : i32
        %parallel_loop3A_1536 = arith.index_cast %parallel_loop3A_1535 : i32 to index
        %parallel_loop3A_1537 = arith.index_cast %parallel_loop3A_1484 : i32 to index
        %parallel_loop3A_1538 = tpu.vector_load %arg12[%parallel_loop3A_1536, %parallel_loop3A_1537] {strides = array<i32>} : memref<4x640xf32, #tpu.memory_space<vmem>>, vector<16xf32>,
        tpu.vector_store %arg12[%parallel_loop3A_1536, %parallel_loop3A_1537], %parallel_loop3A_1534 {add = true, strides = array<i32>} : memref<4x640xf32, #tpu.memory_space<vmem>>, vector<16xf32>,
        %parallel_loop3A_1539 = arith.subf %get3A_1453, %parallel_loop3A_1481 : vector<16xf32>
        %parallel_loop3A_1540 = arith.subf %get3A_1458, %parallel_loop3A_1482 : vector<16xf32>
        %parallel_loop3A_1541 = arith.mulf %parallel_loop3A_1539, %parallel_loop3A_1539 : vector<16xf32>
        %parallel_loop3A_1542 = arith.mulf %parallel_loop3A_1540, %parallel_loop3A_1540 : vector<16xf32>
        %parallel_loop3A_1543 = arith.addf %parallel_loop3A_1541, %parallel_loop3A_1542 : vector<16xf32>
        %parallel_loop3A_1544 = vector.bitcast %parallel_loop3A_1543 : vector<16xf32> to vector<16xi32>
        %parallel_loop3A_1545 = arith.constant 1 : i32
        %parallel_loop3A_1546 = vector.broadcast %parallel_loop3A_1545 : i32 to vector<16xi32>
        %parallel_loop3A_1547 = arith.shrsi %parallel_loop3A_1544, %parallel_loop3A_1546 : vector<16xi32>
        %parallel_loop3A_1548 = arith.constant -550020641 : i32
        %parallel_loop3A_1549 = vector.broadcast %parallel_loop3A_1548 : i32 to vector<16xi32>
        %parallel_loop3A_1550 = arith.subi %parallel_loop3A_1549, %parallel_loop3A_1547 : vector<16xi32>
        %parallel_loop3A_1551 = vector.bitcast %parallel_loop3A_1550 : vector<16xi32> to vector<16xf32>
        %parallel_loop3A_1552 = arith.constant 5.000000e-01 : f32
        %parallel_loop3A_1553 = vector.broadcast %parallel_loop3A_1552 : f32 to vector<16xf32>
        %parallel_loop3A_1554 = arith.mulf %parallel_loop3A_1553, %parallel_loop3A_1543 : vector<16xf32>
        %parallel_loop3A_1555 = arith.mulf %parallel_loop3A_1551, %parallel_loop3A_1551 : vector<16xf32>
        %parallel_loop3A_1556 = arith.mulf %parallel_loop3A_1554, %parallel_loop3A_1555 : vector<16xf32>
        %parallel_loop3A_1557 = arith.constant 1.500000e+00 : f32
        %parallel_loop3A_1558 = vector.broadcast %parallel_loop3A_1557 : f32 to vector<16xf32>
        %parallel_loop3A_1559 = arith.subf %parallel_loop3A_1558, %parallel_loop3A_1556 : vector<16xf32>
        %parallel_loop3A_1560 = arith.mulf %parallel_loop3A_1551, %parallel_loop3A_1559 : vector<16xf32>
        %parallel_loop3A_1561 = arith.mulf %parallel_loop3A_1543, %parallel_loop3A_1560 : vector<16xf32>
        %parallel_loop3A_1562 = arith.constant 2 : i32
        %parallel_loop3A_1563 = arith.index_cast %parallel_loop3A_1562 : i32 to index
        %parallel_loop3A_1564 = arith.index_cast %parallel_loop3A_1484 : i32 to index
        %parallel_loop3A_1565 = tpu.vector_load %arg12[%parallel_loop3A_1563, %parallel_loop3A_1564] {strides = array<i32>} : memref<4x640xf32, #tpu.memory_space<vmem>>, vector<16xf32>,
        tpu.vector_store %arg12[%parallel_loop3A_1563, %parallel_loop3A_1564], %parallel_loop3A_1561 {add = true, strides = array<i32>} : memref<4x640xf32, #tpu.memory_space<vmem>>, vector<16xf32>,
        %parallel_loop3A_1566 = arith.subf %get3A_1463, %parallel_loop3A_1481 : vector<16xf32>
        %parallel_loop3A_1567 = arith.subf %get3A_1468, %parallel_loop3A_1482 : vector<16xf32>
        %parallel_loop3A_1568 = arith.mulf %parallel_loop3A_1566, %parallel_loop3A_1566 : vector<16xf32>
        %parallel_loop3A_1569 = arith.mulf %parallel_loop3A_1567, %parallel_loop3A_1567 : vector<16xf32>
        %parallel_loop3A_1570 = arith.addf %parallel_loop3A_1568, %parallel_loop3A_1569 : vector<16xf32>
        %parallel_loop3A_1571 = vector.bitcast %parallel_loop3A_1570 : vector<16xf32> to vector<16xi32>
        %parallel_loop3A_1572 = arith.constant 1 : i32
        %parallel_loop3A_1573 = vector.broadcast %parallel_loop3A_1572 : i32 to vector<16xi32>
        %parallel_loop3A_1574 = arith.shrsi %parallel_loop3A_1571, %parallel_loop3A_1573 : vector<16xi32>
        %parallel_loop3A_1575 = arith.constant -550020641 : i32
        %parallel_loop3A_1576 = vector.broadcast %parallel_loop3A_1575 : i32 to vector<16xi32>
        %parallel_loop3A_1577 = arith.subi %parallel_loop3A_1576, %parallel_loop3A_1574 : vector<16xi32>
        %parallel_loop3A_1578 = vector.bitcast %parallel_loop3A_1577 : vector<16xi32> to vector<16xf32>
        %parallel_loop3A_1579 = arith.constant 5.000000e-01 : f32
        %parallel_loop3A_1580 = vector.broadcast %parallel_loop3A_1579 : f32 to vector<16xf32>
        %parallel_loop3A_1581 = arith.mulf %parallel_loop3A_1580, %parallel_loop3A_1570 : vector<16xf32>
        %parallel_loop3A_1582 = arith.mulf %parallel_loop3A_1578, %parallel_loop3A_1578 : vector<16xf32>
        %parallel_loop3A_1583 = arith.mulf %parallel_loop3A_1581, %parallel_loop3A_1582 : vector<16xf32>
        %parallel_loop3A_1584 = arith.constant 1.500000e+00 : f32
        %parallel_loop3A_1585 = vector.broadcast %parallel_loop3A_1584 : f32 to vector<16xf32>
        %parallel_loop3A_1586 = arith.subf %parallel_loop3A_1585, %parallel_loop3A_1583 : vector<16xf32>
        %parallel_loop3A_1587 = arith.mulf %parallel_loop3A_1578, %parallel_loop3A_1586 : vector<16xf32>
        %parallel_loop3A_1588 = arith.mulf %parallel_loop3A_1570, %parallel_loop3A_1587 : vector<16xf32>
        %parallel_loop3A_1589 = arith.constant 3 : i32
        %parallel_loop3A_1590 = arith.index_cast %parallel_loop3A_1589 : i32 to index
        %parallel_loop3A_1591 = arith.index_cast %parallel_loop3A_1484 : i32 to index
        %parallel_loop3A_1592 = tpu.vector_load %arg12[%parallel_loop3A_1590, %parallel_loop3A_1591] {strides = array<i32>} : memref<4x640xf32, #tpu.memory_space<vmem>>, vector<16xf32>,
        tpu.vector_store %arg12[%parallel_loop3A_1590, %parallel_loop3A_1591], %parallel_loop3A_1588 {add = true, strides = array<i32>} : memref<4x640xf32, #tpu.memory_space<vmem>>, vector<16xf32>,
      } {sc.loop_unroll_factor = 2 : i64, sc.parallel_access}
      %scan3A_1472 = arith.constant 0 : i32
      scf.yield %scan3A_1472 : i32
    }
    %scan3A_1376 = arith.constant 32 : i32
    %multiple_of3A_1377 = tpu.assume_multiple %add3A_1359, 128 : i32
    "tpu.region"() ({
      %run_scoped3A = tpu.sem_alloc : memref<!tpu.dma_semaphore, #tpu.memory_space<semaphore_mem>>
      %dma_start3A_1427 = arith.constant 0 : i32
      %dma_start3A_1428 = tpu.memref_slice %arg5[%dma_start3A_1427, %multiple_of3A_1377] : memref<4x102400xf32, #tpu.memory_space<hbm>> -> memref<4x640xf32, #tpu.memory_space<hbm>>
      %dma_start3A_1429 = arith.constant 0 : i32
      %dma_start3A_1430 = tpu.memref_slice %arg5[%dma_start3A_1429, %multiple_of3A_1377] : memref<4x102400xf32, #tpu.memory_space<hbm>> -> memref<4x640xf32, #tpu.memory_space<hbm>>
      tpu.enqueue_dma source(%arg12 : memref<4x640xf32, #tpu.memory_space<vmem>>) target(%dma_start3A_1430 : memref<4x640xf32, #tpu.memory_space<hbm>>) target_semaphore(%run_scoped3A : memref<!tpu.dma_semaphore, #tpu.memory_space<semaphore_mem>>)
      %dma_wait3A_1431 = arith.constant 0 : i32
      %dma_wait3A_1432 = tpu.memref_slice %arg5[%dma_wait3A_1431, %multiple_of3A_1377] : memref<4x102400xf32, #tpu.memory_space<hbm>> -> memref<4x640xf32, #tpu.memory_space<hbm>>
      %dma_wait3A_1433 = arith.constant 0 : i32
      %dma_wait3A_1434 = tpu.memref_slice %arg5[%dma_wait3A_1433, %multiple_of3A_1377] : memref<4x102400xf32, #tpu.memory_space<hbm>> -> memref<4x640xf32, #tpu.memory_space<hbm>>
      tpu.wait_dma2 semaphore(%run_scoped3A : memref<!tpu.dma_semaphore, #tpu.memory_space<semaphore_mem>>) src(%arg12 : memref<4x640xf32, #tpu.memory_space<vmem>>) dst(%dma_wait3A_1434 : memref<4x640xf32, #tpu.memory_space<hbm>>)
      tpu.yield
    }) : () -> ()
    %dma_wait3A_1378 = arith.constant 0 : i32
    %dma_wait3A_1379 = arith.constant 0 : i32
    %dma_wait3A_1380 = tpu.memref_slice %arg3[%dma_wait3A_1378, %dma_wait3A_1379] : memref<100000x64xf32, #tpu.memory_space<hbm>> -> memref<320x64xf32, #tpu.memory_space<hbm>>
    %dma_wait3A_1381 = arith.constant 0 : i32
    %dma_wait3A_1382 = arith.constant 0 : i32
    %dma_wait3A_1383 = tpu.memref_slice %arg3[%dma_wait3A_1381, %dma_wait3A_1382] : memref<100000x64xf32, #tpu.memory_space<hbm>> -> memref<320x64xf32, #tpu.memory_space<hbm>>
    tpu.wait_dma2 semaphore(%arg15 : memref<!tpu.dma_semaphore, #tpu.memory_space<semaphore_mem>>) src(%dma_wait3A_1383 : memref<320x64xf32, #tpu.memory_space<hbm>>) dst(%arg13 : memref<320x64xf32, #tpu.memory_space<vmem>>)
    %parallel_loop3A_1384 = arith.constant 0 : i32
    %parallel_loop3A_1385 = arith.constant 320 : i32
    %parallel_loop3A_1386 = arith.constant 1 : i32
    scf.for %parallel_loop3A_1427 = %parallel_loop3A_1384 to %parallel_loop3A_1385 step %parallel_loop3A_1386  : i32 {
      %parallel_loop3A_1428 = arith.constant 0 : i32
      %parallel_loop3A_1429 = arith.addi %parallel_loop3A_1427, %parallel_loop3A_1428 : i32
      %parallel_loop3A_1430 = arith.constant 65 : i32
      %parallel_loop3A_1431 = arith.muli %parallel_loop3A_1429, %parallel_loop3A_1430 : i32
      %parallel_loop3A_1432 = arith.index_cast %parallel_loop3A_1427 : i32 to index
      %parallel_loop3A_1433 = arith.constant 0 : index
      %parallel_loop3A_1434 = tpu.vector_load %arg13[%parallel_loop3A_1432, %parallel_loop3A_1433] {strides = array<i32>} : memref<320x64xf32, #tpu.memory_space<vmem>>, vector<16xf32>,
      %parallel_loop3A_1435 = arith.constant 0 : i32
      %parallel_loop3A_1436 = arith.addi %parallel_loop3A_1431, %parallel_loop3A_1435 : i32
      %parallel_loop3A_1437 = arith.index_cast %parallel_loop3A_1436 : i32 to index
      %parallel_loop3A_1438 = tpu.vector_load %arg14[%parallel_loop3A_1437] {strides = array<i32>} : memref<41600xf32, #tpu.memory_space<vmem>>, vector<16xf32>,
      tpu.vector_store %arg14[%parallel_loop3A_1437], %parallel_loop3A_1434 {strides = array<i32>} : memref<41600xf32, #tpu.memory_space<vmem>>, vector<16xf32>,
      %parallel_loop3A_1439 = arith.index_cast %parallel_loop3A_1427 : i32 to index
      %parallel_loop3A_1440 = arith.constant 16 : index
      %parallel_loop3A_1441 = tpu.vector_load %arg13[%parallel_loop3A_1439, %parallel_loop3A_1440] {strides = array<i32>} : memref<320x64xf32, #tpu.memory_space<vmem>>, vector<16xf32>,
      %parallel_loop3A_1442 = arith.constant 16 : i32
      %parallel_loop3A_1443 = arith.addi %parallel_loop3A_1431, %parallel_loop3A_1442 : i32
      %parallel_loop3A_1444 = arith.index_cast %parallel_loop3A_1443 : i32 to index
      %parallel_loop3A_1445 = tpu.vector_load %arg14[%parallel_loop3A_1444] {strides = array<i32>} : memref<41600xf32, #tpu.memory_space<vmem>>, vector<16xf32>,
      tpu.vector_store %arg14[%parallel_loop3A_1444], %parallel_loop3A_1441 {strides = array<i32>} : memref<41600xf32, #tpu.memory_space<vmem>>, vector<16xf32>,
      %parallel_loop3A_1446 = arith.index_cast %parallel_loop3A_1427 : i32 to index
      %parallel_loop3A_1447 = arith.constant 32 : index
      %parallel_loop3A_1448 = tpu.vector_load %arg13[%parallel_loop3A_1446, %parallel_loop3A_1447] {strides = array<i32>} : memref<320x64xf32, #tpu.memory_space<vmem>>, vector<16xf32>,
      %parallel_loop3A_1449 = arith.constant 32 : i32
      %parallel_loop3A_1450 = arith.addi %parallel_loop3A_1431, %parallel_loop3A_1449 : i32
      %parallel_loop3A_1451 = arith.index_cast %parallel_loop3A_1450 : i32 to index
      %parallel_loop3A_1452 = tpu.vector_load %arg14[%parallel_loop3A_1451] {strides = array<i32>} : memref<41600xf32, #tpu.memory_space<vmem>>, vector<16xf32>,
      tpu.vector_store %arg14[%parallel_loop3A_1451], %parallel_loop3A_1448 {strides = array<i32>} : memref<41600xf32, #tpu.memory_space<vmem>>, vector<16xf32>,
      %parallel_loop3A_1453 = arith.index_cast %parallel_loop3A_1427 : i32 to index
      %parallel_loop3A_1454 = arith.constant 48 : index
      %parallel_loop3A_1455 = tpu.vector_load %arg13[%parallel_loop3A_1453, %parallel_loop3A_1454] {strides = array<i32>} : memref<320x64xf32, #tpu.memory_space<vmem>>, vector<16xf32>,
      %parallel_loop3A_1456 = arith.constant 48 : i32
      %parallel_loop3A_1457 = arith.addi %parallel_loop3A_1431, %parallel_loop3A_1456 : i32
      %parallel_loop3A_1458 = arith.index_cast %parallel_loop3A_1457 : i32 to index
      %parallel_loop3A_1459 = tpu.vector_load %arg14[%parallel_loop3A_1458] {strides = array<i32>} : memref<41600xf32, #tpu.memory_space<vmem>>, vector<16xf32>,
      tpu.vector_store %arg14[%parallel_loop3A_1458], %parallel_loop3A_1455 {strides = array<i32>} : memref<41600xf32, #tpu.memory_space<vmem>>, vector<16xf32>,
    } {sc.loop_unroll_factor = 2 : i64, sc.parallel_access}
    %add3A_1387 = arith.constant 2560 : i32
    %add3A_1388 = arith.addi %mul3A_2, %add3A_1387 : i32
    %min3A_1389 = arith.constant 99360 : i32
    %min3A_1390 = arith.minsi %add3A_1388, %min3A_1389 : i32
    %add3A_1391 = arith.constant 320 : i32
    %add3A_1392 = arith.addi %min3A_1390, %add3A_1391 : i32
    %multiple_of3A_1393 = tpu.assume_multiple %add3A_1392, 8 : i32
    %dma_start3A_1394 = arith.constant 0 : i32
    %dma_start3A_1395 = tpu.memref_slice %arg3[%multiple_of3A_1393, %dma_start3A_1394] : memref<100000x64xf32, #tpu.memory_space<hbm>> -> memref<320x64xf32, #tpu.memory_space<hbm>>
    %dma_start3A_1396 = arith.constant 0 : i32
    %dma_start3A_1397 = tpu.memref_slice %arg3[%multiple_of3A_1393, %dma_start3A_1396] : memref<100000x64xf32, #tpu.memory_space<hbm>> -> memref<320x64xf32, #tpu.memory_space<hbm>>
    tpu.enqueue_dma source(%dma_start3A_1397 : memref<320x64xf32, #tpu.memory_space<hbm>>) target(%arg13 : memref<320x64xf32, #tpu.memory_space<vmem>>) target_semaphore(%arg15 : memref<!tpu.dma_semaphore, #tpu.memory_space<semaphore_mem>>)
    %dma_wait3A_1398 = arith.constant 0 : i32
    %dma_wait3A_1399 = arith.constant 0 : i32
    %dma_wait3A_1400 = tpu.memref_slice %arg3[%dma_wait3A_1398, %dma_wait3A_1399] : memref<100000x64xf32, #tpu.memory_space<hbm>> -> memref<320x64xf32, #tpu.memory_space<hbm>>
    %dma_wait3A_1401 = arith.constant 0 : i32
    %dma_wait3A_1402 = arith.constant 0 : i32
    %dma_wait3A_1403 = tpu.memref_slice %arg3[%dma_wait3A_1401, %dma_wait3A_1402] : memref<100000x64xf32, #tpu.memory_space<hbm>> -> memref<320x64xf32, #tpu.memory_space<hbm>>
    tpu.wait_dma2 semaphore(%arg15 : memref<!tpu.dma_semaphore, #tpu.memory_space<semaphore_mem>>) src(%dma_wait3A_1403 : memref<320x64xf32, #tpu.memory_space<hbm>>) dst(%arg13 : memref<320x64xf32, #tpu.memory_space<vmem>>)
    %parallel_loop3A_1404 = arith.constant 0 : i32
    %parallel_loop3A_1405 = arith.constant 320 : i32
    %parallel_loop3A_1406 = arith.constant 1 : i32
    scf.for %parallel_loop3A_1427 = %parallel_loop3A_1404 to %parallel_loop3A_1405 step %parallel_loop3A_1406  : i32 {
      %parallel_loop3A_1428 = arith.constant 320 : i32
      %parallel_loop3A_1429 = arith.addi %parallel_loop3A_1427, %parallel_loop3A_1428 : i32
      %parallel_loop3A_1430 = arith.constant 65 : i32
      %parallel_loop3A_1431 = arith.muli %parallel_loop3A_1429, %parallel_loop3A_1430 : i32
      %parallel_loop3A_1432 = arith.index_cast %parallel_loop3A_1427 : i32 to index
      %parallel_loop3A_1433 = arith.constant 0 : index
      %parallel_loop3A_1434 = tpu.vector_load %arg13[%parallel_loop3A_1432, %parallel_loop3A_1433] {strides = array<i32>} : memref<320x64xf32, #tpu.memory_space<vmem>>, vector<16xf32>,
      %parallel_loop3A_1435 = arith.constant 0 : i32
      %parallel_loop3A_1436 = arith.addi %parallel_loop3A_1431, %parallel_loop3A_1435 : i32
      %parallel_loop3A_1437 = arith.index_cast %parallel_loop3A_1436 : i32 to index
      %parallel_loop3A_1438 = tpu.vector_load %arg14[%parallel_loop3A_1437] {strides = array<i32>} : memref<41600xf32, #tpu.memory_space<vmem>>, vector<16xf32>,
      tpu.vector_store %arg14[%parallel_loop3A_1437], %parallel_loop3A_1434 {strides = array<i32>} : memref<41600xf32, #tpu.memory_space<vmem>>, vector<16xf32>,
      %parallel_loop3A_1439 = arith.index_cast %parallel_loop3A_1427 : i32 to index
      %parallel_loop3A_1440 = arith.constant 16 : index
      %parallel_loop3A_1441 = tpu.vector_load %arg13[%parallel_loop3A_1439, %parallel_loop3A_1440] {strides = array<i32>} : memref<320x64xf32, #tpu.memory_space<vmem>>, vector<16xf32>,
      %parallel_loop3A_1442 = arith.constant 16 : i32
      %parallel_loop3A_1443 = arith.addi %parallel_loop3A_1431, %parallel_loop3A_1442 : i32
      %parallel_loop3A_1444 = arith.index_cast %parallel_loop3A_1443 : i32 to index
      %parallel_loop3A_1445 = tpu.vector_load %arg14[%parallel_loop3A_1444] {strides = array<i32>} : memref<41600xf32, #tpu.memory_space<vmem>>, vector<16xf32>,
      tpu.vector_store %arg14[%parallel_loop3A_1444], %parallel_loop3A_1441 {strides = array<i32>} : memref<41600xf32, #tpu.memory_space<vmem>>, vector<16xf32>,
      %parallel_loop3A_1446 = arith.index_cast %parallel_loop3A_1427 : i32 to index
      %parallel_loop3A_1447 = arith.constant 32 : index
      %parallel_loop3A_1448 = tpu.vector_load %arg13[%parallel_loop3A_1446, %parallel_loop3A_1447] {strides = array<i32>} : memref<320x64xf32, #tpu.memory_space<vmem>>, vector<16xf32>,
      %parallel_loop3A_1449 = arith.constant 32 : i32
      %parallel_loop3A_1450 = arith.addi %parallel_loop3A_1431, %parallel_loop3A_1449 : i32
      %parallel_loop3A_1451 = arith.index_cast %parallel_loop3A_1450 : i32 to index
      %parallel_loop3A_1452 = tpu.vector_load %arg14[%parallel_loop3A_1451] {strides = array<i32>} : memref<41600xf32, #tpu.memory_space<vmem>>, vector<16xf32>,
      tpu.vector_store %arg14[%parallel_loop3A_1451], %parallel_loop3A_1448 {strides = array<i32>} : memref<41600xf32, #tpu.memory_space<vmem>>, vector<16xf32>,
      %parallel_loop3A_1453 = arith.index_cast %parallel_loop3A_1427 : i32 to index
      %parallel_loop3A_1454 = arith.constant 48 : index
      %parallel_loop3A_1455 = tpu.vector_load %arg13[%parallel_loop3A_1453, %parallel_loop3A_1454] {strides = array<i32>} : memref<320x64xf32, #tpu.memory_space<vmem>>, vector<16xf32>,
      %parallel_loop3A_1456 = arith.constant 48 : i32
      %parallel_loop3A_1457 = arith.addi %parallel_loop3A_1431, %parallel_loop3A_1456 : i32
      %parallel_loop3A_1458 = arith.index_cast %parallel_loop3A_1457 : i32 to index
      %parallel_loop3A_1459 = tpu.vector_load %arg14[%parallel_loop3A_1458] {strides = array<i32>} : memref<41600xf32, #tpu.memory_space<vmem>>, vector<16xf32>,
      tpu.vector_store %arg14[%parallel_loop3A_1458], %parallel_loop3A_1455 {strides = array<i32>} : memref<41600xf32, #tpu.memory_space<vmem>>, vector<16xf32>,
    } {sc.loop_unroll_factor = 2 : i64, sc.parallel_access}
    %add3A_1407 = arith.constant 2560 : i32
    %add3A_1408 = arith.addi %mul3A_2, %add3A_1407 : i32
    %min3A_1409 = arith.constant 99360 : i32
    %min3A_1410 = arith.minsi %add3A_1408, %min3A_1409 : i32
    %sub3A_1411 = arith.subi %add3A_1408, %min3A_1410 : i32
    %scan3A_1412 = arith.constant 0 : i32
    %scan3A_1413 = arith.constant 0 : i32
    %scan3A_1414 = arith.constant 40 : i32
    %scan3A_1415 = arith.addi %scan3A_1413, %scan3A_1414 : i32
    %scan3A_1416 = arith.constant 1 : i32
    %scan3A_1417 = scf.for %scan3A_1427 = %scan3A_1413 to %scan3A_1415 step %scan3A_1416 iter_args(%scan3A_1428 = %scan3A_1412) -> (i32)  : i32 {
      %mul3A_1429 = arith.constant 16 : i32
      %mul3A_1430 = arith.muli %scan3A_1427, %mul3A_1429 : i32
      %add3A_1431 = arith.addi %sub3A_1411, %mul3A_1430 : i32
      %add3A_1432 = vector.broadcast %add3A_1431 : i32 to vector<16xi32>
      %add3A_1433 = arith.addi %add3A_1432, %iota3A : vector<16xi32>
      %min3A_1434 = arith.constant 639 : i32
      %min3A_1435 = vector.broadcast %min3A_1434 : i32 to vector<16xi32>
      %min3A_1436 = arith.minsi %add3A_1433, %min3A_1435 : vector<16xi32>
      %mul3A_1437 = arith.constant 65 : i32
      %mul3A_1438 = vector.broadcast %mul3A_1437 : i32 to vector<16xi32>
      %mul3A_1439 = arith.muli %min3A_1436, %mul3A_1438 : vector<16xi32>
      %swap3A_1440 = arith.index_cast %scan3A_1427 : i32 to index
      %swap3A_1441 = arith.constant 0 : index
      %swap3A_1442 = tpu.vector_load %arg11[%swap3A_1440, %swap3A_1441] {strides = array<i32>} : memref<40x16xi32, #tpu.memory_space<vmem>>, vector<16xi32>,
      tpu.vector_store %arg11[%swap3A_1440, %swap3A_1441], %mul3A_1439 {strides = array<i32>} : memref<40x16xi32, #tpu.memory_space<vmem>>, vector<16xi32>,
      %mul3A_1443 = arith.constant 16 : i32
      %mul3A_1444 = arith.muli %scan3A_1427, %mul3A_1443 : i32
      %swap3A_1445 = arith.constant 0 : i32
      %swap3A_1446 = arith.index_cast %swap3A_1445 : i32 to index
      %swap3A_1447 = arith.index_cast %mul3A_1444 : i32 to index
      %swap3A_1448 = tpu.vector_load %arg12[%swap3A_1446, %swap3A_1447] {strides = array<i32>} : memref<4x640xf32, #tpu.memory_space<vmem>>, vector<16xf32>,
      tpu.vector_store %arg12[%swap3A_1446, %swap3A_1447], %broadcast_in_dim3A_3 {strides = array<i32>} : memref<4x640xf32, #tpu.memory_space<vmem>>, vector<16xf32>,
      %swap3A_1449 = arith.constant 1 : i32
      %swap3A_1450 = arith.index_cast %swap3A_1449 : i32 to index
      %swap3A_1451 = arith.index_cast %mul3A_1444 : i32 to index
      %swap3A_1452 = tpu.vector_load %arg12[%swap3A_1450, %swap3A_1451] {strides = array<i32>} : memref<4x640xf32, #tpu.memory_space<vmem>>, vector<16xf32>,
      tpu.vector_store %arg12[%swap3A_1450, %swap3A_1451], %broadcast_in_dim3A_3 {strides = array<i32>} : memref<4x640xf32, #tpu.memory_space<vmem>>, vector<16xf32>,
      %swap3A_1453 = arith.constant 2 : i32
      %swap3A_1454 = arith.index_cast %swap3A_1453 : i32 to index
      %swap3A_1455 = arith.index_cast %mul3A_1444 : i32 to index
      %swap3A_1456 = tpu.vector_load %arg12[%swap3A_1454, %swap3A_1455] {strides = array<i32>} : memref<4x640xf32, #tpu.memory_space<vmem>>, vector<16xf32>,
      tpu.vector_store %arg12[%swap3A_1454, %swap3A_1455], %broadcast_in_dim3A_3 {strides = array<i32>} : memref<4x640xf32, #tpu.memory_space<vmem>>, vector<16xf32>,
      %swap3A_1457 = arith.constant 3 : i32
      %swap3A_1458 = arith.index_cast %swap3A_1457 : i32 to index
      %swap3A_1459 = arith.index_cast %mul3A_1444 : i32 to index
      %swap3A_1460 = tpu.vector_load %arg12[%swap3A_1458, %swap3A_1459] {strides = array<i32>} : memref<4x640xf32, #tpu.memory_space<vmem>>, vector<16xf32>,
      tpu.vector_store %arg12[%swap3A_1458, %swap3A_1459], %broadcast_in_dim3A_3 {strides = array<i32>} : memref<4x640xf32, #tpu.memory_space<vmem>>, vector<16xf32>,
      %scan3A_1461 = arith.constant 0 : i32
      scf.yield %scan3A_1461 : i32
    }
    %scan3A_1418 = arith.constant 40 : i32
    %scan3A_1419 = arith.constant 0 : i32
    %scan3A_1420 = arith.constant 0 : i32
    %scan3A_1421 = arith.constant 32 : i32
    %scan3A_1422 = arith.addi %scan3A_1420, %scan3A_1421 : i32
    %scan3A_1423 = arith.constant 1 : i32
    %scan3A_1424 = scf.for %scan3A_1427 = %scan3A_1420 to %scan3A_1422 step %scan3A_1423 iter_args(%scan3A_1428 = %scan3A_1419) -> (i32)  : i32 {
      %broadcast_in_dim3A_1429 = vector.broadcast %scan3A_1427 : i32 to vector<16xi32>
      %get3A = arith.constant 0 : i32
      %get3A_1430 = arith.index_cast %get3A : i32 to index
      %get3A_1431 = arith.index_cast %scan3A_1427 : i32 to index
      %get3A_1432 = arith.constant 0 : index
      %get3A_1433 = tpu.vector_load %arg10[%get3A_1430, %get3A_1431, %get3A_1432] {strides = array<i32>} : memref<8x32x16xf32, #tpu.memory_space<vmem>>, vector<16xf32>,
      %get3A_1434 = arith.constant 1 : i32
      %get3A_1435 = arith.index_cast %get3A_1434 : i32 to index
      %get3A_1436 = arith.index_cast %scan3A_1427 : i32 to index
      %get3A_1437 = arith.constant 0 : index
      %get3A_1438 = tpu.vector_load %arg10[%get3A_1435, %get3A_1436, %get3A_1437] {strides = array<i32>} : memref<8x32x16xf32, #tpu.memory_space<vmem>>, vector<16xf32>,
      %get3A_1439 = arith.constant 2 : i32
      %get3A_1440 = arith.index_cast %get3A_1439 : i32 to index
      %get3A_1441 = arith.index_cast %scan3A_1427 : i32 to index
      %get3A_1442 = arith.constant 0 : index
      %get3A_1443 = tpu.vector_load %arg10[%get3A_1440, %get3A_1441, %get3A_1442] {strides = array<i32>} : memref<8x32x16xf32, #tpu.memory_space<vmem>>, vector<16xf32>,
      %get3A_1444 = arith.constant 3 : i32
      %get3A_1445 = arith.index_cast %get3A_1444 : i32 to index
      %get3A_1446 = arith.index_cast %scan3A_1427 : i32 to index
      %get3A_1447 = arith.constant 0 : index
      %get3A_1448 = tpu.vector_load %arg10[%get3A_1445, %get3A_1446, %get3A_1447] {strides = array<i32>} : memref<8x32x16xf32, #tpu.memory_space<vmem>>, vector<16xf32>,
      %get3A_1449 = arith.constant 4 : i32
      %get3A_1450 = arith.index_cast %get3A_1449 : i32 to index
      %get3A_1451 = arith.index_cast %scan3A_1427 : i32 to index
      %get3A_1452 = arith.constant 0 : index
      %get3A_1453 = tpu.vector_load %arg10[%get3A_1450, %get3A_1451, %get3A_1452] {strides = array<i32>} : memref<8x32x16xf32, #tpu.memory_space<vmem>>, vector<16xf32>,
      %get3A_1454 = arith.constant 5 : i32
      %get3A_1455 = arith.index_cast %get3A_1454 : i32 to index
      %get3A_1456 = arith.index_cast %scan3A_1427 : i32 to index
      %get3A_1457 = arith.constant 0 : index
      %get3A_1458 = tpu.vector_load %arg10[%get3A_1455, %get3A_1456, %get3A_1457] {strides = array<i32>} : memref<8x32x16xf32, #tpu.memory_space<vmem>>, vector<16xf32>,
      %get3A_1459 = arith.constant 6 : i32
      %get3A_1460 = arith.index_cast %get3A_1459 : i32 to index
      %get3A_1461 = arith.index_cast %scan3A_1427 : i32 to index
      %get3A_1462 = arith.constant 0 : index
      %get3A_1463 = tpu.vector_load %arg10[%get3A_1460, %get3A_1461, %get3A_1462] {strides = array<i32>} : memref<8x32x16xf32, #tpu.memory_space<vmem>>, vector<16xf32>,
      %get3A_1464 = arith.constant 7 : i32
      %get3A_1465 = arith.index_cast %get3A_1464 : i32 to index
      %get3A_1466 = arith.index_cast %scan3A_1427 : i32 to index
      %get3A_1467 = arith.constant 0 : index
      %get3A_1468 = tpu.vector_load %arg10[%get3A_1465, %get3A_1466, %get3A_1467] {strides = array<i32>} : memref<8x32x16xf32, #tpu.memory_space<vmem>>, vector<16xf32>,
      %parallel_loop3A_1469 = arith.constant 0 : i32
      %parallel_loop3A_1470 = arith.constant 40 : i32
      %parallel_loop3A_1471 = arith.constant 1 : i32
      scf.for %parallel_loop3A_1473 = %parallel_loop3A_1469 to %parallel_loop3A_1470 step %parallel_loop3A_1471  : i32 {
        %parallel_loop3A_1474 = arith.index_cast %parallel_loop3A_1473 : i32 to index
        %parallel_loop3A_1475 = arith.constant 0 : index
        %parallel_loop3A_1476 = tpu.vector_load %arg11[%parallel_loop3A_1474, %parallel_loop3A_1475] {strides = array<i32>} : memref<40x16xi32, #tpu.memory_space<vmem>>, vector<16xi32>,
        %parallel_loop3A_1477 = arith.addi %parallel_loop3A_1476, %broadcast_in_dim3A_1429 : vector<16xi32>
        %parallel_loop3A_1478 = arith.constant 32 : i32
        %parallel_loop3A_1479 = vector.broadcast %parallel_loop3A_1478 : i32 to vector<16xi32>
        %parallel_loop3A_1480 = arith.addi %parallel_loop3A_1477, %parallel_loop3A_1479 : vector<16xi32>
        %parallel_loop3A_1481 = tpu.vector_load_idx %arg14[%parallel_loop3A_1477] : memref<41600xf32, #tpu.memory_space<vmem>>[vector<16xi32>], vector<16xf32>,
        %parallel_loop3A_1482 = tpu.vector_load_idx %arg14[%parallel_loop3A_1480] : memref<41600xf32, #tpu.memory_space<vmem>>[vector<16xi32>], vector<16xf32>,
        %parallel_loop3A_1483 = arith.constant 16 : i32
        %parallel_loop3A_1484 = arith.muli %parallel_loop3A_1473, %parallel_loop3A_1483 : i32
        %parallel_loop3A_1485 = arith.subf %get3A_1433, %parallel_loop3A_1481 : vector<16xf32>
        %parallel_loop3A_1486 = arith.subf %get3A_1438, %parallel_loop3A_1482 : vector<16xf32>
        %parallel_loop3A_1487 = arith.mulf %parallel_loop3A_1485, %parallel_loop3A_1485 : vector<16xf32>
        %parallel_loop3A_1488 = arith.mulf %parallel_loop3A_1486, %parallel_loop3A_1486 : vector<16xf32>
        %parallel_loop3A_1489 = arith.addf %parallel_loop3A_1487, %parallel_loop3A_1488 : vector<16xf32>
        %parallel_loop3A_1490 = vector.bitcast %parallel_loop3A_1489 : vector<16xf32> to vector<16xi32>
        %parallel_loop3A_1491 = arith.constant 1 : i32
        %parallel_loop3A_1492 = vector.broadcast %parallel_loop3A_1491 : i32 to vector<16xi32>
        %parallel_loop3A_1493 = arith.shrsi %parallel_loop3A_1490, %parallel_loop3A_1492 : vector<16xi32>
        %parallel_loop3A_1494 = arith.constant -550020641 : i32
        %parallel_loop3A_1495 = vector.broadcast %parallel_loop3A_1494 : i32 to vector<16xi32>
        %parallel_loop3A_1496 = arith.subi %parallel_loop3A_1495, %parallel_loop3A_1493 : vector<16xi32>
        %parallel_loop3A_1497 = vector.bitcast %parallel_loop3A_1496 : vector<16xi32> to vector<16xf32>
        %parallel_loop3A_1498 = arith.constant 5.000000e-01 : f32
        %parallel_loop3A_1499 = vector.broadcast %parallel_loop3A_1498 : f32 to vector<16xf32>
        %parallel_loop3A_1500 = arith.mulf %parallel_loop3A_1499, %parallel_loop3A_1489 : vector<16xf32>
        %parallel_loop3A_1501 = arith.mulf %parallel_loop3A_1497, %parallel_loop3A_1497 : vector<16xf32>
        %parallel_loop3A_1502 = arith.mulf %parallel_loop3A_1500, %parallel_loop3A_1501 : vector<16xf32>
        %parallel_loop3A_1503 = arith.constant 1.500000e+00 : f32
        %parallel_loop3A_1504 = vector.broadcast %parallel_loop3A_1503 : f32 to vector<16xf32>
        %parallel_loop3A_1505 = arith.subf %parallel_loop3A_1504, %parallel_loop3A_1502 : vector<16xf32>
        %parallel_loop3A_1506 = arith.mulf %parallel_loop3A_1497, %parallel_loop3A_1505 : vector<16xf32>
        %parallel_loop3A_1507 = arith.mulf %parallel_loop3A_1489, %parallel_loop3A_1506 : vector<16xf32>
        %parallel_loop3A_1508 = arith.constant 0 : i32
        %parallel_loop3A_1509 = arith.index_cast %parallel_loop3A_1508 : i32 to index
        %parallel_loop3A_1510 = arith.index_cast %parallel_loop3A_1484 : i32 to index
        %parallel_loop3A_1511 = tpu.vector_load %arg12[%parallel_loop3A_1509, %parallel_loop3A_1510] {strides = array<i32>} : memref<4x640xf32, #tpu.memory_space<vmem>>, vector<16xf32>,
        tpu.vector_store %arg12[%parallel_loop3A_1509, %parallel_loop3A_1510], %parallel_loop3A_1507 {add = true, strides = array<i32>} : memref<4x640xf32, #tpu.memory_space<vmem>>, vector<16xf32>,
        %parallel_loop3A_1512 = arith.subf %get3A_1443, %parallel_loop3A_1481 : vector<16xf32>
        %parallel_loop3A_1513 = arith.subf %get3A_1448, %parallel_loop3A_1482 : vector<16xf32>
        %parallel_loop3A_1514 = arith.mulf %parallel_loop3A_1512, %parallel_loop3A_1512 : vector<16xf32>
        %parallel_loop3A_1515 = arith.mulf %parallel_loop3A_1513, %parallel_loop3A_1513 : vector<16xf32>
        %parallel_loop3A_1516 = arith.addf %parallel_loop3A_1514, %parallel_loop3A_1515 : vector<16xf32>
        %parallel_loop3A_1517 = vector.bitcast %parallel_loop3A_1516 : vector<16xf32> to vector<16xi32>
        %parallel_loop3A_1518 = arith.constant 1 : i32
        %parallel_loop3A_1519 = vector.broadcast %parallel_loop3A_1518 : i32 to vector<16xi32>
        %parallel_loop3A_1520 = arith.shrsi %parallel_loop3A_1517, %parallel_loop3A_1519 : vector<16xi32>
        %parallel_loop3A_1521 = arith.constant -550020641 : i32
        %parallel_loop3A_1522 = vector.broadcast %parallel_loop3A_1521 : i32 to vector<16xi32>
        %parallel_loop3A_1523 = arith.subi %parallel_loop3A_1522, %parallel_loop3A_1520 : vector<16xi32>
        %parallel_loop3A_1524 = vector.bitcast %parallel_loop3A_1523 : vector<16xi32> to vector<16xf32>
        %parallel_loop3A_1525 = arith.constant 5.000000e-01 : f32
        %parallel_loop3A_1526 = vector.broadcast %parallel_loop3A_1525 : f32 to vector<16xf32>
        %parallel_loop3A_1527 = arith.mulf %parallel_loop3A_1526, %parallel_loop3A_1516 : vector<16xf32>
        %parallel_loop3A_1528 = arith.mulf %parallel_loop3A_1524, %parallel_loop3A_1524 : vector<16xf32>
        %parallel_loop3A_1529 = arith.mulf %parallel_loop3A_1527, %parallel_loop3A_1528 : vector<16xf32>
        %parallel_loop3A_1530 = arith.constant 1.500000e+00 : f32
        %parallel_loop3A_1531 = vector.broadcast %parallel_loop3A_1530 : f32 to vector<16xf32>
        %parallel_loop3A_1532 = arith.subf %parallel_loop3A_1531, %parallel_loop3A_1529 : vector<16xf32>
        %parallel_loop3A_1533 = arith.mulf %parallel_loop3A_1524, %parallel_loop3A_1532 : vector<16xf32>
        %parallel_loop3A_1534 = arith.mulf %parallel_loop3A_1516, %parallel_loop3A_1533 : vector<16xf32>
        %parallel_loop3A_1535 = arith.constant 1 : i32
        %parallel_loop3A_1536 = arith.index_cast %parallel_loop3A_1535 : i32 to index
        %parallel_loop3A_1537 = arith.index_cast %parallel_loop3A_1484 : i32 to index
        %parallel_loop3A_1538 = tpu.vector_load %arg12[%parallel_loop3A_1536, %parallel_loop3A_1537] {strides = array<i32>} : memref<4x640xf32, #tpu.memory_space<vmem>>, vector<16xf32>,
        tpu.vector_store %arg12[%parallel_loop3A_1536, %parallel_loop3A_1537], %parallel_loop3A_1534 {add = true, strides = array<i32>} : memref<4x640xf32, #tpu.memory_space<vmem>>, vector<16xf32>,
        %parallel_loop3A_1539 = arith.subf %get3A_1453, %parallel_loop3A_1481 : vector<16xf32>
        %parallel_loop3A_1540 = arith.subf %get3A_1458, %parallel_loop3A_1482 : vector<16xf32>
        %parallel_loop3A_1541 = arith.mulf %parallel_loop3A_1539, %parallel_loop3A_1539 : vector<16xf32>
        %parallel_loop3A_1542 = arith.mulf %parallel_loop3A_1540, %parallel_loop3A_1540 : vector<16xf32>
        %parallel_loop3A_1543 = arith.addf %parallel_loop3A_1541, %parallel_loop3A_1542 : vector<16xf32>
        %parallel_loop3A_1544 = vector.bitcast %parallel_loop3A_1543 : vector<16xf32> to vector<16xi32>
        %parallel_loop3A_1545 = arith.constant 1 : i32
        %parallel_loop3A_1546 = vector.broadcast %parallel_loop3A_1545 : i32 to vector<16xi32>
        %parallel_loop3A_1547 = arith.shrsi %parallel_loop3A_1544, %parallel_loop3A_1546 : vector<16xi32>
        %parallel_loop3A_1548 = arith.constant -550020641 : i32
        %parallel_loop3A_1549 = vector.broadcast %parallel_loop3A_1548 : i32 to vector<16xi32>
        %parallel_loop3A_1550 = arith.subi %parallel_loop3A_1549, %parallel_loop3A_1547 : vector<16xi32>
        %parallel_loop3A_1551 = vector.bitcast %parallel_loop3A_1550 : vector<16xi32> to vector<16xf32>
        %parallel_loop3A_1552 = arith.constant 5.000000e-01 : f32
        %parallel_loop3A_1553 = vector.broadcast %parallel_loop3A_1552 : f32 to vector<16xf32>
        %parallel_loop3A_1554 = arith.mulf %parallel_loop3A_1553, %parallel_loop3A_1543 : vector<16xf32>
        %parallel_loop3A_1555 = arith.mulf %parallel_loop3A_1551, %parallel_loop3A_1551 : vector<16xf32>
        %parallel_loop3A_1556 = arith.mulf %parallel_loop3A_1554, %parallel_loop3A_1555 : vector<16xf32>
        %parallel_loop3A_1557 = arith.constant 1.500000e+00 : f32
        %parallel_loop3A_1558 = vector.broadcast %parallel_loop3A_1557 : f32 to vector<16xf32>
        %parallel_loop3A_1559 = arith.subf %parallel_loop3A_1558, %parallel_loop3A_1556 : vector<16xf32>
        %parallel_loop3A_1560 = arith.mulf %parallel_loop3A_1551, %parallel_loop3A_1559 : vector<16xf32>
        %parallel_loop3A_1561 = arith.mulf %parallel_loop3A_1543, %parallel_loop3A_1560 : vector<16xf32>
        %parallel_loop3A_1562 = arith.constant 2 : i32
        %parallel_loop3A_1563 = arith.index_cast %parallel_loop3A_1562 : i32 to index
        %parallel_loop3A_1564 = arith.index_cast %parallel_loop3A_1484 : i32 to index
        %parallel_loop3A_1565 = tpu.vector_load %arg12[%parallel_loop3A_1563, %parallel_loop3A_1564] {strides = array<i32>} : memref<4x640xf32, #tpu.memory_space<vmem>>, vector<16xf32>,
        tpu.vector_store %arg12[%parallel_loop3A_1563, %parallel_loop3A_1564], %parallel_loop3A_1561 {add = true, strides = array<i32>} : memref<4x640xf32, #tpu.memory_space<vmem>>, vector<16xf32>,
        %parallel_loop3A_1566 = arith.subf %get3A_1463, %parallel_loop3A_1481 : vector<16xf32>
        %parallel_loop3A_1567 = arith.subf %get3A_1468, %parallel_loop3A_1482 : vector<16xf32>
        %parallel_loop3A_1568 = arith.mulf %parallel_loop3A_1566, %parallel_loop3A_1566 : vector<16xf32>
        %parallel_loop3A_1569 = arith.mulf %parallel_loop3A_1567, %parallel_loop3A_1567 : vector<16xf32>
        %parallel_loop3A_1570 = arith.addf %parallel_loop3A_1568, %parallel_loop3A_1569 : vector<16xf32>
        %parallel_loop3A_1571 = vector.bitcast %parallel_loop3A_1570 : vector<16xf32> to vector<16xi32>
        %parallel_loop3A_1572 = arith.constant 1 : i32
        %parallel_loop3A_1573 = vector.broadcast %parallel_loop3A_1572 : i32 to vector<16xi32>
        %parallel_loop3A_1574 = arith.shrsi %parallel_loop3A_1571, %parallel_loop3A_1573 : vector<16xi32>
        %parallel_loop3A_1575 = arith.constant -550020641 : i32
        %parallel_loop3A_1576 = vector.broadcast %parallel_loop3A_1575 : i32 to vector<16xi32>
        %parallel_loop3A_1577 = arith.subi %parallel_loop3A_1576, %parallel_loop3A_1574 : vector<16xi32>
        %parallel_loop3A_1578 = vector.bitcast %parallel_loop3A_1577 : vector<16xi32> to vector<16xf32>
        %parallel_loop3A_1579 = arith.constant 5.000000e-01 : f32
        %parallel_loop3A_1580 = vector.broadcast %parallel_loop3A_1579 : f32 to vector<16xf32>
        %parallel_loop3A_1581 = arith.mulf %parallel_loop3A_1580, %parallel_loop3A_1570 : vector<16xf32>
        %parallel_loop3A_1582 = arith.mulf %parallel_loop3A_1578, %parallel_loop3A_1578 : vector<16xf32>
        %parallel_loop3A_1583 = arith.mulf %parallel_loop3A_1581, %parallel_loop3A_1582 : vector<16xf32>
        %parallel_loop3A_1584 = arith.constant 1.500000e+00 : f32
        %parallel_loop3A_1585 = vector.broadcast %parallel_loop3A_1584 : f32 to vector<16xf32>
        %parallel_loop3A_1586 = arith.subf %parallel_loop3A_1585, %parallel_loop3A_1583 : vector<16xf32>
        %parallel_loop3A_1587 = arith.mulf %parallel_loop3A_1578, %parallel_loop3A_1586 : vector<16xf32>
        %parallel_loop3A_1588 = arith.mulf %parallel_loop3A_1570, %parallel_loop3A_1587 : vector<16xf32>
        %parallel_loop3A_1589 = arith.constant 3 : i32
        %parallel_loop3A_1590 = arith.index_cast %parallel_loop3A_1589 : i32 to index
        %parallel_loop3A_1591 = arith.index_cast %parallel_loop3A_1484 : i32 to index
        %parallel_loop3A_1592 = tpu.vector_load %arg12[%parallel_loop3A_1590, %parallel_loop3A_1591] {strides = array<i32>} : memref<4x640xf32, #tpu.memory_space<vmem>>, vector<16xf32>,
        tpu.vector_store %arg12[%parallel_loop3A_1590, %parallel_loop3A_1591], %parallel_loop3A_1588 {add = true, strides = array<i32>} : memref<4x640xf32, #tpu.memory_space<vmem>>, vector<16xf32>,
      } {sc.loop_unroll_factor = 2 : i64, sc.parallel_access}
      %scan3A_1472 = arith.constant 0 : i32
      scf.yield %scan3A_1472 : i32
    }
    %scan3A_1425 = arith.constant 32 : i32
    %multiple_of3A_1426 = tpu.assume_multiple %add3A_1408, 128 : i32
    "tpu.region"() ({
      %run_scoped3A = tpu.sem_alloc : memref<!tpu.dma_semaphore, #tpu.memory_space<semaphore_mem>>
      %dma_start3A_1427 = arith.constant 0 : i32
      %dma_start3A_1428 = tpu.memref_slice %arg5[%dma_start3A_1427, %multiple_of3A_1426] : memref<4x102400xf32, #tpu.memory_space<hbm>> -> memref<4x640xf32, #tpu.memory_space<hbm>>
      %dma_start3A_1429 = arith.constant 0 : i32
      %dma_start3A_1430 = tpu.memref_slice %arg5[%dma_start3A_1429, %multiple_of3A_1426] : memref<4x102400xf32, #tpu.memory_space<hbm>> -> memref<4x640xf32, #tpu.memory_space<hbm>>
      tpu.enqueue_dma source(%arg12 : memref<4x640xf32, #tpu.memory_space<vmem>>) target(%dma_start3A_1430 : memref<4x640xf32, #tpu.memory_space<hbm>>) target_semaphore(%run_scoped3A : memref<!tpu.dma_semaphore, #tpu.memory_space<semaphore_mem>>)
      %dma_wait3A_1431 = arith.constant 0 : i32
      %dma_wait3A_1432 = tpu.memref_slice %arg5[%dma_wait3A_1431, %multiple_of3A_1426] : memref<4x102400xf32, #tpu.memory_space<hbm>> -> memref<4x640xf32, #tpu.memory_space<hbm>>
      %dma_wait3A_1433 = arith.constant 0 : i32
      %dma_wait3A_1434 = tpu.memref_slice %arg5[%dma_wait3A_1433, %multiple_of3A_1426] : memref<4x102400xf32, #tpu.memory_space<hbm>> -> memref<4x640xf32, #tpu.memory_space<hbm>>
      tpu.wait_dma2 semaphore(%run_scoped3A : memref<!tpu.dma_semaphore, #tpu.memory_space<semaphore_mem>>) src(%arg12 : memref<4x640xf32, #tpu.memory_space<vmem>>) dst(%dma_wait3A_1434 : memref<4x640xf32, #tpu.memory_space<hbm>>)
      tpu.yield
    }) : () -> ()
    return
  }
}

</mosaic_0001>

<sc_bundles>
// kernel: kernel.3.cloned.1.call-start
scs
__scs_entry_jumppad:
0x0: {  	(pc) =	sbr.rel $0x88, $3  }
0x1: {  	(tag) =	ssettag $0x0;
	lr =	simm.s32 $0x1  }
0x2: {  	[smem:$0x3F9D] =	sst lr;
	_ =	strace $0xD0000000  }
0x3: {  	_ = 	snop  }
0x4: {  	_ = 	snop  }
0x5: {  	_ = 	snop  }
0x6: {  	_ = 	snop  }
0x7: {  	_ = 	snop  }
__scs_overlays_trampoline_lowered:
0x8: {  	[smem:$0x3FAC] =	sst s0  }
0x9: {  	[smem:$0x3FAD] =	sst s1  }
0xa: {  	[smem:$0x3FAE] =	sst s2  }
0xb: {  	[smem:$0x3FAF] =	sst s3  }
0xc: {  	[smem:$0x3FB0] =	sst s4  }
0xd: {  	[smem:$0x3FB1] =	sst s5  }
0xe: {  	[smem:$0x3FB2] =	sst s6  }
0xf: {  	[smem:$0x3FB3] =	sst s7  }
0x10: {  	[smem:$0x3FB4] =	sst s8  }
0x11: {  	[smem:$0x3FB5] =	sst s9;
	s0 =	simm.s32 @!p0 $0x0  }
0x12: {  	s1 =	sld [smem:$0x3F9B];
	s0 =	simm.s32 @p0 $0x1  }
0x13: {  	[smem:$0x3FB6] =	sst s0;
	s0 =	simm.s32 @!p1 $0x0  }
0x14: {  	s2 =	sld [smem:$0x3F9A];
	s0 =	simm.s32 @p1 $0x1  }
0x15: {  	[smem:$0x3FB7] =	sst s0;
	s0 =	simm.s32 @!p2 $0x0  }
0x16: {  	s3 =	sld [smem:$0x3FDB];
	s0 =	simm.s32 @p2 $0x1  }
0x17: {  	s4 =	simm.s32 $0x1BF5;
	[smem:$0x3FB9] =	sst s0  }
0x18: {  	s0 =	sld [smem:$0x3F9C];
	_ =	swait.ge [sflag:s4], $0x0  }
0x19: {  	s7 =	sld [smem:$0x3F9D]  }
0x1a: {  	s8 =	sadd.s32 $0xFFFFE003, lr  }
0x1b: {  	s9 =	sadd.s32 $0xFFFFFEF7, lr;
	s5 =	simm.s32 $0xFFFFFFFF;
	p2 =	slt.u32 s8, $0xFFFFF086  }
0x1c: {  	p1 =	slt.u32 s9, $0xF7A;
	s5 =	simm.s32 @!p2 $0x0  }
0x1d: {  	s5 =	simm.s32 @p1 $0x1;
	p0 =	seq.s32 s7, s2  }
0x1e: {  	s7 =	smul.u32 @!p0 $0xF7A, s2;
	p2 =	seq.s32 @!p0 s5, $0x0  }
0x1f: {  	s9 =	smul.u32 $0xF7A, s1;
	s8 =	simm.s32 @!p0 $0x1BF5;
	p2 =	por !p2, p0  }
0x20: {  	[sflag:s8] =	ssyncset.s32 @!p0 $0xFFFFF086;
	s6 =	sadd.s32 @!p0 s3, s7;
	s7 =	simm.s32 @!p0 $0x108  }
0x21: {  	s3 =	sadd.s32 s3, s9;
	s6 =	sadd.s32 @!p0 $0x88, s6;
	s7 =	simm.s32 @p2 $0x1082  }
0x22: {  	[simem:s7], [sflag:s8] =	dma.local @!p0 [hbm:s6], $0xF7A  }
0x23: {  	s9 =	sor.u32 $0xD0000000, s2;
	s6 =	simm.s32 $0x108;
	_ =	swait.ge @!p0 [sflag:s8], $0x0  }
0x24: {  	s3 =	sadd.s32 $0x88, s3;
	s6 =	simm.s32 @!p1 $0x1082;
	[sflag:s4] =	ssyncset.s32 $0xFFFFF086  }
0x25: {  	[simem:s6], [sflag:s4] =	dma.local [hbm:s3], $0xF7A  }
0x26: {  	[smem:$0x3F9D] =	sst s1;
	(tag) =	ssettag s2;
	_ =	strace s9  }
0x27: {  	s1 =	sld [smem:$0x3FAD]  }
0x28: {  	s2 =	sld [smem:$0x3FAE]  }
0x29: {  	s4 =	sld [smem:$0x3FB0]  }
0x2a: {  	p0 =	seq.s32 s5, $0x0;
	s5 =	sld [smem:$0x3FB1]  }
0x2b: {  	s6 =	sld [smem:$0x3FB2]  }
0x2c: {  	s7 =	sld [smem:$0x3FB3]  }
0x2d: {  	s3 =	simm.s32 $0x108;
	s8 =	sld [smem:$0x3FB4]  }
0x2e: {  	s3 =	simm.s32 @!p0 $0x1082;
	s9 =	sld [smem:$0x3FB5]  }
0x2f: {  	lr =	sadd.s32 s0, s3;
	s0 =	sld [smem:$0x3FAC]  }
0x30: {  	s3 =	sld [smem:$0x3FAF]  }
0x31: {  	[smem:$0x3FB8] =	sst s10  }
0x32: {  	s10 =	sld [smem:$0x3FB6];
	_ =	sdelay $0x3  }
0x33: {  	p0 =	seq.s32 s10, $0x1;
	s10 =	sld [smem:$0x3FB8];
	_ =	sdelay $0x3  }
0x34: {  	[smem:$0x3FB8] =	sst s10  }
0x35: {  	s10 =	sld [smem:$0x3FB7];
	_ =	sdelay $0x3  }
0x36: {  	p1 =	seq.s32 s10, $0x1;
	s10 =	sld [smem:$0x3FB8];
	_ =	sdelay $0x3  }
0x37: {  	[smem:$0x3FB8] =	sst s10  }
0x38: {  	s10 =	sld [smem:$0x3FB9]  }
0x39: {  	_ = 	snop;
	(pc) =	sbr.ind lr, $3  }
0x3a: {  	_ = 	snop  }
0x3b: {  	_ = 	snop  }
0x3c: {  	p2 =	seq.s32 s10, $0x1;
	s10 =	sld [smem:$0x3FB8]  }
0x3d: {  	_ =	shalt  }
0x3e: {  	_ =	shalt  }
0x3f: {  	_ =	shalt  }
0x40: {  	_ =	shalt  }
0x41: {  	_ =	shalt  }
0x42: {  	_ =	shalt  }
0x43: {  	_ =	shalt  }
0x44: {  	_ =	shalt  }
0x45: {  	_ =	shalt  }
0x46: {  	_ =	shalt  }
0x47: {  	_ =	shalt  }
0x48: {  	_ =	shalt  }
0x49: {  	_ =	shalt  }
0x4a: {  	_ =	shalt  }
0x4b: {  	_ =	shalt  }
0x4c: {  	_ =	shalt  }
0x4d: {  	_ =	shalt  }
0x4e: {  	_ =	shalt  }
0x4f: {  	_ =	shalt  }
0x50: {  	_ =	shalt  }
0x51: {  	_ =	shalt  }
0x52: {  	_ =	shalt  }
0x53: {  	_ =	shalt  }
0x54: {  	_ =	shalt  }
0x55: {  	_ =	shalt  }
0x56: {  	_ =	shalt  }
0x57: {  	_ =	shalt  }
0x58: {  	_ =	shalt  }
0x59: {  	_ =	shalt  }
0x5a: {  	_ =	shalt  }
0x5b: {  	_ =	shalt  }
0x5c: {  	_ =	shalt  }
0x5d: {  	_ =	shalt  }
0x5e: {  	_ =	shalt  }
0x5f: {  	_ =	shalt  }
0x60: {  	_ =	shalt  }
0x61: {  	_ =	shalt  }
0x62: {  	_ =	shalt  }
0x63: {  	_ =	shalt  }
0x64: {  	_ =	shalt  }
0x65: {  	_ =	shalt  }
0x66: {  	_ =	shalt  }
0x67: {  	_ =	shalt  }
0x68: {  	_ =	shalt  }
0x69: {  	_ =	shalt  }
0x6a: {  	_ =	shalt  }
0x6b: {  	_ =	shalt  }
0x6c: {  	_ =	shalt  }
0x6d: {  	_ =	shalt  }
0x6e: {  	_ =	shalt  }
0x6f: {  	_ =	shalt  }
0x70: {  	_ =	shalt  }
0x71: {  	_ =	shalt  }
0x72: {  	_ =	shalt  }
0x73: {  	_ =	shalt  }
0x74: {  	_ =	shalt  }
0x75: {  	_ =	shalt  }
0x76: {  	_ =	shalt  }
0x77: {  	_ =	shalt  }
0x78: {  	_ =	shalt  }
0x79: {  	_ =	shalt  }
0x7a: {  	_ =	shalt  }
0x7b: {  	_ =	shalt  }
0x7c: {  	_ =	shalt  }
0x7d: {  	_ =	shalt  }
0x7e: {  	_ =	shalt  }
0x7f: {  	_ =	shalt  }
0x80: {  	_ =	shalt  }
0x81: {  	_ =	shalt  }
0x82: {  	_ =	shalt  }
0x83: {  	_ =	shalt  }
0x84: {  	_ =	shalt  }
0x85: {  	_ =	shalt  }
0x86: {  	_ =	shalt  }
0x87: {  	_ =	shalt  }
.Lfunc_end0:
.L_simem_size_0:
called_computation_lowered:
.L_overlay_start_0:
0x88: {  	s2 =	sld [smem:$0x3FD9]  }
0x89: {  	s3 =	sld [smem:$0x3FFE];
	_ =	sdelay $0x1  }
0x8a: {  	s1 =	srdreg.scid  }
0x8b: {  	s0 =	sand.u32 $0x1, s1  }
0x8c: {  	s17 =	sshll.u32 s0, $0xA;
	s2 =	sadd.s32 s3, s2  }
0x8d: {  	s2 =	sadd.s32 s2, s17  }
0x8e: {  	[smem:$0x3FC4] =	sst s2  }
0x8f: {  	_ = 	snop  }
0x90: {  	s2 =	sld [smem:$0x3FD0];
	(tm) =	ssettm $0x1  }
0x91: {  	s18 =	sld [smem:$0x3FFB];
	_ =	sdelay $0x3  }
0x92: {  	_ =	strace s18  }
0x93: {  	s3 =	sld [smem:$0x3FFC];
	_ =	sdelay $0x3  }
0x94: {  	_ =	strace s3  }
0x95: {  	s3 =	sld [smem:$0x3FFD];
	_ =	sdelay $0x3  }
0x96: {  	_ =	strace s3  }
0x97: {  	_ =	strace $0x8FFFFFFF  }
0x98: {  	s19 =	sld [smem:$0x3FDB];
	_ =	sdelay $0x1  }
0x99: {  	s4 =	simm.s32 $_scs_section_size  }
0x9a: {  	s5 =	simm.s32 $_size__tile_overlayer_lowered;
	s6 =	simm.s32 $_tile_overlayer_lowered  }
0x9b: {  	s22 =	simm.s32 $0x1BFF;
	s21 =	sshll.u32 s6, $0x1;
	s3 =	sadd.s32 s4, s19  }
0x9c: {  	s7 =	simm.s32 $0x0;
	s20 =	sshll.u32 s5, $0x1;
	s5 =	sadd.s32 s21, s3  }
0x9d: {  	[timem:s7], [sflag:s22] =	dma.local [hbm:s5], s20  }
0x9e: {  	_ =	swait.ge [sflag:s22], s20  }
0x9f: {  	s4 =	ssub.s32 $0x0, s20;
	[sflag:s22] =	ssyncset.done $0x0  }
0xa0: {  	[sflag:s22] =	ssyncadd.s32 s4;
	_ =	sdelay $0x1  }
0xa1: {  	s23 =	simm.s32 $0x1B8B  }
0xa2: {  	_ =	swait.ge [sflag:s23], $0x1  }
0xa3: {  	[sflag:s23] =	ssyncset.done $0x0  }
0xa4: {  	s25 =	simm.s32 $0x1B8E;
	s24 =	sld [smem:$0x3FFE];
	[sflag:s23] =	ssyncadd.s32 $0xFFFFFFFF  }
0xa5: {  	s26 =	simm.s32 $execute0_lowered;
	[smem:$0x3FD2] =	sst s25  }
0xa6: {  	s5 =	sshll.u32 s26, $0x1;
	_ =	strace $0x80000046;
	[dreg:$0x1] =	wrdreg $0xFFFFFFFF  }
0xa7: {  	s28 =	simm.s32 $_size_execute0_lowered;
	s3 =	sadd.s32 s3, s5;
	[dreg:$0x0] =	wrdreg $0x0  }
0xa8: {  	s5 =	sshll.u32 s28, $0x1;
	[dreg:$0x2] =	wrdreg s3  }
0xa9: {  	[dreg:$0x3] =	wrdreg s5  }
0xaa: {  	[dreg:$0x4] =	wrdreg $0xC0  }
0xab: {  	_ =	task [dreg:s7], $0x5FFFF  }
0xac: {  	[dreg:$0x1] =	wrdreg $0xFFFFFFFF  }
0xad: {  	[dreg:$0x0] =	wrdreg $0x60  }
0xae: {  	[dreg:$0x2] =	wrdreg s24  }
0xaf: {  	[dreg:$0x3] =	wrdreg s2  }
0xb0: {  	[dreg:$0x4] =	wrdreg $0x9  }
0xb1: {  	_ =	task.clear_ibuf [dreg:s7], $0x5FFFF;
	_ =	strace $0x90000046  }
0xb2: {  	s29 =	simm.s32 $0x9;
	_ =	strace $0x80000048  }
0xb3: {  	_ =	swait.ge [sflag:s29], $0x1  }
0xb4: {  	[sflag:s29] =	ssyncadd.s32 $0xFFFFFFFF  }
0xb5: {  	_ =	strace $0x90000048  }
0xb6: {  	_ =	sfence  }
0xb7: {  	s30 =	sld [smem:$0x0];
	_ =	sdelay $0x2  }
0xb8: {  	s31 =	sshll.u32 s1, $0xD;
	s1 =	sshrl.u32 s1, $0x2  }
0xb9: {  	s3 =	sand.u32 $0x4000, s31;
	s1 =	sadd.s32 s1, s30  }
0xba: {  	s0 =	sor.u32 s3, s0;
	s1 =	sshll.u32 s1, $0x11  }
0xbb: {  	s0 =	sor.u32 s1, s0  }
0xbc: {  	s0 =	sadd.s32 $0x8F2B, s0  }
0xbd: {  	[sflag:s0] =	ssyncadd.remote.s32 $0x1  }
0xbe: {  	_ =	sfence.sel $0xFFFF  }
0xbf: {  	[dreg:$0x0] =	wrdreg $0xFFFFFFFF;
	(pc) =	sbr.abs _section_cstart, $3  }
0xc0: {  	[dreg:$0x1] =	wrdreg $0xFFFFFFFF  }
0xc1: {  	_ =	task.clear_ibuf [dreg:s7], $0x2FFFF;
	_ =	strace $0x9FFFFFFF  }
0xc2: {  	(tm) =	ssettm $0x7FFFFFFF  }
0xc3: {  	_ =	shalt  }
tec
execute0_lowered:
.L_overlay_start_1:
0x0: {  	(tag) =	ssettag $0x1  }
0x1: {  	s0 =	rddreg [dreg:$0x0];
	s3 =	simm.s32 $0x0  }
0x2: {  	s1 =	srdreg.scid;
	s2 =	stileid.u32;
	s28 =	simm.s32 $0x2  }
0x3: {  	s29 =	simm.s32 $0x1;
	s30 =	simm.s32 $0x80;
	s31 =	simm.s32 $0x480  }
0x4: {  	[smem:$0x7FF] =	sst s3;
	s1 =	sand.u32 $0x1, s1;
	s5 =	sadd.s32 $0x187200, s0  }
0x5: {  	s4 =	sshll.u32 s2, $0x1;
	s20 =	sadd.s32 $0x800, s0;
	s8 =	sadd.s32 $0x187400, s0  }
0x6: {  	s15 =	smul.u32 $0x1900, s2;
	_ =	strace $0x80000047;
	s4 =	sor.u32 s1, s4  }
0x7: {  	[dreg:$0x3] =	wrdreg s5;
	s6 =	ssub.s32 $0x2, s1;
	s1 =	smul.u32 $0xC80, s1  }
0x8: {  	s0 =	sadd.s32 $0x1C00, s0;
	[dreg:$0x4] =	wrdreg s20;
	s7 =	smul.u32 $0xC80, s4  }
0x9: {  	s5 =	simm.s32 $0xAA80;
	s9 =	sshrl.u32 s6, $0x1;
	s21 =	smul.u32 $0xC800, s4  }
0xa: {  	s4 =	smul.u32 $0x640, s4;
	s6 =	ssub.s32 s6, s9;
	s1 =	sadd.s32 s1, s15  }
0xb: {  	s10 =	sadd.s32 $0x280, s7;
	s12 =	sadd.s32 s20, s21;
	s9 =	sadd.s32 s21, s0  }
0xc: {  	s4 =	sadd.s32 s8, s4;
	s23 =	sadd.s32 $0x500, s7;
	[dreg:$0x5] =	wrdreg s12  }
0xd: {  	s25 =	sadd.s32 $0x780, s7;
	s7 =	sadd.s32 $0xA00, s7;
	[dreg:$0x6] =	wrdreg s9  }
0xe: {  	s11 =	smin.u32 s10, $0x18420;
	[dreg:$0x8] =	wrdreg s4;
	s24 =	smin.u32 s23, $0x18420  }
0xf: {  	s10 =	sshrl.u32 s10, $0x1;
	s26 =	smin.u32 s25, $0x18420;
	s4 =	sshrl.u32 s23, $0x1  }
0x10: {  	s18 =	smin.u32 s7, $0x18420;
	s19 =	sshrl.u32 s25, $0x1;
	s10 =	sadd.s32 s8, s10  }
0x11: {  	s25 =	sadd.s32 $0x500, s1;
	s16 =	sadd.s32 s8, s4;
	[dreg:$0xb] =	wrdreg s10  }
0x12: {  	s22 =	sshll.u32 s11, $0x4;
	s21 =	sadd.s32 s8, s19;
	[dreg:$0xe] =	wrdreg s16  }
0x13: {  	s4 =	sshll.u32 s18, $0x4;
	s11 =	sadd.s32 s20, s22;
	[dreg:$0x11] =	wrdreg s21  }
0x14: {  	s9 =	sadd.s32 s22, s0;
	s22 =	sshrl.u32 s7, $0x1;
	[dreg:$0x7] =	wrdreg s11  }
0x15: {  	[dreg:$0x9] =	wrdreg s9;
	s9 =	sshll.u32 s24, $0x4;
	s24 =	smax.u32 s6, $0x1  }
0x16: {  	s6 =	simm.s32 $0x0;
	s13 =	sadd.s32 s20, s9;
	[dreg:$0x14] =	wrdreg s24  }
0x17: {  	s9 =	sadd.s32 s9, s0;
	[dreg:$0xa] =	wrdreg s13;
	s13 =	sshll.u32 s26, $0x4  }
0x18: {  	[dreg:$0xc] =	wrdreg s9;
	s9 =	sadd.s32 $0x280, s1;
	s14 =	sadd.s32 s20, s13  }
0x19: {  	s26 =	sadd.s32 $0x780, s1;
	s17 =	sadd.s32 s13, s0;
	[dreg:$0xd] =	wrdreg s14  }
0x1a: {  	s1 =	sadd.s32 $0xA00, s1;
	s20 =	sadd.s32 s20, s4;
	[dreg:$0xf] =	wrdreg s17  }
0x1b: {  	v0 =	vimm.s32 $0x4;
	v1 =	vimm.s32 $0x8;
	v2 =	vimm.s32 $0x7;
	s0 =	sadd.s32 s4, s0;
	s23 =	smax.u32 s9, $0x18420;
	[dreg:$0x10] =	wrdreg s20  }
0x1c: {  	v3 =	vlaneseq.u32;
	v4 =	vimm.f32 $-5.000000000e-01;
	v5 =	vimm.f32 $-1.000000000e+00;
	s4 =	smax.u32 s26, $0x18420;
	s1 =	smax.u32 s1, $0x18420;
	[dreg:$0x12] =	wrdreg s0  }
0x1d: {  	v9 =	vimm.s32 $0x5;
	v10 =	vimm.s32 $0x9;
	v11 =	vimm.s32 $0x6;
	s0 =	sadd.s32 s8, s22;
	s22 =	sadd.s32 $0xFFFE7BE0, s23;
	s24 =	sadd.s32 $0xFFFE7BE0, s4  }
0x1e: {  	v12 =	vimm.s32 $0xA;
	v13 =	vimm.s32 $0xB;
	v14 =	vimm.f32 $1.200000000e+01;
	[dreg:$0x13] =	wrdreg s0;
	s0 =	smax.u32 s25, $0x18420;
	s25 =	sadd.s32 $0xFFFE7BE0, s1  }
0x1f: {  	v6 =	vor.u32 $0x20, v3;
	v7 =	vor.u32 $0x10, v3;
	v8 =	vor.u32 $0x30, v3;
	s1 =	simm.s32 $0x14A80;
	s23 =	sadd.s32 $0xFFFE7BE0, s0;
	s0 =	simm.s32 $0x880  }
.LBB2_1:
0x20: {  	s2 =	rddreg [dreg:$0x5]  }
0x21: {  	[tilespmem:s5], [sflag:$0x1] =	stream.linear.gather [hbm4b:s2+s3], $0xA000, $0x38;
	[tilespmem:$0x1ED00] =	vst v63  }
0x22: {  	s13 =	rddreg [dreg:$0x3]  }
0x23: {  	[tilespmem:s3], [sflag:$0x2] =	stream.linear.gather [hbm4b:s13+s3], $0x80, $0x38;
	[tilespmem:$0x1ED00] =	vst v63  }
0x24: {  	_ =	swait.ge [sflag:s28], $0x80  }
0x25: {  	[sflag:s28] =	ssyncset.done $0x0  }
0x26: {  	[sflag:s28] =	ssyncadd.s32 $0xFFFFFF80  }
0x27: {  	v15 =	vld.idx.msk [tilespmem:v1+s3+$0x0], $0xffff  }
0x28: {  	v16 =	vld.idx.msk [tilespmem:v0+s3+$0x0], $0xffff;
	_ =	sdelay $0x3  }
0x29: {  	v17 =	vxor.u32 $0x80000000, v15  }
0x2a: {  	(xrf0) =	vmax.scan.msk.u32 $0xffff, v17;
	v17 =	vxor.u32 $0x80000000, v16  }
0x2b: {  	(xrf0) =	vmax.scan.msk.u32 $0xffff, v17;
	_ =	sdelay $0x4  }
0x2c: {  	v17, _, _ =	vpop (xrf0)  }
0x2d: {  	(v2sf) =	vpush v17, $0xF;
	v17, _, _ =	vpop (xrf0)  }
0x2e: {  	(v2sf) =	vpush v17, $0xF;
	_ =	sdelay $0xd  }
0x2f: {  	s7 =	spop (v2sf)  }
0x30: {  	s8 =	sand.u32 $0x7, s7;
	s9 =	spop (v2sf)  }
0x31: {  	s4 =	rddreg [dreg:$0x4];
	p0 =	sne.s32 s8, $0x0;
	s15 =	sxor.u32 $0x80000000, s9  }
0x32: {  	s14 =	sand.u32 $0x7, s9;
	p3 =	sgt.s32 s9, $0xFFFFFFFF;
	p4 =	slt.s32 s15, $0x1  }
0x33: {  	p2 =	sne.s32 s14, $0x0;
	s8 =	sshra.s32 s15, $0x1F;
	p3 =	por p3, p4  }
0x34: {  	s10 =	sxor.u32 $0x80000000, s7;
	s8 =	sshrl.u32 s8, $0x1D;
	p2 =	por !p2, !p3  }
0x35: {  	s8 =	sadd.s32 s8, s9;
	s9 =	simm.s32 $0x1;
	p2 =	por !p2, !p2  }
0x36: {  	p6 =	sgt.s32 s7, $0xFFFFFFFF;
	s8 =	sshrl.u32 s8, $0x3;
	s9 =	simm.s32 @!p2 $0x0  }
0x37: {  	p1 =	slt.s32 s10, $0x1;
	s10 =	sshra.s32 s10, $0x1F;
	s8 =	ssub.s32 s8, s9  }
0x38: {  	s10 =	sshrl.u32 s10, $0x1D;
	p1 =	por p6, p1;
	s8 =	sshll.u32 s8, $0x7  }
0x39: {  	s7 =	sadd.s32 s10, s7;
	p0 =	por !p0, !p1;
	s8 =	sand.u32 $0x1FFFFF80, s8  }
0x3a: {  	p0 =	por !p0, !p0;
	s9 =	simm.s32 $0x1;
	s8 =	sadd.s32 s4, s8  }
0x3b: {  	[tilespmem:s30], [sflag:$0x2] =	stream.linear.gather [hbm4b:s8+s3], $0x400, $0x38;
	[tilespmem:$0x1ED00] =	vst v63  }
0x3c: {  	s7 =	sshrl.u32 s7, $0x3;
	s9 =	simm.s32 @!p0 $0x0;
	_ =	swait.ge [sflag:s28], $0x400  }
0x3d: {  	s7 =	ssub.s32 s7, s9;
	[sflag:s28] =	ssyncset.done $0x0  }
0x3e: {  	v15 =	vshll.u32 v15, $0x7;
	s7 =	sshll.u32 s7, $0x7;
	[sflag:s28] =	ssyncadd.s32 $0xFFFFFC00  }
0x3f: {  	v15 =	vand.u32 $0x380, v15;
	s7 =	sand.u32 $0x1FFFFF80, s7;
	s2 =	rddreg [dreg:$0x1]  }
0x40: {  	v17 =	vor.u32 v3, v15;
	s7 =	sadd.s32 s2, s7  }
0x41: {  	[tilespmem:s31], [sflag:$0x2] =	stream.linear.gather [hbm4b:s7+s3], $0x400, $0x38;
	[tilespmem:$0x1ED00] =	vst v63  }
0x42: {  	_ =	swait.ge [sflag:s28], $0x400  }
0x43: {  	[sflag:s28] =	ssyncset.done $0x0  }
0x44: {  	[sflag:s28] =	ssyncadd.s32 $0xFFFFFC00  }
0x45: {  	v17 =	vld.idx.msk [tilespmem:v17+s31+$0x0], $0xffff;
	_ =	sdelay $0x4  }
0x46: {  	v17 =	vmul.f32 $7.180783270e+00, v17;
	_ =	sdelay $0x1  }
0x47: {  	v18 =	vmul.f32 $3.183098730e-01, v17;
	_ =	sdelay $0x1  }
0x48: {  	vm0 =	vge.f32 v18, $0.0e+00  }
0x49: {  	v19 =	vsel vm0, $0x3F000000, v4  }
0x4a: {  	v18 =	vadd.f32 v19, v18;
	_ =	sdelay $0x1  }
0x4b: {  	v18 =	vtrunc.f32 v18  }
0x4c: {  	v18 =	vcvt.f32.s32 v18;
	_ =	sdelay $0x1  }
0x4d: {  	v19 =	vcvt.s32.f32 v18;
	_ =	sdelay $0x1  }
0x4e: {  	v19 =	vmul.f32 $3.141592740e+00, v19;
	_ =	sdelay $0x1  }
0x4f: {  	v17 =	vsub.f32 v17, v19;
	_ =	sdelay $0x1  }
0x50: {  	v19 =	vmul.f32 v17, v17;
	_ =	sdelay $0x1  }
0x51: {  	v20 =	vmul.f32 $2.755732000e-07, v19;
	_ =	sdelay $0x1  }
0x52: {  	v21 =	vmul.f32 $2.755731880e-06, v19;
	v20 =	vsub.f32 $2.480158760e-05, v20;
	_ =	sdelay $0x1  }
0x53: {  	v21 =	vadd.f32 $-1.984127010e-04, v21;
	v20 =	vmul.f32 v20, v19;
	_ =	sdelay $0x1  }
0x54: {  	v21 =	vmul.f32 v21, v19;
	v20 =	vadd.f32 $-1.388888920e-03, v20;
	_ =	sdelay $0x1  }
0x55: {  	v21 =	vadd.f32 $8.333333770e-03, v21;
	v20 =	vmul.f32 v20, v19  }
0x56: {  	v16 =	vshll.u32 v16, $0x7  }
0x57: {  	v16 =	vand.u32 $0x380, v16;
	v21 =	vmul.f32 v21, v19;
	v20 =	vadd.f32 $4.166666790e-02, v20  }
0x58: {  	v22 =	vor.u32 v3, v16  }
0x59: {  	v23 =	vor.u32 v6, v16;
	v21 =	vadd.f32 $-1.666666720e-01, v21;
	v20 =	vmul.f32 v20, v19;
	_ =	sdelay $0x1  }
0x5a: {  	v21 =	vmul.f32 v21, v19;
	v20 =	vadd.f32 $-5.000000000e-01, v20;
	_ =	sdelay $0x1  }
0x5b: {  	v24 =	vld.idx.msk [tilespmem:v22+s30+$0x0], $0xffff;
	v63 =	vadd.f32 $1.000000000e+00, v21;
	v19 =	vmul.f32 v20, v19  }
0x5c: {  	v25 =	vld.idx.msk [tilespmem:v23+s30+$0x0], $0xffff;
	v18 =	vand.u32 $0x1, v18  }
0x5d: {  	vm13 =	veq.s32 v18, $0x0;
	v17 =	vmul.f32 v63, v17;
	v19 =	vadd.f32 $1.000000000e+00, v19  }
0x5e: {  	v18 =	vsel vm13, $0x3F800000, v5  }
0x5f: {  	v17 =	vmul.f32 v17, v18;
	v18 =	vmul.f32 v19, v18;
	_ =	sdelay $0x1  }
0x60: {  	v26 =	vmul.f32 v17, v25;
	v19 =	vmul.f32 v18, v24  }
0x61: {  	v15 =	vor.u32 v7, v15;
	v17 =	vmul.f32 v17, v24;
	v18 =	vmul.f32 v18, v25  }
0x62: {  	v19 =	vsub.f32 v19, v26  }
0x63: {  	v17 =	vadd.f32 v18, v17  }
0x64: {  	[tilespmem:$0x900] =	vst v19  }
0x65: {  	[tilespmem:$0x920] =	vst v17  }
0x66: {  	v15 =	vld.idx.msk [tilespmem:v15+s31+$0x0], $0xffff;
	_ =	sdelay $0x4  }
0x67: {  	v15 =	vmul.f32 $7.180783270e+00, v15;
	_ =	sdelay $0x1  }
0x68: {  	v17 =	vmul.f32 $3.183098730e-01, v15;
	_ =	sdelay $0x1  }
0x69: {  	vm14 =	vge.f32 v17, $0.0e+00  }
0x6a: {  	v18 =	vsel vm14, $0x3F000000, v4  }
0x6b: {  	v17 =	vadd.f32 v18, v17;
	_ =	sdelay $0x1  }
0x6c: {  	v17 =	vtrunc.f32 v17  }
0x6d: {  	v17 =	vcvt.f32.s32 v17;
	_ =	sdelay $0x1  }
0x6e: {  	v18 =	vcvt.s32.f32 v17;
	_ =	sdelay $0x1  }
0x6f: {  	v18 =	vmul.f32 $3.141592740e+00, v18;
	_ =	sdelay $0x1  }
0x70: {  	v15 =	vsub.f32 v15, v18;
	_ =	sdelay $0x1  }
0x71: {  	v18 =	vmul.f32 v15, v15;
	_ =	sdelay $0x1  }
0x72: {  	v19 =	vmul.f32 $2.755732000e-07, v18;
	_ =	sdelay $0x1  }
0x73: {  	v27 =	vmul.f32 $2.755731880e-06, v18;
	v19 =	vsub.f32 $2.480158760e-05, v19;
	_ =	sdelay $0x1  }
0x74: {  	v20 =	vadd.f32 $-1.984127010e-04, v27;
	v19 =	vmul.f32 v19, v18;
	_ =	sdelay $0x1  }
0x75: {  	v20 =	vmul.f32 v20, v18;
	v19 =	vadd.f32 $-1.388888920e-03, v19;
	_ =	sdelay $0x1  }
0x76: {  	v20 =	vadd.f32 $8.333333770e-03, v20;
	v19 =	vmul.f32 v19, v18;
	_ =	sdelay $0x1  }
0x77: {  	v20 =	vmul.f32 v20, v18;
	v19 =	vadd.f32 $4.166666790e-02, v19  }
0x78: {  	v28 =	vor.u32 v7, v16  }
0x79: {  	v16 =	vor.u32 v8, v16;
	v20 =	vadd.f32 $-1.666666720e-01, v20;
	v19 =	vmul.f32 v19, v18;
	_ =	sdelay $0x1  }
0x7a: {  	v20 =	vmul.f32 v20, v18;
	v19 =	vadd.f32 $-5.000000000e-01, v19;
	_ =	sdelay $0x1  }
0x7b: {  	v29 =	vld.idx.msk [tilespmem:v28+s30+$0x0], $0xffff;
	v18 =	vmul.f32 v19, v18;
	v19 =	vadd.f32 $1.000000000e+00, v20  }
0x7c: {  	v16 =	vld.idx.msk [tilespmem:v16+s30+$0x0], $0xffff;
	v17 =	vand.u32 $0x1, v17  }
0x7d: {  	vm15 =	veq.s32 v17, $0x0;
	v18 =	vadd.f32 $1.000000000e+00, v18;
	v15 =	vmul.f32 v19, v15  }
0x7e: {  	v17 =	vsel vm15, $0x3F800000, v5  }
0x7f: {  	v15 =	vmul.f32 v15, v17;
	v17 =	vmul.f32 v18, v17;
	_ =	sdelay $0x1  }
0x80: {  	v18 =	vmul.f32 v17, v29;
	v19 =	vmul.f32 v15, v16  }
0x81: {  	v15 =	vmul.f32 v15, v29;
	v16 =	vmul.f32 v17, v16  }
0x82: {  	v17 =	vsub.f32 v18, v19  }
0x83: {  	v15 =	vadd.f32 v16, v15  }
0x84: {  	[tilespmem:$0x910] =	vst v17  }
0x85: {  	[tilespmem:$0x930] =	vst v15  }
0x86: {  	v15 =	vld.idx.msk [tilespmem:v10+s3+$0x0], $0xffff;
	_ =	sdelay $0x1  }
0x87: {  	v16 =	vld.idx.msk [tilespmem:v9+s3+$0x0], $0xffff;
	_ =	sdelay $0x2  }
0x88: {  	v17 =	vxor.u32 $0x80000000, v15  }
0x89: {  	(xrf0) =	vmax.scan.msk.u32 $0xffff, v17  }
0x8a: {  	v17 =	vxor.u32 $0x80000000, v16  }
0x8b: {  	(xrf0) =	vmax.scan.msk.u32 $0xffff, v17;
	_ =	sdelay $0x3  }
0x8c: {  	v17, _, _ =	vpop (xrf0)  }
0x8d: {  	(v2sf) =	vpush v17, $0xF  }
0x8e: {  	v17, _, _ =	vpop (xrf0)  }
0x8f: {  	(v2sf) =	vpush v17, $0xF;
	_ =	sdelay $0xc  }
0x90: {  	s16 =	spop (v2sf)  }
0x91: {  	s9 =	simm.s32 $0x1;
	s17 =	sand.u32 $0x7, s16  }
0x92: {  	s18 =	spop (v2sf);
	s19 =	sxor.u32 $0x80000000, s16;
	p6 =	sgt.s32 s16, $0xFFFFFFFF  }
0x93: {  	p0 =	sne.s32 s17, $0x0;
	s20 =	sand.u32 $0x7, s18;
	s21 =	sxor.u32 $0x80000000, s18  }
0x94: {  	p1 =	slt.s32 s19, $0x1;
	p4 =	sgt.s32 s18, $0xFFFFFFFF;
	p5 =	slt.s32 s21, $0x1  }
0x95: {  	p2 =	sne.s32 s20, $0x0;
	s8 =	sshra.s32 s21, $0x1F;
	p3 =	por p4, p5  }
0x96: {  	s10 =	sshra.s32 s19, $0x1F;
	s8 =	sshrl.u32 s8, $0x1D;
	p2 =	por !p2, !p3  }
0x97: {  	s10 =	sshrl.u32 s10, $0x1D;
	s8 =	sadd.s32 s8, s18;
	p2 =	por !p2, !p2  }
0x98: {  	p1 =	por p6, p1;
	s8 =	sshrl.u32 s8, $0x3;
	s9 =	simm.s32 @!p2 $0x0  }
0x99: {  	s7 =	sadd.s32 s10, s16;
	p0 =	por !p0, !p1;
	s8 =	ssub.s32 s8, s9  }
0x9a: {  	p0 =	por !p0, !p0;
	s9 =	simm.s32 $0x1;
	s8 =	sshll.u32 s8, $0x7  }
0x9b: {  	s7 =	sshrl.u32 s7, $0x3;
	s9 =	simm.s32 @!p0 $0x0;
	s8 =	sand.u32 $0x1FFFFF80, s8  }
0x9c: {  	s7 =	ssub.s32 s7, s9;
	s8 =	sadd.s32 s4, s8  }
0x9d: {  	[tilespmem:s30], [sflag:$0x2] =	stream.linear.gather [hbm4b:s8+s3], $0x400, $0x38;
	[tilespmem:$0x1ED00] =	vst v63  }
0x9e: {  	v15 =	vshll.u32 v15, $0x7;
	s7 =	sshll.u32 s7, $0x7;
	_ =	swait.ge [sflag:s28], $0x400  }
0x9f: {  	v15 =	vand.u32 $0x380, v15;
	s7 =	sand.u32 $0x1FFFFF80, s7;
	[sflag:s28] =	ssyncset.done $0x0  }
0xa0: {  	v17 =	vor.u32 v3, v15;
	s7 =	sadd.s32 s2, s7;
	[sflag:s28] =	ssyncadd.s32 $0xFFFFFC00  }
0xa1: {  	[tilespmem:s31], [sflag:$0x2] =	stream.linear.gather [hbm4b:s7+s3], $0x400, $0x38;
	[tilespmem:$0x1ED00] =	vst v63  }
0xa2: {  	_ =	swait.ge [sflag:s28], $0x400  }
0xa3: {  	[sflag:s28] =	ssyncset.done $0x0  }
0xa4: {  	[sflag:s28] =	ssyncadd.s32 $0xFFFFFC00  }
0xa5: {  	v17 =	vld.idx.msk [tilespmem:v17+s31+$0x0], $0xffff;
	_ =	sdelay $0x4  }
0xa6: {  	v17 =	vmul.f32 $7.180783270e+00, v17;
	_ =	sdelay $0x1  }
0xa7: {  	v18 =	vmul.f32 $3.183098730e-01, v17;
	_ =	sdelay $0x1  }
0xa8: {  	vm4 =	vge.f32 v18, $0.0e+00  }
0xa9: {  	v19 =	vsel vm4, $0x3F000000, v4  }
0xaa: {  	v18 =	vadd.f32 v19, v18;
	_ =	sdelay $0x1  }
0xab: {  	v18 =	vtrunc.f32 v18  }
0xac: {  	v18 =	vcvt.f32.s32 v18;
	_ =	sdelay $0x1  }
0xad: {  	v19 =	vcvt.s32.f32 v18;
	_ =	sdelay $0x1  }
0xae: {  	v19 =	vmul.f32 $3.141592740e+00, v19;
	_ =	sdelay $0x1  }
0xaf: {  	v17 =	vsub.f32 v17, v19;
	_ =	sdelay $0x1  }
0xb0: {  	v19 =	vmul.f32 v17, v17;
	_ =	sdelay $0x1  }
0xb1: {  	v30 =	vmul.f32 $2.755732000e-07, v19;
	_ =	sdelay $0x1  }
0xb2: {  	v31 =	vmul.f32 $2.755731880e-06, v19;
	v20 =	vsub.f32 $2.480158760e-05, v30;
	_ =	sdelay $0x1  }
0xb3: {  	v21 =	vadd.f32 $-1.984127010e-04, v31;
	v20 =	vmul.f32 v20, v19;
	_ =	sdelay $0x1  }
0xb4: {  	v21 =	vmul.f32 v21, v19;
	v20 =	vadd.f32 $-1.388888920e-03, v20;
	_ =	sdelay $0x1  }
0xb5: {  	v21 =	vadd.f32 $8.333333770e-03, v21;
	v20 =	vmul.f32 v20, v19  }
0xb6: {  	v16 =	vshll.u32 v16, $0x7  }
0xb7: {  	v16 =	vand.u32 $0x380, v16;
	v21 =	vmul.f32 v21, v19;
	v20 =	vadd.f32 $4.166666790e-02, v20  }
0xb8: {  	v32 =	vor.u32 v3, v16  }
0xb9: {  	v33 =	vor.u32 v6, v16;
	v21 =	vadd.f32 $-1.666666720e-01, v21;
	v20 =	vmul.f32 v20, v19;
	_ =	sdelay $0x1  }
0xba: {  	v21 =	vmul.f32 v21, v19;
	v20 =	vadd.f32 $-5.000000000e-01, v20;
	_ =	sdelay $0x1  }
0xbb: {  	v35 =	vld.idx.msk [tilespmem:v32+s30+$0x0], $0xffff;
	v34 =	vadd.f32 $1.000000000e+00, v21;
	v19 =	vmul.f32 v20, v19  }
0xbc: {  	v36 =	vld.idx.msk [tilespmem:v33+s30+$0x0], $0xffff;
	v18 =	vand.u32 $0x1, v18  }
0xbd: {  	vm5 =	veq.s32 v18, $0x0;
	v17 =	vmul.f32 v34, v17;
	v19 =	vadd.f32 $1.000000000e+00, v19  }
0xbe: {  	v18 =	vsel vm5, $0x3F800000, v5  }
0xbf: {  	v17 =	vmul.f32 v17, v18;
	v18 =	vmul.f32 v19, v18;
	_ =	sdelay $0x1  }
0xc0: {  	v37 =	vmul.f32 v17, v36;
	v19 =	vmul.f32 v18, v35  }
0xc1: {  	v15 =	vor.u32 v7, v15;
	v17 =	vmul.f32 v17, v35;
	v18 =	vmul.f32 v18, v36  }
0xc2: {  	v19 =	vsub.f32 v19, v37  }
0xc3: {  	v17 =	vadd.f32 v18, v17  }
0xc4: {  	[tilespmem:$0x980] =	vst v19  }
0xc5: {  	[tilespmem:$0x9A0] =	vst v17  }
0xc6: {  	v15 =	vld.idx.msk [tilespmem:v15+s31+$0x0], $0xffff;
	_ =	sdelay $0x4  }
0xc7: {  	v15 =	vmul.f32 $7.180783270e+00, v15;
	_ =	sdelay $0x1  }
0xc8: {  	v17 =	vmul.f32 $3.183098730e-01, v15;
	_ =	sdelay $0x1  }
0xc9: {  	vm6 =	vge.f32 v17, $0.0e+00  }
0xca: {  	v18 =	vsel vm6, $0x3F000000, v4  }
0xcb: {  	v17 =	vadd.f32 v18, v17;
	_ =	sdelay $0x1  }
0xcc: {  	v17 =	vtrunc.f32 v17  }
0xcd: {  	v17 =	vcvt.f32.s32 v17;
	_ =	sdelay $0x1  }
0xce: {  	v18 =	vcvt.s32.f32 v17;
	_ =	sdelay $0x1  }
0xcf: {  	v18 =	vmul.f32 $3.141592740e+00, v18;
	_ =	sdelay $0x1  }
0xd0: {  	v15 =	vsub.f32 v15, v18;
	_ =	sdelay $0x1  }
0xd1: {  	v18 =	vmul.f32 v15, v15;
	_ =	sdelay $0x1  }
0xd2: {  	v19 =	vmul.f32 $2.755732000e-07, v18;
	_ =	sdelay $0x1  }
0xd3: {  	v38 =	vmul.f32 $2.755731880e-06, v18;
	v19 =	vsub.f32 $2.480158760e-05, v19;
	_ =	sdelay $0x1  }
0xd4: {  	v20 =	vadd.f32 $-1.984127010e-04, v38;
	v19 =	vmul.f32 v19, v18;
	_ =	sdelay $0x1  }
0xd5: {  	v20 =	vmul.f32 v20, v18;
	v19 =	vadd.f32 $-1.388888920e-03, v19;
	_ =	sdelay $0x1  }
0xd6: {  	v20 =	vadd.f32 $8.333333770e-03, v20;
	v19 =	vmul.f32 v19, v18;
	_ =	sdelay $0x1  }
0xd7: {  	v20 =	vmul.f32 v20, v18;
	v19 =	vadd.f32 $4.166666790e-02, v19  }
0xd8: {  	v39 =	vor.u32 v7, v16  }
0xd9: {  	v16 =	vor.u32 v8, v16;
	v20 =	vadd.f32 $-1.666666720e-01, v20;
	v19 =	vmul.f32 v19, v18;
	_ =	sdelay $0x1  }
0xda: {  	v20 =	vmul.f32 v20, v18;
	v19 =	vadd.f32 $-5.000000000e-01, v19;
	_ =	sdelay $0x1  }
0xdb: {  	v40 =	vld.idx.msk [tilespmem:v39+s30+$0x0], $0xffff;
	v18 =	vmul.f32 v19, v18;
	v19 =	vadd.f32 $1.000000000e+00, v20  }
0xdc: {  	v16 =	vld.idx.msk [tilespmem:v16+s30+$0x0], $0xffff;
	v17 =	vand.u32 $0x1, v17  }
0xdd: {  	vm7 =	veq.s32 v17, $0x0;
	v18 =	vadd.f32 $1.000000000e+00, v18;
	v15 =	vmul.f32 v19, v15  }
0xde: {  	v17 =	vsel vm7, $0x3F800000, v5  }
0xdf: {  	v15 =	vmul.f32 v15, v17;
	v17 =	vmul.f32 v18, v17;
	_ =	sdelay $0x1  }
0xe0: {  	v18 =	vmul.f32 v17, v40;
	v19 =	vmul.f32 v15, v16  }
0xe1: {  	v15 =	vmul.f32 v15, v40;
	v16 =	vmul.f32 v17, v16  }
0xe2: {  	v17 =	vsub.f32 v18, v19  }
0xe3: {  	v15 =	vadd.f32 v16, v15  }
0xe4: {  	[tilespmem:$0x990] =	vst v17  }
0xe5: {  	[tilespmem:$0x9B0] =	vst v15  }
0xe6: {  	v15 =	vld.idx.msk [tilespmem:v12+s3+$0x0], $0xffff;
	_ =	sdelay $0x1  }
0xe7: {  	v16 =	vld.idx.msk [tilespmem:v11+s3+$0x0], $0xffff;
	_ =	sdelay $0x2  }
0xe8: {  	v17 =	vxor.u32 $0x80000000, v15  }
0xe9: {  	(xrf0) =	vmax.scan.msk.u32 $0xffff, v17  }
0xea: {  	v17 =	vxor.u32 $0x80000000, v16  }
0xeb: {  	(xrf0) =	vmax.scan.msk.u32 $0xffff, v17;
	_ =	sdelay $0x3  }
0xec: {  	v17, _, _ =	vpop (xrf0)  }
0xed: {  	(v2sf) =	vpush v17, $0xF  }
0xee: {  	v17, _, _ =	vpop (xrf0)  }
0xef: {  	(v2sf) =	vpush v17, $0xF;
	_ =	sdelay $0xc  }
0xf0: {  	s26 =	spop (v2sf)  }
0xf1: {  	s9 =	simm.s32 $0x1;
	s11 =	sand.u32 $0x7, s26  }
0xf2: {  	s12 =	spop (v2sf);
	s13 =	sxor.u32 $0x80000000, s26;
	p6 =	sgt.s32 s26, $0xFFFFFFFF  }
0xf3: {  	p0 =	sne.s32 s11, $0x0;
	s14 =	sand.u32 $0x7, s12;
	s15 =	sxor.u32 $0x80000000, s12  }
0xf4: {  	p1 =	slt.s32 s13, $0x1;
	p4 =	sgt.s32 s12, $0xFFFFFFFF;
	p5 =	slt.s32 s15, $0x1  }
0xf5: {  	p2 =	sne.s32 s14, $0x0;
	s8 =	sshra.s32 s15, $0x1F;
	p3 =	por p4, p5  }
0xf6: {  	s10 =	sshra.s32 s13, $0x1F;
	s8 =	sshrl.u32 s8, $0x1D;
	p2 =	por !p2, !p3  }
0xf7: {  	s10 =	sshrl.u32 s10, $0x1D;
	s8 =	sadd.s32 s8, s12;
	p2 =	por !p2, !p2  }
0xf8: {  	p1 =	por p6, p1;
	s8 =	sshrl.u32 s8, $0x3;
	s9 =	simm.s32 @!p2 $0x0  }
0xf9: {  	s7 =	sadd.s32 s10, s26;
	p0 =	por !p0, !p1;
	s8 =	ssub.s32 s8, s9  }
0xfa: {  	p0 =	por !p0, !p0;
	s9 =	simm.s32 $0x1;
	s8 =	sshll.u32 s8, $0x7  }
0xfb: {  	s7 =	sshrl.u32 s7, $0x3;
	s9 =	simm.s32 @!p0 $0x0;
	s8 =	sand.u32 $0x1FFFFF80, s8  }
0xfc: {  	s7 =	ssub.s32 s7, s9;
	s8 =	sadd.s32 s4, s8  }
0xfd: {  	[tilespmem:s30], [sflag:$0x2] =	stream.linear.gather [hbm4b:s8+s3], $0x400, $0x38;
	[tilespmem:$0x1ED00] =	vst v63  }
0xfe: {  	v15 =	vshll.u32 v15, $0x7;
	s7 =	sshll.u32 s7, $0x7;
	_ =	swait.ge [sflag:s28], $0x400  }
0xff: {  	v15 =	vand.u32 $0x380, v15;
	s7 =	sand.u32 $0x1FFFFF80, s7;
	[sflag:s28] =	ssyncset.done $0x0  }
0x100: {  	v17 =	vor.u32 v3, v15;
	s7 =	sadd.s32 s2, s7;
	[sflag:s28] =	ssyncadd.s32 $0xFFFFFC00  }
0x101: {  	[tilespmem:s31], [sflag:$0x2] =	stream.linear.gather [hbm4b:s7+s3], $0x400, $0x38;
	[tilespmem:$0x1ED00] =	vst v63  }
0x102: {  	_ =	swait.ge [sflag:s28], $0x400  }
0x103: {  	[sflag:s28] =	ssyncset.done $0x0  }
0x104: {  	[sflag:s28] =	ssyncadd.s32 $0xFFFFFC00  }
0x105: {  	v17 =	vld.idx.msk [tilespmem:v17+s31+$0x0], $0xffff;
	_ =	sdelay $0x4  }
0x106: {  	v17 =	vmul.f32 $7.180783270e+00, v17;
	_ =	sdelay $0x1  }
0x107: {  	v18 =	vmul.f32 $3.183098730e-01, v17;
	_ =	sdelay $0x1  }
0x108: {  	vm8 =	vge.f32 v18, $0.0e+00  }
0x109: {  	v19 =	vsel vm8, $0x3F000000, v4  }
0x10a: {  	v18 =	vadd.f32 v19, v18;
	_ =	sdelay $0x1  }
0x10b: {  	v18 =	vtrunc.f32 v18  }
0x10c: {  	v18 =	vcvt.f32.s32 v18;
	_ =	sdelay $0x1  }
0x10d: {  	v19 =	vcvt.s32.f32 v18;
	_ =	sdelay $0x1  }
0x10e: {  	v19 =	vmul.f32 $3.141592740e+00, v19;
	_ =	sdelay $0x1  }
0x10f: {  	v17 =	vsub.f32 v17, v19;
	_ =	sdelay $0x1  }
0x110: {  	v19 =	vmul.f32 v17, v17;
	_ =	sdelay $0x1  }
0x111: {  	v41 =	vmul.f32 $2.755732000e-07, v19;
	_ =	sdelay $0x1  }
0x112: {  	v42 =	vmul.f32 $2.755731880e-06, v19;
	v20 =	vsub.f32 $2.480158760e-05, v41;
	_ =	sdelay $0x1  }
0x113: {  	v21 =	vadd.f32 $-1.984127010e-04, v42;
	v20 =	vmul.f32 v20, v19;
	_ =	sdelay $0x1  }
0x114: {  	v21 =	vmul.f32 v21, v19;
	v20 =	vadd.f32 $-1.388888920e-03, v20;
	_ =	sdelay $0x1  }
0x115: {  	v21 =	vadd.f32 $8.333333770e-03, v21;
	v20 =	vmul.f32 v20, v19  }
0x116: {  	v16 =	vshll.u32 v16, $0x7  }
0x117: {  	v16 =	vand.u32 $0x380, v16;
	v21 =	vmul.f32 v21, v19;
	v20 =	vadd.f32 $4.166666790e-02, v20  }
0x118: {  	v43 =	vor.u32 v3, v16  }
0x119: {  	v44 =	vor.u32 v6, v16;
	v21 =	vadd.f32 $-1.666666720e-01, v21;
	v20 =	vmul.f32 v20, v19;
	_ =	sdelay $0x1  }
0x11a: {  	v21 =	vmul.f32 v21, v19;
	v20 =	vadd.f32 $-5.000000000e-01, v20;
	_ =	sdelay $0x1  }
0x11b: {  	v46 =	vld.idx.msk [tilespmem:v43+s30+$0x0], $0xffff;
	v45 =	vadd.f32 $1.000000000e+00, v21;
	v19 =	vmul.f32 v20, v19  }
0x11c: {  	v47 =	vld.idx.msk [tilespmem:v44+s30+$0x0], $0xffff;
	v18 =	vand.u32 $0x1, v18  }
0x11d: {  	vm9 =	veq.s32 v18, $0x0;
	v17 =	vmul.f32 v45, v17;
	v19 =	vadd.f32 $1.000000000e+00, v19  }
0x11e: {  	v18 =	vsel vm9, $0x3F800000, v5  }
0x11f: {  	v17 =	vmul.f32 v17, v18;
	v18 =	vmul.f32 v19, v18;
	_ =	sdelay $0x1  }
0x120: {  	v48 =	vmul.f32 v17, v47;
	v19 =	vmul.f32 v18, v46  }
0x121: {  	v15 =	vor.u32 v7, v15;
	v17 =	vmul.f32 v17, v46;
	v18 =	vmul.f32 v18, v47  }
0x122: {  	v19 =	vsub.f32 v19, v48  }
0x123: {  	v17 =	vadd.f32 v18, v17  }
0x124: {  	[tilespmem:$0xA00] =	vst v19  }
0x125: {  	[tilespmem:$0xA20] =	vst v17  }
0x126: {  	v15 =	vld.idx.msk [tilespmem:v15+s31+$0x0], $0xffff;
	_ =	sdelay $0x4  }
0x127: {  	v15 =	vmul.f32 $7.180783270e+00, v15;
	_ =	sdelay $0x1  }
0x128: {  	v17 =	vmul.f32 $3.183098730e-01, v15;
	_ =	sdelay $0x1  }
0x129: {  	vm10 =	vge.f32 v17, $0.0e+00  }
0x12a: {  	v18 =	vsel vm10, $0x3F000000, v4  }
0x12b: {  	v17 =	vadd.f32 v18, v17;
	_ =	sdelay $0x1  }
0x12c: {  	v17 =	vtrunc.f32 v17  }
0x12d: {  	v17 =	vcvt.f32.s32 v17;
	_ =	sdelay $0x1  }
0x12e: {  	v18 =	vcvt.s32.f32 v17;
	_ =	sdelay $0x1  }
0x12f: {  	v18 =	vmul.f32 $3.141592740e+00, v18;
	_ =	sdelay $0x1  }
0x130: {  	v15 =	vsub.f32 v15, v18;
	_ =	sdelay $0x1  }
0x131: {  	v18 =	vmul.f32 v15, v15;
	_ =	sdelay $0x1  }
0x132: {  	v19 =	vmul.f32 $2.755732000e-07, v18;
	_ =	sdelay $0x1  }
0x133: {  	v49 =	vmul.f32 $2.755731880e-06, v18;
	v19 =	vsub.f32 $2.480158760e-05, v19;
	_ =	sdelay $0x1  }
0x134: {  	v20 =	vadd.f32 $-1.984127010e-04, v49;
	v19 =	vmul.f32 v19, v18;
	_ =	sdelay $0x1  }
0x135: {  	v20 =	vmul.f32 v20, v18;
	v19 =	vadd.f32 $-1.388888920e-03, v19;
	_ =	sdelay $0x1  }
0x136: {  	v20 =	vadd.f32 $8.333333770e-03, v20;
	v19 =	vmul.f32 v19, v18;
	_ =	sdelay $0x1  }
0x137: {  	v20 =	vmul.f32 v20, v18;
	v19 =	vadd.f32 $4.166666790e-02, v19  }
0x138: {  	v50 =	vor.u32 v7, v16  }
0x139: {  	v16 =	vor.u32 v8, v16;
	v20 =	vadd.f32 $-1.666666720e-01, v20;
	v19 =	vmul.f32 v19, v18;
	_ =	sdelay $0x1  }
0x13a: {  	v20 =	vmul.f32 v20, v18;
	v19 =	vadd.f32 $-5.000000000e-01, v19;
	_ =	sdelay $0x1  }
0x13b: {  	v51 =	vld.idx.msk [tilespmem:v50+s30+$0x0], $0xffff;
	v18 =	vmul.f32 v19, v18;
	v19 =	vadd.f32 $1.000000000e+00, v20  }
0x13c: {  	v16 =	vld.idx.msk [tilespmem:v16+s30+$0x0], $0xffff;
	v17 =	vand.u32 $0x1, v17  }
0x13d: {  	vm11 =	veq.s32 v17, $0x0;
	v18 =	vadd.f32 $1.000000000e+00, v18;
	v15 =	vmul.f32 v19, v15  }
0x13e: {  	v17 =	vsel vm11, $0x3F800000, v5  }
0x13f: {  	v15 =	vmul.f32 v15, v17;
	v17 =	vmul.f32 v18, v17;
	_ =	sdelay $0x1  }
0x140: {  	v18 =	vmul.f32 v17, v51;
	v19 =	vmul.f32 v15, v16  }
0x141: {  	v15 =	vmul.f32 v15, v51;
	v16 =	vmul.f32 v17, v16  }
0x142: {  	v17 =	vsub.f32 v18, v19  }
0x143: {  	v15 =	vadd.f32 v16, v15  }
0x144: {  	[tilespmem:$0xA10] =	vst v17  }
0x145: {  	[tilespmem:$0xA30] =	vst v15  }
0x146: {  	v15 =	vld.idx.msk [tilespmem:v13+s3+$0x0], $0xffff;
	_ =	sdelay $0x1  }
0x147: {  	v16 =	vld.idx.msk [tilespmem:v2+s3+$0x0], $0xffff;
	_ =	sdelay $0x2  }
0x148: {  	v17 =	vxor.u32 $0x80000000, v15  }
0x149: {  	(xrf0) =	vmax.scan.msk.u32 $0xffff, v17  }
0x14a: {  	v17 =	vxor.u32 $0x80000000, v16  }
0x14b: {  	(xrf0) =	vmax.scan.msk.u32 $0xffff, v17;
	_ =	sdelay $0x3  }
0x14c: {  	v17, _, _ =	vpop (xrf0)  }
0x14d: {  	(v2sf) =	vpush v17, $0xF  }
0x14e: {  	v17, _, _ =	vpop (xrf0)  }
0x14f: {  	(v2sf) =	vpush v17, $0xF;
	_ =	sdelay $0xc  }
0x150: {  	s16 =	spop (v2sf)  }
0x151: {  	s9 =	simm.s32 $0x1;
	s17 =	sand.u32 $0x7, s16  }
0x152: {  	s18 =	spop (v2sf);
	s19 =	sxor.u32 $0x80000000, s16;
	p4 =	sgt.s32 s16, $0xFFFFFFFF  }
0x153: {  	p0 =	sne.s32 s17, $0x0;
	s20 =	sand.u32 $0x7, s18;
	s21 =	sxor.u32 $0x80000000, s18  }
0x154: {  	p3 =	slt.s32 s19, $0x1;
	p6 =	sgt.s32 s18, $0xFFFFFFFF;
	p5 =	slt.s32 s21, $0x1  }
0x155: {  	p2 =	sne.s32 s20, $0x0;
	s8 =	sshra.s32 s21, $0x1F;
	p6 =	por p6, p5  }
0x156: {  	s10 =	sshra.s32 s19, $0x1F;
	s8 =	sshrl.u32 s8, $0x1D;
	p2 =	por !p2, !p6  }
0x157: {  	p1 =	por p4, p3;
	s8 =	sadd.s32 s8, s18;
	p2 =	por !p2, !p2  }
0x158: {  	s10 =	sshrl.u32 s10, $0x1D;
	s8 =	sshrl.u32 s8, $0x3;
	s9 =	simm.s32 @!p2 $0x0  }
0x159: {  	s7 =	sadd.s32 s10, s16;
	p0 =	por !p0, !p1;
	s8 =	ssub.s32 s8, s9  }
0x15a: {  	p0 =	por !p0, !p0;
	s9 =	simm.s32 $0x1;
	s8 =	sshll.u32 s8, $0x7  }
0x15b: {  	s7 =	sshrl.u32 s7, $0x3;
	s9 =	simm.s32 @!p0 $0x0;
	s8 =	sand.u32 $0x1FFFFF80, s8  }
0x15c: {  	s7 =	ssub.s32 s7, s9;
	s8 =	sadd.s32 s4, s8  }
0x15d: {  	[tilespmem:s30], [sflag:$0x2] =	stream.linear.gather [hbm4b:s8+s3], $0x400, $0x38;
	[tilespmem:$0x1ED00] =	vst v63  }
0x15e: {  	v15 =	vshll.u32 v15, $0x7;
	s7 =	sshll.u32 s7, $0x7;
	_ =	swait.ge [sflag:s28], $0x400  }
0x15f: {  	v15 =	vand.u32 $0x380, v15;
	s7 =	sand.u32 $0x1FFFFF80, s7;
	[sflag:s28] =	ssyncset.done $0x0  }
0x160: {  	v17 =	vor.u32 v3, v15;
	s7 =	sadd.s32 s2, s7;
	[sflag:s28] =	ssyncadd.s32 $0xFFFFFC00  }
0x161: {  	[tilespmem:s31], [sflag:$0x2] =	stream.linear.gather [hbm4b:s7+s3], $0x400, $0x38;
	[tilespmem:$0x1ED00] =	vst v63  }
0x162: {  	_ =	swait.ge [sflag:s28], $0x400  }
0x163: {  	[sflag:s28] =	ssyncset.done $0x0  }
0x164: {  	[sflag:s28] =	ssyncadd.s32 $0xFFFFFC00  }
0x165: {  	v17 =	vld.idx.msk [tilespmem:v17+s31+$0x0], $0xffff;
	_ =	sdelay $0x4  }
0x166: {  	v17 =	vmul.f32 $7.180783270e+00, v17;
	_ =	sdelay $0x1  }
0x167: {  	v18 =	vmul.f32 $3.183098730e-01, v17;
	_ =	sdelay $0x1  }
0x168: {  	vm12 =	vge.f32 v18, $0.0e+00  }
0x169: {  	v19 =	vsel vm12, $0x3F000000, v4  }
0x16a: {  	v18 =	vadd.f32 v19, v18;
	_ =	sdelay $0x1  }
0x16b: {  	v18 =	vtrunc.f32 v18  }
0x16c: {  	v18 =	vcvt.f32.s32 v18;
	_ =	sdelay $0x1  }
0x16d: {  	v19 =	vcvt.s32.f32 v18;
	_ =	sdelay $0x1  }
0x16e: {  	v19 =	vmul.f32 $3.141592740e+00, v19;
	_ =	sdelay $0x1  }
0x16f: {  	v17 =	vsub.f32 v17, v19;
	_ =	sdelay $0x1  }
0x170: {  	v19 =	vmul.f32 v17, v17;
	_ =	sdelay $0x1  }
0x171: {  	v52 =	vmul.f32 $2.755732000e-07, v19;
	_ =	sdelay $0x1  }
0x172: {  	v53 =	vmul.f32 $2.755731880e-06, v19;
	v20 =	vsub.f32 $2.480158760e-05, v52;
	_ =	sdelay $0x1  }
0x173: {  	v21 =	vadd.f32 $-1.984127010e-04, v53;
	v20 =	vmul.f32 v20, v19;
	_ =	sdelay $0x1  }
0x174: {  	v21 =	vmul.f32 v21, v19;
	v20 =	vadd.f32 $-1.388888920e-03, v20;
	_ =	sdelay $0x1  }
0x175: {  	v21 =	vadd.f32 $8.333333770e-03, v21;
	v20 =	vmul.f32 v20, v19  }
0x176: {  	v16 =	vshll.u32 v16, $0x7  }
0x177: {  	v16 =	vand.u32 $0x380, v16;
	v21 =	vmul.f32 v21, v19;
	v20 =	vadd.f32 $4.166666790e-02, v20  }
0x178: {  	v54 =	vor.u32 v3, v16  }
0x179: {  	v55 =	vor.u32 v6, v16;
	v21 =	vadd.f32 $-1.666666720e-01, v21;
	v20 =	vmul.f32 v20, v19;
	_ =	sdelay $0x1  }
0x17a: {  	v21 =	vmul.f32 v21, v19;
	v20 =	vadd.f32 $-5.000000000e-01, v20;
	_ =	sdelay $0x1  }
0x17b: {  	v57 =	vld.idx.msk [tilespmem:v54+s30+$0x0], $0xffff;
	v56 =	vadd.f32 $1.000000000e+00, v21;
	v19 =	vmul.f32 v20, v19  }
0x17c: {  	v58 =	vld.idx.msk [tilespmem:v55+s30+$0x0], $0xffff;
	v18 =	vand.u32 $0x1, v18  }
0x17d: {  	vm13 =	veq.s32 v18, $0x0;
	v17 =	vmul.f32 v56, v17;
	v19 =	vadd.f32 $1.000000000e+00, v19  }
0x17e: {  	v18 =	vsel vm13, $0x3F800000, v5  }
0x17f: {  	v17 =	vmul.f32 v17, v18;
	v18 =	vmul.f32 v19, v18;
	_ =	sdelay $0x1  }
0x180: {  	v59 =	vmul.f32 v17, v58;
	v19 =	vmul.f32 v18, v57  }
0x181: {  	v15 =	vor.u32 v7, v15;
	v17 =	vmul.f32 v17, v57;
	v18 =	vmul.f32 v18, v58  }
0x182: {  	v19 =	vsub.f32 v19, v59  }
0x183: {  	v17 =	vadd.f32 v18, v17  }
0x184: {  	[tilespmem:$0xA80] =	vst v19  }
0x185: {  	[tilespmem:$0xAA0] =	vst v17  }
0x186: {  	v15 =	vld.idx.msk [tilespmem:v15+s31+$0x0], $0xffff;
	_ =	sdelay $0x4  }
0x187: {  	v15 =	vmul.f32 $7.180783270e+00, v15;
	_ =	sdelay $0x1  }
0x188: {  	v17 =	vmul.f32 $3.183098730e-01, v15;
	_ =	sdelay $0x1  }
0x189: {  	vm14 =	vge.f32 v17, $0.0e+00  }
0x18a: {  	v18 =	vsel vm14, $0x3F000000, v4  }
0x18b: {  	v17 =	vadd.f32 v18, v17;
	_ =	sdelay $0x1  }
0x18c: {  	v17 =	vtrunc.f32 v17  }
0x18d: {  	v17 =	vcvt.f32.s32 v17;
	_ =	sdelay $0x1  }
0x18e: {  	v18 =	vcvt.s32.f32 v17;
	_ =	sdelay $0x1  }
0x18f: {  	v18 =	vmul.f32 $3.141592740e+00, v18;
	_ =	sdelay $0x1  }
0x190: {  	v15 =	vsub.f32 v15, v18;
	_ =	sdelay $0x1  }
0x191: {  	v18 =	vmul.f32 v15, v15;
	_ =	sdelay $0x1  }
0x192: {  	v19 =	vmul.f32 $2.755732000e-07, v18;
	_ =	sdelay $0x1  }
0x193: {  	v60 =	vmul.f32 $2.755731880e-06, v18;
	v19 =	vsub.f32 $2.480158760e-05, v19;
	_ =	sdelay $0x1  }
0x194: {  	v20 =	vadd.f32 $-1.984127010e-04, v60;
	v19 =	vmul.f32 v19, v18;
	_ =	sdelay $0x1  }
0x195: {  	v20 =	vmul.f32 v20, v18;
	v19 =	vadd.f32 $-1.388888920e-03, v19;
	_ =	sdelay $0x1  }
0x196: {  	v20 =	vadd.f32 $8.333333770e-03, v20;
	v19 =	vmul.f32 v19, v18;
	_ =	sdelay $0x1  }
0x197: {  	v20 =	vmul.f32 v20, v18;
	v19 =	vadd.f32 $4.166666790e-02, v19  }
0x198: {  	v61 =	vor.u32 v7, v16  }
0x199: {  	v16 =	vor.u32 v8, v16;
	v20 =	vadd.f32 $-1.666666720e-01, v20;
	v19 =	vmul.f32 v19, v18;
	_ =	sdelay $0x1  }
0x19a: {  	v20 =	vmul.f32 v20, v18;
	v19 =	vadd.f32 $-5.000000000e-01, v19;
	_ =	sdelay $0x1  }
0x19b: {  	v62 =	vld.idx.msk [tilespmem:v61+s30+$0x0], $0xffff;
	v18 =	vmul.f32 v19, v18;
	v19 =	vadd.f32 $1.000000000e+00, v20  }
0x19c: {  	v16 =	vld.idx.msk [tilespmem:v16+s30+$0x0], $0xffff;
	v17 =	vand.u32 $0x1, v17  }
0x19d: {  	vm15 =	veq.s32 v17, $0x0;
	v18 =	vadd.f32 $1.000000000e+00, v18;
	v15 =	vmul.f32 v19, v15  }
0x19e: {  	v17 =	vsel vm15, $0x3F800000, v5  }
0x19f: {  	v15 =	vmul.f32 v15, v17;
	v17 =	vmul.f32 v18, v17;
	_ =	sdelay $0x1  }
0x1a0: {  	v63 =	vmov s3;
	v18 =	vmul.f32 v17, v62;
	v19 =	vmul.f32 v15, v16  }
0x1a1: {  	v15 =	vmul.f32 v15, v62;
	v16 =	vmul.f32 v17, v16;
	v17 =	vor.u32 $0x80, v63  }
0x1a2: {  	v18 =	vsub.f32 v18, v19  }
0x1a3: {  	v15 =	vadd.f32 v16, v15  }
0x1a4: {  	[tilespmem:$0xA90] =	vst v18  }
0x1a5: {  	[tilespmem:$0xAB0] =	vst v15  }
0x1a6: {  	v15 =	vld.idx.msk [tilespmem:v17+s0+$0x0], $0xffff  }
0x1a7: {  	v16 =	vor.u32 $0xA0, v63;
	_ =	sdelay $0x2  }
0x1a8: {  	s7 =	simm.s32 $0x7C80  }
0x1a9: {  	[tilespmem:s7+$0xFFFF9000] =	vst v15  }
0x1aa: {  	v15 =	vld.idx.msk [tilespmem:v16+s0+$0x0], $0xffff  }
0x1ab: {  	v16 =	vor.u32 $0x100, v63;
	_ =	sdelay $0x3  }
0x1ac: {  	[tilespmem:s7+$0xFFFFA000] =	vst v15  }
0x1ad: {  	v15 =	vld.idx.msk [tilespmem:v16+s0+$0x0], $0xffff  }
0x1ae: {  	v16 =	vor.u32 $0x120, v63;
	_ =	sdelay $0x3  }
0x1af: {  	[tilespmem:s7+$0xFFFFB000] =	vst v15  }
0x1b0: {  	v15 =	vld.idx.msk [tilespmem:v16+s0+$0x0], $0xffff  }
0x1b1: {  	v16 =	vor.u32 $0x180, v63;
	_ =	sdelay $0x3  }
0x1b2: {  	[tilespmem:s7+$0xFFFFC000] =	vst v15  }
0x1b3: {  	v15 =	vld.idx.msk [tilespmem:v16+s0+$0x0], $0xffff  }
0x1b4: {  	v16 =	vor.u32 $0x1A0, v63;
	_ =	sdelay $0x3  }
0x1b5: {  	[tilespmem:s7+$0xFFFFD000] =	vst v15  }
0x1b6: {  	v15 =	vld.idx.msk [tilespmem:v16+s0+$0x0], $0xffff  }
0x1b7: {  	v16 =	vor.u32 $0x200, v63;
	_ =	sdelay $0x3  }
0x1b8: {  	[tilespmem:s7+$0xFFFFE000] =	vst v15  }
0x1b9: {  	v15 =	vld.idx.msk [tilespmem:v16+s0+$0x0], $0xffff  }
0x1ba: {  	v16 =	vor.u32 $0x220, v63;
	_ =	sdelay $0x3  }
0x1bb: {  	s26 =	simm.s32 $0x1;
	[tilespmem:s7+$0xFFFFF000] =	vst v15  }
0x1bc: {  	s8 =	simm.s32 $0x2;
	v15 =	vmov s26;
	v16 =	vld.idx.msk [tilespmem:v16+s0+$0x0], $0xffff  }
.LBB2_2:
0x1bd: {  	p0 =	sne.s32 s8, $0x1F;
	v17 =	vor.u32 $0x80, v15;
	_ =	sdelay $0x3  }
0x1be: {  	[tilespmem:s7+$0x0] =	vst v16  }
0x1bf: {  	v16 =	vld.idx.msk [tilespmem:v17+s0+$0x0], $0xffff;
	_ =	sdelay $0x1  }
0x1c0: {  	v17 =	vor.u32 $0xA0, v15;
	_ =	sdelay $0x2  }
0x1c1: {  	s7 =	sadd.s32 $0x80, s7  }
0x1c2: {  	[tilespmem:s7+$0xFFFF9000] =	vst v16  }
0x1c3: {  	v16 =	vld.idx.msk [tilespmem:v17+s0+$0x0], $0xffff;
	_ =	sdelay $0x1  }
0x1c4: {  	v17 =	vor.u32 $0x100, v15;
	_ =	sdelay $0x3  }
0x1c5: {  	[tilespmem:s7+$0xFFFFA000] =	vst v16  }
0x1c6: {  	v16 =	vld.idx.msk [tilespmem:v17+s0+$0x0], $0xffff;
	_ =	sdelay $0x1  }
0x1c7: {  	v17 =	vor.u32 $0x120, v15;
	_ =	sdelay $0x3  }
0x1c8: {  	[tilespmem:s7+$0xFFFFB000] =	vst v16  }
0x1c9: {  	v16 =	vld.idx.msk [tilespmem:v17+s0+$0x0], $0xffff;
	_ =	sdelay $0x1  }
0x1ca: {  	v17 =	vor.u32 $0x180, v15;
	_ =	sdelay $0x3  }
0x1cb: {  	[tilespmem:s7+$0xFFFFC000] =	vst v16  }
0x1cc: {  	v16 =	vld.idx.msk [tilespmem:v17+s0+$0x0], $0xffff;
	_ =	sdelay $0x1  }
0x1cd: {  	v17 =	vor.u32 $0x1A0, v15;
	_ =	sdelay $0x3  }
0x1ce: {  	[tilespmem:s7+$0xFFFFD000] =	vst v16  }
0x1cf: {  	v16 =	vld.idx.msk [tilespmem:v17+s0+$0x0], $0xffff;
	_ =	sdelay $0x1  }
0x1d0: {  	v17 =	vor.u32 $0x200, v15;
	_ =	sdelay $0x3  }
0x1d1: {  	[tilespmem:s7+$0xFFFFE000] =	vst v16  }
0x1d2: {  	v16 =	vld.idx.msk [tilespmem:v17+s0+$0x0], $0xffff;
	_ =	sdelay $0x1  }
0x1d3: {  	v15 =	vor.u32 $0x220, v15;
	_ =	sdelay $0x1  }
.Ltmp0:
0x1d4: {  	(pc) =	sbr.rel @p0 .LBB2_2-.Ltmp0, $4  }
0x1d5: {  	_ = 	snop  }
0x1d6: {  	[tilespmem:s7+$0xFFFFF000] =	vst v16  }
0x1d7: {  	v16 =	vld.idx.msk [tilespmem:v15+s0+$0x0], $0xffff  }
0x1d8: {  	v15 =	vmov s8;
	s8 =	sadd.s32 $0x1, s8  }
0x1d9: {  	v17 =	vor.u32 $0x80, v15;
	_ =	sdelay $0x3  }
0x1da: {  	[tilespmem:s7+$0x0] =	vst v16  }
0x1db: {  	v16 =	vld.idx.msk [tilespmem:v17+s0+$0x0], $0xffff  }
0x1dc: {  	v17 =	vor.u32 $0xA0, v15;
	_ =	sdelay $0x2  }
0x1dd: {  	s26 =	sadd.s32 $0x80, s7  }
0x1de: {  	[tilespmem:s26+$0xFFFF9000] =	vst v16  }
0x1df: {  	v16 =	vld.idx.msk [tilespmem:v17+s0+$0x0], $0xffff  }
0x1e0: {  	v17 =	vor.u32 $0x100, v15;
	_ =	sdelay $0x3  }
0x1e1: {  	[tilespmem:s26+$0xFFFFA000] =	vst v16  }
0x1e2: {  	v16 =	vld.idx.msk [tilespmem:v17+s0+$0x0], $0xffff  }
0x1e3: {  	v17 =	vor.u32 $0x120, v15;
	_ =	sdelay $0x3  }
0x1e4: {  	[tilespmem:s26+$0xFFFFB000] =	vst v16  }
0x1e5: {  	v16 =	vld.idx.msk [tilespmem:v17+s0+$0x0], $0xffff  }
0x1e6: {  	v17 =	vor.u32 $0x180, v15;
	_ =	sdelay $0x3  }
0x1e7: {  	[tilespmem:s26+$0xFFFFC000] =	vst v16  }
0x1e8: {  	v16 =	vld.idx.msk [tilespmem:v17+s0+$0x0], $0xffff  }
0x1e9: {  	v17 =	vor.u32 $0x1A0, v15;
	_ =	sdelay $0x3  }
0x1ea: {  	[tilespmem:s26+$0xFFFFD000] =	vst v16  }
0x1eb: {  	v16 =	vld.idx.msk [tilespmem:v17+s0+$0x0], $0xffff  }
0x1ec: {  	v17 =	vor.u32 $0x200, v15;
	_ =	sdelay $0x3  }
0x1ed: {  	[tilespmem:s26+$0xFFFFE000] =	vst v16  }
0x1ee: {  	v16 =	vld.idx.msk [tilespmem:v17+s0+$0x0], $0xffff  }
0x1ef: {  	v15 =	vor.u32 $0x220, v15;
	_ =	sdelay $0x3  }
0x1f0: {  	[tilespmem:s26+$0xFFFFF000] =	vst v16  }
0x1f1: {  	v15 =	vld.idx.msk [tilespmem:v15+s0+$0x0], $0xffff;
	_ =	sdelay $0x4  }
0x1f2: {  	[tilespmem:s26+$0x0] =	vst v15  }
0x1f3: {  	_ =	swait.ge [sflag:s29], $0xA000  }
0x1f4: {  	[sflag:s29] =	ssyncset.done $0x0  }
0x1f5: {  	s11 =	simm.s32 $0xAB00;
	[sflag:s29] =	ssyncadd.s32 $0xFFFF6000  }
0x1f6: {  	v15 =	vld [tilespmem:s11+$0x0]  }
0x1f7: {  	v16 =	vld [tilespmem:s11+$0xFFFFFF80];
	_ =	sdelay $0x2  }
0x1f8: {  	s7 =	simm.s32 $0x14AC1  }
0x1f9: {  	[tilespmem:s7+$0x0] =	vst v15  }
0x1fa: {  	[tilespmem:s7+$0xFFFFFFBF] =	vst v16;
	v15 =	vld [tilespmem:s11+$0x10]  }
0x1fb: {  	s9 =	simm.s32 $0xAC00;
	v16 =	vld [tilespmem:s11+$0xFFFFFF90]  }
0x1fc: {  	v17 =	vld [tilespmem:s9+$0x0]  }
0x1fd: {  	v18 =	vld [tilespmem:s9+$0xFFFFFF80];
	_ =	sdelay $0x1  }
0x1fe: {  	[tilespmem:s7+$0x10] =	vst v15  }
0x1ff: {  	s8 =	simm.s32 $0x14B43;
	[tilespmem:s7+$0xFFFFFFCF] =	vst v16;
	v15 =	vld [tilespmem:s11+$0x20]  }
0x200: {  	[tilespmem:s8+$0x0] =	vst v17;
	v16 =	vld [tilespmem:s11+$0xFFFFFFA0]  }
0x201: {  	[tilespmem:s8+$0xFFFFFFBF] =	vst v18;
	v17 =	vld [tilespmem:s9+$0x10]  }
0x202: {  	s10 =	simm.s32 $0xAD00;
	v18 =	vld [tilespmem:s9+$0xFFFFFF90]  }
0x203: {  	v19 =	vld [tilespmem:s10+$0x0]  }
0x204: {  	v20 =	vld [tilespmem:s10+$0xFFFFFF80];
	[tilespmem:s7+$0x20] =	vst v15  }
0x205: {  	[tilespmem:s7+$0xFFFFFFDF] =	vst v16;
	v21 =	vld [tilespmem:s11+$0x30]  }
0x206: {  	[tilespmem:s8+$0x10] =	vst v17;
	v15 =	vld [tilespmem:s11+$0xFFFFFFB0]  }
0x207: {  	[tilespmem:s8+$0xFFFFFFCF] =	vst v18;
	v16 =	vld [tilespmem:s9+$0x20];
	s11 =	simm.s32 $0x14BC5  }
0x208: {  	v17 =	vld [tilespmem:s9+$0xFFFFFFA0];
	[tilespmem:s11+$0x0] =	vst v19  }
0x209: {  	[tilespmem:s11+$0xFFFFFFBF] =	vst v20;
	v19 =	vld [tilespmem:s10+$0x10]  }
0x20a: {  	s12 =	simm.s32 $0x4;
	s13 =	simm.s32 $0xAE00;
	v18 =	vld [tilespmem:s10+$0xFFFFFF90];
	[tilespmem:s7+$0x30] =	vst v21  }
.LBB2_4:
0x20b: {  	v20 =	vld [tilespmem:s13+$0x0];
	s12 =	sadd.s32 $0x2, s12;
	[tilespmem:s7+$0xFFFFFFEF] =	vst v15;
	s7 =	smov.u32 s8;
	s8 =	smov.u32 s11  }
0x20c: {  	v21 =	vld [tilespmem:s13+$0xFFFFFF80];
	p0 =	slt.u32 s12, $0x13E;
	[tilespmem:s7+$0x20] =	vst v16  }
0x20d: {  	[tilespmem:s7+$0xFFFFFFDF] =	vst v17;
	v22 =	vld [tilespmem:s9+$0x30]  }
.Ltmp1:
0x20e: {  	[tilespmem:s11+$0x10] =	vst v19;
	v15 =	vld [tilespmem:s9+$0xFFFFFFB0];
	s9 =	smov.u32 s10;
	s10 =	smov.u32 s13;
	(pc) =	sbr.rel @p0 .LBB2_4-.Ltmp1, $4  }
0x20f: {  	s11 =	sadd.s32 $0x82, s11;
	[tilespmem:s8+$0xFFFFFFCF] =	vst v18;
	v16 =	vld [tilespmem:s9+$0x20]  }
0x210: {  	[tilespmem:s11+$0x0] =	vst v20;
	v17 =	vld [tilespmem:s9+$0xFFFFFFA0]  }
0x211: {  	[tilespmem:s11+$0xFFFFFFBF] =	vst v21;
	v19 =	vld [tilespmem:s13+$0x10]  }
0x212: {  	s13 =	sadd.s32 $0x100, s13;
	v18 =	vld [tilespmem:s10+$0xFFFFFF90];
	[tilespmem:s7+$0x30] =	vst v22  }
0x213: {  	_ =	sdelay $0x2  }
0x214: {  	[tilespmem:s11+$0x10] =	vst v19  }
0x215: {  	[tilespmem:s11+$0xFFFFFFCF] =	vst v18;
	v18 =	vld [tilespmem:s10+$0x20]  }
0x216: {  	v19 =	vld [tilespmem:s10+$0xFFFFFFA0];
	_ =	sdelay $0x1  }
0x217: {  	[tilespmem:s8+$0x20] =	vst v16  }
0x218: {  	[tilespmem:s8+$0xFFFFFFDF] =	vst v17;
	v16 =	vld [tilespmem:s9+$0x30]  }
0x219: {  	v17 =	vld [tilespmem:s9+$0xFFFFFFB0];
	[tilespmem:s11+$0x20] =	vst v18  }
0x21a: {  	[tilespmem:s11+$0xFFFFFFDF] =	vst v19;
	v18 =	vld [tilespmem:s10+$0x30]  }
0x21b: {  	v19 =	vld [tilespmem:s10+$0xFFFFFFB0]  }
0x21c: {  	[tilespmem:s7+$0xFFFFFFEF] =	vst v15  }
0x21d: {  	[tilespmem:s8+$0x30] =	vst v16  }
0x21e: {  	[tilespmem:s8+$0xFFFFFFEF] =	vst v17  }
0x21f: {  	[tilespmem:s11+$0x30] =	vst v18  }
0x220: {  	[tilespmem:s11+$0xFFFFFFEF] =	vst v19  }
0x221: {  	s2 =	rddreg [dreg:$0x6]  }
0x222: {  	[tilespmem:s5], [sflag:$0x1] =	stream.linear.gather [hbm4b:s2+s3], $0xA000, $0x38;
	[tilespmem:$0x1ED00] =	vst v63  }
0x223: {  	_ =	swait.ge [sflag:s29], $0xA000  }
0x224: {  	[sflag:s29] =	ssyncset.done $0x0  }
0x225: {  	s26 =	simm.s32 $0xAB00;
	[sflag:s29] =	ssyncadd.s32 $0xFFFF6000  }
0x226: {  	v15 =	vld [tilespmem:s26+$0x0]  }
0x227: {  	v16 =	vld [tilespmem:s26+$0xFFFFFF80];
	_ =	sdelay $0x2  }
0x228: {  	s7 =	simm.s32 $0x19BC0  }
0x229: {  	[tilespmem:s7+$0x41] =	vst v15  }
0x22a: {  	[tilespmem:s7+$0x0] =	vst v16;
	v15 =	vld [tilespmem:s26+$0x10]  }
0x22b: {  	s9 =	simm.s32 $0xAC00;
	v16 =	vld [tilespmem:s26+$0xFFFFFF90]  }
0x22c: {  	v17 =	vld [tilespmem:s9+$0x0]  }
0x22d: {  	v18 =	vld [tilespmem:s9+$0xFFFFFF80];
	_ =	sdelay $0x1  }
0x22e: {  	[tilespmem:s7+$0x51] =	vst v15  }
0x22f: {  	s8 =	simm.s32 $0x19C42;
	[tilespmem:s7+$0x10] =	vst v16;
	v15 =	vld [tilespmem:s26+$0x20]  }
0x230: {  	[tilespmem:s8+$0x41] =	vst v17;
	v16 =	vld [tilespmem:s26+$0xFFFFFFA0]  }
0x231: {  	[tilespmem:s8+$0x0] =	vst v18;
	v17 =	vld [tilespmem:s9+$0x10]  }
0x232: {  	s10 =	simm.s32 $0xAD00;
	v18 =	vld [tilespmem:s9+$0xFFFFFF90]  }
0x233: {  	v19 =	vld [tilespmem:s10+$0x0]  }
0x234: {  	v20 =	vld [tilespmem:s10+$0xFFFFFF80];
	[tilespmem:s7+$0x61] =	vst v15  }
0x235: {  	[tilespmem:s7+$0x20] =	vst v16;
	v21 =	vld [tilespmem:s26+$0x30]  }
0x236: {  	[tilespmem:s8+$0x51] =	vst v17;
	v15 =	vld [tilespmem:s26+$0xFFFFFFB0]  }
0x237: {  	s11 =	simm.s32 $0x19CC4;
	[tilespmem:s8+$0x10] =	vst v18;
	v16 =	vld [tilespmem:s9+$0x20]  }
0x238: {  	[tilespmem:s11+$0x41] =	vst v19;
	v17 =	vld [tilespmem:s9+$0xFFFFFFA0]  }
0x239: {  	[tilespmem:s11+$0x0] =	vst v20;
	v19 =	vld [tilespmem:s10+$0x10]  }
0x23a: {  	s12 =	simm.s32 $0x4;
	s13 =	simm.s32 $0xAE00;
	v18 =	vld [tilespmem:s10+$0xFFFFFF90];
	[tilespmem:s7+$0x71] =	vst v21  }
.LBB2_6:
0x23b: {  	v20 =	vld [tilespmem:s13+$0x0];
	s12 =	sadd.s32 $0x2, s12;
	[tilespmem:s7+$0x30] =	vst v15;
	s7 =	smov.u32 s8;
	s8 =	smov.u32 s11  }
0x23c: {  	v21 =	vld [tilespmem:s13+$0xFFFFFF80];
	p0 =	slt.u32 s12, $0x13E;
	[tilespmem:s7+$0x61] =	vst v16  }
0x23d: {  	[tilespmem:s7+$0x20] =	vst v17;
	v22 =	vld [tilespmem:s9+$0x30]  }
.Ltmp2:
0x23e: {  	[tilespmem:s11+$0x51] =	vst v19;
	v15 =	vld [tilespmem:s9+$0xFFFFFFB0];
	s9 =	smov.u32 s10;
	s10 =	smov.u32 s13;
	(pc) =	sbr.rel @p0 .LBB2_6-.Ltmp2, $4  }
0x23f: {  	s11 =	sadd.s32 $0x82, s11;
	[tilespmem:s8+$0x10] =	vst v18;
	v16 =	vld [tilespmem:s9+$0x20]  }
0x240: {  	[tilespmem:s11+$0x41] =	vst v20;
	v17 =	vld [tilespmem:s9+$0xFFFFFFA0]  }
0x241: {  	[tilespmem:s11+$0x0] =	vst v21;
	v19 =	vld [tilespmem:s13+$0x10]  }
0x242: {  	s13 =	sadd.s32 $0x100, s13;
	v18 =	vld [tilespmem:s10+$0xFFFFFF90];
	[tilespmem:s7+$0x71] =	vst v22  }
0x243: {  	_ =	sdelay $0x2  }
0x244: {  	[tilespmem:s11+$0x51] =	vst v19  }
0x245: {  	[tilespmem:s11+$0x10] =	vst v18;
	v62 =	vld [tilespmem:s10+$0x20]  }
0x246: {  	v63 =	vld [tilespmem:s10+$0xFFFFFFA0];
	_ =	sdelay $0x1  }
0x247: {  	[tilespmem:s8+$0x61] =	vst v16  }
0x248: {  	[tilespmem:s8+$0x20] =	vst v17;
	v16 =	vld [tilespmem:s9+$0x30]  }
0x249: {  	v17 =	vld [tilespmem:s9+$0xFFFFFFB0];
	[tilespmem:s11+$0x61] =	vst v62  }
0x24a: {  	[tilespmem:s11+$0x20] =	vst v63;
	v18 =	vld [tilespmem:s10+$0x30]  }
0x24b: {  	v19 =	vld [tilespmem:s10+$0xFFFFFFB0]  }
0x24c: {  	[tilespmem:s7+$0x30] =	vst v15  }
0x24d: {  	s7 =	simm.s32 $0x0;
	[tilespmem:s8+$0x71] =	vst v16  }
0x24e: {  	v15 =	vor.u32 s7, v3;
	[tilespmem:s8+$0x30] =	vst v17  }
0x24f: {  	vm0 =	vlt.s32 v15, $0x27F;
	[tilespmem:s11+$0x71] =	vst v18  }
0x250: {  	s21 =	sand.u32 $0x70, s7;
	v15 =	vnsel vm0, $0x27F, v15;
	[tilespmem:s11+$0x30] =	vst v19  }
0x251: {  	s26 =	sand.u32 $0xE00, s7;
	v15 =	vmul.u32 $0x41, v15;
	s8 =	simm.s32 $0x8C80;
	s2 =	rddreg [dreg:$0x7]  }
0x252: {  	[tilespmem:s5], [sflag:$0x1] =	stream.linear.gather [hbm4b:s2+s7], $0xA000, $0x38;
	[tilespmem:$0x1ED00] =	vst v63  }
0x253: {  	s9 =	simm.s32 $0x10;
	s10 =	simm.s32 $0x0;
	s11 =	sor.u32 s21, s26;
	[tilespmem:s8+$0x0] =	vst v15  }
.LBB2_8:
0x254: {  	v15 =	vor.u32 s9, v3;
	[tilespmem:s11+$0xA080] =	vst v14;
	s12 =	smov.u32 s9;
	p0 =	sne.s32 s9, $0x270  }
.Ltmp3:
0x255: {  	s9 =	sadd.s32 $0x10, s9;
	vm0 =	vlt.s32 v15, $0x27F;
	[tilespmem:s11+$0xA100] =	vst v14;
	(pc) =	sbr.rel @p0 .LBB2_8-.Ltmp3, $4  }
0x256: {  	v15 =	vnsel vm0, $0x27F, v15;
	[tilespmem:s11+$0xA180] =	vst v14  }
0x257: {  	s10 =	sadd.s32 $0x40, s10;
	v15 =	vmul.u32 $0x41, v15;
	[tilespmem:s11+$0xA200] =	vst v14  }
0x258: {  	s8 =	sadd.s32 $0x80, s8;
	s11 =	sand.u32 $0x70, s12;
	s12 =	sand.u32 $0xE00, s10  }
0x259: {  	s11 =	sor.u32 s11, s12;
	[tilespmem:s8+$0x0] =	vst v15  }
0x25a: {  	[tilespmem:s11+$0xA080] =	vst v14  }
0x25b: {  	[tilespmem:s11+$0xA100] =	vst v14  }
0x25c: {  	[tilespmem:s11+$0xA180] =	vst v14  }
0x25d: {  	[tilespmem:s11+$0xA200] =	vst v14  }
.LBB2_10:
0x25e: {  	s8 =	simm.s32 $0x8D00  }
0x25f: {  	v15 =	vld [tilespmem:s8+$0x0];
	_ =	sdelay $0x1  }
0x260: {  	v21 =	vld [tilespmem:s8+$0xFFFFFF80]  }
0x261: {  	s20 =	sshll.u32 s7, $0x7;
	s21 =	simm.s32 $0x8E00  }
0x262: {  	v16 =	vmov s7;
	s8 =	sand.u32 $0x3FFFFF80, s20;
	v41 =	vld [tilespmem:s21+$0x0]  }
0x263: {  	v17 =	vld [tilespmem:s8+$0xC80];
	v25 =	vadd.s32 v16, v15  }
0x264: {  	v18 =	vld [tilespmem:s8+$0x1C80]  }
0x265: {  	v20 =	vadd.s32 $0x20, v16;
	v19 =	vld [tilespmem:s8+$0x2C80];
	v26 =	vadd.s32 v16, v21  }
0x266: {  	v22 =	vld [tilespmem:s8+$0x3C80];
	v15 =	vadd.s32 v20, v15  }
0x267: {  	v23 =	vld [tilespmem:s8+$0x4C80];
	v21 =	vadd.s32 v20, v21  }
0x268: {  	v25 =	vld.idx.msk [tilespmem:v25+s1+$0x0], $0xffff  }
0x269: {  	v24 =	vld [tilespmem:s8+$0x6C80]  }
0x26a: {  	v27 =	vld.idx.msk [tilespmem:v26+s1+$0x0], $0xffff  }
0x26b: {  	v29 =	vld.idx.msk [tilespmem:v15+s1+$0x0], $0xffff  }
0x26c: {  	v28 =	vld.idx.msk [tilespmem:v21+s1+$0x0], $0xffff  }
0x26d: {  	v15 =	vld [tilespmem:s8+$0x7C80];
	v26 =	vsub.f32 v17, v25  }
0x26e: {  	v30 =	vsub.f32 v23, v25;
	v32 =	vsub.f32 v24, v25  }
0x26f: {  	v31 =	vsub.f32 v17, v27;
	v25 =	vsub.f32 v19, v25  }
0x270: {  	v21 =	vld [tilespmem:s8+$0x5C80];
	v33 =	vsub.f32 v22, v29;
	v34 =	vsub.f32 v18, v29  }
0x271: {  	v35 =	vsub.f32 v22, v28;
	v36 =	vsub.f32 v18, v28  }
0x272: {  	v46 =	vadd.s32 v16, v41;
	v37 =	vsub.f32 v19, v27;
	v38 =	vsub.f32 v15, v28  }
0x273: {  	v39 =	vsub.f32 v23, v27;
	v30 =	vmul.f32 v30, v30;
	v33 =	vmul.f32 v33, v33  }
0x274: {  	v51 =	vsub.f32 v24, v27;
	v25 =	vmul.f32 v25, v25;
	v26 =	vmul.f32 v26, v26  }
0x275: {  	v27 =	vsub.f32 v21, v29;
	v34 =	vmul.f32 v34, v34;
	v36 =	vmul.f32 v36, v36  }
0x276: {  	v28 =	vsub.f32 v21, v28;
	v31 =	vmul.f32 v31, v31;
	v63 =	vmul.f32 v38, v38  }
0x277: {  	v29 =	vsub.f32 v15, v29;
	v37 =	vmul.f32 v37, v37;
	v27 =	vmul.f32 v27, v27  }
0x278: {  	v47 =	vadd.s32 v20, v41;
	v53 =	vmul.f32 v39, v39;
	v28 =	vmul.f32 v28, v28  }
0x279: {  	v32 =	vmul.f32 v32, v32;
	v61 =	vmul.f32 v29, v29;
	v26 =	vadd.f32 v34, v26  }
0x27a: {  	v25 =	vadd.f32 v33, v25;
	v36 =	vadd.f32 v36, v31;
	v31 =	vmul.f32 v35, v35  }
0x27b: {  	v43 =	vadd.f32 v27, v30;
	v34 =	vmul.f32 v51, v51;
	v28 =	vadd.f32 v28, v53  }
0x27c: {  	v52 =	vshra.s32 v26, $0x1;
	v40 =	vshra.s32 v36, $0x1;
	v42 =	vadd.f32 v31, v37  }
0x27d: {  	v27 =	vshra.s32 v25, $0x1;
	v31 =	vld [tilespmem:s21+$0xFFFFFF80];
	v54 =	vmul.f32 $5.000000000e-01, v36;
	v45 =	vshra.s32 v43, $0x1  }
0x27e: {  	v57 =	vmul.f32 $5.000000000e-01, v43;
	v53 =	vmul.f32 $5.000000000e-01, v28;
	v30 =	vsub.s32 $0xDF3759DF, v40  }
0x27f: {  	v38 =	vsub.s32 $0xDF3759DF, v52;
	v45 =	vsub.s32 $0xDF3759DF, v45;
	v40 =	vmul.f32 v30, v30  }
0x280: {  	v39 =	vmul.f32 v38, v38;
	v44 =	vshra.s32 v42, $0x1;
	v55 =	vmul.f32 v45, v45  }
0x281: {  	v29 =	vld.idx.msk [tilespmem:v47+s1+$0x0], $0xffff;
	v58 =	vmul.f32 $5.000000000e-01, v42;
	v37 =	vmul.f32 v40, v54;
	v40 =	vsub.s32 $0xDF3759DF, v44  }
0x282: {  	v59 =	vmul.f32 v55, v57;
	v54 =	vmul.f32 $5.000000000e-01, v25;
	v56 =	vadd.s32 v16, v31  }
0x283: {  	v48 =	vadd.s32 v20, v31;
	v31 =	vadd.f32 v63, v34;
	v37 =	vsub.f32 $1.500000000e+00, v37  }
0x284: {  	v27 =	vsub.s32 $0xDF3759DF, v27;
	v49 =	vmul.f32 v40, v40;
	v63 =	vmul.f32 $5.000000000e-01, v26  }
0x285: {  	v34 =	vadd.f32 v61, v32;
	v60 =	vshra.s32 v31, $0x1;
	v30 =	vmul.f32 v30, v37  }
0x286: {  	v37 =	vmul.f32 v49, v58;
	v41 =	vsub.s32 $0xDF3759DF, v60;
	v58 =	vsub.f32 v22, v29  }
0x287: {  	v62 =	vmul.f32 v41, v41;
	v33 =	vmul.f32 v30, v36;
	v30 =	vshra.s32 v28, $0x1;
	v36 =	vld.idx.msk [tilespmem:v46+s1+$0x0], $0xffff  }
0x288: {  	v52 =	vld.idx.msk [tilespmem:v56+s1+$0x0], $0xffff;
	v46 =	vsub.f32 $1.500000000e+00, v59;
	v60 =	vsub.f32 $1.500000000e+00, v37;
	v56 =	vmul.f32 $5.000000000e-01, v34  }
0x289: {  	v59 =	vmul.f32 v39, v63;
	v58 =	vmul.f32 v58, v58;
	v50 =	vsub.s32 $0xDF3759DF, v30  }
0x28a: {  	v61 =	vshra.s32 v34, $0x1;
	v35 =	vld.idx.msk [tilespmem:v48+s1+$0x0], $0xffff;
	v30 =	vmul.f32 $5.000000000e-01, v31;
	v51 =	vmul.f32 v50, v50  }
0x28b: {  	v37 =	vsub.s32 $0xDF3759DF, v61;
	v40 =	vmul.f32 v40, v60;
	v63 =	vmul.f32 v45, v46  }
0x28c: {  	v60 =	vsub.f32 v18, v29;
	v55 =	vmul.f32 v62, v30;
	v62 =	vmul.f32 v37, v37  }
0x28d: {  	v53 =	vmul.f32 v51, v53;
	v32 =	vsub.f32 v17, v36;
	v49 =	vsub.f32 v23, v36  }
0x28e: {  	v39 =	vmul.f32 v40, v42;
	v30 =	vsub.f32 v24, v36;
	v48 =	vsub.f32 v17, v52  }
0x28f: {  	v57 =	vsub.f32 v19, v36;
	v44 =	vmul.f32 v62, v56;
	v56 =	vsub.f32 v22, v35  }
0x290: {  	v36 =	vmul.f32 v63, v43;
	v61 =	vsub.f32 v18, v35;
	v43 =	vmul.f32 v60, v60  }
0x291: {  	v45 =	vsub.f32 v15, v35;
	v60 =	vsub.f32 v23, v52;
	v62 =	vmul.f32 v27, v27  }
0x292: {  	v51 =	vsub.f32 v24, v52;
	v46 =	vmul.f32 v49, v49;
	v57 =	vmul.f32 v57, v57  }
0x293: {  	s10 =	simm.s32 $0x0;
	s12 =	simm.s32 $0x10;
	v49 =	vsub.f32 $1.500000000e+00, v55;
	v55 =	vsub.f32 v19, v52;
	v32 =	vmul.f32 v32, v32  }
0x294: {  	s18 =	simm.s32 $0x2;
	s13 =	simm.s32 $0x0;
	s19 =	simm.s32 $0x10;
	v42 =	vmul.f32 v45, v45;
	v45 =	vmul.f32 v48, v48;
	v48 =	vsub.f32 $1.500000000e+00, v59  }
0x295: {  	s9 =	sand.u32 $0xE00, s10;
	s26 =	sand.u32 $0x7, s10;
	s10 =	sand.u32 $0x3, s10;
	v47 =	vmul.f32 v61, v61;
	v61 =	vsub.f32 $1.500000000e+00, v53;
	v43 =	vadd.f32 v43, v32  }
0x296: {  	s13 =	sand.u32 $0x60, s13;
	s20 =	simm.s32 $0x8F00;
	s10 =	sshll.u32 s10, $0x5;
	v62 =	vmul.f32 v62, v54;
	v40 =	vadd.f32 v58, v57;
	v54 =	vmul.f32 v55, v55  }
0x297: {  	s16 =	sor.u32 $0xA080, s9;
	s14 =	sadd.s32 $0x0, s10;
	s8 =	simm.s32 $0x80;
	v52 =	vmul.f32 v38, v48;
	v55 =	vmul.f32 v56, v56;
	v63 =	vshra.s32 v43, $0x1  }
0x298: {  	s17 =	sor.u32 s13, s16;
	s13 =	simm.s32 $0x2;
	s11 =	sand.u32 $0xE00, s8;
	v48 =	vmul.f32 v60, v60;
	v32 =	vsub.s32 $0xDF3759DF, v63;
	v63 =	vsub.f32 v21, v29  }
0x299: {  	s10 =	simm.s32 $0x1;
	s9 =	sor.u32 $0xA080, s11;
	s11 =	sshll.u32 s26, $0x4;
	v53 =	vsub.f32 $1.500000000e+00, v62;
	v50 =	vmul.f32 v50, v61;
	v58 =	vshra.s32 v40, $0x1  }
0x29a: {  	s15 =	sadd.s32 $0x10, s11;
	s11 =	simm.s32 $0x90;
	s21 =	simm.s32 $0x100;
	[tilespmem:s17+$0x0] =	vst.add.f32.msk $0xffff, v33;
	v33 =	vsub.s32 $0xDF3759DF, v58;
	v38 =	vmul.f32 v32, v32;
	v56 =	vmul.f32 v63, v63  }
.LBB2_11:
0x29b: {  	s2 =	sand.u32 $0xE00, s21;
	v57 =	vld [tilespmem:s20+$0x0];
	s18 =	sadd.s32 $0x2, s18;
	v58 =	vadd.f32 v47, v45;
	v45 =	vadd.f32 v55, v54;
	v51 =	vmul.f32 v51, v51;
	s12 =	sadd.s32 $0x20, s12  }
0x29c: {  	v41 =	vmul.f32 v41, v49;
	s19 =	sand.u32 $0x70, s19;
	s2 =	sor.u32 $0xA080, s2;
	p0 =	slt.u32 s18, $0x26;
	v47 =	vadd.f32 v56, v46;
	v46 =	vmul.f32 v52, v26;
	v26 =	vmovc v43  }
0x29d: {  	s4 =	sand.u32 $0x7, s13;
	s5 =	sand.u32 $0x3, s10;
	v53 =	vmul.f32 v27, v53;
	v27 =	vmovc v33;
	s26 =	sor.u32 s19, s16;
	v43 =	vld [tilespmem:s20+$0xFFFFFF80];
	v49 =	vshra.s32 v58, $0x1;
	v52 =	vmul.f32 $5.000000000e-01, v58  }
0x29e: {  	s4 =	sshll.u32 s4, $0x4;
	s5 =	sshll.u32 s5, $0x5;
	s19 =	smov.u32 s12;
	v54 =	vshra.s32 v45, $0x1;
	v49 =	vsub.s32 $0xDF3759DF, v49;
	v55 =	vshra.s32 v47, $0x1;
	[tilespmem:s26+$0x0] =	vst.add.f32.msk $0xffff, v46  }
0x29f: {  	s16 =	smov.u32 s9;
	s4 =	sadd.s32 s4, s11;
	s5 =	sadd.s32 s5, s8;
	v53 =	vmul.f32 v53, v25;
	v25 =	vmovc v40;
	v46 =	vmul.f32 v49, v49;
	v55 =	vsub.s32 $0xDF3759DF, v55  }
0x2a0: {  	v44 =	vsub.f32 $1.500000000e+00, v44;
	s9 =	smov.u32 s2;
	s8 =	smov.u32 s21;
	v40 =	vsub.s32 $0xDF3759DF, v54;
	v54 =	vmul.f32 v55, v55  }
0x2a1: {  	v35 =	vsub.f32 v21, v35;
	v41 =	vmul.f32 v41, v31;
	s2 =	sor.u32 $0x100, s26;
	v46 =	vmul.f32 v46, v52;
	[tilespmem:s26+$0x80] =	vst.add.f32.msk $0xffff, v53  }
0x2a2: {  	v31 =	vmul.f32 v37, v44;
	v52 =	vadd.s32 v16, v57;
	v53 =	vadd.s32 v20, v57;
	[tilespmem:s2+$0x0] =	vst.add.f32.msk $0xffff, v36  }
0x2a3: {  	v35 =	vmul.f32 v35, v35;
	v37 =	vmul.f32 v50, v28;
	v36 =	vsub.f32 $1.500000000e+00, v46;
	[tilespmem:s17+$0x80] =	vst.add.f32.msk $0xffff, v39  }
0x2a4: {  	v34 =	vmul.f32 v31, v34;
	s2 =	sor.u32 $0x100, s17;
	v39 =	vadd.s32 v16, v43;
	v43 =	vadd.s32 v20, v43  }
0x2a5: {  	v28 =	vadd.f32 v35, v48;
	v35 =	vmul.f32 $5.000000000e-01, v47;
	v36 =	vmul.f32 v49, v36;
	[tilespmem:s2+$0x0] =	vst.add.f32.msk $0xffff, v37;
	s2 =	sor.u32 $0x180, s15;
	s15 =	smov.u32 s4  }
0x2a6: {  	v44 =	vmul.f32 v40, v40;
	v31 =	vadd.f32 v42, v51;
	v37 =	vmul.f32 $5.000000000e-01, v45;
	s4 =	sor.u32 $0x180, s14;
	s14 =	smov.u32 s5;
	[tilespmem:s2+$0xA080] =	vst.add.f32.msk $0xffff, v34  }
0x2a7: {  	v29 =	vsub.f32 v15, v29;
	v42 =	vld.idx.msk [tilespmem:v52+s1+$0x0], $0xffff;
	v34 =	vmul.f32 v36, v58;
	v36 =	vshra.s32 v28, $0x1  }
0x2a8: {  	v46 =	vmul.f32 v54, v35;
	v50 =	vsub.s32 $0xDF3759DF, v36;
	v36 =	vmul.f32 $5.000000000e-01, v31;
	[tilespmem:s4+$0xA080] =	vst.add.f32.msk $0xffff, v41  }
0x2a9: {  	s2 =	sadd.s32 $0xFFFFFFF0, s12;
	v37 =	vmul.f32 v44, v37;
	v41 =	vshra.s32 v31, $0x1;
	v48 =	vld.idx.msk [tilespmem:v39+s1+$0x0], $0xffff;
	v39 =	vmul.f32 v50, v50  }
0x2aa: {  	v30 =	vmul.f32 v30, v30;
	s2 =	sand.u32 $0x60, s2;
	v41 =	vsub.s32 $0xDF3759DF, v41;
	v35 =	vld.idx.msk [tilespmem:v43+s1+$0x0], $0xffff;
	v43 =	vmul.f32 v29, v29  }
0x2ab: {  	v51 =	vmul.f32 $5.000000000e-01, v28;
	v46 =	vsub.f32 $1.500000000e+00, v46;
	s17 =	sor.u32 s2, s16;
	v44 =	vmul.f32 v41, v41;
	v29 =	vld.idx.msk [tilespmem:v53+s1+$0x0], $0xffff  }
0x2ac: {  	v49 =	vmul.f32 $5.000000000e-01, v26;
	v52 =	vmul.f32 $5.000000000e-01, v25;
	[tilespmem:s17+$0x0] =	vst.add.f32.msk $0xffff, v34;
	v34 =	vadd.f32 v43, v30  }
0x2ad: {  	v43 =	vsub.f32 v17, v42;
	v53 =	vsub.f32 v23, v42;
	v54 =	vmul.f32 v44, v36  }
0x2ae: {  	v30 =	vsub.f32 v24, v42;
	v36 =	vsub.f32 $1.500000000e+00, v37;
	v37 =	vshra.s32 v34, $0x1  }
0x2af: {  	v56 =	vsub.f32 v17, v48;
	v44 =	vmul.f32 $5.000000000e-01, v34;
	v37 =	vsub.s32 $0xDF3759DF, v37  }
0x2b0: {  	v42 =	vsub.f32 v19, v42;
	v40 =	vmul.f32 v40, v36;
	v36 =	vmul.f32 v37, v37  }
0x2b1: {  	v38 =	vmul.f32 v38, v49;
	v49 =	vmul.f32 v55, v46;
	v57 =	vsub.f32 v22, v29  }
0x2b2: {  	v46 =	vmul.f32 v53, v53;
	v55 =	vsub.f32 v18, v29;
	v44 =	vmul.f32 v36, v44  }
0x2b3: {  	v53 =	vsub.f32 v22, v35;
	v57 =	vmul.f32 v57, v57;
	v36 =	vmul.f32 v49, v47  }
0x2b4: {  	v58 =	vmul.f32 v42, v42;
	v47 =	vsub.f32 v18, v35;
	v49 =	vsub.f32 $1.500000000e+00, v54  }
0x2b5: {  	v42 =	vmul.f32 v43, v43;
	v54 =	vsub.f32 v19, v48;
	v43 =	vmul.f32 v55, v55  }
0x2b6: {  	v59 =	vmul.f32 v39, v51;
	v55 =	vsub.f32 v15, v35;
	v47 =	vmul.f32 v47, v47  }
0x2b7: {  	v60 =	vsub.f32 v23, v48;
	v39 =	vmul.f32 v40, v45;
	v43 =	vadd.f32 v43, v42  }
0x2b8: {  	v33 =	vmul.f32 v33, v27;
	v42 =	vmul.f32 v55, v55;
	v40 =	vadd.f32 v57, v58  }
0x2b9: {  	v38 =	vsub.f32 $1.500000000e+00, v38;
	v51 =	vsub.f32 v24, v48;
	v45 =	vmul.f32 v56, v56  }
.Ltmp4:
0x2ba: {  	v33 =	vmul.f32 v33, v52;
	v57 =	vsub.f32 $1.500000000e+00, v59;
	v48 =	vshra.s32 v43, $0x1;
	(pc) =	sbr.rel @p0 .LBB2_11-.Ltmp4, $4  }
0x2bb: {  	v52 =	vmul.f32 v32, v38;
	v54 =	vmul.f32 v54, v54;
	v32 =	vsub.s32 $0xDF3759DF, v48  }
0x2bc: {  	v56 =	vsub.f32 v21, v29;
	v55 =	vmul.f32 v53, v53;
	v48 =	vmul.f32 v60, v60  }
0x2bd: {  	s13 =	sadd.s32 $0x2, s13;
	s10 =	sadd.s32 $0x1, s10;
	v53 =	vsub.f32 $1.500000000e+00, v33;
	v58 =	vshra.s32 v40, $0x1;
	v38 =	vmul.f32 v32, v32  }
0x2be: {  	s20 =	sadd.s32 $0x100, s20;
	s21 =	sadd.s32 $0x80, s21;
	s11 =	sadd.s32 $0x80, s11;
	v56 =	vmul.f32 v56, v56;
	v50 =	vmul.f32 v50, v57;
	v33 =	vsub.s32 $0xDF3759DF, v58  }
0x2bf: {  	v16 =	vadd.f32 v47, v45  }
0x2c0: {  	v17 =	vadd.f32 v55, v54;
	v20 =	vmul.f32 v51, v51;
	v22 =	vmul.f32 v41, v49  }
0x2c1: {  	v26 =	vmul.f32 v52, v26;
	v27 =	vmul.f32 v27, v53;
	v44 =	vsub.f32 $1.500000000e+00, v44  }
0x2c2: {  	v21 =	vsub.f32 v21, v35;
	v30 =	vmul.f32 v30, v30;
	v62 =	vmul.f32 $5.000000000e-01, v43  }
0x2c3: {  	v15 =	vsub.f32 v15, v29;
	v63 =	vmul.f32 $5.000000000e-01, v40;
	v28 =	vmul.f32 v50, v28  }
0x2c4: {  	v18 =	vadd.f32 v56, v46;
	v23 =	vmul.f32 $5.000000000e-01, v16;
	v25 =	vmul.f32 v27, v25  }
0x2c5: {  	v19 =	vshra.s32 v16, $0x1;
	v37 =	vmul.f32 v37, v44;
	v21 =	vmul.f32 v21, v21  }
0x2c6: {  	v51 =	vshra.s32 v17, $0x1;
	v22 =	vmul.f32 v22, v31;
	v55 =	vmul.f32 $5.000000000e-01, v17  }
0x2c7: {  	v20 =	vadd.f32 v42, v20;
	v15 =	vmul.f32 v15, v15;
	v44 =	vmul.f32 v33, v33  }
0x2c8: {  	v38 =	vmul.f32 v38, v62;
	v19 =	vsub.s32 $0xDF3759DF, v19;
	v24 =	vshra.s32 v18, $0x1  }
0x2c9: {  	v35 =	vsub.s32 $0xDF3759DF, v51;
	v54 =	vmul.f32 $5.000000000e-01, v18;
	v49 =	vmul.f32 v19, v19  }
0x2ca: {  	v24 =	vsub.s32 $0xDF3759DF, v24;
	v53 =	vmul.f32 v37, v34;
	v21 =	vadd.f32 v21, v48  }
0x2cb: {  	v56 =	vmul.f32 v35, v35;
	v58 =	vmul.f32 $5.000000000e-01, v20;
	v60 =	vshra.s32 v20, $0x1  }
0x2cc: {  	v15 =	vadd.f32 v15, v30;
	v30 =	vmul.f32 v44, v63;
	v23 =	vmul.f32 v49, v23  }
0x2cd: {  	v52 =	vmul.f32 v24, v24;
	v34 =	vsub.s32 $0xDF3759DF, v60;
	v57 =	vshra.s32 v21, $0x1  }
0x2ce: {  	v59 =	vmul.f32 v56, v55;
	v45 =	vmul.f32 v34, v34;
	v23 =	vsub.f32 $1.500000000e+00, v23  }
0x2cf: {  	s2 =	sand.u32 $0x70, s19;
	v46 =	vmul.f32 $5.000000000e-01, v21;
	v47 =	vshra.s32 v15, $0x1;
	v50 =	vmul.f32 $5.000000000e-01, v15  }
0x2d0: {  	[tilespmem:s17+$0x80] =	vst.add.f32.msk $0xffff, v39;
	s2 =	sor.u32 s2, s16;
	v30 =	vsub.f32 $1.500000000e+00, v30;
	v48 =	vsub.s32 $0xDF3759DF, v47;
	v19 =	vmul.f32 v19, v23  }
0x2d1: {  	[tilespmem:s2+$0x0] =	vst.add.f32.msk $0xffff, v26;
	v49 =	vsub.f32 $1.500000000e+00, v38;
	v26 =	vmul.f32 v45, v58;
	v51 =	vmul.f32 v48, v48  }
0x2d2: {  	[tilespmem:s2+$0x80] =	vst.add.f32.msk $0xffff, v25;
	s2 =	sor.u32 $0x100, s2;
	v30 =	vmul.f32 v33, v30;
	v16 =	vmul.f32 v19, v16;
	v19 =	vsub.s32 $0xDF3759DF, v57  }
0x2d3: {  	s16 =	sor.u32 $0x180, s15;
	[tilespmem:s2+$0x0] =	vst.add.f32.msk $0xffff, v36;
	v23 =	vmul.f32 v52, v54;
	v61 =	vmul.f32 v19, v19  }
0x2d4: {  	s26 =	sadd.s32 $0x20, s12;
	s4 =	sor.u32 $0x100, s17;
	[tilespmem:s16+$0xA080] =	vst.add.f32.msk $0xffff, v53;
	v27 =	vsub.f32 $1.500000000e+00, v59;
	v52 =	vmul.f32 v32, v49;
	v53 =	vmul.f32 v51, v50  }
0x2d5: {  	s17 =	sor.u32 $0x180, s14;
	s5 =	sadd.s32 $0xFFFFFFF0, s26;
	[tilespmem:s4+$0x0] =	vst.add.f32.msk $0xffff, v28;
	s2 =	sand.u32 $0x70, s26;
	v58 =	vmul.f32 v30, v40;
	v23 =	vsub.f32 $1.500000000e+00, v23;
	v25 =	vmul.f32 v61, v46  }
0x2d6: {  	s18 =	sand.u32 $0x60, s5;
	[tilespmem:s17+$0xA080] =	vst.add.f32.msk $0xffff, v22;
	s2 =	sor.u32 s2, s9;
	v57 =	vmul.f32 v35, v27;
	v59 =	vsub.f32 $1.500000000e+00, v53  }
0x2d7: {  	s4 =	sor.u32 s18, s9;
	v56 =	vmul.f32 v52, v43;
	[tilespmem:s2+$0x80] =	vst.add.f32.msk $0xffff, v58;
	v54 =	vmul.f32 v24, v23;
	v55 =	vsub.f32 $1.500000000e+00, v25  }
0x2d8: {  	s19 =	sand.u32 $0x7, s13;
	s7 =	sadd.s32 $0x1, s7;
	v60 =	vsub.f32 $1.500000000e+00, v26;
	[tilespmem:s4+$0x0] =	vst.add.f32.msk $0xffff, v16;
	v16 =	vmul.f32 v57, v17;
	v61 =	vmul.f32 v48, v59  }
0x2d9: {  	s20 =	sand.u32 $0x3, s10;
	p0 =	sne.s32 s7, $0x20;
	s5 =	sshll.u32 s19, $0x4;
	[tilespmem:s2+$0x0] =	vst.add.f32.msk $0xffff, v56;
	v18 =	vmul.f32 v54, v18;
	v19 =	vmul.f32 v19, v55  }
.Ltmp5:
0x2da: {  	s5 =	sadd.s32 s5, s11;
	v22 =	vmul.f32 v34, v60;
	s2 =	sor.u32 $0x100, s2;
	[tilespmem:s4+$0x80] =	vst.add.f32.msk $0xffff, v16;
	v15 =	vmul.f32 v61, v15;
	(pc) =	sbr.rel @p0 .LBB2_10-.Ltmp5, $4  }
0x2db: {  	s21 =	sshll.u32 s20, $0x5;
	s26 =	sor.u32 $0x180, s5;
	[tilespmem:s2+$0x0] =	vst.add.f32.msk $0xffff, v18;
	v62 =	vmul.f32 v19, v21  }
0x2dc: {  	v63 =	vmul.f32 v22, v20;
	s4 =	sor.u32 $0x100, s4;
	s2 =	sadd.s32 s21, s8;
	[tilespmem:s26+$0xA080] =	vst.add.f32.msk $0xffff, v15  }
0x2dd: {  	s2 =	sor.u32 $0x180, s2;
	[tilespmem:s4+$0x0] =	vst.add.f32.msk $0xffff, v62  }
0x2de: {  	[tilespmem:s2+$0xA080] =	vst.add.f32.msk $0xffff, v63  }
0x2df: {  	s2 =	rddreg [dreg:$0x8];
	s4 =	simm.s32 $0xA080  }
0x2e0: {  	[hbm4b:s2+s3] =	stream.linear.scatter [tilespmem:s4], [sflag:$0x2], $0xA00, $0x38;
	[tilespmem:$0x1ED00] =	vst v63  }
0x2e1: {  	_ =	swait.ge [sflag:s28], $0xA00  }
0x2e2: {  	[sflag:s28] =	ssyncset.done $0x0  }
0x2e3: {  	[sflag:s28] =	ssyncadd.s32 $0xFFFFF600  }
0x2e4: {  	_ =	swait.ge [sflag:s29], $0xA000  }
0x2e5: {  	[sflag:s29] =	ssyncset.done $0x0  }
0x2e6: {  	s26 =	simm.s32 $0xAB00;
	[sflag:s29] =	ssyncadd.s32 $0xFFFF6000  }
0x2e7: {  	v15 =	vld [tilespmem:s26+$0x0]  }
0x2e8: {  	v16 =	vld [tilespmem:s26+$0xFFFFFF80];
	_ =	sdelay $0x2  }
0x2e9: {  	s7 =	simm.s32 $0x14AC1  }
0x2ea: {  	[tilespmem:s7+$0x0] =	vst v15  }
0x2eb: {  	[tilespmem:s7+$0xFFFFFFBF] =	vst v16;
	v15 =	vld [tilespmem:s26+$0x10]  }
0x2ec: {  	s9 =	simm.s32 $0xAC00;
	v16 =	vld [tilespmem:s26+$0xFFFFFF90]  }
0x2ed: {  	v17 =	vld [tilespmem:s9+$0x0]  }
0x2ee: {  	v18 =	vld [tilespmem:s9+$0xFFFFFF80];
	_ =	sdelay $0x1  }
0x2ef: {  	[tilespmem:s7+$0x10] =	vst v15  }
0x2f0: {  	s8 =	simm.s32 $0x14B43;
	[tilespmem:s7+$0xFFFFFFCF] =	vst v16;
	v15 =	vld [tilespmem:s26+$0x20]  }
0x2f1: {  	[tilespmem:s8+$0x0] =	vst v17;
	v16 =	vld [tilespmem:s26+$0xFFFFFFA0]  }
0x2f2: {  	[tilespmem:s8+$0xFFFFFFBF] =	vst v18;
	v17 =	vld [tilespmem:s9+$0x10]  }
0x2f3: {  	s10 =	simm.s32 $0xAD00;
	v18 =	vld [tilespmem:s9+$0xFFFFFF90]  }
0x2f4: {  	v19 =	vld [tilespmem:s10+$0x0]  }
0x2f5: {  	v20 =	vld [tilespmem:s10+$0xFFFFFF80];
	[tilespmem:s7+$0x20] =	vst v15  }
0x2f6: {  	[tilespmem:s7+$0xFFFFFFDF] =	vst v16;
	v21 =	vld [tilespmem:s26+$0x30]  }
0x2f7: {  	[tilespmem:s8+$0x10] =	vst v17;
	v15 =	vld [tilespmem:s26+$0xFFFFFFB0]  }
0x2f8: {  	s11 =	simm.s32 $0x14BC5;
	[tilespmem:s8+$0xFFFFFFCF] =	vst v18;
	v16 =	vld [tilespmem:s9+$0x20]  }
0x2f9: {  	[tilespmem:s11+$0x0] =	vst v19;
	v17 =	vld [tilespmem:s9+$0xFFFFFFA0]  }
0x2fa: {  	[tilespmem:s11+$0xFFFFFFBF] =	vst v20;
	v19 =	vld [tilespmem:s10+$0x10]  }
0x2fb: {  	s12 =	simm.s32 $0x4;
	s13 =	simm.s32 $0xAE00;
	v18 =	vld [tilespmem:s10+$0xFFFFFF90];
	[tilespmem:s7+$0x30] =	vst v21  }
.LBB2_14:
0x2fc: {  	v20 =	vld [tilespmem:s13+$0x0];
	s12 =	sadd.s32 $0x2, s12;
	[tilespmem:s7+$0xFFFFFFEF] =	vst v15;
	s7 =	smov.u32 s8;
	s8 =	smov.u32 s11  }
0x2fd: {  	v21 =	vld [tilespmem:s13+$0xFFFFFF80];
	p0 =	slt.u32 s12, $0x13E;
	[tilespmem:s7+$0x20] =	vst v16  }
0x2fe: {  	[tilespmem:s7+$0xFFFFFFDF] =	vst v17;
	v22 =	vld [tilespmem:s9+$0x30]  }
.Ltmp6:
0x2ff: {  	[tilespmem:s11+$0x10] =	vst v19;
	v15 =	vld [tilespmem:s9+$0xFFFFFFB0];
	s9 =	smov.u32 s10;
	s10 =	smov.u32 s13;
	(pc) =	sbr.rel @p0 .LBB2_14-.Ltmp6, $4  }
0x300: {  	s11 =	sadd.s32 $0x82, s11;
	[tilespmem:s8+$0xFFFFFFCF] =	vst v18;
	v16 =	vld [tilespmem:s9+$0x20]  }
0x301: {  	[tilespmem:s11+$0x0] =	vst v20;
	v17 =	vld [tilespmem:s9+$0xFFFFFFA0]  }
0x302: {  	[tilespmem:s11+$0xFFFFFFBF] =	vst v21;
	v19 =	vld [tilespmem:s13+$0x10]  }
0x303: {  	s13 =	sadd.s32 $0x100, s13;
	v18 =	vld [tilespmem:s10+$0xFFFFFF90];
	[tilespmem:s7+$0x30] =	vst v22  }
0x304: {  	_ =	sdelay $0x2  }
0x305: {  	[tilespmem:s11+$0x10] =	vst v19  }
0x306: {  	[tilespmem:s11+$0xFFFFFFCF] =	vst v18;
	v18 =	vld [tilespmem:s10+$0x20]  }
0x307: {  	v19 =	vld [tilespmem:s10+$0xFFFFFFA0];
	_ =	sdelay $0x1  }
0x308: {  	[tilespmem:s8+$0x20] =	vst v16  }
0x309: {  	[tilespmem:s8+$0xFFFFFFDF] =	vst v17;
	v16 =	vld [tilespmem:s9+$0x30]  }
0x30a: {  	v17 =	vld [tilespmem:s9+$0xFFFFFFB0];
	[tilespmem:s11+$0x20] =	vst v18  }
0x30b: {  	[tilespmem:s11+$0xFFFFFFDF] =	vst v19;
	v18 =	vld [tilespmem:s10+$0x30]  }
0x30c: {  	v19 =	vld [tilespmem:s10+$0xFFFFFFB0]  }
0x30d: {  	[tilespmem:s7+$0xFFFFFFEF] =	vst v15  }
0x30e: {  	[tilespmem:s8+$0x30] =	vst v16  }
0x30f: {  	[tilespmem:s8+$0xFFFFFFEF] =	vst v17  }
0x310: {  	[tilespmem:s11+$0x30] =	vst v18  }
0x311: {  	[tilespmem:s11+$0xFFFFFFEF] =	vst v19  }
0x312: {  	s4 =	simm.s32 $0xAA80;
	s2 =	rddreg [dreg:$0x9]  }
0x313: {  	[tilespmem:s4], [sflag:$0x1] =	stream.linear.gather [hbm4b:s2+s3], $0xA000, $0x38;
	[tilespmem:$0x1ED00] =	vst v63  }
0x314: {  	_ =	swait.ge [sflag:s29], $0xA000  }
0x315: {  	[sflag:s29] =	ssyncset.done $0x0  }
0x316: {  	s26 =	simm.s32 $0xAB00;
	[sflag:s29] =	ssyncadd.s32 $0xFFFF6000  }
0x317: {  	v15 =	vld [tilespmem:s26+$0x0]  }
0x318: {  	v16 =	vld [tilespmem:s26+$0xFFFFFF80];
	_ =	sdelay $0x2  }
0x319: {  	s7 =	simm.s32 $0x19BC0  }
0x31a: {  	[tilespmem:s7+$0x41] =	vst v15  }
0x31b: {  	[tilespmem:s7+$0x0] =	vst v16;
	v15 =	vld [tilespmem:s26+$0x10]  }
0x31c: {  	s9 =	simm.s32 $0xAC00;
	v16 =	vld [tilespmem:s26+$0xFFFFFF90]  }
0x31d: {  	v17 =	vld [tilespmem:s9+$0x0]  }
0x31e: {  	v18 =	vld [tilespmem:s9+$0xFFFFFF80];
	_ =	sdelay $0x1  }
0x31f: {  	[tilespmem:s7+$0x51] =	vst v15  }
0x320: {  	s8 =	simm.s32 $0x19C42;
	[tilespmem:s7+$0x10] =	vst v16;
	v15 =	vld [tilespmem:s26+$0x20]  }
0x321: {  	[tilespmem:s8+$0x41] =	vst v17;
	v16 =	vld [tilespmem:s26+$0xFFFFFFA0]  }
0x322: {  	[tilespmem:s8+$0x0] =	vst v18;
	v17 =	vld [tilespmem:s9+$0x10]  }
0x323: {  	s10 =	simm.s32 $0xAD00;
	v18 =	vld [tilespmem:s9+$0xFFFFFF90]  }
0x324: {  	v19 =	vld [tilespmem:s10+$0x0]  }
0x325: {  	v20 =	vld [tilespmem:s10+$0xFFFFFF80];
	[tilespmem:s7+$0x61] =	vst v15  }
0x326: {  	[tilespmem:s7+$0x20] =	vst v16;
	v21 =	vld [tilespmem:s26+$0x30]  }
0x327: {  	[tilespmem:s8+$0x51] =	vst v17;
	v15 =	vld [tilespmem:s26+$0xFFFFFFB0]  }
0x328: {  	s11 =	simm.s32 $0x19CC4;
	[tilespmem:s8+$0x10] =	vst v18;
	v16 =	vld [tilespmem:s9+$0x20]  }
0x329: {  	[tilespmem:s11+$0x41] =	vst v19;
	v17 =	vld [tilespmem:s9+$0xFFFFFFA0]  }
0x32a: {  	[tilespmem:s11+$0x0] =	vst v20;
	v19 =	vld [tilespmem:s10+$0x10]  }
0x32b: {  	s12 =	simm.s32 $0x4;
	s13 =	simm.s32 $0xAE00;
	v18 =	vld [tilespmem:s10+$0xFFFFFF90];
	[tilespmem:s7+$0x71] =	vst v21  }
.LBB2_16:
0x32c: {  	v20 =	vld [tilespmem:s13+$0x0];
	s12 =	sadd.s32 $0x2, s12;
	[tilespmem:s7+$0x30] =	vst v15;
	s7 =	smov.u32 s8;
	s8 =	smov.u32 s11  }
0x32d: {  	v21 =	vld [tilespmem:s13+$0xFFFFFF80];
	p0 =	slt.u32 s12, $0x13E;
	[tilespmem:s7+$0x61] =	vst v16  }
0x32e: {  	[tilespmem:s7+$0x20] =	vst v17;
	v22 =	vld [tilespmem:s9+$0x30]  }
.Ltmp7:
0x32f: {  	[tilespmem:s11+$0x51] =	vst v19;
	v15 =	vld [tilespmem:s9+$0xFFFFFFB0];
	s9 =	smov.u32 s10;
	s10 =	smov.u32 s13;
	(pc) =	sbr.rel @p0 .LBB2_16-.Ltmp7, $4  }
0x330: {  	s11 =	sadd.s32 $0x82, s11;
	[tilespmem:s8+$0x10] =	vst v18;
	v16 =	vld [tilespmem:s9+$0x20]  }
0x331: {  	[tilespmem:s11+$0x41] =	vst v20;
	v17 =	vld [tilespmem:s9+$0xFFFFFFA0]  }
0x332: {  	[tilespmem:s11+$0x0] =	vst v21;
	v19 =	vld [tilespmem:s13+$0x10]  }
0x333: {  	s13 =	sadd.s32 $0x100, s13;
	v18 =	vld [tilespmem:s10+$0xFFFFFF90];
	[tilespmem:s7+$0x71] =	vst v22  }
0x334: {  	_ =	sdelay $0x2  }
0x335: {  	[tilespmem:s11+$0x51] =	vst v19  }
0x336: {  	[tilespmem:s11+$0x10] =	vst v18;
	v62 =	vld [tilespmem:s10+$0x20]  }
0x337: {  	v63 =	vld [tilespmem:s10+$0xFFFFFFA0];
	_ =	sdelay $0x1  }
0x338: {  	[tilespmem:s8+$0x61] =	vst v16  }
0x339: {  	[tilespmem:s8+$0x20] =	vst v17;
	v16 =	vld [tilespmem:s9+$0x30]  }
0x33a: {  	v17 =	vld [tilespmem:s9+$0xFFFFFFB0];
	[tilespmem:s11+$0x61] =	vst v62  }
0x33b: {  	[tilespmem:s11+$0x20] =	vst v63;
	v18 =	vld [tilespmem:s10+$0x30]  }
0x33c: {  	v19 =	vld [tilespmem:s10+$0xFFFFFFB0]  }
0x33d: {  	[tilespmem:s7+$0x30] =	vst v15  }
0x33e: {  	[tilespmem:s8+$0x71] =	vst v16  }
0x33f: {  	s2 =	sadd.s32 $0x0, s22;
	[tilespmem:s8+$0x30] =	vst v17  }
0x340: {  	s7 =	simm.s32 $0x0;
	v15 =	vor.u32 s2, v3;
	[tilespmem:s11+$0x71] =	vst v18  }
0x341: {  	s12 =	sand.u32 $0xE00, s7;
	vm0 =	vlt.s32 v15, $0x27F;
	s9 =	simm.s32 $0x10;
	s8 =	simm.s32 $0x8C80;
	[tilespmem:s11+$0x30] =	vst v19  }
0x342: {  	v15 =	vnsel vm0, $0x27F, v15;
	s10 =	simm.s32 $0x0;
	s11 =	sand.u32 $0x70, s7;
	s26 =	rddreg [dreg:$0xa]  }
0x343: {  	v15 =	vmul.u32 $0x41, v15;
	[tilespmem:s4], [sflag:$0x1] =	stream.linear.gather [hbm4b:s26+s7], $0xA000, $0x38;
	[tilespmem:$0x1ED00] =	vst v63  }
.LBB2_18:
0x344: {  	s2 =	sadd.s32 s9, s22  }
0x345: {  	[tilespmem:s8+$0x0] =	vst v15;
	s4 =	sor.u32 s11, s12;
	s5 =	smov.u32 s9;
	p0 =	sne.s32 s9, $0x270  }
.Ltmp8:
0x346: {  	s9 =	sadd.s32 $0x10, s9;
	v15 =	vor.u32 s2, v3;
	[tilespmem:s4+$0xA080] =	vst v14;
	(pc) =	sbr.rel @p0 .LBB2_18-.Ltmp8, $4  }
0x347: {  	vm0 =	vlt.s32 v15, $0x27F;
	[tilespmem:s4+$0xA100] =	vst v14  }
0x348: {  	v15 =	vnsel vm0, $0x27F, v15;
	[tilespmem:s4+$0xA180] =	vst v14  }
0x349: {  	s10 =	sadd.s32 $0x40, s10;
	v15 =	vmul.u32 $0x41, v15;
	[tilespmem:s4+$0xA200] =	vst v14  }
0x34a: {  	s8 =	sadd.s32 $0x80, s8;
	s11 =	sand.u32 $0x70, s5;
	s12 =	sand.u32 $0xE00, s10  }
0x34b: {  	[tilespmem:s8+$0x0] =	vst v15;
	s2 =	sor.u32 s11, s12  }
0x34c: {  	[tilespmem:s2+$0xA080] =	vst v14  }
0x34d: {  	[tilespmem:s2+$0xA100] =	vst v14  }
0x34e: {  	[tilespmem:s2+$0xA180] =	vst v14  }
0x34f: {  	[tilespmem:s2+$0xA200] =	vst v14  }
.LBB2_20:
0x350: {  	s2 =	simm.s32 $0x8D00  }
0x351: {  	v15 =	vld [tilespmem:s2+$0x0];
	_ =	sdelay $0x1  }
0x352: {  	v21 =	vld [tilespmem:s2+$0xFFFFFF80]  }
0x353: {  	s18 =	sshll.u32 s7, $0x7;
	s19 =	simm.s32 $0x8E00  }
0x354: {  	v16 =	vmov s7;
	s2 =	sand.u32 $0x3FFFFF80, s18;
	v41 =	vld [tilespmem:s19+$0x0]  }
0x355: {  	v17 =	vld [tilespmem:s2+$0xC80];
	v25 =	vadd.s32 v16, v15  }
0x356: {  	v18 =	vld [tilespmem:s2+$0x1C80]  }
0x357: {  	v20 =	vadd.s32 $0x20, v16;
	v19 =	vld [tilespmem:s2+$0x2C80];
	v26 =	vadd.s32 v16, v21  }
0x358: {  	v22 =	vld [tilespmem:s2+$0x3C80];
	v15 =	vadd.s32 v20, v15  }
0x359: {  	v23 =	vld [tilespmem:s2+$0x4C80];
	v21 =	vadd.s32 v20, v21  }
0x35a: {  	v25 =	vld.idx.msk [tilespmem:v25+s1+$0x0], $0xffff  }
0x35b: {  	v24 =	vld [tilespmem:s2+$0x6C80]  }
0x35c: {  	v27 =	vld.idx.msk [tilespmem:v26+s1+$0x0], $0xffff  }
0x35d: {  	v29 =	vld.idx.msk [tilespmem:v15+s1+$0x0], $0xffff  }
0x35e: {  	v28 =	vld.idx.msk [tilespmem:v21+s1+$0x0], $0xffff  }
0x35f: {  	v15 =	vld [tilespmem:s2+$0x7C80];
	v26 =	vsub.f32 v17, v25  }
0x360: {  	v30 =	vsub.f32 v23, v25;
	v32 =	vsub.f32 v24, v25  }
0x361: {  	v31 =	vsub.f32 v17, v27;
	v25 =	vsub.f32 v19, v25  }
0x362: {  	v21 =	vld [tilespmem:s2+$0x5C80];
	v33 =	vsub.f32 v22, v29;
	v34 =	vsub.f32 v18, v29  }
0x363: {  	v35 =	vsub.f32 v22, v28;
	v36 =	vsub.f32 v18, v28  }
0x364: {  	v46 =	vadd.s32 v16, v41;
	v37 =	vsub.f32 v19, v27;
	v38 =	vsub.f32 v15, v28  }
0x365: {  	v39 =	vsub.f32 v23, v27;
	v30 =	vmul.f32 v30, v30;
	v33 =	vmul.f32 v33, v33  }
0x366: {  	v51 =	vsub.f32 v24, v27;
	v25 =	vmul.f32 v25, v25;
	v26 =	vmul.f32 v26, v26  }
0x367: {  	v27 =	vsub.f32 v21, v29;
	v34 =	vmul.f32 v34, v34;
	v36 =	vmul.f32 v36, v36  }
0x368: {  	v28 =	vsub.f32 v21, v28;
	v31 =	vmul.f32 v31, v31;
	v63 =	vmul.f32 v38, v38  }
0x369: {  	v29 =	vsub.f32 v15, v29;
	v37 =	vmul.f32 v37, v37;
	v27 =	vmul.f32 v27, v27  }
0x36a: {  	v47 =	vadd.s32 v20, v41;
	v53 =	vmul.f32 v39, v39;
	v28 =	vmul.f32 v28, v28  }
0x36b: {  	v32 =	vmul.f32 v32, v32;
	v61 =	vmul.f32 v29, v29;
	v26 =	vadd.f32 v34, v26  }
0x36c: {  	v25 =	vadd.f32 v33, v25;
	v36 =	vadd.f32 v36, v31;
	v31 =	vmul.f32 v35, v35  }
0x36d: {  	v43 =	vadd.f32 v27, v30;
	v34 =	vmul.f32 v51, v51;
	v28 =	vadd.f32 v28, v53  }
0x36e: {  	v52 =	vshra.s32 v26, $0x1;
	v40 =	vshra.s32 v36, $0x1;
	v42 =	vadd.f32 v31, v37  }
0x36f: {  	v27 =	vshra.s32 v25, $0x1;
	v31 =	vld [tilespmem:s19+$0xFFFFFF80];
	v54 =	vmul.f32 $5.000000000e-01, v36;
	v45 =	vshra.s32 v43, $0x1  }
0x370: {  	v57 =	vmul.f32 $5.000000000e-01, v43;
	v53 =	vmul.f32 $5.000000000e-01, v28;
	v30 =	vsub.s32 $0xDF3759DF, v40  }
0x371: {  	v38 =	vsub.s32 $0xDF3759DF, v52;
	v45 =	vsub.s32 $0xDF3759DF, v45;
	v40 =	vmul.f32 v30, v30  }
0x372: {  	v39 =	vmul.f32 v38, v38;
	v44 =	vshra.s32 v42, $0x1;
	v55 =	vmul.f32 v45, v45  }
0x373: {  	v29 =	vld.idx.msk [tilespmem:v47+s1+$0x0], $0xffff;
	v58 =	vmul.f32 $5.000000000e-01, v42;
	v37 =	vmul.f32 v40, v54;
	v40 =	vsub.s32 $0xDF3759DF, v44  }
0x374: {  	v59 =	vmul.f32 v55, v57;
	v54 =	vmul.f32 $5.000000000e-01, v25;
	v56 =	vadd.s32 v16, v31  }
0x375: {  	v48 =	vadd.s32 v20, v31;
	v31 =	vadd.f32 v63, v34;
	v37 =	vsub.f32 $1.500000000e+00, v37  }
0x376: {  	v27 =	vsub.s32 $0xDF3759DF, v27;
	v49 =	vmul.f32 v40, v40;
	v63 =	vmul.f32 $5.000000000e-01, v26  }
0x377: {  	v34 =	vadd.f32 v61, v32;
	v60 =	vshra.s32 v31, $0x1;
	v30 =	vmul.f32 v30, v37  }
0x378: {  	v37 =	vmul.f32 v49, v58;
	v41 =	vsub.s32 $0xDF3759DF, v60;
	v58 =	vsub.f32 v22, v29  }
0x379: {  	v62 =	vmul.f32 v41, v41;
	v33 =	vmul.f32 v30, v36;
	v30 =	vshra.s32 v28, $0x1;
	v36 =	vld.idx.msk [tilespmem:v46+s1+$0x0], $0xffff  }
0x37a: {  	v52 =	vld.idx.msk [tilespmem:v56+s1+$0x0], $0xffff;
	v46 =	vsub.f32 $1.500000000e+00, v59;
	v60 =	vsub.f32 $1.500000000e+00, v37;
	v56 =	vmul.f32 $5.000000000e-01, v34  }
0x37b: {  	v59 =	vmul.f32 v39, v63;
	v58 =	vmul.f32 v58, v58;
	v50 =	vsub.s32 $0xDF3759DF, v30  }
0x37c: {  	v61 =	vshra.s32 v34, $0x1;
	v35 =	vld.idx.msk [tilespmem:v48+s1+$0x0], $0xffff;
	v30 =	vmul.f32 $5.000000000e-01, v31;
	v51 =	vmul.f32 v50, v50  }
0x37d: {  	v37 =	vsub.s32 $0xDF3759DF, v61;
	v40 =	vmul.f32 v40, v60;
	v63 =	vmul.f32 v45, v46  }
0x37e: {  	v60 =	vsub.f32 v18, v29;
	v55 =	vmul.f32 v62, v30;
	v62 =	vmul.f32 v37, v37  }
0x37f: {  	v53 =	vmul.f32 v51, v53;
	v32 =	vsub.f32 v17, v36;
	v49 =	vsub.f32 v23, v36  }
0x380: {  	v39 =	vmul.f32 v40, v42;
	v30 =	vsub.f32 v24, v36;
	v48 =	vsub.f32 v17, v52  }
0x381: {  	v57 =	vsub.f32 v19, v36;
	v44 =	vmul.f32 v62, v56;
	v56 =	vsub.f32 v22, v35  }
0x382: {  	v36 =	vmul.f32 v63, v43;
	v61 =	vsub.f32 v18, v35;
	v43 =	vmul.f32 v60, v60  }
0x383: {  	v45 =	vsub.f32 v15, v35;
	v60 =	vsub.f32 v23, v52;
	v62 =	vmul.f32 v27, v27  }
0x384: {  	v51 =	vsub.f32 v24, v52;
	v46 =	vmul.f32 v49, v49;
	v57 =	vmul.f32 v57, v57  }
0x385: {  	s20 =	simm.s32 $0x0;
	s8 =	simm.s32 $0x80;
	v49 =	vsub.f32 $1.500000000e+00, v55;
	v55 =	vsub.f32 v19, v52;
	v32 =	vmul.f32 v32, v32  }
0x386: {  	s12 =	simm.s32 $0x10;
	s26 =	simm.s32 $0x0;
	s13 =	simm.s32 $0x2;
	v42 =	vmul.f32 v45, v45;
	v45 =	vmul.f32 v48, v48;
	v48 =	vsub.f32 $1.500000000e+00, v59  }
0x387: {  	s10 =	simm.s32 $0x1;
	s11 =	simm.s32 $0x90;
	s4 =	sand.u32 $0xE00, s20;
	v47 =	vmul.f32 v61, v61;
	v61 =	vsub.f32 $1.500000000e+00, v53;
	v43 =	vadd.f32 v43, v32  }
0x388: {  	s5 =	sand.u32 $0xE00, s8;
	s18 =	simm.s32 $0x2;
	s21 =	sand.u32 $0x7, s20;
	v62 =	vmul.f32 v62, v54;
	v40 =	vadd.f32 v58, v57;
	v54 =	vmul.f32 v55, v55  }
0x389: {  	s16 =	sor.u32 $0xA080, s4;
	s9 =	sor.u32 $0xA080, s5;
	s4 =	sshll.u32 s21, $0x4;
	v52 =	vmul.f32 v38, v48;
	v55 =	vmul.f32 v56, v56;
	v63 =	vshra.s32 v43, $0x1  }
0x38a: {  	s5 =	sand.u32 $0x60, s26;
	s21 =	simm.s32 $0x100;
	s2 =	sand.u32 $0x3, s20;
	v48 =	vmul.f32 v60, v60;
	v32 =	vsub.s32 $0xDF3759DF, v63;
	v63 =	vsub.f32 v21, v29  }
0x38b: {  	s15 =	sadd.s32 $0x10, s4;
	s17 =	sor.u32 s5, s16;
	s2 =	sshll.u32 s2, $0x5;
	v53 =	vsub.f32 $1.500000000e+00, v62;
	v50 =	vmul.f32 v50, v61;
	v58 =	vshra.s32 v40, $0x1  }
0x38c: {  	s20 =	simm.s32 $0x8F00;
	s14 =	sadd.s32 $0x0, s2;
	s19 =	simm.s32 $0x10;
	[tilespmem:s17+$0x0] =	vst.add.f32.msk $0xffff, v33;
	v33 =	vsub.s32 $0xDF3759DF, v58;
	v38 =	vmul.f32 v32, v32;
	v56 =	vmul.f32 v63, v63  }
.LBB2_21:
0x38d: {  	s2 =	sand.u32 $0xE00, s21;
	v57 =	vld [tilespmem:s20+$0x0];
	s18 =	sadd.s32 $0x2, s18;
	v58 =	vadd.f32 v47, v45;
	v45 =	vadd.f32 v55, v54;
	v51 =	vmul.f32 v51, v51;
	s12 =	sadd.s32 $0x20, s12  }
0x38e: {  	v41 =	vmul.f32 v41, v49;
	s4 =	sand.u32 $0x70, s19;
	s2 =	sor.u32 $0xA080, s2;
	p0 =	slt.u32 s18, $0x26;
	v47 =	vadd.f32 v56, v46;
	v46 =	vmul.f32 v52, v26;
	v26 =	vmovc v43  }
0x38f: {  	s5 =	sand.u32 $0x7, s13;
	s19 =	sand.u32 $0x3, s10;
	v53 =	vmul.f32 v27, v53;
	v27 =	vmovc v33;
	s4 =	sor.u32 s4, s16;
	v43 =	vld [tilespmem:s20+$0xFFFFFF80];
	v49 =	vshra.s32 v58, $0x1;
	v52 =	vmul.f32 $5.000000000e-01, v58  }
0x390: {  	s5 =	sshll.u32 s5, $0x4;
	s16 =	sshll.u32 s19, $0x5;
	s19 =	smov.u32 s12;
	v54 =	vshra.s32 v45, $0x1;
	v49 =	vsub.s32 $0xDF3759DF, v49;
	v55 =	vshra.s32 v47, $0x1;
	[tilespmem:s4+$0x0] =	vst.add.f32.msk $0xffff, v46  }
0x391: {  	s5 =	sadd.s32 s5, s11;
	s26 =	sadd.s32 s16, s8;
	v53 =	vmul.f32 v53, v25;
	v25 =	vmovc v40;
	s16 =	smov.u32 s9;
	v46 =	vmul.f32 v49, v49;
	v55 =	vsub.s32 $0xDF3759DF, v55  }
0x392: {  	v44 =	vsub.f32 $1.500000000e+00, v44;
	s9 =	smov.u32 s2;
	s8 =	smov.u32 s21;
	v40 =	vsub.s32 $0xDF3759DF, v54;
	v54 =	vmul.f32 v55, v55  }
0x393: {  	v35 =	vsub.f32 v21, v35;
	v41 =	vmul.f32 v41, v31;
	s2 =	sor.u32 $0x100, s4;
	v46 =	vmul.f32 v46, v52;
	[tilespmem:s4+$0x80] =	vst.add.f32.msk $0xffff, v53  }
0x394: {  	v31 =	vmul.f32 v37, v44;
	v52 =	vadd.s32 v16, v57;
	v53 =	vadd.s32 v20, v57;
	[tilespmem:s2+$0x0] =	vst.add.f32.msk $0xffff, v36  }
0x395: {  	v35 =	vmul.f32 v35, v35;
	v37 =	vmul.f32 v50, v28;
	v36 =	vsub.f32 $1.500000000e+00, v46;
	[tilespmem:s17+$0x80] =	vst.add.f32.msk $0xffff, v39  }
0x396: {  	v34 =	vmul.f32 v31, v34;
	s2 =	sor.u32 $0x100, s17;
	v39 =	vadd.s32 v16, v43;
	v43 =	vadd.s32 v20, v43  }
0x397: {  	v28 =	vadd.f32 v35, v48;
	v35 =	vmul.f32 $5.000000000e-01, v47;
	v36 =	vmul.f32 v49, v36;
	[tilespmem:s2+$0x0] =	vst.add.f32.msk $0xffff, v37;
	s2 =	sor.u32 $0x180, s15;
	s15 =	smov.u32 s5  }
0x398: {  	v44 =	vmul.f32 v40, v40;
	v31 =	vadd.f32 v42, v51;
	s4 =	sor.u32 $0x180, s14;
	s14 =	smov.u32 s26;
	v37 =	vmul.f32 $5.000000000e-01, v45;
	[tilespmem:s2+$0xA080] =	vst.add.f32.msk $0xffff, v34  }
0x399: {  	v29 =	vsub.f32 v15, v29;
	v42 =	vld.idx.msk [tilespmem:v52+s1+$0x0], $0xffff;
	v34 =	vmul.f32 v36, v58;
	v36 =	vshra.s32 v28, $0x1  }
0x39a: {  	v46 =	vmul.f32 v54, v35;
	v50 =	vsub.s32 $0xDF3759DF, v36;
	v36 =	vmul.f32 $5.000000000e-01, v31;
	[tilespmem:s4+$0xA080] =	vst.add.f32.msk $0xffff, v41  }
0x39b: {  	s2 =	sadd.s32 $0xFFFFFFF0, s12;
	v37 =	vmul.f32 v44, v37;
	v41 =	vshra.s32 v31, $0x1;
	v48 =	vld.idx.msk [tilespmem:v39+s1+$0x0], $0xffff;
	v39 =	vmul.f32 v50, v50  }
0x39c: {  	v30 =	vmul.f32 v30, v30;
	s2 =	sand.u32 $0x60, s2;
	v41 =	vsub.s32 $0xDF3759DF, v41;
	v35 =	vld.idx.msk [tilespmem:v43+s1+$0x0], $0xffff;
	v43 =	vmul.f32 v29, v29  }
0x39d: {  	v51 =	vmul.f32 $5.000000000e-01, v28;
	v46 =	vsub.f32 $1.500000000e+00, v46;
	s17 =	sor.u32 s2, s16;
	v44 =	vmul.f32 v41, v41;
	v29 =	vld.idx.msk [tilespmem:v53+s1+$0x0], $0xffff  }
0x39e: {  	v49 =	vmul.f32 $5.000000000e-01, v26;
	v52 =	vmul.f32 $5.000000000e-01, v25;
	[tilespmem:s17+$0x0] =	vst.add.f32.msk $0xffff, v34;
	v34 =	vadd.f32 v43, v30  }
0x39f: {  	v43 =	vsub.f32 v17, v42;
	v53 =	vsub.f32 v23, v42;
	v54 =	vmul.f32 v44, v36  }
0x3a0: {  	v30 =	vsub.f32 v24, v42;
	v36 =	vsub.f32 $1.500000000e+00, v37;
	v37 =	vshra.s32 v34, $0x1  }
0x3a1: {  	v56 =	vsub.f32 v17, v48;
	v44 =	vmul.f32 $5.000000000e-01, v34;
	v37 =	vsub.s32 $0xDF3759DF, v37  }
0x3a2: {  	v42 =	vsub.f32 v19, v42;
	v40 =	vmul.f32 v40, v36;
	v36 =	vmul.f32 v37, v37  }
0x3a3: {  	v38 =	vmul.f32 v38, v49;
	v49 =	vmul.f32 v55, v46;
	v57 =	vsub.f32 v22, v29  }
0x3a4: {  	v46 =	vmul.f32 v53, v53;
	v55 =	vsub.f32 v18, v29;
	v44 =	vmul.f32 v36, v44  }
0x3a5: {  	v53 =	vsub.f32 v22, v35;
	v57 =	vmul.f32 v57, v57;
	v36 =	vmul.f32 v49, v47  }
0x3a6: {  	v58 =	vmul.f32 v42, v42;
	v47 =	vsub.f32 v18, v35;
	v49 =	vsub.f32 $1.500000000e+00, v54  }
0x3a7: {  	v42 =	vmul.f32 v43, v43;
	v54 =	vsub.f32 v19, v48;
	v43 =	vmul.f32 v55, v55  }
0x3a8: {  	v59 =	vmul.f32 v39, v51;
	v55 =	vsub.f32 v15, v35;
	v47 =	vmul.f32 v47, v47  }
0x3a9: {  	v60 =	vsub.f32 v23, v48;
	v39 =	vmul.f32 v40, v45;
	v43 =	vadd.f32 v43, v42  }
0x3aa: {  	v33 =	vmul.f32 v33, v27;
	v42 =	vmul.f32 v55, v55;
	v40 =	vadd.f32 v57, v58  }
0x3ab: {  	v38 =	vsub.f32 $1.500000000e+00, v38;
	v51 =	vsub.f32 v24, v48;
	v45 =	vmul.f32 v56, v56  }
.Ltmp9:
0x3ac: {  	v33 =	vmul.f32 v33, v52;
	v57 =	vsub.f32 $1.500000000e+00, v59;
	v48 =	vshra.s32 v43, $0x1;
	(pc) =	sbr.rel @p0 .LBB2_21-.Ltmp9, $4  }
0x3ad: {  	v52 =	vmul.f32 v32, v38;
	v54 =	vmul.f32 v54, v54;
	v32 =	vsub.s32 $0xDF3759DF, v48  }
0x3ae: {  	v56 =	vsub.f32 v21, v29;
	v55 =	vmul.f32 v53, v53;
	v48 =	vmul.f32 v60, v60  }
0x3af: {  	s13 =	sadd.s32 $0x2, s13;
	s10 =	sadd.s32 $0x1, s10;
	v53 =	vsub.f32 $1.500000000e+00, v33;
	v58 =	vshra.s32 v40, $0x1;
	v38 =	vmul.f32 v32, v32  }
0x3b0: {  	s20 =	sadd.s32 $0x100, s20;
	s21 =	sadd.s32 $0x80, s21;
	s11 =	sadd.s32 $0x80, s11;
	v56 =	vmul.f32 v56, v56;
	v50 =	vmul.f32 v50, v57;
	v33 =	vsub.s32 $0xDF3759DF, v58  }
0x3b1: {  	v16 =	vadd.f32 v47, v45  }
0x3b2: {  	v17 =	vadd.f32 v55, v54;
	v20 =	vmul.f32 v51, v51;
	v22 =	vmul.f32 v41, v49  }
0x3b3: {  	v26 =	vmul.f32 v52, v26;
	v27 =	vmul.f32 v27, v53;
	v44 =	vsub.f32 $1.500000000e+00, v44  }
0x3b4: {  	v21 =	vsub.f32 v21, v35;
	v30 =	vmul.f32 v30, v30;
	v62 =	vmul.f32 $5.000000000e-01, v43  }
0x3b5: {  	v15 =	vsub.f32 v15, v29;
	v63 =	vmul.f32 $5.000000000e-01, v40;
	v28 =	vmul.f32 v50, v28  }
0x3b6: {  	v18 =	vadd.f32 v56, v46;
	v23 =	vmul.f32 $5.000000000e-01, v16;
	v25 =	vmul.f32 v27, v25  }
0x3b7: {  	v19 =	vshra.s32 v16, $0x1;
	v37 =	vmul.f32 v37, v44;
	v21 =	vmul.f32 v21, v21  }
0x3b8: {  	v51 =	vshra.s32 v17, $0x1;
	v22 =	vmul.f32 v22, v31;
	v55 =	vmul.f32 $5.000000000e-01, v17  }
0x3b9: {  	v20 =	vadd.f32 v42, v20;
	v15 =	vmul.f32 v15, v15;
	v44 =	vmul.f32 v33, v33  }
0x3ba: {  	v38 =	vmul.f32 v38, v62;
	v19 =	vsub.s32 $0xDF3759DF, v19;
	v24 =	vshra.s32 v18, $0x1  }
0x3bb: {  	v35 =	vsub.s32 $0xDF3759DF, v51;
	v54 =	vmul.f32 $5.000000000e-01, v18;
	v49 =	vmul.f32 v19, v19  }
0x3bc: {  	v24 =	vsub.s32 $0xDF3759DF, v24;
	v53 =	vmul.f32 v37, v34;
	v21 =	vadd.f32 v21, v48  }
0x3bd: {  	v56 =	vmul.f32 v35, v35;
	v58 =	vmul.f32 $5.000000000e-01, v20;
	v60 =	vshra.s32 v20, $0x1  }
0x3be: {  	v15 =	vadd.f32 v15, v30;
	v30 =	vmul.f32 v44, v63;
	v23 =	vmul.f32 v49, v23  }
0x3bf: {  	v52 =	vmul.f32 v24, v24;
	v34 =	vsub.s32 $0xDF3759DF, v60;
	v57 =	vshra.s32 v21, $0x1  }
0x3c0: {  	v59 =	vmul.f32 v56, v55;
	v45 =	vmul.f32 v34, v34;
	v23 =	vsub.f32 $1.500000000e+00, v23  }
0x3c1: {  	s2 =	sand.u32 $0x70, s19;
	v46 =	vmul.f32 $5.000000000e-01, v21;
	v47 =	vshra.s32 v15, $0x1;
	v50 =	vmul.f32 $5.000000000e-01, v15  }
0x3c2: {  	[tilespmem:s17+$0x80] =	vst.add.f32.msk $0xffff, v39;
	s2 =	sor.u32 s2, s16;
	v30 =	vsub.f32 $1.500000000e+00, v30;
	v48 =	vsub.s32 $0xDF3759DF, v47;
	v19 =	vmul.f32 v19, v23  }
0x3c3: {  	[tilespmem:s2+$0x0] =	vst.add.f32.msk $0xffff, v26;
	v49 =	vsub.f32 $1.500000000e+00, v38;
	v26 =	vmul.f32 v45, v58;
	v51 =	vmul.f32 v48, v48  }
0x3c4: {  	[tilespmem:s2+$0x80] =	vst.add.f32.msk $0xffff, v25;
	s2 =	sor.u32 $0x100, s2;
	v30 =	vmul.f32 v33, v30;
	v16 =	vmul.f32 v19, v16;
	v19 =	vsub.s32 $0xDF3759DF, v57  }
0x3c5: {  	s16 =	sor.u32 $0x180, s15;
	[tilespmem:s2+$0x0] =	vst.add.f32.msk $0xffff, v36;
	v23 =	vmul.f32 v52, v54;
	v61 =	vmul.f32 v19, v19  }
0x3c6: {  	s26 =	sadd.s32 $0x20, s12;
	s4 =	sor.u32 $0x100, s17;
	[tilespmem:s16+$0xA080] =	vst.add.f32.msk $0xffff, v53;
	v27 =	vsub.f32 $1.500000000e+00, v59;
	v52 =	vmul.f32 v32, v49;
	v53 =	vmul.f32 v51, v50  }
0x3c7: {  	s17 =	sor.u32 $0x180, s14;
	s5 =	sadd.s32 $0xFFFFFFF0, s26;
	[tilespmem:s4+$0x0] =	vst.add.f32.msk $0xffff, v28;
	s2 =	sand.u32 $0x70, s26;
	v58 =	vmul.f32 v30, v40;
	v23 =	vsub.f32 $1.500000000e+00, v23;
	v25 =	vmul.f32 v61, v46  }
0x3c8: {  	s18 =	sand.u32 $0x60, s5;
	[tilespmem:s17+$0xA080] =	vst.add.f32.msk $0xffff, v22;
	s2 =	sor.u32 s2, s9;
	v57 =	vmul.f32 v35, v27;
	v59 =	vsub.f32 $1.500000000e+00, v53  }
0x3c9: {  	s4 =	sor.u32 s18, s9;
	v56 =	vmul.f32 v52, v43;
	[tilespmem:s2+$0x80] =	vst.add.f32.msk $0xffff, v58;
	v54 =	vmul.f32 v24, v23;
	v55 =	vsub.f32 $1.500000000e+00, v25  }
0x3ca: {  	s19 =	sand.u32 $0x7, s13;
	s7 =	sadd.s32 $0x1, s7;
	v60 =	vsub.f32 $1.500000000e+00, v26;
	[tilespmem:s4+$0x0] =	vst.add.f32.msk $0xffff, v16;
	v16 =	vmul.f32 v57, v17;
	v61 =	vmul.f32 v48, v59  }
0x3cb: {  	s20 =	sand.u32 $0x3, s10;
	p0 =	sne.s32 s7, $0x20;
	s5 =	sshll.u32 s19, $0x4;
	[tilespmem:s2+$0x0] =	vst.add.f32.msk $0xffff, v56;
	v18 =	vmul.f32 v54, v18;
	v19 =	vmul.f32 v19, v55  }
.Ltmp10:
0x3cc: {  	s5 =	sadd.s32 s5, s11;
	v22 =	vmul.f32 v34, v60;
	s2 =	sor.u32 $0x100, s2;
	[tilespmem:s4+$0x80] =	vst.add.f32.msk $0xffff, v16;
	v15 =	vmul.f32 v61, v15;
	(pc) =	sbr.rel @p0 .LBB2_20-.Ltmp10, $4  }
0x3cd: {  	s21 =	sshll.u32 s20, $0x5;
	s26 =	sor.u32 $0x180, s5;
	[tilespmem:s2+$0x0] =	vst.add.f32.msk $0xffff, v18;
	v62 =	vmul.f32 v19, v21  }
0x3ce: {  	v63 =	vmul.f32 v22, v20;
	s4 =	sor.u32 $0x100, s4;
	s2 =	sadd.s32 s21, s8;
	[tilespmem:s26+$0xA080] =	vst.add.f32.msk $0xffff, v15  }
0x3cf: {  	s2 =	sor.u32 $0x180, s2;
	[tilespmem:s4+$0x0] =	vst.add.f32.msk $0xffff, v62  }
0x3d0: {  	[tilespmem:s2+$0xA080] =	vst.add.f32.msk $0xffff, v63  }
0x3d1: {  	s2 =	rddreg [dreg:$0xb];
	s4 =	simm.s32 $0xA080  }
0x3d2: {  	[hbm4b:s2+s3] =	stream.linear.scatter [tilespmem:s4], [sflag:$0x2], $0xA00, $0x38;
	[tilespmem:$0x1ED00] =	vst v63  }
0x3d3: {  	_ =	swait.ge [sflag:s28], $0xA00  }
0x3d4: {  	[sflag:s28] =	ssyncset.done $0x0  }
0x3d5: {  	[sflag:s28] =	ssyncadd.s32 $0xFFFFF600  }
0x3d6: {  	_ =	swait.ge [sflag:s29], $0xA000  }
0x3d7: {  	[sflag:s29] =	ssyncset.done $0x0  }
0x3d8: {  	s26 =	simm.s32 $0xAB00;
	[sflag:s29] =	ssyncadd.s32 $0xFFFF6000  }
0x3d9: {  	v15 =	vld [tilespmem:s26+$0x0]  }
0x3da: {  	v16 =	vld [tilespmem:s26+$0xFFFFFF80];
	_ =	sdelay $0x2  }
0x3db: {  	s7 =	simm.s32 $0x14AC1  }
0x3dc: {  	[tilespmem:s7+$0x0] =	vst v15  }
0x3dd: {  	[tilespmem:s7+$0xFFFFFFBF] =	vst v16;
	v15 =	vld [tilespmem:s26+$0x10]  }
0x3de: {  	s9 =	simm.s32 $0xAC00;
	v16 =	vld [tilespmem:s26+$0xFFFFFF90]  }
0x3df: {  	v17 =	vld [tilespmem:s9+$0x0]  }
0x3e0: {  	v18 =	vld [tilespmem:s9+$0xFFFFFF80];
	_ =	sdelay $0x1  }
0x3e1: {  	[tilespmem:s7+$0x10] =	vst v15  }
0x3e2: {  	s8 =	simm.s32 $0x14B43;
	[tilespmem:s7+$0xFFFFFFCF] =	vst v16;
	v15 =	vld [tilespmem:s26+$0x20]  }
0x3e3: {  	[tilespmem:s8+$0x0] =	vst v17;
	v16 =	vld [tilespmem:s26+$0xFFFFFFA0]  }
0x3e4: {  	[tilespmem:s8+$0xFFFFFFBF] =	vst v18;
	v17 =	vld [tilespmem:s9+$0x10]  }
0x3e5: {  	s10 =	simm.s32 $0xAD00;
	v18 =	vld [tilespmem:s9+$0xFFFFFF90]  }
0x3e6: {  	v19 =	vld [tilespmem:s10+$0x0]  }
0x3e7: {  	v20 =	vld [tilespmem:s10+$0xFFFFFF80];
	[tilespmem:s7+$0x20] =	vst v15  }
0x3e8: {  	[tilespmem:s7+$0xFFFFFFDF] =	vst v16;
	v21 =	vld [tilespmem:s26+$0x30]  }
0x3e9: {  	[tilespmem:s8+$0x10] =	vst v17;
	v15 =	vld [tilespmem:s26+$0xFFFFFFB0]  }
0x3ea: {  	s11 =	simm.s32 $0x14BC5;
	[tilespmem:s8+$0xFFFFFFCF] =	vst v18;
	v16 =	vld [tilespmem:s9+$0x20]  }
0x3eb: {  	[tilespmem:s11+$0x0] =	vst v19;
	v17 =	vld [tilespmem:s9+$0xFFFFFFA0]  }
0x3ec: {  	[tilespmem:s11+$0xFFFFFFBF] =	vst v20;
	v19 =	vld [tilespmem:s10+$0x10]  }
0x3ed: {  	s12 =	simm.s32 $0x4;
	s13 =	simm.s32 $0xAE00;
	s4 =	simm.s32 $0xAA80;
	v18 =	vld [tilespmem:s10+$0xFFFFFF90];
	[tilespmem:s7+$0x30] =	vst v21  }
.LBB2_24:
0x3ee: {  	v20 =	vld [tilespmem:s13+$0x0];
	s12 =	sadd.s32 $0x2, s12;
	[tilespmem:s7+$0xFFFFFFEF] =	vst v15;
	s7 =	smov.u32 s8;
	s8 =	smov.u32 s11  }
0x3ef: {  	v21 =	vld [tilespmem:s13+$0xFFFFFF80];
	p0 =	slt.u32 s12, $0x13E;
	[tilespmem:s7+$0x20] =	vst v16  }
0x3f0: {  	[tilespmem:s7+$0xFFFFFFDF] =	vst v17;
	v22 =	vld [tilespmem:s9+$0x30]  }
.Ltmp11:
0x3f1: {  	[tilespmem:s11+$0x10] =	vst v19;
	v15 =	vld [tilespmem:s9+$0xFFFFFFB0];
	s9 =	smov.u32 s10;
	s10 =	smov.u32 s13;
	(pc) =	sbr.rel @p0 .LBB2_24-.Ltmp11, $4  }
0x3f2: {  	s11 =	sadd.s32 $0x82, s11;
	[tilespmem:s8+$0xFFFFFFCF] =	vst v18;
	v16 =	vld [tilespmem:s9+$0x20]  }
0x3f3: {  	[tilespmem:s11+$0x0] =	vst v20;
	v17 =	vld [tilespmem:s9+$0xFFFFFFA0]  }
0x3f4: {  	[tilespmem:s11+$0xFFFFFFBF] =	vst v21;
	v19 =	vld [tilespmem:s13+$0x10]  }
0x3f5: {  	s13 =	sadd.s32 $0x100, s13;
	v18 =	vld [tilespmem:s10+$0xFFFFFF90];
	[tilespmem:s7+$0x30] =	vst v22  }
0x3f6: {  	_ =	sdelay $0x2  }
0x3f7: {  	[tilespmem:s11+$0x10] =	vst v19  }
0x3f8: {  	[tilespmem:s11+$0xFFFFFFCF] =	vst v18;
	v18 =	vld [tilespmem:s10+$0x20]  }
0x3f9: {  	v19 =	vld [tilespmem:s10+$0xFFFFFFA0];
	_ =	sdelay $0x1  }
0x3fa: {  	[tilespmem:s8+$0x20] =	vst v16  }
0x3fb: {  	[tilespmem:s8+$0xFFFFFFDF] =	vst v17;
	v16 =	vld [tilespmem:s9+$0x30]  }
0x3fc: {  	v17 =	vld [tilespmem:s9+$0xFFFFFFB0];
	[tilespmem:s11+$0x20] =	vst v18  }
0x3fd: {  	[tilespmem:s11+$0xFFFFFFDF] =	vst v19;
	v18 =	vld [tilespmem:s10+$0x30]  }
0x3fe: {  	v19 =	vld [tilespmem:s10+$0xFFFFFFB0]  }
0x3ff: {  	[tilespmem:s7+$0xFFFFFFEF] =	vst v15  }
0x400: {  	[tilespmem:s8+$0x30] =	vst v16  }
0x401: {  	[tilespmem:s8+$0xFFFFFFEF] =	vst v17  }
0x402: {  	[tilespmem:s11+$0x30] =	vst v18  }
0x403: {  	[tilespmem:s11+$0xFFFFFFEF] =	vst v19  }
0x404: {  	s2 =	rddreg [dreg:$0xc]  }
0x405: {  	[tilespmem:s4], [sflag:$0x1] =	stream.linear.gather [hbm4b:s2+s3], $0xA000, $0x38;
	[tilespmem:$0x1ED00] =	vst v63  }
0x406: {  	_ =	swait.ge [sflag:s29], $0xA000  }
0x407: {  	[sflag:s29] =	ssyncset.done $0x0  }
0x408: {  	s26 =	simm.s32 $0xAB00;
	[sflag:s29] =	ssyncadd.s32 $0xFFFF6000  }
0x409: {  	v15 =	vld [tilespmem:s26+$0x0]  }
0x40a: {  	v16 =	vld [tilespmem:s26+$0xFFFFFF80];
	_ =	sdelay $0x2  }
0x40b: {  	s7 =	simm.s32 $0x19BC0  }
0x40c: {  	[tilespmem:s7+$0x41] =	vst v15  }
0x40d: {  	[tilespmem:s7+$0x0] =	vst v16;
	v15 =	vld [tilespmem:s26+$0x10]  }
0x40e: {  	s9 =	simm.s32 $0xAC00;
	v16 =	vld [tilespmem:s26+$0xFFFFFF90]  }
0x40f: {  	v17 =	vld [tilespmem:s9+$0x0]  }
0x410: {  	v18 =	vld [tilespmem:s9+$0xFFFFFF80];
	_ =	sdelay $0x1  }
0x411: {  	[tilespmem:s7+$0x51] =	vst v15  }
0x412: {  	s8 =	simm.s32 $0x19C42;
	[tilespmem:s7+$0x10] =	vst v16;
	v15 =	vld [tilespmem:s26+$0x20]  }
0x413: {  	[tilespmem:s8+$0x41] =	vst v17;
	v16 =	vld [tilespmem:s26+$0xFFFFFFA0]  }
0x414: {  	[tilespmem:s8+$0x0] =	vst v18;
	v17 =	vld [tilespmem:s9+$0x10]  }
0x415: {  	s10 =	simm.s32 $0xAD00;
	v18 =	vld [tilespmem:s9+$0xFFFFFF90]  }
0x416: {  	v19 =	vld [tilespmem:s10+$0x0]  }
0x417: {  	v20 =	vld [tilespmem:s10+$0xFFFFFF80];
	[tilespmem:s7+$0x61] =	vst v15  }
0x418: {  	[tilespmem:s7+$0x20] =	vst v16;
	v21 =	vld [tilespmem:s26+$0x30]  }
0x419: {  	[tilespmem:s8+$0x51] =	vst v17;
	v15 =	vld [tilespmem:s26+$0xFFFFFFB0]  }
0x41a: {  	s11 =	simm.s32 $0x19CC4;
	[tilespmem:s8+$0x10] =	vst v18;
	v16 =	vld [tilespmem:s9+$0x20]  }
0x41b: {  	[tilespmem:s11+$0x41] =	vst v19;
	v17 =	vld [tilespmem:s9+$0xFFFFFFA0]  }
0x41c: {  	[tilespmem:s11+$0x0] =	vst v20;
	v19 =	vld [tilespmem:s10+$0x10]  }
0x41d: {  	s12 =	simm.s32 $0x4;
	s13 =	simm.s32 $0xAE00;
	v18 =	vld [tilespmem:s10+$0xFFFFFF90];
	[tilespmem:s7+$0x71] =	vst v21  }
.LBB2_26:
0x41e: {  	v20 =	vld [tilespmem:s13+$0x0];
	s12 =	sadd.s32 $0x2, s12;
	[tilespmem:s7+$0x30] =	vst v15;
	s7 =	smov.u32 s8;
	s8 =	smov.u32 s11  }
0x41f: {  	v21 =	vld [tilespmem:s13+$0xFFFFFF80];
	p0 =	slt.u32 s12, $0x13E;
	[tilespmem:s7+$0x61] =	vst v16  }
0x420: {  	[tilespmem:s7+$0x20] =	vst v17;
	v22 =	vld [tilespmem:s9+$0x30]  }
.Ltmp12:
0x421: {  	[tilespmem:s11+$0x51] =	vst v19;
	v15 =	vld [tilespmem:s9+$0xFFFFFFB0];
	s9 =	smov.u32 s10;
	s10 =	smov.u32 s13;
	(pc) =	sbr.rel @p0 .LBB2_26-.Ltmp12, $4  }
0x422: {  	s11 =	sadd.s32 $0x82, s11;
	[tilespmem:s8+$0x10] =	vst v18;
	v16 =	vld [tilespmem:s9+$0x20]  }
0x423: {  	[tilespmem:s11+$0x41] =	vst v20;
	v17 =	vld [tilespmem:s9+$0xFFFFFFA0]  }
0x424: {  	[tilespmem:s11+$0x0] =	vst v21;
	v19 =	vld [tilespmem:s13+$0x10]  }
0x425: {  	s13 =	sadd.s32 $0x100, s13;
	v18 =	vld [tilespmem:s10+$0xFFFFFF90];
	[tilespmem:s7+$0x71] =	vst v22  }
0x426: {  	_ =	sdelay $0x2  }
0x427: {  	[tilespmem:s11+$0x51] =	vst v19  }
0x428: {  	[tilespmem:s11+$0x10] =	vst v18;
	v62 =	vld [tilespmem:s10+$0x20]  }
0x429: {  	v63 =	vld [tilespmem:s10+$0xFFFFFFA0];
	_ =	sdelay $0x1  }
0x42a: {  	[tilespmem:s8+$0x61] =	vst v16  }
0x42b: {  	[tilespmem:s8+$0x20] =	vst v17;
	v16 =	vld [tilespmem:s9+$0x30]  }
0x42c: {  	v17 =	vld [tilespmem:s9+$0xFFFFFFB0];
	[tilespmem:s11+$0x61] =	vst v62  }
0x42d: {  	[tilespmem:s11+$0x20] =	vst v63;
	v18 =	vld [tilespmem:s10+$0x30]  }
0x42e: {  	v19 =	vld [tilespmem:s10+$0xFFFFFFB0]  }
0x42f: {  	[tilespmem:s7+$0x30] =	vst v15  }
0x430: {  	[tilespmem:s8+$0x71] =	vst v16  }
0x431: {  	s2 =	sadd.s32 $0x0, s23;
	[tilespmem:s8+$0x30] =	vst v17  }
0x432: {  	s7 =	simm.s32 $0x0;
	v15 =	vor.u32 s2, v3;
	[tilespmem:s11+$0x71] =	vst v18  }
0x433: {  	s12 =	sand.u32 $0xE00, s7;
	vm0 =	vlt.s32 v15, $0x27F;
	s9 =	simm.s32 $0x10;
	s8 =	simm.s32 $0x8C80;
	[tilespmem:s11+$0x30] =	vst v19  }
0x434: {  	v15 =	vnsel vm0, $0x27F, v15;
	s10 =	simm.s32 $0x0;
	s11 =	sand.u32 $0x70, s7;
	s26 =	rddreg [dreg:$0xd]  }
0x435: {  	v15 =	vmul.u32 $0x41, v15;
	[tilespmem:s4], [sflag:$0x1] =	stream.linear.gather [hbm4b:s26+s7], $0xA000, $0x38;
	[tilespmem:$0x1ED00] =	vst v63  }
.LBB2_28:
0x436: {  	s2 =	sadd.s32 s9, s23  }
0x437: {  	[tilespmem:s8+$0x0] =	vst v15;
	s4 =	sor.u32 s11, s12;
	s5 =	smov.u32 s9;
	p0 =	sne.s32 s9, $0x270  }
.Ltmp13:
0x438: {  	s9 =	sadd.s32 $0x10, s9;
	v15 =	vor.u32 s2, v3;
	[tilespmem:s4+$0xA080] =	vst v14;
	(pc) =	sbr.rel @p0 .LBB2_28-.Ltmp13, $4  }
0x439: {  	vm0 =	vlt.s32 v15, $0x27F;
	[tilespmem:s4+$0xA100] =	vst v14  }
0x43a: {  	v15 =	vnsel vm0, $0x27F, v15;
	[tilespmem:s4+$0xA180] =	vst v14  }
0x43b: {  	s10 =	sadd.s32 $0x40, s10;
	v15 =	vmul.u32 $0x41, v15;
	[tilespmem:s4+$0xA200] =	vst v14  }
0x43c: {  	s8 =	sadd.s32 $0x80, s8;
	s11 =	sand.u32 $0x70, s5;
	s12 =	sand.u32 $0xE00, s10  }
0x43d: {  	[tilespmem:s8+$0x0] =	vst v15;
	s2 =	sor.u32 s11, s12  }
0x43e: {  	[tilespmem:s2+$0xA080] =	vst v14  }
0x43f: {  	[tilespmem:s2+$0xA100] =	vst v14  }
0x440: {  	[tilespmem:s2+$0xA180] =	vst v14  }
0x441: {  	[tilespmem:s2+$0xA200] =	vst v14  }
.LBB2_30:
0x442: {  	s2 =	simm.s32 $0x8D00  }
0x443: {  	v15 =	vld [tilespmem:s2+$0x0];
	_ =	sdelay $0x1  }
0x444: {  	v21 =	vld [tilespmem:s2+$0xFFFFFF80]  }
0x445: {  	s18 =	sshll.u32 s7, $0x7;
	s19 =	simm.s32 $0x8E00  }
0x446: {  	v16 =	vmov s7;
	s2 =	sand.u32 $0x3FFFFF80, s18;
	v41 =	vld [tilespmem:s19+$0x0]  }
0x447: {  	v17 =	vld [tilespmem:s2+$0xC80];
	v25 =	vadd.s32 v16, v15  }
0x448: {  	v18 =	vld [tilespmem:s2+$0x1C80]  }
0x449: {  	v20 =	vadd.s32 $0x20, v16;
	v19 =	vld [tilespmem:s2+$0x2C80];
	v26 =	vadd.s32 v16, v21  }
0x44a: {  	v22 =	vld [tilespmem:s2+$0x3C80];
	v15 =	vadd.s32 v20, v15  }
0x44b: {  	v23 =	vld [tilespmem:s2+$0x4C80];
	v21 =	vadd.s32 v20, v21  }
0x44c: {  	v25 =	vld.idx.msk [tilespmem:v25+s1+$0x0], $0xffff  }
0x44d: {  	v24 =	vld [tilespmem:s2+$0x6C80]  }
0x44e: {  	v27 =	vld.idx.msk [tilespmem:v26+s1+$0x0], $0xffff  }
0x44f: {  	v29 =	vld.idx.msk [tilespmem:v15+s1+$0x0], $0xffff  }
0x450: {  	v28 =	vld.idx.msk [tilespmem:v21+s1+$0x0], $0xffff  }
0x451: {  	v15 =	vld [tilespmem:s2+$0x7C80];
	v26 =	vsub.f32 v17, v25  }
0x452: {  	v30 =	vsub.f32 v23, v25;
	v32 =	vsub.f32 v24, v25  }
0x453: {  	v31 =	vsub.f32 v17, v27;
	v25 =	vsub.f32 v19, v25  }
0x454: {  	v21 =	vld [tilespmem:s2+$0x5C80];
	v33 =	vsub.f32 v22, v29;
	v34 =	vsub.f32 v18, v29  }
0x455: {  	v35 =	vsub.f32 v22, v28;
	v36 =	vsub.f32 v18, v28  }
0x456: {  	v46 =	vadd.s32 v16, v41;
	v37 =	vsub.f32 v19, v27;
	v38 =	vsub.f32 v15, v28  }
0x457: {  	v39 =	vsub.f32 v23, v27;
	v30 =	vmul.f32 v30, v30;
	v33 =	vmul.f32 v33, v33  }
0x458: {  	v51 =	vsub.f32 v24, v27;
	v25 =	vmul.f32 v25, v25;
	v26 =	vmul.f32 v26, v26  }
0x459: {  	v27 =	vsub.f32 v21, v29;
	v34 =	vmul.f32 v34, v34;
	v36 =	vmul.f32 v36, v36  }
0x45a: {  	v28 =	vsub.f32 v21, v28;
	v31 =	vmul.f32 v31, v31;
	v63 =	vmul.f32 v38, v38  }
0x45b: {  	v29 =	vsub.f32 v15, v29;
	v37 =	vmul.f32 v37, v37;
	v27 =	vmul.f32 v27, v27  }
0x45c: {  	v47 =	vadd.s32 v20, v41;
	v53 =	vmul.f32 v39, v39;
	v28 =	vmul.f32 v28, v28  }
0x45d: {  	v32 =	vmul.f32 v32, v32;
	v61 =	vmul.f32 v29, v29;
	v26 =	vadd.f32 v34, v26  }
0x45e: {  	v25 =	vadd.f32 v33, v25;
	v36 =	vadd.f32 v36, v31;
	v31 =	vmul.f32 v35, v35  }
0x45f: {  	v43 =	vadd.f32 v27, v30;
	v34 =	vmul.f32 v51, v51;
	v28 =	vadd.f32 v28, v53  }
0x460: {  	v52 =	vshra.s32 v26, $0x1;
	v40 =	vshra.s32 v36, $0x1;
	v42 =	vadd.f32 v31, v37  }
0x461: {  	v27 =	vshra.s32 v25, $0x1;
	v31 =	vld [tilespmem:s19+$0xFFFFFF80];
	v54 =	vmul.f32 $5.000000000e-01, v36;
	v45 =	vshra.s32 v43, $0x1  }
0x462: {  	v57 =	vmul.f32 $5.000000000e-01, v43;
	v53 =	vmul.f32 $5.000000000e-01, v28;
	v30 =	vsub.s32 $0xDF3759DF, v40  }
0x463: {  	v38 =	vsub.s32 $0xDF3759DF, v52;
	v45 =	vsub.s32 $0xDF3759DF, v45;
	v40 =	vmul.f32 v30, v30  }
0x464: {  	v39 =	vmul.f32 v38, v38;
	v44 =	vshra.s32 v42, $0x1;
	v55 =	vmul.f32 v45, v45  }
0x465: {  	v29 =	vld.idx.msk [tilespmem:v47+s1+$0x0], $0xffff;
	v58 =	vmul.f32 $5.000000000e-01, v42;
	v37 =	vmul.f32 v40, v54;
	v40 =	vsub.s32 $0xDF3759DF, v44  }
0x466: {  	v59 =	vmul.f32 v55, v57;
	v54 =	vmul.f32 $5.000000000e-01, v25;
	v56 =	vadd.s32 v16, v31  }
0x467: {  	v48 =	vadd.s32 v20, v31;
	v31 =	vadd.f32 v63, v34;
	v37 =	vsub.f32 $1.500000000e+00, v37  }
0x468: {  	v27 =	vsub.s32 $0xDF3759DF, v27;
	v49 =	vmul.f32 v40, v40;
	v63 =	vmul.f32 $5.000000000e-01, v26  }
0x469: {  	v34 =	vadd.f32 v61, v32;
	v60 =	vshra.s32 v31, $0x1;
	v30 =	vmul.f32 v30, v37  }
0x46a: {  	v37 =	vmul.f32 v49, v58;
	v41 =	vsub.s32 $0xDF3759DF, v60;
	v58 =	vsub.f32 v22, v29  }
0x46b: {  	v62 =	vmul.f32 v41, v41;
	v33 =	vmul.f32 v30, v36;
	v30 =	vshra.s32 v28, $0x1;
	v36 =	vld.idx.msk [tilespmem:v46+s1+$0x0], $0xffff  }
0x46c: {  	v52 =	vld.idx.msk [tilespmem:v56+s1+$0x0], $0xffff;
	v46 =	vsub.f32 $1.500000000e+00, v59;
	v60 =	vsub.f32 $1.500000000e+00, v37;
	v56 =	vmul.f32 $5.000000000e-01, v34  }
0x46d: {  	v59 =	vmul.f32 v39, v63;
	v58 =	vmul.f32 v58, v58;
	v50 =	vsub.s32 $0xDF3759DF, v30  }
0x46e: {  	v61 =	vshra.s32 v34, $0x1;
	v35 =	vld.idx.msk [tilespmem:v48+s1+$0x0], $0xffff;
	v30 =	vmul.f32 $5.000000000e-01, v31;
	v51 =	vmul.f32 v50, v50  }
0x46f: {  	v37 =	vsub.s32 $0xDF3759DF, v61;
	v40 =	vmul.f32 v40, v60;
	v63 =	vmul.f32 v45, v46  }
0x470: {  	v60 =	vsub.f32 v18, v29;
	v55 =	vmul.f32 v62, v30;
	v62 =	vmul.f32 v37, v37  }
0x471: {  	v53 =	vmul.f32 v51, v53;
	v32 =	vsub.f32 v17, v36;
	v49 =	vsub.f32 v23, v36  }
0x472: {  	v39 =	vmul.f32 v40, v42;
	v30 =	vsub.f32 v24, v36;
	v48 =	vsub.f32 v17, v52  }
0x473: {  	v57 =	vsub.f32 v19, v36;
	v44 =	vmul.f32 v62, v56;
	v56 =	vsub.f32 v22, v35  }
0x474: {  	v36 =	vmul.f32 v63, v43;
	v61 =	vsub.f32 v18, v35;
	v43 =	vmul.f32 v60, v60  }
0x475: {  	v45 =	vsub.f32 v15, v35;
	v60 =	vsub.f32 v23, v52;
	v62 =	vmul.f32 v27, v27  }
0x476: {  	v51 =	vsub.f32 v24, v52;
	v46 =	vmul.f32 v49, v49;
	v57 =	vmul.f32 v57, v57  }
0x477: {  	s20 =	simm.s32 $0x0;
	s8 =	simm.s32 $0x80;
	v49 =	vsub.f32 $1.500000000e+00, v55;
	v55 =	vsub.f32 v19, v52;
	v32 =	vmul.f32 v32, v32  }
0x478: {  	s12 =	simm.s32 $0x10;
	s26 =	simm.s32 $0x0;
	s13 =	simm.s32 $0x2;
	v42 =	vmul.f32 v45, v45;
	v45 =	vmul.f32 v48, v48;
	v48 =	vsub.f32 $1.500000000e+00, v59  }
0x479: {  	s10 =	simm.s32 $0x1;
	s11 =	simm.s32 $0x90;
	s4 =	sand.u32 $0xE00, s20;
	v47 =	vmul.f32 v61, v61;
	v61 =	vsub.f32 $1.500000000e+00, v53;
	v43 =	vadd.f32 v43, v32  }
0x47a: {  	s5 =	sand.u32 $0xE00, s8;
	s18 =	simm.s32 $0x2;
	s21 =	sand.u32 $0x7, s20;
	v62 =	vmul.f32 v62, v54;
	v40 =	vadd.f32 v58, v57;
	v54 =	vmul.f32 v55, v55  }
0x47b: {  	s16 =	sor.u32 $0xA080, s4;
	s9 =	sor.u32 $0xA080, s5;
	s4 =	sshll.u32 s21, $0x4;
	v52 =	vmul.f32 v38, v48;
	v55 =	vmul.f32 v56, v56;
	v63 =	vshra.s32 v43, $0x1  }
0x47c: {  	s5 =	sand.u32 $0x60, s26;
	s21 =	simm.s32 $0x100;
	s2 =	sand.u32 $0x3, s20;
	v48 =	vmul.f32 v60, v60;
	v32 =	vsub.s32 $0xDF3759DF, v63;
	v63 =	vsub.f32 v21, v29  }
0x47d: {  	s15 =	sadd.s32 $0x10, s4;
	s17 =	sor.u32 s5, s16;
	s2 =	sshll.u32 s2, $0x5;
	v53 =	vsub.f32 $1.500000000e+00, v62;
	v50 =	vmul.f32 v50, v61;
	v58 =	vshra.s32 v40, $0x1  }
0x47e: {  	s20 =	simm.s32 $0x8F00;
	s14 =	sadd.s32 $0x0, s2;
	s19 =	simm.s32 $0x10;
	[tilespmem:s17+$0x0] =	vst.add.f32.msk $0xffff, v33;
	v33 =	vsub.s32 $0xDF3759DF, v58;
	v38 =	vmul.f32 v32, v32;
	v56 =	vmul.f32 v63, v63  }
.LBB2_31:
0x47f: {  	s2 =	sand.u32 $0xE00, s21;
	v57 =	vld [tilespmem:s20+$0x0];
	s18 =	sadd.s32 $0x2, s18;
	v58 =	vadd.f32 v47, v45;
	v45 =	vadd.f32 v55, v54;
	v51 =	vmul.f32 v51, v51;
	s12 =	sadd.s32 $0x20, s12  }
0x480: {  	v41 =	vmul.f32 v41, v49;
	s4 =	sand.u32 $0x70, s19;
	s2 =	sor.u32 $0xA080, s2;
	p0 =	slt.u32 s18, $0x26;
	v47 =	vadd.f32 v56, v46;
	v46 =	vmul.f32 v52, v26;
	v26 =	vmovc v43  }
0x481: {  	s5 =	sand.u32 $0x7, s13;
	s19 =	sand.u32 $0x3, s10;
	v53 =	vmul.f32 v27, v53;
	v27 =	vmovc v33;
	s4 =	sor.u32 s4, s16;
	v43 =	vld [tilespmem:s20+$0xFFFFFF80];
	v49 =	vshra.s32 v58, $0x1;
	v52 =	vmul.f32 $5.000000000e-01, v58  }
0x482: {  	s5 =	sshll.u32 s5, $0x4;
	s16 =	sshll.u32 s19, $0x5;
	s19 =	smov.u32 s12;
	v54 =	vshra.s32 v45, $0x1;
	v49 =	vsub.s32 $0xDF3759DF, v49;
	v55 =	vshra.s32 v47, $0x1;
	[tilespmem:s4+$0x0] =	vst.add.f32.msk $0xffff, v46  }
0x483: {  	s5 =	sadd.s32 s5, s11;
	s26 =	sadd.s32 s16, s8;
	v53 =	vmul.f32 v53, v25;
	v25 =	vmovc v40;
	s16 =	smov.u32 s9;
	v46 =	vmul.f32 v49, v49;
	v55 =	vsub.s32 $0xDF3759DF, v55  }
0x484: {  	v44 =	vsub.f32 $1.500000000e+00, v44;
	s9 =	smov.u32 s2;
	s8 =	smov.u32 s21;
	v40 =	vsub.s32 $0xDF3759DF, v54;
	v54 =	vmul.f32 v55, v55  }
0x485: {  	v35 =	vsub.f32 v21, v35;
	v41 =	vmul.f32 v41, v31;
	s2 =	sor.u32 $0x100, s4;
	v46 =	vmul.f32 v46, v52;
	[tilespmem:s4+$0x80] =	vst.add.f32.msk $0xffff, v53  }
0x486: {  	v31 =	vmul.f32 v37, v44;
	v52 =	vadd.s32 v16, v57;
	v53 =	vadd.s32 v20, v57;
	[tilespmem:s2+$0x0] =	vst.add.f32.msk $0xffff, v36  }
0x487: {  	v35 =	vmul.f32 v35, v35;
	v37 =	vmul.f32 v50, v28;
	v36 =	vsub.f32 $1.500000000e+00, v46;
	[tilespmem:s17+$0x80] =	vst.add.f32.msk $0xffff, v39  }
0x488: {  	v34 =	vmul.f32 v31, v34;
	s2 =	sor.u32 $0x100, s17;
	v39 =	vadd.s32 v16, v43;
	v43 =	vadd.s32 v20, v43  }
0x489: {  	v28 =	vadd.f32 v35, v48;
	v35 =	vmul.f32 $5.000000000e-01, v47;
	v36 =	vmul.f32 v49, v36;
	[tilespmem:s2+$0x0] =	vst.add.f32.msk $0xffff, v37;
	s2 =	sor.u32 $0x180, s15;
	s15 =	smov.u32 s5  }
0x48a: {  	v44 =	vmul.f32 v40, v40;
	v31 =	vadd.f32 v42, v51;
	s4 =	sor.u32 $0x180, s14;
	s14 =	smov.u32 s26;
	v37 =	vmul.f32 $5.000000000e-01, v45;
	[tilespmem:s2+$0xA080] =	vst.add.f32.msk $0xffff, v34  }
0x48b: {  	v29 =	vsub.f32 v15, v29;
	v42 =	vld.idx.msk [tilespmem:v52+s1+$0x0], $0xffff;
	v34 =	vmul.f32 v36, v58;
	v36 =	vshra.s32 v28, $0x1  }
0x48c: {  	v46 =	vmul.f32 v54, v35;
	v50 =	vsub.s32 $0xDF3759DF, v36;
	v36 =	vmul.f32 $5.000000000e-01, v31;
	[tilespmem:s4+$0xA080] =	vst.add.f32.msk $0xffff, v41  }
0x48d: {  	s2 =	sadd.s32 $0xFFFFFFF0, s12;
	v37 =	vmul.f32 v44, v37;
	v41 =	vshra.s32 v31, $0x1;
	v48 =	vld.idx.msk [tilespmem:v39+s1+$0x0], $0xffff;
	v39 =	vmul.f32 v50, v50  }
0x48e: {  	v30 =	vmul.f32 v30, v30;
	s2 =	sand.u32 $0x60, s2;
	v41 =	vsub.s32 $0xDF3759DF, v41;
	v35 =	vld.idx.msk [tilespmem:v43+s1+$0x0], $0xffff;
	v43 =	vmul.f32 v29, v29  }
0x48f: {  	v51 =	vmul.f32 $5.000000000e-01, v28;
	v46 =	vsub.f32 $1.500000000e+00, v46;
	s17 =	sor.u32 s2, s16;
	v44 =	vmul.f32 v41, v41;
	v29 =	vld.idx.msk [tilespmem:v53+s1+$0x0], $0xffff  }
0x490: {  	v49 =	vmul.f32 $5.000000000e-01, v26;
	v52 =	vmul.f32 $5.000000000e-01, v25;
	[tilespmem:s17+$0x0] =	vst.add.f32.msk $0xffff, v34;
	v34 =	vadd.f32 v43, v30  }
0x491: {  	v43 =	vsub.f32 v17, v42;
	v53 =	vsub.f32 v23, v42;
	v54 =	vmul.f32 v44, v36  }
0x492: {  	v30 =	vsub.f32 v24, v42;
	v36 =	vsub.f32 $1.500000000e+00, v37;
	v37 =	vshra.s32 v34, $0x1  }
0x493: {  	v56 =	vsub.f32 v17, v48;
	v44 =	vmul.f32 $5.000000000e-01, v34;
	v37 =	vsub.s32 $0xDF3759DF, v37  }
0x494: {  	v42 =	vsub.f32 v19, v42;
	v40 =	vmul.f32 v40, v36;
	v36 =	vmul.f32 v37, v37  }
0x495: {  	v38 =	vmul.f32 v38, v49;
	v49 =	vmul.f32 v55, v46;
	v57 =	vsub.f32 v22, v29  }
0x496: {  	v46 =	vmul.f32 v53, v53;
	v55 =	vsub.f32 v18, v29;
	v44 =	vmul.f32 v36, v44  }
0x497: {  	v53 =	vsub.f32 v22, v35;
	v57 =	vmul.f32 v57, v57;
	v36 =	vmul.f32 v49, v47  }
0x498: {  	v58 =	vmul.f32 v42, v42;
	v47 =	vsub.f32 v18, v35;
	v49 =	vsub.f32 $1.500000000e+00, v54  }
0x499: {  	v42 =	vmul.f32 v43, v43;
	v54 =	vsub.f32 v19, v48;
	v43 =	vmul.f32 v55, v55  }
0x49a: {  	v59 =	vmul.f32 v39, v51;
	v55 =	vsub.f32 v15, v35;
	v47 =	vmul.f32 v47, v47  }
0x49b: {  	v60 =	vsub.f32 v23, v48;
	v39 =	vmul.f32 v40, v45;
	v43 =	vadd.f32 v43, v42  }
0x49c: {  	v33 =	vmul.f32 v33, v27;
	v42 =	vmul.f32 v55, v55;
	v40 =	vadd.f32 v57, v58  }
0x49d: {  	v38 =	vsub.f32 $1.500000000e+00, v38;
	v51 =	vsub.f32 v24, v48;
	v45 =	vmul.f32 v56, v56  }
.Ltmp14:
0x49e: {  	v33 =	vmul.f32 v33, v52;
	v57 =	vsub.f32 $1.500000000e+00, v59;
	v48 =	vshra.s32 v43, $0x1;
	(pc) =	sbr.rel @p0 .LBB2_31-.Ltmp14, $4  }
0x49f: {  	v52 =	vmul.f32 v32, v38;
	v54 =	vmul.f32 v54, v54;
	v32 =	vsub.s32 $0xDF3759DF, v48  }
0x4a0: {  	v56 =	vsub.f32 v21, v29;
	v55 =	vmul.f32 v53, v53;
	v48 =	vmul.f32 v60, v60  }
0x4a1: {  	s13 =	sadd.s32 $0x2, s13;
	s10 =	sadd.s32 $0x1, s10;
	v53 =	vsub.f32 $1.500000000e+00, v33;
	v58 =	vshra.s32 v40, $0x1;
	v38 =	vmul.f32 v32, v32  }
0x4a2: {  	s20 =	sadd.s32 $0x100, s20;
	s21 =	sadd.s32 $0x80, s21;
	s11 =	sadd.s32 $0x80, s11;
	v56 =	vmul.f32 v56, v56;
	v50 =	vmul.f32 v50, v57;
	v33 =	vsub.s32 $0xDF3759DF, v58  }
0x4a3: {  	v16 =	vadd.f32 v47, v45  }
0x4a4: {  	v17 =	vadd.f32 v55, v54;
	v20 =	vmul.f32 v51, v51;
	v22 =	vmul.f32 v41, v49  }
0x4a5: {  	v26 =	vmul.f32 v52, v26;
	v27 =	vmul.f32 v27, v53;
	v44 =	vsub.f32 $1.500000000e+00, v44  }
0x4a6: {  	v21 =	vsub.f32 v21, v35;
	v30 =	vmul.f32 v30, v30;
	v62 =	vmul.f32 $5.000000000e-01, v43  }
0x4a7: {  	v15 =	vsub.f32 v15, v29;
	v63 =	vmul.f32 $5.000000000e-01, v40;
	v28 =	vmul.f32 v50, v28  }
0x4a8: {  	v18 =	vadd.f32 v56, v46;
	v23 =	vmul.f32 $5.000000000e-01, v16;
	v25 =	vmul.f32 v27, v25  }
0x4a9: {  	v19 =	vshra.s32 v16, $0x1;
	v37 =	vmul.f32 v37, v44;
	v21 =	vmul.f32 v21, v21  }
0x4aa: {  	v51 =	vshra.s32 v17, $0x1;
	v22 =	vmul.f32 v22, v31;
	v55 =	vmul.f32 $5.000000000e-01, v17  }
0x4ab: {  	v20 =	vadd.f32 v42, v20;
	v15 =	vmul.f32 v15, v15;
	v44 =	vmul.f32 v33, v33  }
0x4ac: {  	v38 =	vmul.f32 v38, v62;
	v19 =	vsub.s32 $0xDF3759DF, v19;
	v24 =	vshra.s32 v18, $0x1  }
0x4ad: {  	v35 =	vsub.s32 $0xDF3759DF, v51;
	v54 =	vmul.f32 $5.000000000e-01, v18;
	v49 =	vmul.f32 v19, v19  }
0x4ae: {  	v24 =	vsub.s32 $0xDF3759DF, v24;
	v53 =	vmul.f32 v37, v34;
	v21 =	vadd.f32 v21, v48  }
0x4af: {  	v56 =	vmul.f32 v35, v35;
	v58 =	vmul.f32 $5.000000000e-01, v20;
	v60 =	vshra.s32 v20, $0x1  }
0x4b0: {  	v15 =	vadd.f32 v15, v30;
	v30 =	vmul.f32 v44, v63;
	v23 =	vmul.f32 v49, v23  }
0x4b1: {  	v52 =	vmul.f32 v24, v24;
	v34 =	vsub.s32 $0xDF3759DF, v60;
	v57 =	vshra.s32 v21, $0x1  }
0x4b2: {  	v59 =	vmul.f32 v56, v55;
	v45 =	vmul.f32 v34, v34;
	v23 =	vsub.f32 $1.500000000e+00, v23  }
0x4b3: {  	s2 =	sand.u32 $0x70, s19;
	v46 =	vmul.f32 $5.000000000e-01, v21;
	v47 =	vshra.s32 v15, $0x1;
	v50 =	vmul.f32 $5.000000000e-01, v15  }
0x4b4: {  	[tilespmem:s17+$0x80] =	vst.add.f32.msk $0xffff, v39;
	s2 =	sor.u32 s2, s16;
	v30 =	vsub.f32 $1.500000000e+00, v30;
	v48 =	vsub.s32 $0xDF3759DF, v47;
	v19 =	vmul.f32 v19, v23  }
0x4b5: {  	[tilespmem:s2+$0x0] =	vst.add.f32.msk $0xffff, v26;
	v49 =	vsub.f32 $1.500000000e+00, v38;
	v26 =	vmul.f32 v45, v58;
	v51 =	vmul.f32 v48, v48  }
0x4b6: {  	[tilespmem:s2+$0x80] =	vst.add.f32.msk $0xffff, v25;
	s2 =	sor.u32 $0x100, s2;
	v30 =	vmul.f32 v33, v30;
	v16 =	vmul.f32 v19, v16;
	v19 =	vsub.s32 $0xDF3759DF, v57  }
0x4b7: {  	s16 =	sor.u32 $0x180, s15;
	[tilespmem:s2+$0x0] =	vst.add.f32.msk $0xffff, v36;
	v23 =	vmul.f32 v52, v54;
	v61 =	vmul.f32 v19, v19  }
0x4b8: {  	s26 =	sadd.s32 $0x20, s12;
	s4 =	sor.u32 $0x100, s17;
	[tilespmem:s16+$0xA080] =	vst.add.f32.msk $0xffff, v53;
	v27 =	vsub.f32 $1.500000000e+00, v59;
	v52 =	vmul.f32 v32, v49;
	v53 =	vmul.f32 v51, v50  }
0x4b9: {  	s17 =	sor.u32 $0x180, s14;
	s5 =	sadd.s32 $0xFFFFFFF0, s26;
	[tilespmem:s4+$0x0] =	vst.add.f32.msk $0xffff, v28;
	s2 =	sand.u32 $0x70, s26;
	v58 =	vmul.f32 v30, v40;
	v23 =	vsub.f32 $1.500000000e+00, v23;
	v25 =	vmul.f32 v61, v46  }
0x4ba: {  	s18 =	sand.u32 $0x60, s5;
	[tilespmem:s17+$0xA080] =	vst.add.f32.msk $0xffff, v22;
	s2 =	sor.u32 s2, s9;
	v57 =	vmul.f32 v35, v27;
	v59 =	vsub.f32 $1.500000000e+00, v53  }
0x4bb: {  	s4 =	sor.u32 s18, s9;
	v56 =	vmul.f32 v52, v43;
	[tilespmem:s2+$0x80] =	vst.add.f32.msk $0xffff, v58;
	v54 =	vmul.f32 v24, v23;
	v55 =	vsub.f32 $1.500000000e+00, v25  }
0x4bc: {  	s19 =	sand.u32 $0x7, s13;
	s7 =	sadd.s32 $0x1, s7;
	v60 =	vsub.f32 $1.500000000e+00, v26;
	[tilespmem:s4+$0x0] =	vst.add.f32.msk $0xffff, v16;
	v16 =	vmul.f32 v57, v17;
	v61 =	vmul.f32 v48, v59  }
0x4bd: {  	s20 =	sand.u32 $0x3, s10;
	p0 =	sne.s32 s7, $0x20;
	s5 =	sshll.u32 s19, $0x4;
	[tilespmem:s2+$0x0] =	vst.add.f32.msk $0xffff, v56;
	v18 =	vmul.f32 v54, v18;
	v19 =	vmul.f32 v19, v55  }
.Ltmp15:
0x4be: {  	s5 =	sadd.s32 s5, s11;
	v22 =	vmul.f32 v34, v60;
	s2 =	sor.u32 $0x100, s2;
	[tilespmem:s4+$0x80] =	vst.add.f32.msk $0xffff, v16;
	v15 =	vmul.f32 v61, v15;
	(pc) =	sbr.rel @p0 .LBB2_30-.Ltmp15, $4  }
0x4bf: {  	s21 =	sshll.u32 s20, $0x5;
	s26 =	sor.u32 $0x180, s5;
	[tilespmem:s2+$0x0] =	vst.add.f32.msk $0xffff, v18;
	v62 =	vmul.f32 v19, v21  }
0x4c0: {  	v63 =	vmul.f32 v22, v20;
	s4 =	sor.u32 $0x100, s4;
	s2 =	sadd.s32 s21, s8;
	[tilespmem:s26+$0xA080] =	vst.add.f32.msk $0xffff, v15  }
0x4c1: {  	s2 =	sor.u32 $0x180, s2;
	[tilespmem:s4+$0x0] =	vst.add.f32.msk $0xffff, v62  }
0x4c2: {  	[tilespmem:s2+$0xA080] =	vst.add.f32.msk $0xffff, v63  }
0x4c3: {  	s2 =	rddreg [dreg:$0xe];
	s4 =	simm.s32 $0xA080  }
0x4c4: {  	[hbm4b:s2+s3] =	stream.linear.scatter [tilespmem:s4], [sflag:$0x2], $0xA00, $0x38;
	[tilespmem:$0x1ED00] =	vst v63  }
0x4c5: {  	_ =	swait.ge [sflag:s28], $0xA00  }
0x4c6: {  	[sflag:s28] =	ssyncset.done $0x0  }
0x4c7: {  	[sflag:s28] =	ssyncadd.s32 $0xFFFFF600  }
0x4c8: {  	_ =	swait.ge [sflag:s29], $0xA000  }
0x4c9: {  	[sflag:s29] =	ssyncset.done $0x0  }
0x4ca: {  	s26 =	simm.s32 $0xAB00;
	[sflag:s29] =	ssyncadd.s32 $0xFFFF6000  }
0x4cb: {  	v15 =	vld [tilespmem:s26+$0x0]  }
0x4cc: {  	v16 =	vld [tilespmem:s26+$0xFFFFFF80];
	_ =	sdelay $0x2  }
0x4cd: {  	s7 =	simm.s32 $0x14AC1  }
0x4ce: {  	[tilespmem:s7+$0x0] =	vst v15  }
0x4cf: {  	[tilespmem:s7+$0xFFFFFFBF] =	vst v16;
	v15 =	vld [tilespmem:s26+$0x10]  }
0x4d0: {  	s9 =	simm.s32 $0xAC00;
	v16 =	vld [tilespmem:s26+$0xFFFFFF90]  }
0x4d1: {  	v17 =	vld [tilespmem:s9+$0x0]  }
0x4d2: {  	v18 =	vld [tilespmem:s9+$0xFFFFFF80];
	_ =	sdelay $0x1  }
0x4d3: {  	[tilespmem:s7+$0x10] =	vst v15  }
0x4d4: {  	s8 =	simm.s32 $0x14B43;
	[tilespmem:s7+$0xFFFFFFCF] =	vst v16;
	v15 =	vld [tilespmem:s26+$0x20]  }
0x4d5: {  	[tilespmem:s8+$0x0] =	vst v17;
	v16 =	vld [tilespmem:s26+$0xFFFFFFA0]  }
0x4d6: {  	[tilespmem:s8+$0xFFFFFFBF] =	vst v18;
	v17 =	vld [tilespmem:s9+$0x10]  }
0x4d7: {  	s10 =	simm.s32 $0xAD00;
	v18 =	vld [tilespmem:s9+$0xFFFFFF90]  }
0x4d8: {  	v19 =	vld [tilespmem:s10+$0x0]  }
0x4d9: {  	v20 =	vld [tilespmem:s10+$0xFFFFFF80];
	[tilespmem:s7+$0x20] =	vst v15  }
0x4da: {  	[tilespmem:s7+$0xFFFFFFDF] =	vst v16;
	v21 =	vld [tilespmem:s26+$0x30]  }
0x4db: {  	[tilespmem:s8+$0x10] =	vst v17;
	v15 =	vld [tilespmem:s26+$0xFFFFFFB0]  }
0x4dc: {  	s11 =	simm.s32 $0x14BC5;
	[tilespmem:s8+$0xFFFFFFCF] =	vst v18;
	v16 =	vld [tilespmem:s9+$0x20]  }
0x4dd: {  	[tilespmem:s11+$0x0] =	vst v19;
	v17 =	vld [tilespmem:s9+$0xFFFFFFA0]  }
0x4de: {  	[tilespmem:s11+$0xFFFFFFBF] =	vst v20;
	v19 =	vld [tilespmem:s10+$0x10]  }
0x4df: {  	s12 =	simm.s32 $0x4;
	s13 =	simm.s32 $0xAE00;
	s4 =	simm.s32 $0xAA80;
	v18 =	vld [tilespmem:s10+$0xFFFFFF90];
	[tilespmem:s7+$0x30] =	vst v21  }
.LBB2_34:
0x4e0: {  	v20 =	vld [tilespmem:s13+$0x0];
	s12 =	sadd.s32 $0x2, s12;
	[tilespmem:s7+$0xFFFFFFEF] =	vst v15;
	s7 =	smov.u32 s8;
	s8 =	smov.u32 s11  }
0x4e1: {  	v21 =	vld [tilespmem:s13+$0xFFFFFF80];
	p0 =	slt.u32 s12, $0x13E;
	[tilespmem:s7+$0x20] =	vst v16  }
0x4e2: {  	[tilespmem:s7+$0xFFFFFFDF] =	vst v17;
	v22 =	vld [tilespmem:s9+$0x30]  }
.Ltmp16:
0x4e3: {  	[tilespmem:s11+$0x10] =	vst v19;
	v15 =	vld [tilespmem:s9+$0xFFFFFFB0];
	s9 =	smov.u32 s10;
	s10 =	smov.u32 s13;
	(pc) =	sbr.rel @p0 .LBB2_34-.Ltmp16, $4  }
0x4e4: {  	s11 =	sadd.s32 $0x82, s11;
	[tilespmem:s8+$0xFFFFFFCF] =	vst v18;
	v16 =	vld [tilespmem:s9+$0x20]  }
0x4e5: {  	[tilespmem:s11+$0x0] =	vst v20;
	v17 =	vld [tilespmem:s9+$0xFFFFFFA0]  }
0x4e6: {  	[tilespmem:s11+$0xFFFFFFBF] =	vst v21;
	v19 =	vld [tilespmem:s13+$0x10]  }
0x4e7: {  	s13 =	sadd.s32 $0x100, s13;
	v18 =	vld [tilespmem:s10+$0xFFFFFF90];
	[tilespmem:s7+$0x30] =	vst v22  }
0x4e8: {  	_ =	sdelay $0x2  }
0x4e9: {  	[tilespmem:s11+$0x10] =	vst v19  }
0x4ea: {  	[tilespmem:s11+$0xFFFFFFCF] =	vst v18;
	v18 =	vld [tilespmem:s10+$0x20]  }
0x4eb: {  	v19 =	vld [tilespmem:s10+$0xFFFFFFA0];
	_ =	sdelay $0x1  }
0x4ec: {  	[tilespmem:s8+$0x20] =	vst v16  }
0x4ed: {  	[tilespmem:s8+$0xFFFFFFDF] =	vst v17;
	v16 =	vld [tilespmem:s9+$0x30]  }
0x4ee: {  	v17 =	vld [tilespmem:s9+$0xFFFFFFB0];
	[tilespmem:s11+$0x20] =	vst v18  }
0x4ef: {  	[tilespmem:s11+$0xFFFFFFDF] =	vst v19;
	v18 =	vld [tilespmem:s10+$0x30]  }
0x4f0: {  	v19 =	vld [tilespmem:s10+$0xFFFFFFB0]  }
0x4f1: {  	[tilespmem:s7+$0xFFFFFFEF] =	vst v15  }
0x4f2: {  	[tilespmem:s8+$0x30] =	vst v16  }
0x4f3: {  	[tilespmem:s8+$0xFFFFFFEF] =	vst v17  }
0x4f4: {  	[tilespmem:s11+$0x30] =	vst v18  }
0x4f5: {  	[tilespmem:s11+$0xFFFFFFEF] =	vst v19  }
0x4f6: {  	s2 =	rddreg [dreg:$0xf]  }
0x4f7: {  	[tilespmem:s4], [sflag:$0x1] =	stream.linear.gather [hbm4b:s2+s3], $0xA000, $0x38;
	[tilespmem:$0x1ED00] =	vst v63  }
0x4f8: {  	_ =	swait.ge [sflag:s29], $0xA000  }
0x4f9: {  	[sflag:s29] =	ssyncset.done $0x0  }
0x4fa: {  	s26 =	simm.s32 $0xAB00;
	[sflag:s29] =	ssyncadd.s32 $0xFFFF6000  }
0x4fb: {  	v15 =	vld [tilespmem:s26+$0x0]  }
0x4fc: {  	v16 =	vld [tilespmem:s26+$0xFFFFFF80];
	_ =	sdelay $0x2  }
0x4fd: {  	s7 =	simm.s32 $0x19BC0  }
0x4fe: {  	[tilespmem:s7+$0x41] =	vst v15  }
0x4ff: {  	[tilespmem:s7+$0x0] =	vst v16;
	v15 =	vld [tilespmem:s26+$0x10]  }
0x500: {  	s9 =	simm.s32 $0xAC00;
	v16 =	vld [tilespmem:s26+$0xFFFFFF90]  }
0x501: {  	v17 =	vld [tilespmem:s9+$0x0]  }
0x502: {  	v18 =	vld [tilespmem:s9+$0xFFFFFF80];
	_ =	sdelay $0x1  }
0x503: {  	[tilespmem:s7+$0x51] =	vst v15  }
0x504: {  	s8 =	simm.s32 $0x19C42;
	[tilespmem:s7+$0x10] =	vst v16;
	v15 =	vld [tilespmem:s26+$0x20]  }
0x505: {  	[tilespmem:s8+$0x41] =	vst v17;
	v16 =	vld [tilespmem:s26+$0xFFFFFFA0]  }
0x506: {  	[tilespmem:s8+$0x0] =	vst v18;
	v17 =	vld [tilespmem:s9+$0x10]  }
0x507: {  	s10 =	simm.s32 $0xAD00;
	v18 =	vld [tilespmem:s9+$0xFFFFFF90]  }
0x508: {  	v19 =	vld [tilespmem:s10+$0x0]  }
0x509: {  	v20 =	vld [tilespmem:s10+$0xFFFFFF80];
	[tilespmem:s7+$0x61] =	vst v15  }
0x50a: {  	[tilespmem:s7+$0x20] =	vst v16;
	v21 =	vld [tilespmem:s26+$0x30]  }
0x50b: {  	[tilespmem:s8+$0x51] =	vst v17;
	v15 =	vld [tilespmem:s26+$0xFFFFFFB0]  }
0x50c: {  	s11 =	simm.s32 $0x19CC4;
	[tilespmem:s8+$0x10] =	vst v18;
	v16 =	vld [tilespmem:s9+$0x20]  }
0x50d: {  	[tilespmem:s11+$0x41] =	vst v19;
	v17 =	vld [tilespmem:s9+$0xFFFFFFA0]  }
0x50e: {  	[tilespmem:s11+$0x0] =	vst v20;
	v19 =	vld [tilespmem:s10+$0x10]  }
0x50f: {  	s12 =	simm.s32 $0x4;
	s13 =	simm.s32 $0xAE00;
	v18 =	vld [tilespmem:s10+$0xFFFFFF90];
	[tilespmem:s7+$0x71] =	vst v21  }
.LBB2_36:
0x510: {  	v20 =	vld [tilespmem:s13+$0x0];
	s12 =	sadd.s32 $0x2, s12;
	[tilespmem:s7+$0x30] =	vst v15;
	s7 =	smov.u32 s8;
	s8 =	smov.u32 s11  }
0x511: {  	v21 =	vld [tilespmem:s13+$0xFFFFFF80];
	p0 =	slt.u32 s12, $0x13E;
	[tilespmem:s7+$0x61] =	vst v16  }
0x512: {  	[tilespmem:s7+$0x20] =	vst v17;
	v22 =	vld [tilespmem:s9+$0x30]  }
.Ltmp17:
0x513: {  	[tilespmem:s11+$0x51] =	vst v19;
	v15 =	vld [tilespmem:s9+$0xFFFFFFB0];
	s9 =	smov.u32 s10;
	s10 =	smov.u32 s13;
	(pc) =	sbr.rel @p0 .LBB2_36-.Ltmp17, $4  }
0x514: {  	s11 =	sadd.s32 $0x82, s11;
	[tilespmem:s8+$0x10] =	vst v18;
	v16 =	vld [tilespmem:s9+$0x20]  }
0x515: {  	[tilespmem:s11+$0x41] =	vst v20;
	v17 =	vld [tilespmem:s9+$0xFFFFFFA0]  }
0x516: {  	[tilespmem:s11+$0x0] =	vst v21;
	v19 =	vld [tilespmem:s13+$0x10]  }
0x517: {  	s13 =	sadd.s32 $0x100, s13;
	v18 =	vld [tilespmem:s10+$0xFFFFFF90];
	[tilespmem:s7+$0x71] =	vst v22  }
0x518: {  	_ =	sdelay $0x2  }
0x519: {  	[tilespmem:s11+$0x51] =	vst v19  }
0x51a: {  	[tilespmem:s11+$0x10] =	vst v18;
	v62 =	vld [tilespmem:s10+$0x20]  }
0x51b: {  	v63 =	vld [tilespmem:s10+$0xFFFFFFA0];
	_ =	sdelay $0x1  }
0x51c: {  	[tilespmem:s8+$0x61] =	vst v16  }
0x51d: {  	[tilespmem:s8+$0x20] =	vst v17;
	v16 =	vld [tilespmem:s9+$0x30]  }
0x51e: {  	v17 =	vld [tilespmem:s9+$0xFFFFFFB0];
	[tilespmem:s11+$0x61] =	vst v62  }
0x51f: {  	[tilespmem:s11+$0x20] =	vst v63;
	v18 =	vld [tilespmem:s10+$0x30]  }
0x520: {  	v19 =	vld [tilespmem:s10+$0xFFFFFFB0]  }
0x521: {  	[tilespmem:s7+$0x30] =	vst v15  }
0x522: {  	[tilespmem:s8+$0x71] =	vst v16  }
0x523: {  	s2 =	sadd.s32 $0x0, s24;
	[tilespmem:s8+$0x30] =	vst v17  }
0x524: {  	s7 =	simm.s32 $0x0;
	v15 =	vor.u32 s2, v3;
	[tilespmem:s11+$0x71] =	vst v18  }
0x525: {  	s12 =	sand.u32 $0xE00, s7;
	vm0 =	vlt.s32 v15, $0x27F;
	s9 =	simm.s32 $0x10;
	s8 =	simm.s32 $0x8C80;
	[tilespmem:s11+$0x30] =	vst v19  }
0x526: {  	v15 =	vnsel vm0, $0x27F, v15;
	s10 =	simm.s32 $0x0;
	s11 =	sand.u32 $0x70, s7;
	s26 =	rddreg [dreg:$0x10]  }
0x527: {  	v15 =	vmul.u32 $0x41, v15;
	[tilespmem:s4], [sflag:$0x1] =	stream.linear.gather [hbm4b:s26+s7], $0xA000, $0x38;
	[tilespmem:$0x1ED00] =	vst v63  }
.LBB2_38:
0x528: {  	s2 =	sadd.s32 s9, s24  }
0x529: {  	[tilespmem:s8+$0x0] =	vst v15;
	s4 =	sor.u32 s11, s12;
	s5 =	smov.u32 s9;
	p0 =	sne.s32 s9, $0x270  }
.Ltmp18:
0x52a: {  	s9 =	sadd.s32 $0x10, s9;
	v15 =	vor.u32 s2, v3;
	[tilespmem:s4+$0xA080] =	vst v14;
	(pc) =	sbr.rel @p0 .LBB2_38-.Ltmp18, $4  }
0x52b: {  	vm0 =	vlt.s32 v15, $0x27F;
	[tilespmem:s4+$0xA100] =	vst v14  }
0x52c: {  	v15 =	vnsel vm0, $0x27F, v15;
	[tilespmem:s4+$0xA180] =	vst v14  }
0x52d: {  	s10 =	sadd.s32 $0x40, s10;
	v15 =	vmul.u32 $0x41, v15;
	[tilespmem:s4+$0xA200] =	vst v14  }
0x52e: {  	s8 =	sadd.s32 $0x80, s8;
	s11 =	sand.u32 $0x70, s5;
	s12 =	sand.u32 $0xE00, s10  }
0x52f: {  	[tilespmem:s8+$0x0] =	vst v15;
	s2 =	sor.u32 s11, s12  }
0x530: {  	[tilespmem:s2+$0xA080] =	vst v14  }
0x531: {  	[tilespmem:s2+$0xA100] =	vst v14  }
0x532: {  	[tilespmem:s2+$0xA180] =	vst v14  }
0x533: {  	[tilespmem:s2+$0xA200] =	vst v14  }
.LBB2_40:
0x534: {  	s2 =	simm.s32 $0x8D00  }
0x535: {  	v15 =	vld [tilespmem:s2+$0x0];
	_ =	sdelay $0x1  }
0x536: {  	v21 =	vld [tilespmem:s2+$0xFFFFFF80]  }
0x537: {  	s18 =	sshll.u32 s7, $0x7;
	s19 =	simm.s32 $0x8E00  }
0x538: {  	v16 =	vmov s7;
	s2 =	sand.u32 $0x3FFFFF80, s18;
	v41 =	vld [tilespmem:s19+$0x0]  }
0x539: {  	v17 =	vld [tilespmem:s2+$0xC80];
	v25 =	vadd.s32 v16, v15  }
0x53a: {  	v18 =	vld [tilespmem:s2+$0x1C80]  }
0x53b: {  	v20 =	vadd.s32 $0x20, v16;
	v19 =	vld [tilespmem:s2+$0x2C80];
	v26 =	vadd.s32 v16, v21  }
0x53c: {  	v22 =	vld [tilespmem:s2+$0x3C80];
	v15 =	vadd.s32 v20, v15  }
0x53d: {  	v23 =	vld [tilespmem:s2+$0x4C80];
	v21 =	vadd.s32 v20, v21  }
0x53e: {  	v25 =	vld.idx.msk [tilespmem:v25+s1+$0x0], $0xffff  }
0x53f: {  	v24 =	vld [tilespmem:s2+$0x6C80]  }
0x540: {  	v27 =	vld.idx.msk [tilespmem:v26+s1+$0x0], $0xffff  }
0x541: {  	v29 =	vld.idx.msk [tilespmem:v15+s1+$0x0], $0xffff  }
0x542: {  	v28 =	vld.idx.msk [tilespmem:v21+s1+$0x0], $0xffff  }
0x543: {  	v15 =	vld [tilespmem:s2+$0x7C80];
	v26 =	vsub.f32 v17, v25  }
0x544: {  	v30 =	vsub.f32 v23, v25;
	v32 =	vsub.f32 v24, v25  }
0x545: {  	v31 =	vsub.f32 v17, v27;
	v25 =	vsub.f32 v19, v25  }
0x546: {  	v21 =	vld [tilespmem:s2+$0x5C80];
	v33 =	vsub.f32 v22, v29;
	v34 =	vsub.f32 v18, v29  }
0x547: {  	v35 =	vsub.f32 v22, v28;
	v36 =	vsub.f32 v18, v28  }
0x548: {  	v46 =	vadd.s32 v16, v41;
	v37 =	vsub.f32 v19, v27;
	v38 =	vsub.f32 v15, v28  }
0x549: {  	v39 =	vsub.f32 v23, v27;
	v30 =	vmul.f32 v30, v30;
	v33 =	vmul.f32 v33, v33  }
0x54a: {  	v51 =	vsub.f32 v24, v27;
	v25 =	vmul.f32 v25, v25;
	v26 =	vmul.f32 v26, v26  }
0x54b: {  	v27 =	vsub.f32 v21, v29;
	v34 =	vmul.f32 v34, v34;
	v36 =	vmul.f32 v36, v36  }
0x54c: {  	v28 =	vsub.f32 v21, v28;
	v31 =	vmul.f32 v31, v31;
	v63 =	vmul.f32 v38, v38  }
0x54d: {  	v29 =	vsub.f32 v15, v29;
	v37 =	vmul.f32 v37, v37;
	v27 =	vmul.f32 v27, v27  }
0x54e: {  	v47 =	vadd.s32 v20, v41;
	v53 =	vmul.f32 v39, v39;
	v28 =	vmul.f32 v28, v28  }
0x54f: {  	v32 =	vmul.f32 v32, v32;
	v61 =	vmul.f32 v29, v29;
	v26 =	vadd.f32 v34, v26  }
0x550: {  	v25 =	vadd.f32 v33, v25;
	v36 =	vadd.f32 v36, v31;
	v31 =	vmul.f32 v35, v35  }
0x551: {  	v43 =	vadd.f32 v27, v30;
	v34 =	vmul.f32 v51, v51;
	v28 =	vadd.f32 v28, v53  }
0x552: {  	v52 =	vshra.s32 v26, $0x1;
	v40 =	vshra.s32 v36, $0x1;
	v42 =	vadd.f32 v31, v37  }
0x553: {  	v27 =	vshra.s32 v25, $0x1;
	v31 =	vld [tilespmem:s19+$0xFFFFFF80];
	v54 =	vmul.f32 $5.000000000e-01, v36;
	v45 =	vshra.s32 v43, $0x1  }
0x554: {  	v57 =	vmul.f32 $5.000000000e-01, v43;
	v53 =	vmul.f32 $5.000000000e-01, v28;
	v30 =	vsub.s32 $0xDF3759DF, v40  }
0x555: {  	v38 =	vsub.s32 $0xDF3759DF, v52;
	v45 =	vsub.s32 $0xDF3759DF, v45;
	v40 =	vmul.f32 v30, v30  }
0x556: {  	v39 =	vmul.f32 v38, v38;
	v44 =	vshra.s32 v42, $0x1;
	v55 =	vmul.f32 v45, v45  }
0x557: {  	v29 =	vld.idx.msk [tilespmem:v47+s1+$0x0], $0xffff;
	v58 =	vmul.f32 $5.000000000e-01, v42;
	v37 =	vmul.f32 v40, v54;
	v40 =	vsub.s32 $0xDF3759DF, v44  }
0x558: {  	v59 =	vmul.f32 v55, v57;
	v54 =	vmul.f32 $5.000000000e-01, v25;
	v56 =	vadd.s32 v16, v31  }
0x559: {  	v48 =	vadd.s32 v20, v31;
	v31 =	vadd.f32 v63, v34;
	v37 =	vsub.f32 $1.500000000e+00, v37  }
0x55a: {  	v27 =	vsub.s32 $0xDF3759DF, v27;
	v49 =	vmul.f32 v40, v40;
	v63 =	vmul.f32 $5.000000000e-01, v26  }
0x55b: {  	v34 =	vadd.f32 v61, v32;
	v60 =	vshra.s32 v31, $0x1;
	v30 =	vmul.f32 v30, v37  }
0x55c: {  	v37 =	vmul.f32 v49, v58;
	v41 =	vsub.s32 $0xDF3759DF, v60;
	v58 =	vsub.f32 v22, v29  }
0x55d: {  	v62 =	vmul.f32 v41, v41;
	v33 =	vmul.f32 v30, v36;
	v30 =	vshra.s32 v28, $0x1;
	v36 =	vld.idx.msk [tilespmem:v46+s1+$0x0], $0xffff  }
0x55e: {  	v52 =	vld.idx.msk [tilespmem:v56+s1+$0x0], $0xffff;
	v46 =	vsub.f32 $1.500000000e+00, v59;
	v60 =	vsub.f32 $1.500000000e+00, v37;
	v56 =	vmul.f32 $5.000000000e-01, v34  }
0x55f: {  	v59 =	vmul.f32 v39, v63;
	v58 =	vmul.f32 v58, v58;
	v50 =	vsub.s32 $0xDF3759DF, v30  }
0x560: {  	v61 =	vshra.s32 v34, $0x1;
	v35 =	vld.idx.msk [tilespmem:v48+s1+$0x0], $0xffff;
	v30 =	vmul.f32 $5.000000000e-01, v31;
	v51 =	vmul.f32 v50, v50  }
0x561: {  	v37 =	vsub.s32 $0xDF3759DF, v61;
	v40 =	vmul.f32 v40, v60;
	v63 =	vmul.f32 v45, v46  }
0x562: {  	v60 =	vsub.f32 v18, v29;
	v55 =	vmul.f32 v62, v30;
	v62 =	vmul.f32 v37, v37  }
0x563: {  	v53 =	vmul.f32 v51, v53;
	v32 =	vsub.f32 v17, v36;
	v49 =	vsub.f32 v23, v36  }
0x564: {  	v39 =	vmul.f32 v40, v42;
	v30 =	vsub.f32 v24, v36;
	v48 =	vsub.f32 v17, v52  }
0x565: {  	v57 =	vsub.f32 v19, v36;
	v44 =	vmul.f32 v62, v56;
	v56 =	vsub.f32 v22, v35  }
0x566: {  	v36 =	vmul.f32 v63, v43;
	v61 =	vsub.f32 v18, v35;
	v43 =	vmul.f32 v60, v60  }
0x567: {  	v45 =	vsub.f32 v15, v35;
	v60 =	vsub.f32 v23, v52;
	v62 =	vmul.f32 v27, v27  }
0x568: {  	v51 =	vsub.f32 v24, v52;
	v46 =	vmul.f32 v49, v49;
	v57 =	vmul.f32 v57, v57  }
0x569: {  	s20 =	simm.s32 $0x0;
	s8 =	simm.s32 $0x80;
	v49 =	vsub.f32 $1.500000000e+00, v55;
	v55 =	vsub.f32 v19, v52;
	v32 =	vmul.f32 v32, v32  }
0x56a: {  	s12 =	simm.s32 $0x10;
	s26 =	simm.s32 $0x0;
	s13 =	simm.s32 $0x2;
	v42 =	vmul.f32 v45, v45;
	v45 =	vmul.f32 v48, v48;
	v48 =	vsub.f32 $1.500000000e+00, v59  }
0x56b: {  	s10 =	simm.s32 $0x1;
	s11 =	simm.s32 $0x90;
	s4 =	sand.u32 $0xE00, s20;
	v47 =	vmul.f32 v61, v61;
	v61 =	vsub.f32 $1.500000000e+00, v53;
	v43 =	vadd.f32 v43, v32  }
0x56c: {  	s5 =	sand.u32 $0xE00, s8;
	s18 =	simm.s32 $0x2;
	s21 =	sand.u32 $0x7, s20;
	v62 =	vmul.f32 v62, v54;
	v40 =	vadd.f32 v58, v57;
	v54 =	vmul.f32 v55, v55  }
0x56d: {  	s16 =	sor.u32 $0xA080, s4;
	s9 =	sor.u32 $0xA080, s5;
	s4 =	sshll.u32 s21, $0x4;
	v52 =	vmul.f32 v38, v48;
	v55 =	vmul.f32 v56, v56;
	v63 =	vshra.s32 v43, $0x1  }
0x56e: {  	s5 =	sand.u32 $0x60, s26;
	s21 =	simm.s32 $0x100;
	s2 =	sand.u32 $0x3, s20;
	v48 =	vmul.f32 v60, v60;
	v32 =	vsub.s32 $0xDF3759DF, v63;
	v63 =	vsub.f32 v21, v29  }
0x56f: {  	s15 =	sadd.s32 $0x10, s4;
	s17 =	sor.u32 s5, s16;
	s2 =	sshll.u32 s2, $0x5;
	v53 =	vsub.f32 $1.500000000e+00, v62;
	v50 =	vmul.f32 v50, v61;
	v58 =	vshra.s32 v40, $0x1  }
0x570: {  	s20 =	simm.s32 $0x8F00;
	s14 =	sadd.s32 $0x0, s2;
	s19 =	simm.s32 $0x10;
	[tilespmem:s17+$0x0] =	vst.add.f32.msk $0xffff, v33;
	v33 =	vsub.s32 $0xDF3759DF, v58;
	v38 =	vmul.f32 v32, v32;
	v56 =	vmul.f32 v63, v63  }
.LBB2_41:
0x571: {  	s2 =	sand.u32 $0xE00, s21;
	v57 =	vld [tilespmem:s20+$0x0];
	s18 =	sadd.s32 $0x2, s18;
	v58 =	vadd.f32 v47, v45;
	v45 =	vadd.f32 v55, v54;
	v51 =	vmul.f32 v51, v51;
	s12 =	sadd.s32 $0x20, s12  }
0x572: {  	v41 =	vmul.f32 v41, v49;
	s4 =	sand.u32 $0x70, s19;
	s2 =	sor.u32 $0xA080, s2;
	p0 =	slt.u32 s18, $0x26;
	v47 =	vadd.f32 v56, v46;
	v46 =	vmul.f32 v52, v26;
	v26 =	vmovc v43  }
0x573: {  	s5 =	sand.u32 $0x7, s13;
	s19 =	sand.u32 $0x3, s10;
	v53 =	vmul.f32 v27, v53;
	v27 =	vmovc v33;
	s4 =	sor.u32 s4, s16;
	v43 =	vld [tilespmem:s20+$0xFFFFFF80];
	v49 =	vshra.s32 v58, $0x1;
	v52 =	vmul.f32 $5.000000000e-01, v58  }
0x574: {  	s5 =	sshll.u32 s5, $0x4;
	s16 =	sshll.u32 s19, $0x5;
	s19 =	smov.u32 s12;
	v54 =	vshra.s32 v45, $0x1;
	v49 =	vsub.s32 $0xDF3759DF, v49;
	v55 =	vshra.s32 v47, $0x1;
	[tilespmem:s4+$0x0] =	vst.add.f32.msk $0xffff, v46  }
0x575: {  	s5 =	sadd.s32 s5, s11;
	s26 =	sadd.s32 s16, s8;
	v53 =	vmul.f32 v53, v25;
	v25 =	vmovc v40;
	s16 =	smov.u32 s9;
	v46 =	vmul.f32 v49, v49;
	v55 =	vsub.s32 $0xDF3759DF, v55  }
0x576: {  	v44 =	vsub.f32 $1.500000000e+00, v44;
	s9 =	smov.u32 s2;
	s8 =	smov.u32 s21;
	v40 =	vsub.s32 $0xDF3759DF, v54;
	v54 =	vmul.f32 v55, v55  }
0x577: {  	v35 =	vsub.f32 v21, v35;
	v41 =	vmul.f32 v41, v31;
	s2 =	sor.u32 $0x100, s4;
	v46 =	vmul.f32 v46, v52;
	[tilespmem:s4+$0x80] =	vst.add.f32.msk $0xffff, v53  }
0x578: {  	v31 =	vmul.f32 v37, v44;
	v52 =	vadd.s32 v16, v57;
	v53 =	vadd.s32 v20, v57;
	[tilespmem:s2+$0x0] =	vst.add.f32.msk $0xffff, v36  }
0x579: {  	v35 =	vmul.f32 v35, v35;
	v37 =	vmul.f32 v50, v28;
	v36 =	vsub.f32 $1.500000000e+00, v46;
	[tilespmem:s17+$0x80] =	vst.add.f32.msk $0xffff, v39  }
0x57a: {  	v34 =	vmul.f32 v31, v34;
	s2 =	sor.u32 $0x100, s17;
	v39 =	vadd.s32 v16, v43;
	v43 =	vadd.s32 v20, v43  }
0x57b: {  	v28 =	vadd.f32 v35, v48;
	v35 =	vmul.f32 $5.000000000e-01, v47;
	v36 =	vmul.f32 v49, v36;
	[tilespmem:s2+$0x0] =	vst.add.f32.msk $0xffff, v37;
	s2 =	sor.u32 $0x180, s15;
	s15 =	smov.u32 s5  }
0x57c: {  	v44 =	vmul.f32 v40, v40;
	v31 =	vadd.f32 v42, v51;
	s4 =	sor.u32 $0x180, s14;
	s14 =	smov.u32 s26;
	v37 =	vmul.f32 $5.000000000e-01, v45;
	[tilespmem:s2+$0xA080] =	vst.add.f32.msk $0xffff, v34  }
0x57d: {  	v29 =	vsub.f32 v15, v29;
	v42 =	vld.idx.msk [tilespmem:v52+s1+$0x0], $0xffff;
	v34 =	vmul.f32 v36, v58;
	v36 =	vshra.s32 v28, $0x1  }
0x57e: {  	v46 =	vmul.f32 v54, v35;
	v50 =	vsub.s32 $0xDF3759DF, v36;
	v36 =	vmul.f32 $5.000000000e-01, v31;
	[tilespmem:s4+$0xA080] =	vst.add.f32.msk $0xffff, v41  }
0x57f: {  	s2 =	sadd.s32 $0xFFFFFFF0, s12;
	v37 =	vmul.f32 v44, v37;
	v41 =	vshra.s32 v31, $0x1;
	v48 =	vld.idx.msk [tilespmem:v39+s1+$0x0], $0xffff;
	v39 =	vmul.f32 v50, v50  }
0x580: {  	v30 =	vmul.f32 v30, v30;
	s2 =	sand.u32 $0x60, s2;
	v41 =	vsub.s32 $0xDF3759DF, v41;
	v35 =	vld.idx.msk [tilespmem:v43+s1+$0x0], $0xffff;
	v43 =	vmul.f32 v29, v29  }
0x581: {  	v51 =	vmul.f32 $5.000000000e-01, v28;
	v46 =	vsub.f32 $1.500000000e+00, v46;
	s17 =	sor.u32 s2, s16;
	v44 =	vmul.f32 v41, v41;
	v29 =	vld.idx.msk [tilespmem:v53+s1+$0x0], $0xffff  }
0x582: {  	v49 =	vmul.f32 $5.000000000e-01, v26;
	v52 =	vmul.f32 $5.000000000e-01, v25;
	[tilespmem:s17+$0x0] =	vst.add.f32.msk $0xffff, v34;
	v34 =	vadd.f32 v43, v30  }
0x583: {  	v43 =	vsub.f32 v17, v42;
	v53 =	vsub.f32 v23, v42;
	v54 =	vmul.f32 v44, v36  }
0x584: {  	v30 =	vsub.f32 v24, v42;
	v36 =	vsub.f32 $1.500000000e+00, v37;
	v37 =	vshra.s32 v34, $0x1  }
0x585: {  	v56 =	vsub.f32 v17, v48;
	v44 =	vmul.f32 $5.000000000e-01, v34;
	v37 =	vsub.s32 $0xDF3759DF, v37  }
0x586: {  	v42 =	vsub.f32 v19, v42;
	v40 =	vmul.f32 v40, v36;
	v36 =	vmul.f32 v37, v37  }
0x587: {  	v38 =	vmul.f32 v38, v49;
	v49 =	vmul.f32 v55, v46;
	v57 =	vsub.f32 v22, v29  }
0x588: {  	v46 =	vmul.f32 v53, v53;
	v55 =	vsub.f32 v18, v29;
	v44 =	vmul.f32 v36, v44  }
0x589: {  	v53 =	vsub.f32 v22, v35;
	v57 =	vmul.f32 v57, v57;
	v36 =	vmul.f32 v49, v47  }
0x58a: {  	v58 =	vmul.f32 v42, v42;
	v47 =	vsub.f32 v18, v35;
	v49 =	vsub.f32 $1.500000000e+00, v54  }
0x58b: {  	v42 =	vmul.f32 v43, v43;
	v54 =	vsub.f32 v19, v48;
	v43 =	vmul.f32 v55, v55  }
0x58c: {  	v59 =	vmul.f32 v39, v51;
	v55 =	vsub.f32 v15, v35;
	v47 =	vmul.f32 v47, v47  }
0x58d: {  	v60 =	vsub.f32 v23, v48;
	v39 =	vmul.f32 v40, v45;
	v43 =	vadd.f32 v43, v42  }
0x58e: {  	v33 =	vmul.f32 v33, v27;
	v42 =	vmul.f32 v55, v55;
	v40 =	vadd.f32 v57, v58  }
0x58f: {  	v38 =	vsub.f32 $1.500000000e+00, v38;
	v51 =	vsub.f32 v24, v48;
	v45 =	vmul.f32 v56, v56  }
.Ltmp19:
0x590: {  	v33 =	vmul.f32 v33, v52;
	v57 =	vsub.f32 $1.500000000e+00, v59;
	v48 =	vshra.s32 v43, $0x1;
	(pc) =	sbr.rel @p0 .LBB2_41-.Ltmp19, $4  }
0x591: {  	v52 =	vmul.f32 v32, v38;
	v54 =	vmul.f32 v54, v54;
	v32 =	vsub.s32 $0xDF3759DF, v48  }
0x592: {  	v56 =	vsub.f32 v21, v29;
	v55 =	vmul.f32 v53, v53;
	v48 =	vmul.f32 v60, v60  }
0x593: {  	s13 =	sadd.s32 $0x2, s13;
	s10 =	sadd.s32 $0x1, s10;
	v53 =	vsub.f32 $1.500000000e+00, v33;
	v58 =	vshra.s32 v40, $0x1;
	v38 =	vmul.f32 v32, v32  }
0x594: {  	s20 =	sadd.s32 $0x100, s20;
	s21 =	sadd.s32 $0x80, s21;
	s11 =	sadd.s32 $0x80, s11;
	v56 =	vmul.f32 v56, v56;
	v50 =	vmul.f32 v50, v57;
	v33 =	vsub.s32 $0xDF3759DF, v58  }
0x595: {  	v16 =	vadd.f32 v47, v45  }
0x596: {  	v17 =	vadd.f32 v55, v54;
	v20 =	vmul.f32 v51, v51;
	v22 =	vmul.f32 v41, v49  }
0x597: {  	v26 =	vmul.f32 v52, v26;
	v27 =	vmul.f32 v27, v53;
	v44 =	vsub.f32 $1.500000000e+00, v44  }
0x598: {  	v21 =	vsub.f32 v21, v35;
	v30 =	vmul.f32 v30, v30;
	v62 =	vmul.f32 $5.000000000e-01, v43  }
0x599: {  	v15 =	vsub.f32 v15, v29;
	v63 =	vmul.f32 $5.000000000e-01, v40;
	v28 =	vmul.f32 v50, v28  }
0x59a: {  	v18 =	vadd.f32 v56, v46;
	v23 =	vmul.f32 $5.000000000e-01, v16;
	v25 =	vmul.f32 v27, v25  }
0x59b: {  	v19 =	vshra.s32 v16, $0x1;
	v37 =	vmul.f32 v37, v44;
	v21 =	vmul.f32 v21, v21  }
0x59c: {  	v51 =	vshra.s32 v17, $0x1;
	v22 =	vmul.f32 v22, v31;
	v55 =	vmul.f32 $5.000000000e-01, v17  }
0x59d: {  	v20 =	vadd.f32 v42, v20;
	v15 =	vmul.f32 v15, v15;
	v44 =	vmul.f32 v33, v33  }
0x59e: {  	v38 =	vmul.f32 v38, v62;
	v19 =	vsub.s32 $0xDF3759DF, v19;
	v24 =	vshra.s32 v18, $0x1  }
0x59f: {  	v35 =	vsub.s32 $0xDF3759DF, v51;
	v54 =	vmul.f32 $5.000000000e-01, v18;
	v49 =	vmul.f32 v19, v19  }
0x5a0: {  	v24 =	vsub.s32 $0xDF3759DF, v24;
	v53 =	vmul.f32 v37, v34;
	v21 =	vadd.f32 v21, v48  }
0x5a1: {  	v56 =	vmul.f32 v35, v35;
	v58 =	vmul.f32 $5.000000000e-01, v20;
	v60 =	vshra.s32 v20, $0x1  }
0x5a2: {  	v15 =	vadd.f32 v15, v30;
	v30 =	vmul.f32 v44, v63;
	v23 =	vmul.f32 v49, v23  }
0x5a3: {  	v52 =	vmul.f32 v24, v24;
	v34 =	vsub.s32 $0xDF3759DF, v60;
	v57 =	vshra.s32 v21, $0x1  }
0x5a4: {  	v59 =	vmul.f32 v56, v55;
	v45 =	vmul.f32 v34, v34;
	v23 =	vsub.f32 $1.500000000e+00, v23  }
0x5a5: {  	s2 =	sand.u32 $0x70, s19;
	v46 =	vmul.f32 $5.000000000e-01, v21;
	v47 =	vshra.s32 v15, $0x1;
	v50 =	vmul.f32 $5.000000000e-01, v15  }
0x5a6: {  	[tilespmem:s17+$0x80] =	vst.add.f32.msk $0xffff, v39;
	s2 =	sor.u32 s2, s16;
	v30 =	vsub.f32 $1.500000000e+00, v30;
	v48 =	vsub.s32 $0xDF3759DF, v47;
	v19 =	vmul.f32 v19, v23  }
0x5a7: {  	[tilespmem:s2+$0x0] =	vst.add.f32.msk $0xffff, v26;
	v49 =	vsub.f32 $1.500000000e+00, v38;
	v26 =	vmul.f32 v45, v58;
	v51 =	vmul.f32 v48, v48  }
0x5a8: {  	[tilespmem:s2+$0x80] =	vst.add.f32.msk $0xffff, v25;
	s2 =	sor.u32 $0x100, s2;
	v30 =	vmul.f32 v33, v30;
	v16 =	vmul.f32 v19, v16;
	v19 =	vsub.s32 $0xDF3759DF, v57  }
0x5a9: {  	s16 =	sor.u32 $0x180, s15;
	[tilespmem:s2+$0x0] =	vst.add.f32.msk $0xffff, v36;
	v23 =	vmul.f32 v52, v54;
	v61 =	vmul.f32 v19, v19  }
0x5aa: {  	s26 =	sadd.s32 $0x20, s12;
	s4 =	sor.u32 $0x100, s17;
	[tilespmem:s16+$0xA080] =	vst.add.f32.msk $0xffff, v53;
	v27 =	vsub.f32 $1.500000000e+00, v59;
	v52 =	vmul.f32 v32, v49;
	v53 =	vmul.f32 v51, v50  }
0x5ab: {  	s17 =	sor.u32 $0x180, s14;
	s5 =	sadd.s32 $0xFFFFFFF0, s26;
	[tilespmem:s4+$0x0] =	vst.add.f32.msk $0xffff, v28;
	s2 =	sand.u32 $0x70, s26;
	v58 =	vmul.f32 v30, v40;
	v23 =	vsub.f32 $1.500000000e+00, v23;
	v25 =	vmul.f32 v61, v46  }
0x5ac: {  	s18 =	sand.u32 $0x60, s5;
	[tilespmem:s17+$0xA080] =	vst.add.f32.msk $0xffff, v22;
	s2 =	sor.u32 s2, s9;
	v57 =	vmul.f32 v35, v27;
	v59 =	vsub.f32 $1.500000000e+00, v53  }
0x5ad: {  	s4 =	sor.u32 s18, s9;
	v56 =	vmul.f32 v52, v43;
	[tilespmem:s2+$0x80] =	vst.add.f32.msk $0xffff, v58;
	v54 =	vmul.f32 v24, v23;
	v55 =	vsub.f32 $1.500000000e+00, v25  }
0x5ae: {  	s19 =	sand.u32 $0x7, s13;
	s7 =	sadd.s32 $0x1, s7;
	v60 =	vsub.f32 $1.500000000e+00, v26;
	[tilespmem:s4+$0x0] =	vst.add.f32.msk $0xffff, v16;
	v16 =	vmul.f32 v57, v17;
	v61 =	vmul.f32 v48, v59  }
0x5af: {  	s20 =	sand.u32 $0x3, s10;
	p0 =	sne.s32 s7, $0x20;
	s5 =	sshll.u32 s19, $0x4;
	[tilespmem:s2+$0x0] =	vst.add.f32.msk $0xffff, v56;
	v18 =	vmul.f32 v54, v18;
	v19 =	vmul.f32 v19, v55  }
.Ltmp20:
0x5b0: {  	s5 =	sadd.s32 s5, s11;
	v22 =	vmul.f32 v34, v60;
	s2 =	sor.u32 $0x100, s2;
	[tilespmem:s4+$0x80] =	vst.add.f32.msk $0xffff, v16;
	v15 =	vmul.f32 v61, v15;
	(pc) =	sbr.rel @p0 .LBB2_40-.Ltmp20, $4  }
0x5b1: {  	s21 =	sshll.u32 s20, $0x5;
	s26 =	sor.u32 $0x180, s5;
	[tilespmem:s2+$0x0] =	vst.add.f32.msk $0xffff, v18;
	v62 =	vmul.f32 v19, v21  }
0x5b2: {  	v63 =	vmul.f32 v22, v20;
	s4 =	sor.u32 $0x100, s4;
	s2 =	sadd.s32 s21, s8;
	[tilespmem:s26+$0xA080] =	vst.add.f32.msk $0xffff, v15  }
0x5b3: {  	s2 =	sor.u32 $0x180, s2;
	[tilespmem:s4+$0x0] =	vst.add.f32.msk $0xffff, v62  }
0x5b4: {  	[tilespmem:s2+$0xA080] =	vst.add.f32.msk $0xffff, v63  }
0x5b5: {  	s2 =	rddreg [dreg:$0x11];
	s4 =	simm.s32 $0xA080  }
0x5b6: {  	[hbm4b:s2+s3] =	stream.linear.scatter [tilespmem:s4], [sflag:$0x2], $0xA00, $0x38;
	[tilespmem:$0x1ED00] =	vst v63  }
0x5b7: {  	_ =	swait.ge [sflag:s28], $0xA00  }
0x5b8: {  	[sflag:s28] =	ssyncset.done $0x0  }
0x5b9: {  	[sflag:s28] =	ssyncadd.s32 $0xFFFFF600  }
0x5ba: {  	_ =	swait.ge [sflag:s29], $0xA000  }
0x5bb: {  	[sflag:s29] =	ssyncset.done $0x0  }
0x5bc: {  	s26 =	simm.s32 $0xAB00;
	[sflag:s29] =	ssyncadd.s32 $0xFFFF6000  }
0x5bd: {  	v15 =	vld [tilespmem:s26+$0x0]  }
0x5be: {  	v16 =	vld [tilespmem:s26+$0xFFFFFF80];
	_ =	sdelay $0x2  }
0x5bf: {  	s7 =	simm.s32 $0x14AC1  }
0x5c0: {  	[tilespmem:s7+$0x0] =	vst v15  }
0x5c1: {  	[tilespmem:s7+$0xFFFFFFBF] =	vst v16;
	v15 =	vld [tilespmem:s26+$0x10]  }
0x5c2: {  	s9 =	simm.s32 $0xAC00;
	v16 =	vld [tilespmem:s26+$0xFFFFFF90]  }
0x5c3: {  	v17 =	vld [tilespmem:s9+$0x0]  }
0x5c4: {  	v18 =	vld [tilespmem:s9+$0xFFFFFF80];
	_ =	sdelay $0x1  }
0x5c5: {  	[tilespmem:s7+$0x10] =	vst v15  }
0x5c6: {  	s8 =	simm.s32 $0x14B43;
	[tilespmem:s7+$0xFFFFFFCF] =	vst v16;
	v15 =	vld [tilespmem:s26+$0x20]  }
0x5c7: {  	[tilespmem:s8+$0x0] =	vst v17;
	v16 =	vld [tilespmem:s26+$0xFFFFFFA0]  }
0x5c8: {  	[tilespmem:s8+$0xFFFFFFBF] =	vst v18;
	v17 =	vld [tilespmem:s9+$0x10]  }
0x5c9: {  	s10 =	simm.s32 $0xAD00;
	v18 =	vld [tilespmem:s9+$0xFFFFFF90]  }
0x5ca: {  	v19 =	vld [tilespmem:s10+$0x0]  }
0x5cb: {  	v20 =	vld [tilespmem:s10+$0xFFFFFF80];
	[tilespmem:s7+$0x20] =	vst v15  }
0x5cc: {  	[tilespmem:s7+$0xFFFFFFDF] =	vst v16;
	v21 =	vld [tilespmem:s26+$0x30]  }
0x5cd: {  	[tilespmem:s8+$0x10] =	vst v17;
	v15 =	vld [tilespmem:s26+$0xFFFFFFB0]  }
0x5ce: {  	s11 =	simm.s32 $0x14BC5;
	[tilespmem:s8+$0xFFFFFFCF] =	vst v18;
	v16 =	vld [tilespmem:s9+$0x20]  }
0x5cf: {  	[tilespmem:s11+$0x0] =	vst v19;
	v17 =	vld [tilespmem:s9+$0xFFFFFFA0]  }
0x5d0: {  	[tilespmem:s11+$0xFFFFFFBF] =	vst v20;
	v19 =	vld [tilespmem:s10+$0x10]  }
0x5d1: {  	s12 =	simm.s32 $0x4;
	s13 =	simm.s32 $0xAE00;
	s4 =	simm.s32 $0xAA80;
	v18 =	vld [tilespmem:s10+$0xFFFFFF90];
	[tilespmem:s7+$0x30] =	vst v21  }
.LBB2_44:
0x5d2: {  	v20 =	vld [tilespmem:s13+$0x0];
	s12 =	sadd.s32 $0x2, s12;
	[tilespmem:s7+$0xFFFFFFEF] =	vst v15;
	s7 =	smov.u32 s8;
	s8 =	smov.u32 s11  }
0x5d3: {  	v21 =	vld [tilespmem:s13+$0xFFFFFF80];
	p0 =	slt.u32 s12, $0x13E;
	[tilespmem:s7+$0x20] =	vst v16  }
0x5d4: {  	[tilespmem:s7+$0xFFFFFFDF] =	vst v17;
	v22 =	vld [tilespmem:s9+$0x30]  }
.Ltmp21:
0x5d5: {  	[tilespmem:s11+$0x10] =	vst v19;
	v15 =	vld [tilespmem:s9+$0xFFFFFFB0];
	s9 =	smov.u32 s10;
	s10 =	smov.u32 s13;
	(pc) =	sbr.rel @p0 .LBB2_44-.Ltmp21, $4  }
0x5d6: {  	s11 =	sadd.s32 $0x82, s11;
	[tilespmem:s8+$0xFFFFFFCF] =	vst v18;
	v16 =	vld [tilespmem:s9+$0x20]  }
0x5d7: {  	[tilespmem:s11+$0x0] =	vst v20;
	v17 =	vld [tilespmem:s9+$0xFFFFFFA0]  }
0x5d8: {  	[tilespmem:s11+$0xFFFFFFBF] =	vst v21;
	v19 =	vld [tilespmem:s13+$0x10]  }
0x5d9: {  	s13 =	sadd.s32 $0x100, s13;
	v18 =	vld [tilespmem:s10+$0xFFFFFF90];
	[tilespmem:s7+$0x30] =	vst v22  }
0x5da: {  	_ =	sdelay $0x2  }
0x5db: {  	[tilespmem:s11+$0x10] =	vst v19  }
0x5dc: {  	[tilespmem:s11+$0xFFFFFFCF] =	vst v18;
	v18 =	vld [tilespmem:s10+$0x20]  }
0x5dd: {  	v19 =	vld [tilespmem:s10+$0xFFFFFFA0];
	_ =	sdelay $0x1  }
0x5de: {  	[tilespmem:s8+$0x20] =	vst v16  }
0x5df: {  	[tilespmem:s8+$0xFFFFFFDF] =	vst v17;
	v16 =	vld [tilespmem:s9+$0x30]  }
0x5e0: {  	v17 =	vld [tilespmem:s9+$0xFFFFFFB0];
	[tilespmem:s11+$0x20] =	vst v18  }
0x5e1: {  	[tilespmem:s11+$0xFFFFFFDF] =	vst v19;
	v18 =	vld [tilespmem:s10+$0x30]  }
0x5e2: {  	v19 =	vld [tilespmem:s10+$0xFFFFFFB0]  }
0x5e3: {  	[tilespmem:s7+$0xFFFFFFEF] =	vst v15  }
0x5e4: {  	[tilespmem:s8+$0x30] =	vst v16  }
0x5e5: {  	[tilespmem:s8+$0xFFFFFFEF] =	vst v17  }
0x5e6: {  	[tilespmem:s11+$0x30] =	vst v18  }
0x5e7: {  	[tilespmem:s11+$0xFFFFFFEF] =	vst v19  }
0x5e8: {  	s2 =	rddreg [dreg:$0x12]  }
0x5e9: {  	[tilespmem:s4], [sflag:$0x1] =	stream.linear.gather [hbm4b:s2+s3], $0xA000, $0x38;
	[tilespmem:$0x1ED00] =	vst v63  }
0x5ea: {  	_ =	swait.ge [sflag:s29], $0xA000  }
0x5eb: {  	[sflag:s29] =	ssyncset.done $0x0  }
0x5ec: {  	s26 =	simm.s32 $0xAB00;
	[sflag:s29] =	ssyncadd.s32 $0xFFFF6000  }
0x5ed: {  	v15 =	vld [tilespmem:s26+$0x0]  }
0x5ee: {  	v16 =	vld [tilespmem:s26+$0xFFFFFF80];
	_ =	sdelay $0x2  }
0x5ef: {  	s7 =	simm.s32 $0x19BC0  }
0x5f0: {  	[tilespmem:s7+$0x41] =	vst v15  }
0x5f1: {  	[tilespmem:s7+$0x0] =	vst v16;
	v15 =	vld [tilespmem:s26+$0x10]  }
0x5f2: {  	s9 =	simm.s32 $0xAC00;
	v16 =	vld [tilespmem:s26+$0xFFFFFF90]  }
0x5f3: {  	v17 =	vld [tilespmem:s9+$0x0]  }
0x5f4: {  	v18 =	vld [tilespmem:s9+$0xFFFFFF80];
	_ =	sdelay $0x1  }
0x5f5: {  	[tilespmem:s7+$0x51] =	vst v15  }
0x5f6: {  	s8 =	simm.s32 $0x19C42;
	[tilespmem:s7+$0x10] =	vst v16;
	v15 =	vld [tilespmem:s26+$0x20]  }
0x5f7: {  	[tilespmem:s8+$0x41] =	vst v17;
	v16 =	vld [tilespmem:s26+$0xFFFFFFA0]  }
0x5f8: {  	[tilespmem:s8+$0x0] =	vst v18;
	v17 =	vld [tilespmem:s9+$0x10]  }
0x5f9: {  	s11 =	simm.s32 $0xAD00;
	v18 =	vld [tilespmem:s9+$0xFFFFFF90]  }
0x5fa: {  	v19 =	vld [tilespmem:s11+$0x0]  }
0x5fb: {  	v20 =	vld [tilespmem:s11+$0xFFFFFF80];
	[tilespmem:s7+$0x61] =	vst v15  }
0x5fc: {  	[tilespmem:s7+$0x20] =	vst v16;
	v21 =	vld [tilespmem:s26+$0x30]  }
0x5fd: {  	[tilespmem:s8+$0x51] =	vst v17;
	v15 =	vld [tilespmem:s26+$0xFFFFFFB0]  }
0x5fe: {  	s10 =	simm.s32 $0x19CC4;
	[tilespmem:s8+$0x10] =	vst v18;
	v16 =	vld [tilespmem:s9+$0x20]  }
0x5ff: {  	[tilespmem:s10+$0x41] =	vst v19;
	v17 =	vld [tilespmem:s9+$0xFFFFFFA0]  }
0x600: {  	[tilespmem:s10+$0x0] =	vst v20;
	v19 =	vld [tilespmem:s11+$0x10]  }
0x601: {  	s12 =	simm.s32 $0x4;
	s13 =	simm.s32 $0xAE00;
	v18 =	vld [tilespmem:s11+$0xFFFFFF90];
	[tilespmem:s7+$0x71] =	vst v21  }
.LBB2_46:
0x602: {  	v20 =	vld [tilespmem:s13+$0x0];
	s12 =	sadd.s32 $0x2, s12;
	[tilespmem:s7+$0x30] =	vst v15;
	s7 =	smov.u32 s8;
	s8 =	smov.u32 s10  }
0x603: {  	v21 =	vld [tilespmem:s13+$0xFFFFFF80];
	p0 =	slt.u32 s12, $0x13E;
	[tilespmem:s7+$0x61] =	vst v16  }
0x604: {  	[tilespmem:s7+$0x20] =	vst v17;
	v22 =	vld [tilespmem:s9+$0x30]  }
.Ltmp22:
0x605: {  	[tilespmem:s10+$0x51] =	vst v19;
	v15 =	vld [tilespmem:s9+$0xFFFFFFB0];
	s9 =	smov.u32 s11;
	s11 =	smov.u32 s13;
	(pc) =	sbr.rel @p0 .LBB2_46-.Ltmp22, $4  }
0x606: {  	s10 =	sadd.s32 $0x82, s10;
	[tilespmem:s8+$0x10] =	vst v18;
	v16 =	vld [tilespmem:s9+$0x20]  }
0x607: {  	[tilespmem:s10+$0x41] =	vst v20;
	v17 =	vld [tilespmem:s9+$0xFFFFFFA0]  }
0x608: {  	[tilespmem:s10+$0x0] =	vst v21;
	v19 =	vld [tilespmem:s13+$0x10]  }
0x609: {  	s13 =	sadd.s32 $0x100, s13;
	v18 =	vld [tilespmem:s11+$0xFFFFFF90];
	[tilespmem:s7+$0x71] =	vst v22  }
0x60a: {  	_ =	sdelay $0x2  }
0x60b: {  	[tilespmem:s10+$0x51] =	vst v19  }
0x60c: {  	[tilespmem:s10+$0x10] =	vst v18;
	v62 =	vld [tilespmem:s11+$0x20]  }
0x60d: {  	v63 =	vld [tilespmem:s11+$0xFFFFFFA0];
	_ =	sdelay $0x1  }
0x60e: {  	[tilespmem:s8+$0x61] =	vst v16  }
0x60f: {  	[tilespmem:s8+$0x20] =	vst v17;
	v16 =	vld [tilespmem:s9+$0x30]  }
0x610: {  	v17 =	vld [tilespmem:s9+$0xFFFFFFB0];
	[tilespmem:s10+$0x61] =	vst v62  }
0x611: {  	[tilespmem:s10+$0x20] =	vst v63;
	v18 =	vld [tilespmem:s11+$0x30]  }
0x612: {  	p0 =	por $0x1, $0x1;
	v19 =	vld [tilespmem:s11+$0xFFFFFFB0]  }
.Ltmp23:
0x613: {  	[tilespmem:s7+$0x30] =	vst v15;
	s2 =	sadd.s32 $0x0, s25;
	(pc) =	sbr.rel @!p0 .LBB2_49-.Ltmp23, $4  }
0x614: {  	v15 =	vor.u32 s2, v3;
	[tilespmem:s8+$0x71] =	vst v16  }
0x615: {  	s7 =	simm.s32 $0x0;
	vm0 =	vlt.s32 v15, $0x27F;
	[tilespmem:s8+$0x30] =	vst v17  }
0x616: {  	s12 =	sand.u32 $0xE00, s7;
	s9 =	simm.s32 $0x10;
	v15 =	vnsel vm0, $0x27F, v15;
	[tilespmem:s10+$0x71] =	vst v18  }
0x617: {  	v15 =	vmul.u32 $0x41, v15;
	s8 =	simm.s32 $0x8C80;
	s11 =	sand.u32 $0x70, s7;
	[tilespmem:s10+$0x30] =	vst v19;
	s10 =	simm.s32 $0x0  }
.LBB2_48:
0x618: {  	s2 =	sadd.s32 s9, s25  }
0x619: {  	[tilespmem:s8+$0x0] =	vst v15;
	s4 =	sor.u32 s11, s12;
	s5 =	smov.u32 s9;
	p0 =	sne.s32 s9, $0x270  }
.Ltmp24:
0x61a: {  	s9 =	sadd.s32 $0x10, s9;
	v15 =	vor.u32 s2, v3;
	[tilespmem:s4+$0xA080] =	vst v14;
	(pc) =	sbr.rel @p0 .LBB2_48-.Ltmp24, $4  }
0x61b: {  	vm0 =	vlt.s32 v15, $0x27F;
	[tilespmem:s4+$0xA100] =	vst v14  }
0x61c: {  	v15 =	vnsel vm0, $0x27F, v15;
	[tilespmem:s4+$0xA180] =	vst v14  }
0x61d: {  	s10 =	sadd.s32 $0x40, s10;
	v15 =	vmul.u32 $0x41, v15;
	[tilespmem:s4+$0xA200] =	vst v14  }
0x61e: {  	s8 =	sadd.s32 $0x80, s8;
	s11 =	sand.u32 $0x70, s5;
	s12 =	sand.u32 $0xE00, s10  }
.LBB2_49:
0x61f: {  	_ = 	snop  }
0x620: {  	s2 =	sor.u32 s11, s12;
	[tilespmem:s8+$0x0] =	vst v15  }
0x621: {  	[tilespmem:s2+$0xA080] =	vst v14  }
0x622: {  	[tilespmem:s2+$0xA100] =	vst v14  }
0x623: {  	[tilespmem:s2+$0xA180] =	vst v14  }
0x624: {  	[tilespmem:s2+$0xA200] =	vst v14  }
.LBB2_50:
0x625: {  	s2 =	simm.s32 $0x8D00  }
0x626: {  	v15 =	vld [tilespmem:s2+$0x0];
	_ =	sdelay $0x1  }
0x627: {  	v21 =	vld [tilespmem:s2+$0xFFFFFF80]  }
0x628: {  	s18 =	sshll.u32 s7, $0x7;
	s19 =	simm.s32 $0x8E00  }
0x629: {  	v16 =	vmov s7;
	s2 =	sand.u32 $0x3FFFFF80, s18;
	v41 =	vld [tilespmem:s19+$0x0]  }
0x62a: {  	v17 =	vld [tilespmem:s2+$0xC80];
	v25 =	vadd.s32 v16, v15  }
0x62b: {  	v18 =	vld [tilespmem:s2+$0x1C80]  }
0x62c: {  	v20 =	vadd.s32 $0x20, v16;
	v19 =	vld [tilespmem:s2+$0x2C80];
	v26 =	vadd.s32 v16, v21  }
0x62d: {  	v22 =	vld [tilespmem:s2+$0x3C80];
	v15 =	vadd.s32 v20, v15  }
0x62e: {  	v23 =	vld [tilespmem:s2+$0x4C80];
	v21 =	vadd.s32 v20, v21  }
0x62f: {  	v25 =	vld.idx.msk [tilespmem:v25+s1+$0x0], $0xffff  }
0x630: {  	v24 =	vld [tilespmem:s2+$0x6C80]  }
0x631: {  	v27 =	vld.idx.msk [tilespmem:v26+s1+$0x0], $0xffff  }
0x632: {  	v29 =	vld.idx.msk [tilespmem:v15+s1+$0x0], $0xffff  }
0x633: {  	v28 =	vld.idx.msk [tilespmem:v21+s1+$0x0], $0xffff  }
0x634: {  	v15 =	vld [tilespmem:s2+$0x7C80];
	v26 =	vsub.f32 v17, v25  }
0x635: {  	v30 =	vsub.f32 v23, v25;
	v32 =	vsub.f32 v24, v25  }
0x636: {  	v31 =	vsub.f32 v17, v27;
	v25 =	vsub.f32 v19, v25  }
0x637: {  	v21 =	vld [tilespmem:s2+$0x5C80];
	v33 =	vsub.f32 v22, v29;
	v34 =	vsub.f32 v18, v29  }
0x638: {  	v35 =	vsub.f32 v22, v28;
	v36 =	vsub.f32 v18, v28  }
0x639: {  	v46 =	vadd.s32 v16, v41;
	v37 =	vsub.f32 v19, v27;
	v38 =	vsub.f32 v15, v28  }
0x63a: {  	v39 =	vsub.f32 v23, v27;
	v30 =	vmul.f32 v30, v30;
	v33 =	vmul.f32 v33, v33  }
0x63b: {  	v51 =	vsub.f32 v24, v27;
	v25 =	vmul.f32 v25, v25;
	v26 =	vmul.f32 v26, v26  }
0x63c: {  	v27 =	vsub.f32 v21, v29;
	v34 =	vmul.f32 v34, v34;
	v36 =	vmul.f32 v36, v36  }
0x63d: {  	v28 =	vsub.f32 v21, v28;
	v31 =	vmul.f32 v31, v31;
	v63 =	vmul.f32 v38, v38  }
0x63e: {  	v29 =	vsub.f32 v15, v29;
	v37 =	vmul.f32 v37, v37;
	v27 =	vmul.f32 v27, v27  }
0x63f: {  	v47 =	vadd.s32 v20, v41;
	v53 =	vmul.f32 v39, v39;
	v28 =	vmul.f32 v28, v28  }
0x640: {  	v32 =	vmul.f32 v32, v32;
	v61 =	vmul.f32 v29, v29;
	v26 =	vadd.f32 v34, v26  }
0x641: {  	v25 =	vadd.f32 v33, v25;
	v36 =	vadd.f32 v36, v31;
	v31 =	vmul.f32 v35, v35  }
0x642: {  	v43 =	vadd.f32 v27, v30;
	v34 =	vmul.f32 v51, v51;
	v28 =	vadd.f32 v28, v53  }
0x643: {  	v52 =	vshra.s32 v26, $0x1;
	v40 =	vshra.s32 v36, $0x1;
	v42 =	vadd.f32 v31, v37  }
0x644: {  	v27 =	vshra.s32 v25, $0x1;
	v31 =	vld [tilespmem:s19+$0xFFFFFF80];
	v54 =	vmul.f32 $5.000000000e-01, v36;
	v45 =	vshra.s32 v43, $0x1  }
0x645: {  	v57 =	vmul.f32 $5.000000000e-01, v43;
	v53 =	vmul.f32 $5.000000000e-01, v28;
	v30 =	vsub.s32 $0xDF3759DF, v40  }
0x646: {  	v38 =	vsub.s32 $0xDF3759DF, v52;
	v45 =	vsub.s32 $0xDF3759DF, v45;
	v40 =	vmul.f32 v30, v30  }
0x647: {  	v39 =	vmul.f32 v38, v38;
	v44 =	vshra.s32 v42, $0x1;
	v55 =	vmul.f32 v45, v45  }
0x648: {  	v29 =	vld.idx.msk [tilespmem:v47+s1+$0x0], $0xffff;
	v58 =	vmul.f32 $5.000000000e-01, v42;
	v37 =	vmul.f32 v40, v54;
	v40 =	vsub.s32 $0xDF3759DF, v44  }
0x649: {  	v59 =	vmul.f32 v55, v57;
	v54 =	vmul.f32 $5.000000000e-01, v25;
	v56 =	vadd.s32 v16, v31  }
0x64a: {  	v48 =	vadd.s32 v20, v31;
	v31 =	vadd.f32 v63, v34;
	v37 =	vsub.f32 $1.500000000e+00, v37  }
0x64b: {  	v27 =	vsub.s32 $0xDF3759DF, v27;
	v49 =	vmul.f32 v40, v40;
	v63 =	vmul.f32 $5.000000000e-01, v26  }
0x64c: {  	v34 =	vadd.f32 v61, v32;
	v60 =	vshra.s32 v31, $0x1;
	v30 =	vmul.f32 v30, v37  }
0x64d: {  	v37 =	vmul.f32 v49, v58;
	v41 =	vsub.s32 $0xDF3759DF, v60;
	v58 =	vsub.f32 v22, v29  }
0x64e: {  	v62 =	vmul.f32 v41, v41;
	v33 =	vmul.f32 v30, v36;
	v30 =	vshra.s32 v28, $0x1;
	v36 =	vld.idx.msk [tilespmem:v46+s1+$0x0], $0xffff  }
0x64f: {  	v52 =	vld.idx.msk [tilespmem:v56+s1+$0x0], $0xffff;
	v46 =	vsub.f32 $1.500000000e+00, v59;
	v60 =	vsub.f32 $1.500000000e+00, v37;
	v56 =	vmul.f32 $5.000000000e-01, v34  }
0x650: {  	v59 =	vmul.f32 v39, v63;
	v58 =	vmul.f32 v58, v58;
	v50 =	vsub.s32 $0xDF3759DF, v30  }
0x651: {  	v61 =	vshra.s32 v34, $0x1;
	v35 =	vld.idx.msk [tilespmem:v48+s1+$0x0], $0xffff;
	v30 =	vmul.f32 $5.000000000e-01, v31;
	v51 =	vmul.f32 v50, v50  }
0x652: {  	v37 =	vsub.s32 $0xDF3759DF, v61;
	v40 =	vmul.f32 v40, v60;
	v63 =	vmul.f32 v45, v46  }
0x653: {  	v60 =	vsub.f32 v18, v29;
	v55 =	vmul.f32 v62, v30;
	v62 =	vmul.f32 v37, v37  }
0x654: {  	v53 =	vmul.f32 v51, v53;
	v32 =	vsub.f32 v17, v36;
	v49 =	vsub.f32 v23, v36  }
0x655: {  	v39 =	vmul.f32 v40, v42;
	v30 =	vsub.f32 v24, v36;
	v48 =	vsub.f32 v17, v52  }
0x656: {  	v57 =	vsub.f32 v19, v36;
	v44 =	vmul.f32 v62, v56;
	v56 =	vsub.f32 v22, v35  }
0x657: {  	v36 =	vmul.f32 v63, v43;
	v61 =	vsub.f32 v18, v35;
	v43 =	vmul.f32 v60, v60  }
0x658: {  	v45 =	vsub.f32 v15, v35;
	v60 =	vsub.f32 v23, v52;
	v62 =	vmul.f32 v27, v27  }
0x659: {  	v51 =	vsub.f32 v24, v52;
	v46 =	vmul.f32 v49, v49;
	v57 =	vmul.f32 v57, v57  }
0x65a: {  	s20 =	simm.s32 $0x0;
	s8 =	simm.s32 $0x80;
	v49 =	vsub.f32 $1.500000000e+00, v55;
	v55 =	vsub.f32 v19, v52;
	v32 =	vmul.f32 v32, v32  }
0x65b: {  	s12 =	simm.s32 $0x10;
	s26 =	simm.s32 $0x0;
	s13 =	simm.s32 $0x2;
	v42 =	vmul.f32 v45, v45;
	v45 =	vmul.f32 v48, v48;
	v48 =	vsub.f32 $1.500000000e+00, v59  }
0x65c: {  	s10 =	simm.s32 $0x1;
	s11 =	simm.s32 $0x90;
	s4 =	sand.u32 $0xE00, s20;
	v47 =	vmul.f32 v61, v61;
	v61 =	vsub.f32 $1.500000000e+00, v53;
	v43 =	vadd.f32 v43, v32  }
0x65d: {  	s5 =	sand.u32 $0xE00, s8;
	s18 =	simm.s32 $0x2;
	s21 =	sand.u32 $0x7, s20;
	v62 =	vmul.f32 v62, v54;
	v40 =	vadd.f32 v58, v57;
	v54 =	vmul.f32 v55, v55  }
0x65e: {  	s16 =	sor.u32 $0xA080, s4;
	s9 =	sor.u32 $0xA080, s5;
	s4 =	sshll.u32 s21, $0x4;
	v52 =	vmul.f32 v38, v48;
	v55 =	vmul.f32 v56, v56;
	v63 =	vshra.s32 v43, $0x1  }
0x65f: {  	s5 =	sand.u32 $0x60, s26;
	s21 =	simm.s32 $0x100;
	s2 =	sand.u32 $0x3, s20;
	v48 =	vmul.f32 v60, v60;
	v32 =	vsub.s32 $0xDF3759DF, v63;
	v63 =	vsub.f32 v21, v29  }
0x660: {  	s15 =	sadd.s32 $0x10, s4;
	s17 =	sor.u32 s5, s16;
	s2 =	sshll.u32 s2, $0x5;
	v53 =	vsub.f32 $1.500000000e+00, v62;
	v50 =	vmul.f32 v50, v61;
	v58 =	vshra.s32 v40, $0x1  }
0x661: {  	s20 =	simm.s32 $0x8F00;
	s14 =	sadd.s32 $0x0, s2;
	s19 =	simm.s32 $0x10;
	[tilespmem:s17+$0x0] =	vst.add.f32.msk $0xffff, v33;
	v33 =	vsub.s32 $0xDF3759DF, v58;
	v38 =	vmul.f32 v32, v32;
	v56 =	vmul.f32 v63, v63  }
.LBB2_51:
0x662: {  	s2 =	sand.u32 $0xE00, s21;
	v57 =	vld [tilespmem:s20+$0x0];
	s18 =	sadd.s32 $0x2, s18;
	v58 =	vadd.f32 v47, v45;
	v45 =	vadd.f32 v55, v54;
	v51 =	vmul.f32 v51, v51;
	s12 =	sadd.s32 $0x20, s12  }
0x663: {  	v41 =	vmul.f32 v41, v49;
	s4 =	sand.u32 $0x70, s19;
	s2 =	sor.u32 $0xA080, s2;
	p0 =	slt.u32 s18, $0x26;
	v47 =	vadd.f32 v56, v46;
	v46 =	vmul.f32 v52, v26;
	v26 =	vmovc v43  }
0x664: {  	s5 =	sand.u32 $0x7, s13;
	s19 =	sand.u32 $0x3, s10;
	v53 =	vmul.f32 v27, v53;
	v27 =	vmovc v33;
	s4 =	sor.u32 s4, s16;
	v43 =	vld [tilespmem:s20+$0xFFFFFF80];
	v49 =	vshra.s32 v58, $0x1;
	v52 =	vmul.f32 $5.000000000e-01, v58  }
0x665: {  	s5 =	sshll.u32 s5, $0x4;
	s16 =	sshll.u32 s19, $0x5;
	s19 =	smov.u32 s12;
	v54 =	vshra.s32 v45, $0x1;
	v49 =	vsub.s32 $0xDF3759DF, v49;
	v55 =	vshra.s32 v47, $0x1;
	[tilespmem:s4+$0x0] =	vst.add.f32.msk $0xffff, v46  }
0x666: {  	s5 =	sadd.s32 s5, s11;
	s26 =	sadd.s32 s16, s8;
	v53 =	vmul.f32 v53, v25;
	v25 =	vmovc v40;
	s16 =	smov.u32 s9;
	v46 =	vmul.f32 v49, v49;
	v55 =	vsub.s32 $0xDF3759DF, v55  }
0x667: {  	v44 =	vsub.f32 $1.500000000e+00, v44;
	s9 =	smov.u32 s2;
	s8 =	smov.u32 s21;
	v40 =	vsub.s32 $0xDF3759DF, v54;
	v54 =	vmul.f32 v55, v55  }
0x668: {  	v35 =	vsub.f32 v21, v35;
	v41 =	vmul.f32 v41, v31;
	s2 =	sor.u32 $0x100, s4;
	v46 =	vmul.f32 v46, v52;
	[tilespmem:s4+$0x80] =	vst.add.f32.msk $0xffff, v53  }
0x669: {  	v31 =	vmul.f32 v37, v44;
	v52 =	vadd.s32 v16, v57;
	v53 =	vadd.s32 v20, v57;
	[tilespmem:s2+$0x0] =	vst.add.f32.msk $0xffff, v36  }
0x66a: {  	v35 =	vmul.f32 v35, v35;
	v37 =	vmul.f32 v50, v28;
	v36 =	vsub.f32 $1.500000000e+00, v46;
	[tilespmem:s17+$0x80] =	vst.add.f32.msk $0xffff, v39  }
0x66b: {  	v34 =	vmul.f32 v31, v34;
	s2 =	sor.u32 $0x100, s17;
	v39 =	vadd.s32 v16, v43;
	v43 =	vadd.s32 v20, v43  }
0x66c: {  	v28 =	vadd.f32 v35, v48;
	v35 =	vmul.f32 $5.000000000e-01, v47;
	v36 =	vmul.f32 v49, v36;
	[tilespmem:s2+$0x0] =	vst.add.f32.msk $0xffff, v37;
	s2 =	sor.u32 $0x180, s15;
	s15 =	smov.u32 s5  }
0x66d: {  	v44 =	vmul.f32 v40, v40;
	v31 =	vadd.f32 v42, v51;
	s4 =	sor.u32 $0x180, s14;
	s14 =	smov.u32 s26;
	v37 =	vmul.f32 $5.000000000e-01, v45;
	[tilespmem:s2+$0xA080] =	vst.add.f32.msk $0xffff, v34  }
0x66e: {  	v29 =	vsub.f32 v15, v29;
	v42 =	vld.idx.msk [tilespmem:v52+s1+$0x0], $0xffff;
	v34 =	vmul.f32 v36, v58;
	v36 =	vshra.s32 v28, $0x1  }
0x66f: {  	v46 =	vmul.f32 v54, v35;
	v50 =	vsub.s32 $0xDF3759DF, v36;
	v36 =	vmul.f32 $5.000000000e-01, v31;
	[tilespmem:s4+$0xA080] =	vst.add.f32.msk $0xffff, v41  }
0x670: {  	s2 =	sadd.s32 $0xFFFFFFF0, s12;
	v37 =	vmul.f32 v44, v37;
	v41 =	vshra.s32 v31, $0x1;
	v48 =	vld.idx.msk [tilespmem:v39+s1+$0x0], $0xffff;
	v39 =	vmul.f32 v50, v50  }
0x671: {  	v30 =	vmul.f32 v30, v30;
	s2 =	sand.u32 $0x60, s2;
	v41 =	vsub.s32 $0xDF3759DF, v41;
	v35 =	vld.idx.msk [tilespmem:v43+s1+$0x0], $0xffff;
	v43 =	vmul.f32 v29, v29  }
0x672: {  	v51 =	vmul.f32 $5.000000000e-01, v28;
	v46 =	vsub.f32 $1.500000000e+00, v46;
	s17 =	sor.u32 s2, s16;
	v44 =	vmul.f32 v41, v41;
	v29 =	vld.idx.msk [tilespmem:v53+s1+$0x0], $0xffff  }
0x673: {  	v49 =	vmul.f32 $5.000000000e-01, v26;
	v52 =	vmul.f32 $5.000000000e-01, v25;
	[tilespmem:s17+$0x0] =	vst.add.f32.msk $0xffff, v34;
	v34 =	vadd.f32 v43, v30  }
0x674: {  	v43 =	vsub.f32 v17, v42;
	v53 =	vsub.f32 v23, v42;
	v54 =	vmul.f32 v44, v36  }
0x675: {  	v30 =	vsub.f32 v24, v42;
	v36 =	vsub.f32 $1.500000000e+00, v37;
	v37 =	vshra.s32 v34, $0x1  }
0x676: {  	v56 =	vsub.f32 v17, v48;
	v44 =	vmul.f32 $5.000000000e-01, v34;
	v37 =	vsub.s32 $0xDF3759DF, v37  }
0x677: {  	v42 =	vsub.f32 v19, v42;
	v40 =	vmul.f32 v40, v36;
	v36 =	vmul.f32 v37, v37  }
0x678: {  	v38 =	vmul.f32 v38, v49;
	v49 =	vmul.f32 v55, v46;
	v57 =	vsub.f32 v22, v29  }
0x679: {  	v46 =	vmul.f32 v53, v53;
	v55 =	vsub.f32 v18, v29;
	v44 =	vmul.f32 v36, v44  }
0x67a: {  	v53 =	vsub.f32 v22, v35;
	v57 =	vmul.f32 v57, v57;
	v36 =	vmul.f32 v49, v47  }
0x67b: {  	v58 =	vmul.f32 v42, v42;
	v47 =	vsub.f32 v18, v35;
	v49 =	vsub.f32 $1.500000000e+00, v54  }
0x67c: {  	v42 =	vmul.f32 v43, v43;
	v54 =	vsub.f32 v19, v48;
	v43 =	vmul.f32 v55, v55  }
0x67d: {  	v59 =	vmul.f32 v39, v51;
	v55 =	vsub.f32 v15, v35;
	v47 =	vmul.f32 v47, v47  }
0x67e: {  	v60 =	vsub.f32 v23, v48;
	v39 =	vmul.f32 v40, v45;
	v43 =	vadd.f32 v43, v42  }
0x67f: {  	v33 =	vmul.f32 v33, v27;
	v42 =	vmul.f32 v55, v55;
	v40 =	vadd.f32 v57, v58  }
0x680: {  	v38 =	vsub.f32 $1.500000000e+00, v38;
	v51 =	vsub.f32 v24, v48;
	v45 =	vmul.f32 v56, v56  }
.Ltmp25:
0x681: {  	v33 =	vmul.f32 v33, v52;
	v57 =	vsub.f32 $1.500000000e+00, v59;
	v48 =	vshra.s32 v43, $0x1;
	(pc) =	sbr.rel @p0 .LBB2_51-.Ltmp25, $4  }
0x682: {  	v52 =	vmul.f32 v32, v38;
	v54 =	vmul.f32 v54, v54;
	v32 =	vsub.s32 $0xDF3759DF, v48  }
0x683: {  	v56 =	vsub.f32 v21, v29;
	v55 =	vmul.f32 v53, v53;
	v48 =	vmul.f32 v60, v60  }
0x684: {  	s13 =	sadd.s32 $0x2, s13;
	s10 =	sadd.s32 $0x1, s10;
	v53 =	vsub.f32 $1.500000000e+00, v33;
	v58 =	vshra.s32 v40, $0x1;
	v38 =	vmul.f32 v32, v32  }
0x685: {  	s20 =	sadd.s32 $0x100, s20;
	s21 =	sadd.s32 $0x80, s21;
	s11 =	sadd.s32 $0x80, s11;
	v56 =	vmul.f32 v56, v56;
	v50 =	vmul.f32 v50, v57;
	v33 =	vsub.s32 $0xDF3759DF, v58  }
0x686: {  	v16 =	vadd.f32 v47, v45  }
0x687: {  	v17 =	vadd.f32 v55, v54;
	v20 =	vmul.f32 v51, v51;
	v22 =	vmul.f32 v41, v49  }
0x688: {  	v26 =	vmul.f32 v52, v26;
	v27 =	vmul.f32 v27, v53;
	v44 =	vsub.f32 $1.500000000e+00, v44  }
0x689: {  	v21 =	vsub.f32 v21, v35;
	v30 =	vmul.f32 v30, v30;
	v62 =	vmul.f32 $5.000000000e-01, v43  }
0x68a: {  	v15 =	vsub.f32 v15, v29;
	v63 =	vmul.f32 $5.000000000e-01, v40;
	v28 =	vmul.f32 v50, v28  }
0x68b: {  	v18 =	vadd.f32 v56, v46;
	v23 =	vmul.f32 $5.000000000e-01, v16;
	v25 =	vmul.f32 v27, v25  }
0x68c: {  	v19 =	vshra.s32 v16, $0x1;
	v37 =	vmul.f32 v37, v44;
	v21 =	vmul.f32 v21, v21  }
0x68d: {  	v51 =	vshra.s32 v17, $0x1;
	v22 =	vmul.f32 v22, v31;
	v55 =	vmul.f32 $5.000000000e-01, v17  }
0x68e: {  	v20 =	vadd.f32 v42, v20;
	v15 =	vmul.f32 v15, v15;
	v44 =	vmul.f32 v33, v33  }
0x68f: {  	v38 =	vmul.f32 v38, v62;
	v19 =	vsub.s32 $0xDF3759DF, v19;
	v24 =	vshra.s32 v18, $0x1  }
0x690: {  	v35 =	vsub.s32 $0xDF3759DF, v51;
	v54 =	vmul.f32 $5.000000000e-01, v18;
	v49 =	vmul.f32 v19, v19  }
0x691: {  	v24 =	vsub.s32 $0xDF3759DF, v24;
	v53 =	vmul.f32 v37, v34;
	v21 =	vadd.f32 v21, v48  }
0x692: {  	v56 =	vmul.f32 v35, v35;
	v58 =	vmul.f32 $5.000000000e-01, v20;
	v60 =	vshra.s32 v20, $0x1  }
0x693: {  	v15 =	vadd.f32 v15, v30;
	v30 =	vmul.f32 v44, v63;
	v23 =	vmul.f32 v49, v23  }
0x694: {  	v52 =	vmul.f32 v24, v24;
	v34 =	vsub.s32 $0xDF3759DF, v60;
	v57 =	vshra.s32 v21, $0x1  }
0x695: {  	v59 =	vmul.f32 v56, v55;
	v45 =	vmul.f32 v34, v34;
	v23 =	vsub.f32 $1.500000000e+00, v23  }
0x696: {  	s2 =	sand.u32 $0x70, s19;
	v46 =	vmul.f32 $5.000000000e-01, v21;
	v47 =	vshra.s32 v15, $0x1;
	v50 =	vmul.f32 $5.000000000e-01, v15  }
0x697: {  	[tilespmem:s17+$0x80] =	vst.add.f32.msk $0xffff, v39;
	s2 =	sor.u32 s2, s16;
	v30 =	vsub.f32 $1.500000000e+00, v30;
	v48 =	vsub.s32 $0xDF3759DF, v47;
	v19 =	vmul.f32 v19, v23  }
0x698: {  	[tilespmem:s2+$0x0] =	vst.add.f32.msk $0xffff, v26;
	v49 =	vsub.f32 $1.500000000e+00, v38;
	v26 =	vmul.f32 v45, v58;
	v51 =	vmul.f32 v48, v48  }
0x699: {  	[tilespmem:s2+$0x80] =	vst.add.f32.msk $0xffff, v25;
	s2 =	sor.u32 $0x100, s2;
	v30 =	vmul.f32 v33, v30;
	v16 =	vmul.f32 v19, v16;
	v19 =	vsub.s32 $0xDF3759DF, v57  }
0x69a: {  	s16 =	sor.u32 $0x180, s15;
	[tilespmem:s2+$0x0] =	vst.add.f32.msk $0xffff, v36;
	v23 =	vmul.f32 v52, v54;
	v61 =	vmul.f32 v19, v19  }
0x69b: {  	s26 =	sadd.s32 $0x20, s12;
	s4 =	sor.u32 $0x100, s17;
	[tilespmem:s16+$0xA080] =	vst.add.f32.msk $0xffff, v53;
	v27 =	vsub.f32 $1.500000000e+00, v59;
	v52 =	vmul.f32 v32, v49;
	v53 =	vmul.f32 v51, v50  }
0x69c: {  	s17 =	sor.u32 $0x180, s14;
	s5 =	sadd.s32 $0xFFFFFFF0, s26;
	[tilespmem:s4+$0x0] =	vst.add.f32.msk $0xffff, v28;
	s2 =	sand.u32 $0x70, s26;
	v58 =	vmul.f32 v30, v40;
	v23 =	vsub.f32 $1.500000000e+00, v23;
	v25 =	vmul.f32 v61, v46  }
0x69d: {  	s18 =	sand.u32 $0x60, s5;
	[tilespmem:s17+$0xA080] =	vst.add.f32.msk $0xffff, v22;
	s2 =	sor.u32 s2, s9;
	v57 =	vmul.f32 v35, v27;
	v59 =	vsub.f32 $1.500000000e+00, v53  }
0x69e: {  	s4 =	sor.u32 s18, s9;
	v56 =	vmul.f32 v52, v43;
	[tilespmem:s2+$0x80] =	vst.add.f32.msk $0xffff, v58;
	v54 =	vmul.f32 v24, v23;
	v55 =	vsub.f32 $1.500000000e+00, v25  }
0x69f: {  	s19 =	sand.u32 $0x7, s13;
	s7 =	sadd.s32 $0x1, s7;
	v60 =	vsub.f32 $1.500000000e+00, v26;
	[tilespmem:s4+$0x0] =	vst.add.f32.msk $0xffff, v16;
	v16 =	vmul.f32 v57, v17;
	v61 =	vmul.f32 v48, v59  }
0x6a0: {  	s20 =	sand.u32 $0x3, s10;
	p0 =	sne.s32 s7, $0x20;
	s5 =	sshll.u32 s19, $0x4;
	[tilespmem:s2+$0x0] =	vst.add.f32.msk $0xffff, v56;
	v18 =	vmul.f32 v54, v18;
	v19 =	vmul.f32 v19, v55  }
.Ltmp26:
0x6a1: {  	s5 =	sadd.s32 s5, s11;
	v22 =	vmul.f32 v34, v60;
	s2 =	sor.u32 $0x100, s2;
	[tilespmem:s4+$0x80] =	vst.add.f32.msk $0xffff, v16;
	v15 =	vmul.f32 v61, v15;
	(pc) =	sbr.rel @p0 .LBB2_50-.Ltmp26, $4  }
0x6a2: {  	s21 =	sshll.u32 s20, $0x5;
	s26 =	sor.u32 $0x180, s5;
	[tilespmem:s2+$0x0] =	vst.add.f32.msk $0xffff, v18;
	v62 =	vmul.f32 v19, v21  }
0x6a3: {  	v63 =	vmul.f32 v22, v20;
	s4 =	sor.u32 $0x100, s4;
	s2 =	sadd.s32 s21, s8;
	[tilespmem:s26+$0xA080] =	vst.add.f32.msk $0xffff, v15  }
0x6a4: {  	s2 =	sor.u32 $0x180, s2;
	[tilespmem:s4+$0x0] =	vst.add.f32.msk $0xffff, v62  }
0x6a5: {  	[tilespmem:s2+$0xA080] =	vst.add.f32.msk $0xffff, v63  }
0x6a6: {  	s2 =	rddreg [dreg:$0x13];
	s4 =	simm.s32 $0xA080  }
0x6a7: {  	[hbm4b:s2+s3] =	stream.linear.scatter [tilespmem:s4], [sflag:$0x2], $0xA00, $0x38;
	[tilespmem:$0x1ED00] =	vst v63  }
0x6a8: {  	_ =	swait.ge [sflag:s28], $0xA00  }
0x6a9: {  	s6 =	sadd.s32 $0x1, s6;
	s26 =	rddreg [dreg:$0x14]  }
0x6aa: {  	p0 =	sne.s32 s6, s26  }
.Ltmp27:
0x6ab: {  	_ = 	snop;
	(pc) =	sbr.rel @p0 .LBB2_1-.Ltmp27, $3  }
0x6ac: {  	_ =	sdelay $0x1  }
0x6ad: {  	[sflag:s28] =	ssyncset.done $0x0  }
0x6ae: {  	s5 =	simm.s32 $0xAA80;
	[sflag:s28] =	ssyncadd.s32 $0xFFFFF600  }
0x6af: {  	_ =	sfence.sel $0x180000  }
0x6b0: {  	[bflag:$0x0] =	sbarrier.arrive $0xFFFF  }
0x6b1: {  	_ =	strace $0x90000047  }
0x6b2: {  	s0 =	stileid.u32;
	[bflag:$0x2] =	sbarrier.arrive $0xFFFF  }
0x6b3: {  	p0 =	sne.s32 s0, $0x0;
	s0 =	rddreg [dreg:$0x2]  }
0x6b4: {  	s0 =	sadd.s32 @!p0 $0x100000, s0  }
0x6b5: {  	[sflag:s0] =	ssyncadd.tile.s32 @!p0 $0x1;
	_ =	shalt  }
.Lfunc_end2:
_tile_overlayer_lowered:
.L_overlay_start_2:
0x6b6: {  	(tag) =	ssettag $0x2  }
0x6b7: {  	s0 =	rddreg [dreg:$0x0];
	s2 =	stileid.u32  }
0x6b8: {  	s1 =	rddreg [dreg:$0x1];
	p0 =	sne.s32 s2, $0x0  }
0x6b9: {  	s3 =	rddreg [dreg:$0x2];
	[bflag:$0x3] =	sbarrier.arrive $0xFFFF;
	s2 =	simm.s32 @!p0 $0x1C02  }
0x6ba: {  	[timem:s3], [sflag:s2] =	dma.local @!p0 [hbm:s0], s1  }
0x6bb: {  	s0 =	simm.s32 @!p0 $0x2  }
0x6bc: {  	_ =	swait.ge @!p0 [sflag:s0], s1  }
0x6bd: {  	s1 =	ssub.s32 @!p0 $0x0, s1;
	[sflag:s0] =	ssyncset.done @!p0 $0x0  }
0x6be: {  	[sflag:s0] =	ssyncadd.s32 @!p0 s1  }
0x6bf: {  	[bflag:$0x3] =	sbarrier.arrive $0xFFFF  }
0x6c0: {  	_ =	shalt  }

</sc_bundles>
